<compile_context>
chip_gen: v7x
topology: tpu7x:2x2x1
jax: 0.10.2.dev20260603
libtpu: 0.0.44.dev20260713+nightly
codegen_flags: <defaults>
</compile_context>

<pallas_src>
import functools

import jax
import jax.numpy as jnp
from jax import lax
from jax.experimental import pallas as pl
from jax.experimental.pallas import tpu as pltpu
from jax.experimental.pallas import tpu_sc as plsc

N, E, D, G = 10000, 320000, 128, 512
NP = 10240
NC, NS, L = 2, 16, 16
NW = NC * NS
ECH = 128
NCHUNKS = E // ECH
RCH = 16
NRCH = NP // RCH
NXCH = N // RCH
BLK = 1024
NBLK = NP // BLK


def _sc_edge_agg(x, src, dst, ew):
    mesh = plsc.VectorSubcoreMesh(core_axis_name="c", subcore_axis_name="s",
                                  num_cores=NC, num_subcores=NS)

    @functools.partial(
        pl.kernel,
        out_type=jax.ShapeDtypeStruct((NC, NP, D), jnp.float32),
        mesh=mesh,
        scratch_types=[
            pltpu.VMEM((RCH, D), jnp.float32),
            pltpu.VMEM((RCH, D), jnp.float32),
            pltpu.VMEM((ECH,), jnp.int32),
            pltpu.VMEM((ECH,), jnp.int32),
            pltpu.VMEM((ECH,), jnp.float32),
            pltpu.VMEM((ECH, D), jnp.float32),
            pltpu.VMEM_SHARED((NP, D), jnp.float32),
            pltpu.SemaphoreType.DMA,
        ],
    )
    def k(x_hbm, src_hbm, dst_hbm, ew_hbm, p_hbm,
          tmp_v, zrow_v, src_v, dst_v, ew_v, rows_v, agg_sh, sem):
        cid = lax.axis_index("c")
        sid = lax.axis_index("s")
        zero = jnp.zeros((L,), jnp.float32)
        for r in range(RCH):
            for cb in range(D // L):
                zrow_v[r, pl.ds(cb * L, L)] = zero

        def init_body(kk, carry):
            rc = kk * NS + sid
            r0 = rc * RCH
            is_x = jnp.logical_and(cid == 0, rc < NXCH)

            @pl.when(is_x)
            def _():
                pltpu.sync_copy(x_hbm.at[pl.ds(r0, RCH)], tmp_v)
                pltpu.sync_copy(tmp_v, agg_sh.at[pl.ds(r0, RCH)])

            @pl.when(jnp.logical_not(is_x))
            def _():
                pltpu.sync_copy(zrow_v, agg_sh.at[pl.ds(r0, RCH)])

            return carry

        lax.fori_loop(0, NRCH // NS, init_body, 0)
        plsc.subcore_barrier()

        wid = sid * NC + cid

        def edge_body(kk, carry):
            chunk = kk * NW + wid

            @pl.when(chunk < NCHUNKS)
            def _():
                e0 = chunk * ECH
                pltpu.sync_copy(src_hbm.at[pl.ds(e0, ECH)], src_v)
                pltpu.sync_copy(dst_hbm.at[pl.ds(e0, ECH)], dst_v)
                pltpu.sync_copy(ew_hbm.at[pl.ds(e0, ECH)], ew_v)
                pltpu.async_copy(x_hbm.at[src_v], rows_v, sem).wait()

                dnums = lax.GatherDimensionNumbers(
                    offset_dims=(), collapsed_slice_dims=(0,),
                    start_index_map=(0,))

                def grp_body(gg, c2):
                    r0 = gg * L
                    ewv = ew_v[pl.ds(r0, L)]
                    for j in range(L):
                        w = lax.gather(
                            ewv, jnp.full((L, 1), j, jnp.int32), dnums, (1,),
                            mode=lax.GatherScatterMode.PROMISE_IN_BOUNDS)
                        for cb in range(D // L):
                            sl = pl.ds(cb * L, L)
                            rows_v[r0 + j, sl] = rows_v[r0 + j, sl] * w
                    return c2

                lax.fori_loop(0, ECH // L, grp_body, 0)
                pltpu.sync_copy(rows_v, agg_sh.at[dst_v], add=True)

            return carry

        lax.fori_loop(0, (NCHUNKS + NW - 1) // NW, edge_body, 0)
        plsc.subcore_barrier()

        def wb_body(kk, carry):
            r0 = (kk * NS + sid) * RCH
            pltpu.sync_copy(agg_sh.at[pl.ds(r0, RCH)], tmp_v)
            pltpu.sync_copy(tmp_v, p_hbm.at[cid, pl.ds(r0, RCH)])
            return carry

        lax.fori_loop(0, NRCH // NS, wb_body, 0)

    return k(x, src, dst, ew)


def _tc_post(p, batch3, W1, W2, Wp, bp2, gamma2, beta2, alpha2):
    def body(p_ref, b_ref, W1_ref, W2_ref, Wp_ref, bp_ref, gam_ref, bet_ref,
             al_ref, g_ref, gt_ref, hp_ref, sagg):
        i = pl.program_id(0)
        agg = p_ref[0] + p_ref[1]
        h_on = jnp.dot(agg, W2_ref[...], preferred_element_type=jnp.float32)
        z = jnp.dot(h_on, Wp_ref[...], preferred_element_type=jnp.float32)
        z = z + bp_ref[...]
        mu = jnp.mean(z, axis=-1, keepdims=True)
        var = jnp.mean((z - mu) ** 2, axis=-1, keepdims=True)
        z = (z - mu) / jnp.sqrt(var + 1e-5) * gam_ref[...] + bet_ref[...]
        alpha = al_ref[0, 0]
        hp_ref[...] = jnp.where(z >= 0, z, alpha * z)

        bvec = b_ref[0, 0, :]
        seg = lax.broadcasted_iota(jnp.int32, (G, BLK), 0)
        mask = (bvec[None, :] == seg).astype(jnp.float32)
        part = jnp.dot(mask, agg, preferred_element_type=jnp.float32)

        @pl.when(i == 0)
        def _():
            sagg[...] = part

        @pl.when(i > 0)
        def _():
            sagg[...] = sagg[...] + part

        @pl.when(i == NBLK - 1)
        def _():
            s = sagg[...]
            g_ref[...] = jnp.dot(s, W1_ref[...], preferred_element_type=jnp.float32)
            gt_ref[...] = jnp.dot(s, W2_ref[...], preferred_element_type=jnp.float32)

    return pl.pallas_call(
        body,
        grid=(NBLK,),
        in_specs=[
            pl.BlockSpec((NC, BLK, D), lambda i: (0, i, 0)),
            pl.BlockSpec((1, 1, BLK), lambda i: (i, 0, 0)),
            pl.BlockSpec((D, D), lambda i: (0, 0)),
            pl.BlockSpec((D, D), lambda i: (0, 0)),
            pl.BlockSpec((D, D), lambda i: (0, 0)),
            pl.BlockSpec((1, D), lambda i: (0, 0)),
            pl.BlockSpec((1, D), lambda i: (0, 0)),
            pl.BlockSpec((1, D), lambda i: (0, 0)),
            pl.BlockSpec((1, 1), lambda i: (0, 0)),
        ],
        out_specs=[
            pl.BlockSpec((G, D), lambda i: (0, 0)),
            pl.BlockSpec((G, D), lambda i: (0, 0)),
            pl.BlockSpec((BLK, D), lambda i: (i, 0)),
        ],
        out_shape=[
            jax.ShapeDtypeStruct((G, D), jnp.float32),
            jax.ShapeDtypeStruct((G, D), jnp.float32),
            jax.ShapeDtypeStruct((NP, D), jnp.float32),
        ],
        scratch_shapes=[pltpu.VMEM((G, D), jnp.float32)],
    )(p, batch3, W1, W2, Wp, bp2, gamma2, beta2, alpha2)


def kernel(x, edge_index, edge_weight, batch, W1, W2, Wp, bp, gamma, beta, alpha):
    src = edge_index[0]
    dst = edge_index[1]
    p = _sc_edge_agg(x, src, dst, edge_weight)
    batch_pad = jnp.concatenate([batch, jnp.full((NP - N,), G, jnp.int32)])
    batch3 = batch_pad.reshape(NBLK, 1, BLK)
    g, gt, hp = _tc_post(
        p, batch3, W1, W2, Wp,
        bp.reshape(1, D), gamma.reshape(1, D), beta.reshape(1, D),
        jnp.asarray(alpha, jnp.float32).reshape(1, 1),
    )
    h_pred = hp[:N]
    return (g, g, h_pred, h_pred, gt, gt)

# --- scband reference (transcript-rebuilt; emitter-appended) ---
"""Pipeline reference for scband-encoder-5471788335181 (READ-ONLY COPY).

The authoritative reference and input builder live on the scoring server;
editing this copy changes nothing except your own understanding.
"""

import jax, jax.numpy as jnp
import numpy as np

N = 10000   # nodes
E = 320000  # edges
D = 128     # hidden_dim / d_feat
G = 512     # number of graphs in the batch


def setup_inputs(seed: int = 0) -> dict:
    key = jax.random.key(seed)
    ks = jax.random.split(key, 12)
    x = jax.random.normal(ks[0], (N, D), dtype=jnp.float32)
    edge_index = jax.random.randint(ks[1], (2, E), 0, N, dtype=jnp.int32)
    edge_weight = jax.random.uniform(ks[2], (E,), dtype=jnp.float32)
    batch = jnp.sort(jax.random.randint(ks[3], (N,), 0, G, dtype=jnp.int32))
    # online encoder params (simple GCN-style layer producing (h, h_online))
    W1 = jax.random.normal(ks[4], (D, D), dtype=jnp.float32) * 0.05
    W2 = jax.random.normal(ks[5], (D, D), dtype=jnp.float32) * 0.05
    # predictor: Linear -> LayerNorm -> PReLU -> Dropout(eval=identity)
    Wp = jax.random.normal(ks[6], (D, D), dtype=jnp.float32) * 0.05
    bp = jnp.zeros((D,), dtype=jnp.float32)
    gamma = jnp.ones((D,), dtype=jnp.float32)
    beta = jnp.zeros((D,), dtype=jnp.float32)
    alpha = jnp.asarray(0.25, dtype=jnp.float32)  # PReLU slope
    return {"x": x, "edge_index": edge_index, "edge_weight": edge_weight,
            "batch": batch, "W1": W1, "W2": W2, "Wp": Wp, "bp": bp,
            "gamma": gamma, "beta": beta, "alpha": alpha}


def _encoder(x, edge_index, edge_weight, W1, W2):
    src = edge_index[0]
    dst = edge_index[1]
    msg = jnp.take(x, src, axis=0) * edge_weight[:, None]   # gather
    agg = jnp.zeros_like(x).at[dst].add(msg) + x             # scatter-add
    h = agg @ W1
    h_online = agg @ W2
    return h, h_online


def _predictor(h, Wp, bp, gamma, beta, alpha):
    z = h @ Wp + bp
    mu = jnp.mean(z, axis=-1, keepdims=True)
    var = jnp.var(z, axis=-1, keepdims=True)
    z = (z - mu) / jnp.sqrt(var + 1e-5) * gamma + beta       # LayerNorm
    z = jnp.where(z >= 0, z, alpha * z)                      # PReLU
    return z                                                 # Dropout eval = identity


def reference(x, edge_index, edge_weight, batch, W1, W2, Wp, bp, gamma, beta, alpha):
    # augmentors: identity (deterministic)
    x1, ei1, ew1 = x, edge_index, edge_weight
    x2, ei2, ew2 = x, edge_index, edge_weight
    h1, h1_online = _encoder(x1, ei1, ew1, W1, W2)
    h2, h2_online = _encoder(x2, ei2, ew2, W1, W2)
    g1 = jax.ops.segment_sum(h1, batch, num_segments=G)      # global_add_pool
    h1_pred = _predictor(h1_online, Wp, bp, gamma, beta, alpha)
    g2 = jax.ops.segment_sum(h2, batch, num_segments=G)
    h2_pred = _predictor(h2_online, Wp, bp, gamma, beta, alpha)
    # target encoder = deepcopy of online encoder at init (same weights), no grad
    _, h1_target = _encoder(x1, ei1, ew1, jax.lax.stop_gradient(W1), jax.lax.stop_gradient(W2))
    _, h2_target = _encoder(x2, ei2, ew2, jax.lax.stop_gradient(W1), jax.lax.stop_gradient(W2))
    h1_target = jax.lax.stop_gradient(h1_target)
    h2_target = jax.lax.stop_gradient(h2_target)
    g1_target = jax.ops.segment_sum(h1_target, batch, num_segments=G)
    g2_target = jax.ops.segment_sum(h2_target, batch, num_segments=G)
    return (g1, g2, h1_pred, h2_pred, g1_target, g2_target)

if __name__ == "__main__":
    import jax
    _d = setup_inputs()
    print(jax.jit(kernel)(*tuple(_d.values())))

</pallas_src>

<mosaic_0001>
#map = affine_map<(d0, d1) -> (0, 0)>
#map1 = affine_map<(d0, d1) -> (0)>
#map2 = affine_map<(d0, d1) -> (0, 0, 0)>
module attributes {stable_mosaic.version = 14 : i64} {
  func.func @k(%arg0: i32, %arg1: i32, %arg2: memref<10000x128xf32, #tpu.memory_space<hbm>>, %arg3: memref<320000xi32, #tpu.memory_space<hbm>>, %arg4: memref<320000xi32, #tpu.memory_space<hbm>>, %arg5: memref<320000xf32, #tpu.memory_space<hbm>>, %arg6: memref<2x10240x128xf32, #tpu.memory_space<hbm>>, %arg7: memref<16x128xf32, #tpu.memory_space<vmem>>, %arg8: memref<16x128xf32, #tpu.memory_space<vmem>>, %arg9: memref<128xi32, #tpu.memory_space<vmem>>, %arg10: memref<128xi32, #tpu.memory_space<vmem>>, %arg11: memref<128xf32, #tpu.memory_space<vmem>>, %arg12: memref<128x128xf32, #tpu.memory_space<vmem>>, %arg13: memref<10240x128xf32, #tpu.memory_space<vmem_shared>>, %arg14: memref<!tpu.dma_semaphore, #tpu.memory_space<semaphore_mem>>) attributes {dimension_semantics = [#tpu.dimension_semantics<core_parallel>, #tpu.dimension_semantics<subcore_parallel>], iteration_bounds = array<i64: 2, 16>, scalar_prefetch = 0 : i64, scratch_operands = 8 : i64, tpu.core_type = #tpu.core_type<sc_vector_subcore>, window_params = [{transform_indices = #map}, {transform_indices = #map1}, {transform_indices = #map1}, {transform_indices = #map1}, {transform_indices = #map2}]} {
    %broadcast_in_dim3A = arith.constant 0.000000e+00 : f32
    %broadcast_in_dim3A_0 = vector.broadcast %broadcast_in_dim3A : f32 to vector<16xf32>
    %swap3A = arith.constant 0 : i32
    %swap3A_1 = arith.index_cast %swap3A : i32 to index
    %swap3A_2 = arith.constant 0 : index
    %swap3A_3 = tpu.vector_load %arg8[%swap3A_1, %swap3A_2] {strides = array<i32>} : memref<16x128xf32, #tpu.memory_space<vmem>>, vector<1x16xf32>,
    %swap3A_4 = vector.shape_cast %swap3A_3 : vector<1x16xf32> to vector<16xf32>
    %swap3A_5 = vector.shape_cast %broadcast_in_dim3A_0 : vector<16xf32> to vector<1x16xf32>
    tpu.vector_store %arg8[%swap3A_1, %swap3A_2], %swap3A_5 {strides = array<i32>} : memref<16x128xf32, #tpu.memory_space<vmem>>, vector<1x16xf32>,
    %swap3A_6 = arith.constant 0 : i32
    %swap3A_7 = arith.index_cast %swap3A_6 : i32 to index
    %swap3A_8 = arith.constant 16 : index
    %swap3A_9 = tpu.vector_load %arg8[%swap3A_7, %swap3A_8] {strides = array<i32>} : memref<16x128xf32, #tpu.memory_space<vmem>>, vector<1x16xf32>,
    %swap3A_10 = vector.shape_cast %swap3A_9 : vector<1x16xf32> to vector<16xf32>
    %swap3A_11 = vector.shape_cast %broadcast_in_dim3A_0 : vector<16xf32> to vector<1x16xf32>
    tpu.vector_store %arg8[%swap3A_7, %swap3A_8], %swap3A_11 {strides = array<i32>} : memref<16x128xf32, #tpu.memory_space<vmem>>, vector<1x16xf32>,
    %swap3A_12 = arith.constant 0 : i32
    %swap3A_13 = arith.index_cast %swap3A_12 : i32 to index
    %swap3A_14 = arith.constant 32 : index
    %swap3A_15 = tpu.vector_load %arg8[%swap3A_13, %swap3A_14] {strides = array<i32>} : memref<16x128xf32, #tpu.memory_space<vmem>>, vector<1x16xf32>,
    %swap3A_16 = vector.shape_cast %swap3A_15 : vector<1x16xf32> to vector<16xf32>
    %swap3A_17 = vector.shape_cast %broadcast_in_dim3A_0 : vector<16xf32> to vector<1x16xf32>
    tpu.vector_store %arg8[%swap3A_13, %swap3A_14], %swap3A_17 {strides = array<i32>} : memref<16x128xf32, #tpu.memory_space<vmem>>, vector<1x16xf32>,
    %swap3A_18 = arith.constant 0 : i32
    %swap3A_19 = arith.index_cast %swap3A_18 : i32 to index
    %swap3A_20 = arith.constant 48 : index
    %swap3A_21 = tpu.vector_load %arg8[%swap3A_19, %swap3A_20] {strides = array<i32>} : memref<16x128xf32, #tpu.memory_space<vmem>>, vector<1x16xf32>,
    %swap3A_22 = vector.shape_cast %swap3A_21 : vector<1x16xf32> to vector<16xf32>
    %swap3A_23 = vector.shape_cast %broadcast_in_dim3A_0 : vector<16xf32> to vector<1x16xf32>
    tpu.vector_store %arg8[%swap3A_19, %swap3A_20], %swap3A_23 {strides = array<i32>} : memref<16x128xf32, #tpu.memory_space<vmem>>, vector<1x16xf32>,
    %swap3A_24 = arith.constant 0 : i32
    %swap3A_25 = arith.index_cast %swap3A_24 : i32 to index
    %swap3A_26 = arith.constant 64 : index
    %swap3A_27 = tpu.vector_load %arg8[%swap3A_25, %swap3A_26] {strides = array<i32>} : memref<16x128xf32, #tpu.memory_space<vmem>>, vector<1x16xf32>,
    %swap3A_28 = vector.shape_cast %swap3A_27 : vector<1x16xf32> to vector<16xf32>
    %swap3A_29 = vector.shape_cast %broadcast_in_dim3A_0 : vector<16xf32> to vector<1x16xf32>
    tpu.vector_store %arg8[%swap3A_25, %swap3A_26], %swap3A_29 {strides = array<i32>} : memref<16x128xf32, #tpu.memory_space<vmem>>, vector<1x16xf32>,
    %swap3A_30 = arith.constant 0 : i32
    %swap3A_31 = arith.index_cast %swap3A_30 : i32 to index
    %swap3A_32 = arith.constant 80 : index
    %swap3A_33 = tpu.vector_load %arg8[%swap3A_31, %swap3A_32] {strides = array<i32>} : memref<16x128xf32, #tpu.memory_space<vmem>>, vector<1x16xf32>,
    %swap3A_34 = vector.shape_cast %swap3A_33 : vector<1x16xf32> to vector<16xf32>
    %swap3A_35 = vector.shape_cast %broadcast_in_dim3A_0 : vector<16xf32> to vector<1x16xf32>
    tpu.vector_store %arg8[%swap3A_31, %swap3A_32], %swap3A_35 {strides = array<i32>} : memref<16x128xf32, #tpu.memory_space<vmem>>, vector<1x16xf32>,
    %swap3A_36 = arith.constant 0 : i32
    %swap3A_37 = arith.index_cast %swap3A_36 : i32 to index
    %swap3A_38 = arith.constant 96 : index
    %swap3A_39 = tpu.vector_load %arg8[%swap3A_37, %swap3A_38] {strides = array<i32>} : memref<16x128xf32, #tpu.memory_space<vmem>>, vector<1x16xf32>,
    %swap3A_40 = vector.shape_cast %swap3A_39 : vector<1x16xf32> to vector<16xf32>
    %swap3A_41 = vector.shape_cast %broadcast_in_dim3A_0 : vector<16xf32> to vector<1x16xf32>
    tpu.vector_store %arg8[%swap3A_37, %swap3A_38], %swap3A_41 {strides = array<i32>} : memref<16x128xf32, #tpu.memory_space<vmem>>, vector<1x16xf32>,
    %swap3A_42 = arith.constant 0 : i32
    %swap3A_43 = arith.index_cast %swap3A_42 : i32 to index
    %swap3A_44 = arith.constant 112 : index
    %swap3A_45 = tpu.vector_load %arg8[%swap3A_43, %swap3A_44] {strides = array<i32>} : memref<16x128xf32, #tpu.memory_space<vmem>>, vector<1x16xf32>,
    %swap3A_46 = vector.shape_cast %swap3A_45 : vector<1x16xf32> to vector<16xf32>
    %swap3A_47 = vector.shape_cast %broadcast_in_dim3A_0 : vector<16xf32> to vector<1x16xf32>
    tpu.vector_store %arg8[%swap3A_43, %swap3A_44], %swap3A_47 {strides = array<i32>} : memref<16x128xf32, #tpu.memory_space<vmem>>, vector<1x16xf32>,
    %swap3A_48 = arith.constant 1 : i32
    %swap3A_49 = arith.index_cast %swap3A_48 : i32 to index
    %swap3A_50 = arith.constant 0 : index
    %swap3A_51 = tpu.vector_load %arg8[%swap3A_49, %swap3A_50] {strides = array<i32>} : memref<16x128xf32, #tpu.memory_space<vmem>>, vector<1x16xf32>,
    %swap3A_52 = vector.shape_cast %swap3A_51 : vector<1x16xf32> to vector<16xf32>
    %swap3A_53 = vector.shape_cast %broadcast_in_dim3A_0 : vector<16xf32> to vector<1x16xf32>
    tpu.vector_store %arg8[%swap3A_49, %swap3A_50], %swap3A_53 {strides = array<i32>} : memref<16x128xf32, #tpu.memory_space<vmem>>, vector<1x16xf32>,
    %swap3A_54 = arith.constant 1 : i32
    %swap3A_55 = arith.index_cast %swap3A_54 : i32 to index
    %swap3A_56 = arith.constant 16 : index
    %swap3A_57 = tpu.vector_load %arg8[%swap3A_55, %swap3A_56] {strides = array<i32>} : memref<16x128xf32, #tpu.memory_space<vmem>>, vector<1x16xf32>,
    %swap3A_58 = vector.shape_cast %swap3A_57 : vector<1x16xf32> to vector<16xf32>
    %swap3A_59 = vector.shape_cast %broadcast_in_dim3A_0 : vector<16xf32> to vector<1x16xf32>
    tpu.vector_store %arg8[%swap3A_55, %swap3A_56], %swap3A_59 {strides = array<i32>} : memref<16x128xf32, #tpu.memory_space<vmem>>, vector<1x16xf32>,
    %swap3A_60 = arith.constant 1 : i32
    %swap3A_61 = arith.index_cast %swap3A_60 : i32 to index
    %swap3A_62 = arith.constant 32 : index
    %swap3A_63 = tpu.vector_load %arg8[%swap3A_61, %swap3A_62] {strides = array<i32>} : memref<16x128xf32, #tpu.memory_space<vmem>>, vector<1x16xf32>,
    %swap3A_64 = vector.shape_cast %swap3A_63 : vector<1x16xf32> to vector<16xf32>
    %swap3A_65 = vector.shape_cast %broadcast_in_dim3A_0 : vector<16xf32> to vector<1x16xf32>
    tpu.vector_store %arg8[%swap3A_61, %swap3A_62], %swap3A_65 {strides = array<i32>} : memref<16x128xf32, #tpu.memory_space<vmem>>, vector<1x16xf32>,
    %swap3A_66 = arith.constant 1 : i32
    %swap3A_67 = arith.index_cast %swap3A_66 : i32 to index
    %swap3A_68 = arith.constant 48 : index
    %swap3A_69 = tpu.vector_load %arg8[%swap3A_67, %swap3A_68] {strides = array<i32>} : memref<16x128xf32, #tpu.memory_space<vmem>>, vector<1x16xf32>,
    %swap3A_70 = vector.shape_cast %swap3A_69 : vector<1x16xf32> to vector<16xf32>
    %swap3A_71 = vector.shape_cast %broadcast_in_dim3A_0 : vector<16xf32> to vector<1x16xf32>
    tpu.vector_store %arg8[%swap3A_67, %swap3A_68], %swap3A_71 {strides = array<i32>} : memref<16x128xf32, #tpu.memory_space<vmem>>, vector<1x16xf32>,
    %swap3A_72 = arith.constant 1 : i32
    %swap3A_73 = arith.index_cast %swap3A_72 : i32 to index
    %swap3A_74 = arith.constant 64 : index
    %swap3A_75 = tpu.vector_load %arg8[%swap3A_73, %swap3A_74] {strides = array<i32>} : memref<16x128xf32, #tpu.memory_space<vmem>>, vector<1x16xf32>,
    %swap3A_76 = vector.shape_cast %swap3A_75 : vector<1x16xf32> to vector<16xf32>
    %swap3A_77 = vector.shape_cast %broadcast_in_dim3A_0 : vector<16xf32> to vector<1x16xf32>
    tpu.vector_store %arg8[%swap3A_73, %swap3A_74], %swap3A_77 {strides = array<i32>} : memref<16x128xf32, #tpu.memory_space<vmem>>, vector<1x16xf32>,
    %swap3A_78 = arith.constant 1 : i32
    %swap3A_79 = arith.index_cast %swap3A_78 : i32 to index
    %swap3A_80 = arith.constant 80 : index
    %swap3A_81 = tpu.vector_load %arg8[%swap3A_79, %swap3A_80] {strides = array<i32>} : memref<16x128xf32, #tpu.memory_space<vmem>>, vector<1x16xf32>,
    %swap3A_82 = vector.shape_cast %swap3A_81 : vector<1x16xf32> to vector<16xf32>
    %swap3A_83 = vector.shape_cast %broadcast_in_dim3A_0 : vector<16xf32> to vector<1x16xf32>
    tpu.vector_store %arg8[%swap3A_79, %swap3A_80], %swap3A_83 {strides = array<i32>} : memref<16x128xf32, #tpu.memory_space<vmem>>, vector<1x16xf32>,
    %swap3A_84 = arith.constant 1 : i32
    %swap3A_85 = arith.index_cast %swap3A_84 : i32 to index
    %swap3A_86 = arith.constant 96 : index
    %swap3A_87 = tpu.vector_load %arg8[%swap3A_85, %swap3A_86] {strides = array<i32>} : memref<16x128xf32, #tpu.memory_space<vmem>>, vector<1x16xf32>,
    %swap3A_88 = vector.shape_cast %swap3A_87 : vector<1x16xf32> to vector<16xf32>
    %swap3A_89 = vector.shape_cast %broadcast_in_dim3A_0 : vector<16xf32> to vector<1x16xf32>
    tpu.vector_store %arg8[%swap3A_85, %swap3A_86], %swap3A_89 {strides = array<i32>} : memref<16x128xf32, #tpu.memory_space<vmem>>, vector<1x16xf32>,
    %swap3A_90 = arith.constant 1 : i32
    %swap3A_91 = arith.index_cast %swap3A_90 : i32 to index
    %swap3A_92 = arith.constant 112 : index
    %swap3A_93 = tpu.vector_load %arg8[%swap3A_91, %swap3A_92] {strides = array<i32>} : memref<16x128xf32, #tpu.memory_space<vmem>>, vector<1x16xf32>,
    %swap3A_94 = vector.shape_cast %swap3A_93 : vector<1x16xf32> to vector<16xf32>
    %swap3A_95 = vector.shape_cast %broadcast_in_dim3A_0 : vector<16xf32> to vector<1x16xf32>
    tpu.vector_store %arg8[%swap3A_91, %swap3A_92], %swap3A_95 {strides = array<i32>} : memref<16x128xf32, #tpu.memory_space<vmem>>, vector<1x16xf32>,
    %swap3A_96 = arith.constant 2 : i32
    %swap3A_97 = arith.index_cast %swap3A_96 : i32 to index
    %swap3A_98 = arith.constant 0 : index
    %swap3A_99 = tpu.vector_load %arg8[%swap3A_97, %swap3A_98] {strides = array<i32>} : memref<16x128xf32, #tpu.memory_space<vmem>>, vector<1x16xf32>,
    %swap3A_100 = vector.shape_cast %swap3A_99 : vector<1x16xf32> to vector<16xf32>
    %swap3A_101 = vector.shape_cast %broadcast_in_dim3A_0 : vector<16xf32> to vector<1x16xf32>
    tpu.vector_store %arg8[%swap3A_97, %swap3A_98], %swap3A_101 {strides = array<i32>} : memref<16x128xf32, #tpu.memory_space<vmem>>, vector<1x16xf32>,
    %swap3A_102 = arith.constant 2 : i32
    %swap3A_103 = arith.index_cast %swap3A_102 : i32 to index
    %swap3A_104 = arith.constant 16 : index
    %swap3A_105 = tpu.vector_load %arg8[%swap3A_103, %swap3A_104] {strides = array<i32>} : memref<16x128xf32, #tpu.memory_space<vmem>>, vector<1x16xf32>,
    %swap3A_106 = vector.shape_cast %swap3A_105 : vector<1x16xf32> to vector<16xf32>
    %swap3A_107 = vector.shape_cast %broadcast_in_dim3A_0 : vector<16xf32> to vector<1x16xf32>
    tpu.vector_store %arg8[%swap3A_103, %swap3A_104], %swap3A_107 {strides = array<i32>} : memref<16x128xf32, #tpu.memory_space<vmem>>, vector<1x16xf32>,
    %swap3A_108 = arith.constant 2 : i32
    %swap3A_109 = arith.index_cast %swap3A_108 : i32 to index
    %swap3A_110 = arith.constant 32 : index
    %swap3A_111 = tpu.vector_load %arg8[%swap3A_109, %swap3A_110] {strides = array<i32>} : memref<16x128xf32, #tpu.memory_space<vmem>>, vector<1x16xf32>,
    %swap3A_112 = vector.shape_cast %swap3A_111 : vector<1x16xf32> to vector<16xf32>
    %swap3A_113 = vector.shape_cast %broadcast_in_dim3A_0 : vector<16xf32> to vector<1x16xf32>
    tpu.vector_store %arg8[%swap3A_109, %swap3A_110], %swap3A_113 {strides = array<i32>} : memref<16x128xf32, #tpu.memory_space<vmem>>, vector<1x16xf32>,
    %swap3A_114 = arith.constant 2 : i32
    %swap3A_115 = arith.index_cast %swap3A_114 : i32 to index
    %swap3A_116 = arith.constant 48 : index
    %swap3A_117 = tpu.vector_load %arg8[%swap3A_115, %swap3A_116] {strides = array<i32>} : memref<16x128xf32, #tpu.memory_space<vmem>>, vector<1x16xf32>,
    %swap3A_118 = vector.shape_cast %swap3A_117 : vector<1x16xf32> to vector<16xf32>
    %swap3A_119 = vector.shape_cast %broadcast_in_dim3A_0 : vector<16xf32> to vector<1x16xf32>
    tpu.vector_store %arg8[%swap3A_115, %swap3A_116], %swap3A_119 {strides = array<i32>} : memref<16x128xf32, #tpu.memory_space<vmem>>, vector<1x16xf32>,
    %swap3A_120 = arith.constant 2 : i32
    %swap3A_121 = arith.index_cast %swap3A_120 : i32 to index
    %swap3A_122 = arith.constant 64 : index
    %swap3A_123 = tpu.vector_load %arg8[%swap3A_121, %swap3A_122] {strides = array<i32>} : memref<16x128xf32, #tpu.memory_space<vmem>>, vector<1x16xf32>,
    %swap3A_124 = vector.shape_cast %swap3A_123 : vector<1x16xf32> to vector<16xf32>
    %swap3A_125 = vector.shape_cast %broadcast_in_dim3A_0 : vector<16xf32> to vector<1x16xf32>
    tpu.vector_store %arg8[%swap3A_121, %swap3A_122], %swap3A_125 {strides = array<i32>} : memref<16x128xf32, #tpu.memory_space<vmem>>, vector<1x16xf32>,
    %swap3A_126 = arith.constant 2 : i32
    %swap3A_127 = arith.index_cast %swap3A_126 : i32 to index
    %swap3A_128 = arith.constant 80 : index
    %swap3A_129 = tpu.vector_load %arg8[%swap3A_127, %swap3A_128] {strides = array<i32>} : memref<16x128xf32, #tpu.memory_space<vmem>>, vector<1x16xf32>,
    %swap3A_130 = vector.shape_cast %swap3A_129 : vector<1x16xf32> to vector<16xf32>
    %swap3A_131 = vector.shape_cast %broadcast_in_dim3A_0 : vector<16xf32> to vector<1x16xf32>
    tpu.vector_store %arg8[%swap3A_127, %swap3A_128], %swap3A_131 {strides = array<i32>} : memref<16x128xf32, #tpu.memory_space<vmem>>, vector<1x16xf32>,
    %swap3A_132 = arith.constant 2 : i32
    %swap3A_133 = arith.index_cast %swap3A_132 : i32 to index
    %swap3A_134 = arith.constant 96 : index
    %swap3A_135 = tpu.vector_load %arg8[%swap3A_133, %swap3A_134] {strides = array<i32>} : memref<16x128xf32, #tpu.memory_space<vmem>>, vector<1x16xf32>,
    %swap3A_136 = vector.shape_cast %swap3A_135 : vector<1x16xf32> to vector<16xf32>
    %swap3A_137 = vector.shape_cast %broadcast_in_dim3A_0 : vector<16xf32> to vector<1x16xf32>
    tpu.vector_store %arg8[%swap3A_133, %swap3A_134], %swap3A_137 {strides = array<i32>} : memref<16x128xf32, #tpu.memory_space<vmem>>, vector<1x16xf32>,
    %swap3A_138 = arith.constant 2 : i32
    %swap3A_139 = arith.index_cast %swap3A_138 : i32 to index
    %swap3A_140 = arith.constant 112 : index
    %swap3A_141 = tpu.vector_load %arg8[%swap3A_139, %swap3A_140] {strides = array<i32>} : memref<16x128xf32, #tpu.memory_space<vmem>>, vector<1x16xf32>,
    %swap3A_142 = vector.shape_cast %swap3A_141 : vector<1x16xf32> to vector<16xf32>
    %swap3A_143 = vector.shape_cast %broadcast_in_dim3A_0 : vector<16xf32> to vector<1x16xf32>
    tpu.vector_store %arg8[%swap3A_139, %swap3A_140], %swap3A_143 {strides = array<i32>} : memref<16x128xf32, #tpu.memory_space<vmem>>, vector<1x16xf32>,
    %swap3A_144 = arith.constant 3 : i32
    %swap3A_145 = arith.index_cast %swap3A_144 : i32 to index
    %swap3A_146 = arith.constant 0 : index
    %swap3A_147 = tpu.vector_load %arg8[%swap3A_145, %swap3A_146] {strides = array<i32>} : memref<16x128xf32, #tpu.memory_space<vmem>>, vector<1x16xf32>,
    %swap3A_148 = vector.shape_cast %swap3A_147 : vector<1x16xf32> to vector<16xf32>
    %swap3A_149 = vector.shape_cast %broadcast_in_dim3A_0 : vector<16xf32> to vector<1x16xf32>
    tpu.vector_store %arg8[%swap3A_145, %swap3A_146], %swap3A_149 {strides = array<i32>} : memref<16x128xf32, #tpu.memory_space<vmem>>, vector<1x16xf32>,
    %swap3A_150 = arith.constant 3 : i32
    %swap3A_151 = arith.index_cast %swap3A_150 : i32 to index
    %swap3A_152 = arith.constant 16 : index
    %swap3A_153 = tpu.vector_load %arg8[%swap3A_151, %swap3A_152] {strides = array<i32>} : memref<16x128xf32, #tpu.memory_space<vmem>>, vector<1x16xf32>,
    %swap3A_154 = vector.shape_cast %swap3A_153 : vector<1x16xf32> to vector<16xf32>
    %swap3A_155 = vector.shape_cast %broadcast_in_dim3A_0 : vector<16xf32> to vector<1x16xf32>
    tpu.vector_store %arg8[%swap3A_151, %swap3A_152], %swap3A_155 {strides = array<i32>} : memref<16x128xf32, #tpu.memory_space<vmem>>, vector<1x16xf32>,
    %swap3A_156 = arith.constant 3 : i32
    %swap3A_157 = arith.index_cast %swap3A_156 : i32 to index
    %swap3A_158 = arith.constant 32 : index
    %swap3A_159 = tpu.vector_load %arg8[%swap3A_157, %swap3A_158] {strides = array<i32>} : memref<16x128xf32, #tpu.memory_space<vmem>>, vector<1x16xf32>,
    %swap3A_160 = vector.shape_cast %swap3A_159 : vector<1x16xf32> to vector<16xf32>
    %swap3A_161 = vector.shape_cast %broadcast_in_dim3A_0 : vector<16xf32> to vector<1x16xf32>
    tpu.vector_store %arg8[%swap3A_157, %swap3A_158], %swap3A_161 {strides = array<i32>} : memref<16x128xf32, #tpu.memory_space<vmem>>, vector<1x16xf32>,
    %swap3A_162 = arith.constant 3 : i32
    %swap3A_163 = arith.index_cast %swap3A_162 : i32 to index
    %swap3A_164 = arith.constant 48 : index
    %swap3A_165 = tpu.vector_load %arg8[%swap3A_163, %swap3A_164] {strides = array<i32>} : memref<16x128xf32, #tpu.memory_space<vmem>>, vector<1x16xf32>,
    %swap3A_166 = vector.shape_cast %swap3A_165 : vector<1x16xf32> to vector<16xf32>
    %swap3A_167 = vector.shape_cast %broadcast_in_dim3A_0 : vector<16xf32> to vector<1x16xf32>
    tpu.vector_store %arg8[%swap3A_163, %swap3A_164], %swap3A_167 {strides = array<i32>} : memref<16x128xf32, #tpu.memory_space<vmem>>, vector<1x16xf32>,
    %swap3A_168 = arith.constant 3 : i32
    %swap3A_169 = arith.index_cast %swap3A_168 : i32 to index
    %swap3A_170 = arith.constant 64 : index
    %swap3A_171 = tpu.vector_load %arg8[%swap3A_169, %swap3A_170] {strides = array<i32>} : memref<16x128xf32, #tpu.memory_space<vmem>>, vector<1x16xf32>,
    %swap3A_172 = vector.shape_cast %swap3A_171 : vector<1x16xf32> to vector<16xf32>
    %swap3A_173 = vector.shape_cast %broadcast_in_dim3A_0 : vector<16xf32> to vector<1x16xf32>
    tpu.vector_store %arg8[%swap3A_169, %swap3A_170], %swap3A_173 {strides = array<i32>} : memref<16x128xf32, #tpu.memory_space<vmem>>, vector<1x16xf32>,
    %swap3A_174 = arith.constant 3 : i32
    %swap3A_175 = arith.index_cast %swap3A_174 : i32 to index
    %swap3A_176 = arith.constant 80 : index
    %swap3A_177 = tpu.vector_load %arg8[%swap3A_175, %swap3A_176] {strides = array<i32>} : memref<16x128xf32, #tpu.memory_space<vmem>>, vector<1x16xf32>,
    %swap3A_178 = vector.shape_cast %swap3A_177 : vector<1x16xf32> to vector<16xf32>
    %swap3A_179 = vector.shape_cast %broadcast_in_dim3A_0 : vector<16xf32> to vector<1x16xf32>
    tpu.vector_store %arg8[%swap3A_175, %swap3A_176], %swap3A_179 {strides = array<i32>} : memref<16x128xf32, #tpu.memory_space<vmem>>, vector<1x16xf32>,
    %swap3A_180 = arith.constant 3 : i32
    %swap3A_181 = arith.index_cast %swap3A_180 : i32 to index
    %swap3A_182 = arith.constant 96 : index
    %swap3A_183 = tpu.vector_load %arg8[%swap3A_181, %swap3A_182] {strides = array<i32>} : memref<16x128xf32, #tpu.memory_space<vmem>>, vector<1x16xf32>,
    %swap3A_184 = vector.shape_cast %swap3A_183 : vector<1x16xf32> to vector<16xf32>
    %swap3A_185 = vector.shape_cast %broadcast_in_dim3A_0 : vector<16xf32> to vector<1x16xf32>
    tpu.vector_store %arg8[%swap3A_181, %swap3A_182], %swap3A_185 {strides = array<i32>} : memref<16x128xf32, #tpu.memory_space<vmem>>, vector<1x16xf32>,
    %swap3A_186 = arith.constant 3 : i32
    %swap3A_187 = arith.index_cast %swap3A_186 : i32 to index
    %swap3A_188 = arith.constant 112 : index
    %swap3A_189 = tpu.vector_load %arg8[%swap3A_187, %swap3A_188] {strides = array<i32>} : memref<16x128xf32, #tpu.memory_space<vmem>>, vector<1x16xf32>,
    %swap3A_190 = vector.shape_cast %swap3A_189 : vector<1x16xf32> to vector<16xf32>
    %swap3A_191 = vector.shape_cast %broadcast_in_dim3A_0 : vector<16xf32> to vector<1x16xf32>
    tpu.vector_store %arg8[%swap3A_187, %swap3A_188], %swap3A_191 {strides = array<i32>} : memref<16x128xf32, #tpu.memory_space<vmem>>, vector<1x16xf32>,
    %swap3A_192 = arith.constant 4 : i32
    %swap3A_193 = arith.index_cast %swap3A_192 : i32 to index
    %swap3A_194 = arith.constant 0 : index
    %swap3A_195 = tpu.vector_load %arg8[%swap3A_193, %swap3A_194] {strides = array<i32>} : memref<16x128xf32, #tpu.memory_space<vmem>>, vector<1x16xf32>,
    %swap3A_196 = vector.shape_cast %swap3A_195 : vector<1x16xf32> to vector<16xf32>
    %swap3A_197 = vector.shape_cast %broadcast_in_dim3A_0 : vector<16xf32> to vector<1x16xf32>
    tpu.vector_store %arg8[%swap3A_193, %swap3A_194], %swap3A_197 {strides = array<i32>} : memref<16x128xf32, #tpu.memory_space<vmem>>, vector<1x16xf32>,
    %swap3A_198 = arith.constant 4 : i32
    %swap3A_199 = arith.index_cast %swap3A_198 : i32 to index
    %swap3A_200 = arith.constant 16 : index
    %swap3A_201 = tpu.vector_load %arg8[%swap3A_199, %swap3A_200] {strides = array<i32>} : memref<16x128xf32, #tpu.memory_space<vmem>>, vector<1x16xf32>,
    %swap3A_202 = vector.shape_cast %swap3A_201 : vector<1x16xf32> to vector<16xf32>
    %swap3A_203 = vector.shape_cast %broadcast_in_dim3A_0 : vector<16xf32> to vector<1x16xf32>
    tpu.vector_store %arg8[%swap3A_199, %swap3A_200], %swap3A_203 {strides = array<i32>} : memref<16x128xf32, #tpu.memory_space<vmem>>, vector<1x16xf32>,
    %swap3A_204 = arith.constant 4 : i32
    %swap3A_205 = arith.index_cast %swap3A_204 : i32 to index
    %swap3A_206 = arith.constant 32 : index
    %swap3A_207 = tpu.vector_load %arg8[%swap3A_205, %swap3A_206] {strides = array<i32>} : memref<16x128xf32, #tpu.memory_space<vmem>>, vector<1x16xf32>,
    %swap3A_208 = vector.shape_cast %swap3A_207 : vector<1x16xf32> to vector<16xf32>
    %swap3A_209 = vector.shape_cast %broadcast_in_dim3A_0 : vector<16xf32> to vector<1x16xf32>
    tpu.vector_store %arg8[%swap3A_205, %swap3A_206], %swap3A_209 {strides = array<i32>} : memref<16x128xf32, #tpu.memory_space<vmem>>, vector<1x16xf32>,
    %swap3A_210 = arith.constant 4 : i32
    %swap3A_211 = arith.index_cast %swap3A_210 : i32 to index
    %swap3A_212 = arith.constant 48 : index
    %swap3A_213 = tpu.vector_load %arg8[%swap3A_211, %swap3A_212] {strides = array<i32>} : memref<16x128xf32, #tpu.memory_space<vmem>>, vector<1x16xf32>,
    %swap3A_214 = vector.shape_cast %swap3A_213 : vector<1x16xf32> to vector<16xf32>
    %swap3A_215 = vector.shape_cast %broadcast_in_dim3A_0 : vector<16xf32> to vector<1x16xf32>
    tpu.vector_store %arg8[%swap3A_211, %swap3A_212], %swap3A_215 {strides = array<i32>} : memref<16x128xf32, #tpu.memory_space<vmem>>, vector<1x16xf32>,
    %swap3A_216 = arith.constant 4 : i32
    %swap3A_217 = arith.index_cast %swap3A_216 : i32 to index
    %swap3A_218 = arith.constant 64 : index
    %swap3A_219 = tpu.vector_load %arg8[%swap3A_217, %swap3A_218] {strides = array<i32>} : memref<16x128xf32, #tpu.memory_space<vmem>>, vector<1x16xf32>,
    %swap3A_220 = vector.shape_cast %swap3A_219 : vector<1x16xf32> to vector<16xf32>
    %swap3A_221 = vector.shape_cast %broadcast_in_dim3A_0 : vector<16xf32> to vector<1x16xf32>
    tpu.vector_store %arg8[%swap3A_217, %swap3A_218], %swap3A_221 {strides = array<i32>} : memref<16x128xf32, #tpu.memory_space<vmem>>, vector<1x16xf32>,
    %swap3A_222 = arith.constant 4 : i32
    %swap3A_223 = arith.index_cast %swap3A_222 : i32 to index
    %swap3A_224 = arith.constant 80 : index
    %swap3A_225 = tpu.vector_load %arg8[%swap3A_223, %swap3A_224] {strides = array<i32>} : memref<16x128xf32, #tpu.memory_space<vmem>>, vector<1x16xf32>,
    %swap3A_226 = vector.shape_cast %swap3A_225 : vector<1x16xf32> to vector<16xf32>
    %swap3A_227 = vector.shape_cast %broadcast_in_dim3A_0 : vector<16xf32> to vector<1x16xf32>
    tpu.vector_store %arg8[%swap3A_223, %swap3A_224], %swap3A_227 {strides = array<i32>} : memref<16x128xf32, #tpu.memory_space<vmem>>, vector<1x16xf32>,
    %swap3A_228 = arith.constant 4 : i32
    %swap3A_229 = arith.index_cast %swap3A_228 : i32 to index
    %swap3A_230 = arith.constant 96 : index
    %swap3A_231 = tpu.vector_load %arg8[%swap3A_229, %swap3A_230] {strides = array<i32>} : memref<16x128xf32, #tpu.memory_space<vmem>>, vector<1x16xf32>,
    %swap3A_232 = vector.shape_cast %swap3A_231 : vector<1x16xf32> to vector<16xf32>
    %swap3A_233 = vector.shape_cast %broadcast_in_dim3A_0 : vector<16xf32> to vector<1x16xf32>
    tpu.vector_store %arg8[%swap3A_229, %swap3A_230], %swap3A_233 {strides = array<i32>} : memref<16x128xf32, #tpu.memory_space<vmem>>, vector<1x16xf32>,
    %swap3A_234 = arith.constant 4 : i32
    %swap3A_235 = arith.index_cast %swap3A_234 : i32 to index
    %swap3A_236 = arith.constant 112 : index
    %swap3A_237 = tpu.vector_load %arg8[%swap3A_235, %swap3A_236] {strides = array<i32>} : memref<16x128xf32, #tpu.memory_space<vmem>>, vector<1x16xf32>,
    %swap3A_238 = vector.shape_cast %swap3A_237 : vector<1x16xf32> to vector<16xf32>
    %swap3A_239 = vector.shape_cast %broadcast_in_dim3A_0 : vector<16xf32> to vector<1x16xf32>
    tpu.vector_store %arg8[%swap3A_235, %swap3A_236], %swap3A_239 {strides = array<i32>} : memref<16x128xf32, #tpu.memory_space<vmem>>, vector<1x16xf32>,
    %swap3A_240 = arith.constant 5 : i32
    %swap3A_241 = arith.index_cast %swap3A_240 : i32 to index
    %swap3A_242 = arith.constant 0 : index
    %swap3A_243 = tpu.vector_load %arg8[%swap3A_241, %swap3A_242] {strides = array<i32>} : memref<16x128xf32, #tpu.memory_space<vmem>>, vector<1x16xf32>,
    %swap3A_244 = vector.shape_cast %swap3A_243 : vector<1x16xf32> to vector<16xf32>
    %swap3A_245 = vector.shape_cast %broadcast_in_dim3A_0 : vector<16xf32> to vector<1x16xf32>
    tpu.vector_store %arg8[%swap3A_241, %swap3A_242], %swap3A_245 {strides = array<i32>} : memref<16x128xf32, #tpu.memory_space<vmem>>, vector<1x16xf32>,
    %swap3A_246 = arith.constant 5 : i32
    %swap3A_247 = arith.index_cast %swap3A_246 : i32 to index
    %swap3A_248 = arith.constant 16 : index
    %swap3A_249 = tpu.vector_load %arg8[%swap3A_247, %swap3A_248] {strides = array<i32>} : memref<16x128xf32, #tpu.memory_space<vmem>>, vector<1x16xf32>,
    %swap3A_250 = vector.shape_cast %swap3A_249 : vector<1x16xf32> to vector<16xf32>
    %swap3A_251 = vector.shape_cast %broadcast_in_dim3A_0 : vector<16xf32> to vector<1x16xf32>
    tpu.vector_store %arg8[%swap3A_247, %swap3A_248], %swap3A_251 {strides = array<i32>} : memref<16x128xf32, #tpu.memory_space<vmem>>, vector<1x16xf32>,
    %swap3A_252 = arith.constant 5 : i32
    %swap3A_253 = arith.index_cast %swap3A_252 : i32 to index
    %swap3A_254 = arith.constant 32 : index
    %swap3A_255 = tpu.vector_load %arg8[%swap3A_253, %swap3A_254] {strides = array<i32>} : memref<16x128xf32, #tpu.memory_space<vmem>>, vector<1x16xf32>,
    %swap3A_256 = vector.shape_cast %swap3A_255 : vector<1x16xf32> to vector<16xf32>
    %swap3A_257 = vector.shape_cast %broadcast_in_dim3A_0 : vector<16xf32> to vector<1x16xf32>
    tpu.vector_store %arg8[%swap3A_253, %swap3A_254], %swap3A_257 {strides = array<i32>} : memref<16x128xf32, #tpu.memory_space<vmem>>, vector<1x16xf32>,
    %swap3A_258 = arith.constant 5 : i32
    %swap3A_259 = arith.index_cast %swap3A_258 : i32 to index
    %swap3A_260 = arith.constant 48 : index
    %swap3A_261 = tpu.vector_load %arg8[%swap3A_259, %swap3A_260] {strides = array<i32>} : memref<16x128xf32, #tpu.memory_space<vmem>>, vector<1x16xf32>,
    %swap3A_262 = vector.shape_cast %swap3A_261 : vector<1x16xf32> to vector<16xf32>
    %swap3A_263 = vector.shape_cast %broadcast_in_dim3A_0 : vector<16xf32> to vector<1x16xf32>
    tpu.vector_store %arg8[%swap3A_259, %swap3A_260], %swap3A_263 {strides = array<i32>} : memref<16x128xf32, #tpu.memory_space<vmem>>, vector<1x16xf32>,
    %swap3A_264 = arith.constant 5 : i32
    %swap3A_265 = arith.index_cast %swap3A_264 : i32 to index
    %swap3A_266 = arith.constant 64 : index
    %swap3A_267 = tpu.vector_load %arg8[%swap3A_265, %swap3A_266] {strides = array<i32>} : memref<16x128xf32, #tpu.memory_space<vmem>>, vector<1x16xf32>,
    %swap3A_268 = vector.shape_cast %swap3A_267 : vector<1x16xf32> to vector<16xf32>
    %swap3A_269 = vector.shape_cast %broadcast_in_dim3A_0 : vector<16xf32> to vector<1x16xf32>
    tpu.vector_store %arg8[%swap3A_265, %swap3A_266], %swap3A_269 {strides = array<i32>} : memref<16x128xf32, #tpu.memory_space<vmem>>, vector<1x16xf32>,
    %swap3A_270 = arith.constant 5 : i32
    %swap3A_271 = arith.index_cast %swap3A_270 : i32 to index
    %swap3A_272 = arith.constant 80 : index
    %swap3A_273 = tpu.vector_load %arg8[%swap3A_271, %swap3A_272] {strides = array<i32>} : memref<16x128xf32, #tpu.memory_space<vmem>>, vector<1x16xf32>,
    %swap3A_274 = vector.shape_cast %swap3A_273 : vector<1x16xf32> to vector<16xf32>
    %swap3A_275 = vector.shape_cast %broadcast_in_dim3A_0 : vector<16xf32> to vector<1x16xf32>
    tpu.vector_store %arg8[%swap3A_271, %swap3A_272], %swap3A_275 {strides = array<i32>} : memref<16x128xf32, #tpu.memory_space<vmem>>, vector<1x16xf32>,
    %swap3A_276 = arith.constant 5 : i32
    %swap3A_277 = arith.index_cast %swap3A_276 : i32 to index
    %swap3A_278 = arith.constant 96 : index
    %swap3A_279 = tpu.vector_load %arg8[%swap3A_277, %swap3A_278] {strides = array<i32>} : memref<16x128xf32, #tpu.memory_space<vmem>>, vector<1x16xf32>,
    %swap3A_280 = vector.shape_cast %swap3A_279 : vector<1x16xf32> to vector<16xf32>
    %swap3A_281 = vector.shape_cast %broadcast_in_dim3A_0 : vector<16xf32> to vector<1x16xf32>
    tpu.vector_store %arg8[%swap3A_277, %swap3A_278], %swap3A_281 {strides = array<i32>} : memref<16x128xf32, #tpu.memory_space<vmem>>, vector<1x16xf32>,
    %swap3A_282 = arith.constant 5 : i32
    %swap3A_283 = arith.index_cast %swap3A_282 : i32 to index
    %swap3A_284 = arith.constant 112 : index
    %swap3A_285 = tpu.vector_load %arg8[%swap3A_283, %swap3A_284] {strides = array<i32>} : memref<16x128xf32, #tpu.memory_space<vmem>>, vector<1x16xf32>,
    %swap3A_286 = vector.shape_cast %swap3A_285 : vector<1x16xf32> to vector<16xf32>
    %swap3A_287 = vector.shape_cast %broadcast_in_dim3A_0 : vector<16xf32> to vector<1x16xf32>
    tpu.vector_store %arg8[%swap3A_283, %swap3A_284], %swap3A_287 {strides = array<i32>} : memref<16x128xf32, #tpu.memory_space<vmem>>, vector<1x16xf32>,
    %swap3A_288 = arith.constant 6 : i32
    %swap3A_289 = arith.index_cast %swap3A_288 : i32 to index
    %swap3A_290 = arith.constant 0 : index
    %swap3A_291 = tpu.vector_load %arg8[%swap3A_289, %swap3A_290] {strides = array<i32>} : memref<16x128xf32, #tpu.memory_space<vmem>>, vector<1x16xf32>,
    %swap3A_292 = vector.shape_cast %swap3A_291 : vector<1x16xf32> to vector<16xf32>
    %swap3A_293 = vector.shape_cast %broadcast_in_dim3A_0 : vector<16xf32> to vector<1x16xf32>
    tpu.vector_store %arg8[%swap3A_289, %swap3A_290], %swap3A_293 {strides = array<i32>} : memref<16x128xf32, #tpu.memory_space<vmem>>, vector<1x16xf32>,
    %swap3A_294 = arith.constant 6 : i32
    %swap3A_295 = arith.index_cast %swap3A_294 : i32 to index
    %swap3A_296 = arith.constant 16 : index
    %swap3A_297 = tpu.vector_load %arg8[%swap3A_295, %swap3A_296] {strides = array<i32>} : memref<16x128xf32, #tpu.memory_space<vmem>>, vector<1x16xf32>,
    %swap3A_298 = vector.shape_cast %swap3A_297 : vector<1x16xf32> to vector<16xf32>
    %swap3A_299 = vector.shape_cast %broadcast_in_dim3A_0 : vector<16xf32> to vector<1x16xf32>
    tpu.vector_store %arg8[%swap3A_295, %swap3A_296], %swap3A_299 {strides = array<i32>} : memref<16x128xf32, #tpu.memory_space<vmem>>, vector<1x16xf32>,
    %swap3A_300 = arith.constant 6 : i32
    %swap3A_301 = arith.index_cast %swap3A_300 : i32 to index
    %swap3A_302 = arith.constant 32 : index
    %swap3A_303 = tpu.vector_load %arg8[%swap3A_301, %swap3A_302] {strides = array<i32>} : memref<16x128xf32, #tpu.memory_space<vmem>>, vector<1x16xf32>,
    %swap3A_304 = vector.shape_cast %swap3A_303 : vector<1x16xf32> to vector<16xf32>
    %swap3A_305 = vector.shape_cast %broadcast_in_dim3A_0 : vector<16xf32> to vector<1x16xf32>
    tpu.vector_store %arg8[%swap3A_301, %swap3A_302], %swap3A_305 {strides = array<i32>} : memref<16x128xf32, #tpu.memory_space<vmem>>, vector<1x16xf32>,
    %swap3A_306 = arith.constant 6 : i32
    %swap3A_307 = arith.index_cast %swap3A_306 : i32 to index
    %swap3A_308 = arith.constant 48 : index
    %swap3A_309 = tpu.vector_load %arg8[%swap3A_307, %swap3A_308] {strides = array<i32>} : memref<16x128xf32, #tpu.memory_space<vmem>>, vector<1x16xf32>,
    %swap3A_310 = vector.shape_cast %swap3A_309 : vector<1x16xf32> to vector<16xf32>
    %swap3A_311 = vector.shape_cast %broadcast_in_dim3A_0 : vector<16xf32> to vector<1x16xf32>
    tpu.vector_store %arg8[%swap3A_307, %swap3A_308], %swap3A_311 {strides = array<i32>} : memref<16x128xf32, #tpu.memory_space<vmem>>, vector<1x16xf32>,
    %swap3A_312 = arith.constant 6 : i32
    %swap3A_313 = arith.index_cast %swap3A_312 : i32 to index
    %swap3A_314 = arith.constant 64 : index
    %swap3A_315 = tpu.vector_load %arg8[%swap3A_313, %swap3A_314] {strides = array<i32>} : memref<16x128xf32, #tpu.memory_space<vmem>>, vector<1x16xf32>,
    %swap3A_316 = vector.shape_cast %swap3A_315 : vector<1x16xf32> to vector<16xf32>
    %swap3A_317 = vector.shape_cast %broadcast_in_dim3A_0 : vector<16xf32> to vector<1x16xf32>
    tpu.vector_store %arg8[%swap3A_313, %swap3A_314], %swap3A_317 {strides = array<i32>} : memref<16x128xf32, #tpu.memory_space<vmem>>, vector<1x16xf32>,
    %swap3A_318 = arith.constant 6 : i32
    %swap3A_319 = arith.index_cast %swap3A_318 : i32 to index
    %swap3A_320 = arith.constant 80 : index
    %swap3A_321 = tpu.vector_load %arg8[%swap3A_319, %swap3A_320] {strides = array<i32>} : memref<16x128xf32, #tpu.memory_space<vmem>>, vector<1x16xf32>,
    %swap3A_322 = vector.shape_cast %swap3A_321 : vector<1x16xf32> to vector<16xf32>
    %swap3A_323 = vector.shape_cast %broadcast_in_dim3A_0 : vector<16xf32> to vector<1x16xf32>
    tpu.vector_store %arg8[%swap3A_319, %swap3A_320], %swap3A_323 {strides = array<i32>} : memref<16x128xf32, #tpu.memory_space<vmem>>, vector<1x16xf32>,
    %swap3A_324 = arith.constant 6 : i32
    %swap3A_325 = arith.index_cast %swap3A_324 : i32 to index
    %swap3A_326 = arith.constant 96 : index
    %swap3A_327 = tpu.vector_load %arg8[%swap3A_325, %swap3A_326] {strides = array<i32>} : memref<16x128xf32, #tpu.memory_space<vmem>>, vector<1x16xf32>,
    %swap3A_328 = vector.shape_cast %swap3A_327 : vector<1x16xf32> to vector<16xf32>
    %swap3A_329 = vector.shape_cast %broadcast_in_dim3A_0 : vector<16xf32> to vector<1x16xf32>
    tpu.vector_store %arg8[%swap3A_325, %swap3A_326], %swap3A_329 {strides = array<i32>} : memref<16x128xf32, #tpu.memory_space<vmem>>, vector<1x16xf32>,
    %swap3A_330 = arith.constant 6 : i32
    %swap3A_331 = arith.index_cast %swap3A_330 : i32 to index
    %swap3A_332 = arith.constant 112 : index
    %swap3A_333 = tpu.vector_load %arg8[%swap3A_331, %swap3A_332] {strides = array<i32>} : memref<16x128xf32, #tpu.memory_space<vmem>>, vector<1x16xf32>,
    %swap3A_334 = vector.shape_cast %swap3A_333 : vector<1x16xf32> to vector<16xf32>
    %swap3A_335 = vector.shape_cast %broadcast_in_dim3A_0 : vector<16xf32> to vector<1x16xf32>
    tpu.vector_store %arg8[%swap3A_331, %swap3A_332], %swap3A_335 {strides = array<i32>} : memref<16x128xf32, #tpu.memory_space<vmem>>, vector<1x16xf32>,
    %swap3A_336 = arith.constant 7 : i32
    %swap3A_337 = arith.index_cast %swap3A_336 : i32 to index
    %swap3A_338 = arith.constant 0 : index
    %swap3A_339 = tpu.vector_load %arg8[%swap3A_337, %swap3A_338] {strides = array<i32>} : memref<16x128xf32, #tpu.memory_space<vmem>>, vector<1x16xf32>,
    %swap3A_340 = vector.shape_cast %swap3A_339 : vector<1x16xf32> to vector<16xf32>
    %swap3A_341 = vector.shape_cast %broadcast_in_dim3A_0 : vector<16xf32> to vector<1x16xf32>
    tpu.vector_store %arg8[%swap3A_337, %swap3A_338], %swap3A_341 {strides = array<i32>} : memref<16x128xf32, #tpu.memory_space<vmem>>, vector<1x16xf32>,
    %swap3A_342 = arith.constant 7 : i32
    %swap3A_343 = arith.index_cast %swap3A_342 : i32 to index
    %swap3A_344 = arith.constant 16 : index
    %swap3A_345 = tpu.vector_load %arg8[%swap3A_343, %swap3A_344] {strides = array<i32>} : memref<16x128xf32, #tpu.memory_space<vmem>>, vector<1x16xf32>,
    %swap3A_346 = vector.shape_cast %swap3A_345 : vector<1x16xf32> to vector<16xf32>
    %swap3A_347 = vector.shape_cast %broadcast_in_dim3A_0 : vector<16xf32> to vector<1x16xf32>
    tpu.vector_store %arg8[%swap3A_343, %swap3A_344], %swap3A_347 {strides = array<i32>} : memref<16x128xf32, #tpu.memory_space<vmem>>, vector<1x16xf32>,
    %swap3A_348 = arith.constant 7 : i32
    %swap3A_349 = arith.index_cast %swap3A_348 : i32 to index
    %swap3A_350 = arith.constant 32 : index
    %swap3A_351 = tpu.vector_load %arg8[%swap3A_349, %swap3A_350] {strides = array<i32>} : memref<16x128xf32, #tpu.memory_space<vmem>>, vector<1x16xf32>,
    %swap3A_352 = vector.shape_cast %swap3A_351 : vector<1x16xf32> to vector<16xf32>
    %swap3A_353 = vector.shape_cast %broadcast_in_dim3A_0 : vector<16xf32> to vector<1x16xf32>
    tpu.vector_store %arg8[%swap3A_349, %swap3A_350], %swap3A_353 {strides = array<i32>} : memref<16x128xf32, #tpu.memory_space<vmem>>, vector<1x16xf32>,
    %swap3A_354 = arith.constant 7 : i32
    %swap3A_355 = arith.index_cast %swap3A_354 : i32 to index
    %swap3A_356 = arith.constant 48 : index
    %swap3A_357 = tpu.vector_load %arg8[%swap3A_355, %swap3A_356] {strides = array<i32>} : memref<16x128xf32, #tpu.memory_space<vmem>>, vector<1x16xf32>,
    %swap3A_358 = vector.shape_cast %swap3A_357 : vector<1x16xf32> to vector<16xf32>
    %swap3A_359 = vector.shape_cast %broadcast_in_dim3A_0 : vector<16xf32> to vector<1x16xf32>
    tpu.vector_store %arg8[%swap3A_355, %swap3A_356], %swap3A_359 {strides = array<i32>} : memref<16x128xf32, #tpu.memory_space<vmem>>, vector<1x16xf32>,
    %swap3A_360 = arith.constant 7 : i32
    %swap3A_361 = arith.index_cast %swap3A_360 : i32 to index
    %swap3A_362 = arith.constant 64 : index
    %swap3A_363 = tpu.vector_load %arg8[%swap3A_361, %swap3A_362] {strides = array<i32>} : memref<16x128xf32, #tpu.memory_space<vmem>>, vector<1x16xf32>,
    %swap3A_364 = vector.shape_cast %swap3A_363 : vector<1x16xf32> to vector<16xf32>
    %swap3A_365 = vector.shape_cast %broadcast_in_dim3A_0 : vector<16xf32> to vector<1x16xf32>
    tpu.vector_store %arg8[%swap3A_361, %swap3A_362], %swap3A_365 {strides = array<i32>} : memref<16x128xf32, #tpu.memory_space<vmem>>, vector<1x16xf32>,
    %swap3A_366 = arith.constant 7 : i32
    %swap3A_367 = arith.index_cast %swap3A_366 : i32 to index
    %swap3A_368 = arith.constant 80 : index
    %swap3A_369 = tpu.vector_load %arg8[%swap3A_367, %swap3A_368] {strides = array<i32>} : memref<16x128xf32, #tpu.memory_space<vmem>>, vector<1x16xf32>,
    %swap3A_370 = vector.shape_cast %swap3A_369 : vector<1x16xf32> to vector<16xf32>
    %swap3A_371 = vector.shape_cast %broadcast_in_dim3A_0 : vector<16xf32> to vector<1x16xf32>
    tpu.vector_store %arg8[%swap3A_367, %swap3A_368], %swap3A_371 {strides = array<i32>} : memref<16x128xf32, #tpu.memory_space<vmem>>, vector<1x16xf32>,
    %swap3A_372 = arith.constant 7 : i32
    %swap3A_373 = arith.index_cast %swap3A_372 : i32 to index
    %swap3A_374 = arith.constant 96 : index
    %swap3A_375 = tpu.vector_load %arg8[%swap3A_373, %swap3A_374] {strides = array<i32>} : memref<16x128xf32, #tpu.memory_space<vmem>>, vector<1x16xf32>,
    %swap3A_376 = vector.shape_cast %swap3A_375 : vector<1x16xf32> to vector<16xf32>
    %swap3A_377 = vector.shape_cast %broadcast_in_dim3A_0 : vector<16xf32> to vector<1x16xf32>
    tpu.vector_store %arg8[%swap3A_373, %swap3A_374], %swap3A_377 {strides = array<i32>} : memref<16x128xf32, #tpu.memory_space<vmem>>, vector<1x16xf32>,
    %swap3A_378 = arith.constant 7 : i32
    %swap3A_379 = arith.index_cast %swap3A_378 : i32 to index
    %swap3A_380 = arith.constant 112 : index
    %swap3A_381 = tpu.vector_load %arg8[%swap3A_379, %swap3A_380] {strides = array<i32>} : memref<16x128xf32, #tpu.memory_space<vmem>>, vector<1x16xf32>,
    %swap3A_382 = vector.shape_cast %swap3A_381 : vector<1x16xf32> to vector<16xf32>
    %swap3A_383 = vector.shape_cast %broadcast_in_dim3A_0 : vector<16xf32> to vector<1x16xf32>
    tpu.vector_store %arg8[%swap3A_379, %swap3A_380], %swap3A_383 {strides = array<i32>} : memref<16x128xf32, #tpu.memory_space<vmem>>, vector<1x16xf32>,
    %swap3A_384 = arith.constant 8 : i32
    %swap3A_385 = arith.index_cast %swap3A_384 : i32 to index
    %swap3A_386 = arith.constant 0 : index
    %swap3A_387 = tpu.vector_load %arg8[%swap3A_385, %swap3A_386] {strides = array<i32>} : memref<16x128xf32, #tpu.memory_space<vmem>>, vector<1x16xf32>,
    %swap3A_388 = vector.shape_cast %swap3A_387 : vector<1x16xf32> to vector<16xf32>
    %swap3A_389 = vector.shape_cast %broadcast_in_dim3A_0 : vector<16xf32> to vector<1x16xf32>
    tpu.vector_store %arg8[%swap3A_385, %swap3A_386], %swap3A_389 {strides = array<i32>} : memref<16x128xf32, #tpu.memory_space<vmem>>, vector<1x16xf32>,
    %swap3A_390 = arith.constant 8 : i32
    %swap3A_391 = arith.index_cast %swap3A_390 : i32 to index
    %swap3A_392 = arith.constant 16 : index
    %swap3A_393 = tpu.vector_load %arg8[%swap3A_391, %swap3A_392] {strides = array<i32>} : memref<16x128xf32, #tpu.memory_space<vmem>>, vector<1x16xf32>,
    %swap3A_394 = vector.shape_cast %swap3A_393 : vector<1x16xf32> to vector<16xf32>
    %swap3A_395 = vector.shape_cast %broadcast_in_dim3A_0 : vector<16xf32> to vector<1x16xf32>
    tpu.vector_store %arg8[%swap3A_391, %swap3A_392], %swap3A_395 {strides = array<i32>} : memref<16x128xf32, #tpu.memory_space<vmem>>, vector<1x16xf32>,
    %swap3A_396 = arith.constant 8 : i32
    %swap3A_397 = arith.index_cast %swap3A_396 : i32 to index
    %swap3A_398 = arith.constant 32 : index
    %swap3A_399 = tpu.vector_load %arg8[%swap3A_397, %swap3A_398] {strides = array<i32>} : memref<16x128xf32, #tpu.memory_space<vmem>>, vector<1x16xf32>,
    %swap3A_400 = vector.shape_cast %swap3A_399 : vector<1x16xf32> to vector<16xf32>
    %swap3A_401 = vector.shape_cast %broadcast_in_dim3A_0 : vector<16xf32> to vector<1x16xf32>
    tpu.vector_store %arg8[%swap3A_397, %swap3A_398], %swap3A_401 {strides = array<i32>} : memref<16x128xf32, #tpu.memory_space<vmem>>, vector<1x16xf32>,
    %swap3A_402 = arith.constant 8 : i32
    %swap3A_403 = arith.index_cast %swap3A_402 : i32 to index
    %swap3A_404 = arith.constant 48 : index
    %swap3A_405 = tpu.vector_load %arg8[%swap3A_403, %swap3A_404] {strides = array<i32>} : memref<16x128xf32, #tpu.memory_space<vmem>>, vector<1x16xf32>,
    %swap3A_406 = vector.shape_cast %swap3A_405 : vector<1x16xf32> to vector<16xf32>
    %swap3A_407 = vector.shape_cast %broadcast_in_dim3A_0 : vector<16xf32> to vector<1x16xf32>
    tpu.vector_store %arg8[%swap3A_403, %swap3A_404], %swap3A_407 {strides = array<i32>} : memref<16x128xf32, #tpu.memory_space<vmem>>, vector<1x16xf32>,
    %swap3A_408 = arith.constant 8 : i32
    %swap3A_409 = arith.index_cast %swap3A_408 : i32 to index
    %swap3A_410 = arith.constant 64 : index
    %swap3A_411 = tpu.vector_load %arg8[%swap3A_409, %swap3A_410] {strides = array<i32>} : memref<16x128xf32, #tpu.memory_space<vmem>>, vector<1x16xf32>,
    %swap3A_412 = vector.shape_cast %swap3A_411 : vector<1x16xf32> to vector<16xf32>
    %swap3A_413 = vector.shape_cast %broadcast_in_dim3A_0 : vector<16xf32> to vector<1x16xf32>
    tpu.vector_store %arg8[%swap3A_409, %swap3A_410], %swap3A_413 {strides = array<i32>} : memref<16x128xf32, #tpu.memory_space<vmem>>, vector<1x16xf32>,
    %swap3A_414 = arith.constant 8 : i32
    %swap3A_415 = arith.index_cast %swap3A_414 : i32 to index
    %swap3A_416 = arith.constant 80 : index
    %swap3A_417 = tpu.vector_load %arg8[%swap3A_415, %swap3A_416] {strides = array<i32>} : memref<16x128xf32, #tpu.memory_space<vmem>>, vector<1x16xf32>,
    %swap3A_418 = vector.shape_cast %swap3A_417 : vector<1x16xf32> to vector<16xf32>
    %swap3A_419 = vector.shape_cast %broadcast_in_dim3A_0 : vector<16xf32> to vector<1x16xf32>
    tpu.vector_store %arg8[%swap3A_415, %swap3A_416], %swap3A_419 {strides = array<i32>} : memref<16x128xf32, #tpu.memory_space<vmem>>, vector<1x16xf32>,
    %swap3A_420 = arith.constant 8 : i32
    %swap3A_421 = arith.index_cast %swap3A_420 : i32 to index
    %swap3A_422 = arith.constant 96 : index
    %swap3A_423 = tpu.vector_load %arg8[%swap3A_421, %swap3A_422] {strides = array<i32>} : memref<16x128xf32, #tpu.memory_space<vmem>>, vector<1x16xf32>,
    %swap3A_424 = vector.shape_cast %swap3A_423 : vector<1x16xf32> to vector<16xf32>
    %swap3A_425 = vector.shape_cast %broadcast_in_dim3A_0 : vector<16xf32> to vector<1x16xf32>
    tpu.vector_store %arg8[%swap3A_421, %swap3A_422], %swap3A_425 {strides = array<i32>} : memref<16x128xf32, #tpu.memory_space<vmem>>, vector<1x16xf32>,
    %swap3A_426 = arith.constant 8 : i32
    %swap3A_427 = arith.index_cast %swap3A_426 : i32 to index
    %swap3A_428 = arith.constant 112 : index
    %swap3A_429 = tpu.vector_load %arg8[%swap3A_427, %swap3A_428] {strides = array<i32>} : memref<16x128xf32, #tpu.memory_space<vmem>>, vector<1x16xf32>,
    %swap3A_430 = vector.shape_cast %swap3A_429 : vector<1x16xf32> to vector<16xf32>
    %swap3A_431 = vector.shape_cast %broadcast_in_dim3A_0 : vector<16xf32> to vector<1x16xf32>
    tpu.vector_store %arg8[%swap3A_427, %swap3A_428], %swap3A_431 {strides = array<i32>} : memref<16x128xf32, #tpu.memory_space<vmem>>, vector<1x16xf32>,
    %swap3A_432 = arith.constant 9 : i32
    %swap3A_433 = arith.index_cast %swap3A_432 : i32 to index
    %swap3A_434 = arith.constant 0 : index
    %swap3A_435 = tpu.vector_load %arg8[%swap3A_433, %swap3A_434] {strides = array<i32>} : memref<16x128xf32, #tpu.memory_space<vmem>>, vector<1x16xf32>,
    %swap3A_436 = vector.shape_cast %swap3A_435 : vector<1x16xf32> to vector<16xf32>
    %swap3A_437 = vector.shape_cast %broadcast_in_dim3A_0 : vector<16xf32> to vector<1x16xf32>
    tpu.vector_store %arg8[%swap3A_433, %swap3A_434], %swap3A_437 {strides = array<i32>} : memref<16x128xf32, #tpu.memory_space<vmem>>, vector<1x16xf32>,
    %swap3A_438 = arith.constant 9 : i32
    %swap3A_439 = arith.index_cast %swap3A_438 : i32 to index
    %swap3A_440 = arith.constant 16 : index
    %swap3A_441 = tpu.vector_load %arg8[%swap3A_439, %swap3A_440] {strides = array<i32>} : memref<16x128xf32, #tpu.memory_space<vmem>>, vector<1x16xf32>,
    %swap3A_442 = vector.shape_cast %swap3A_441 : vector<1x16xf32> to vector<16xf32>
    %swap3A_443 = vector.shape_cast %broadcast_in_dim3A_0 : vector<16xf32> to vector<1x16xf32>
    tpu.vector_store %arg8[%swap3A_439, %swap3A_440], %swap3A_443 {strides = array<i32>} : memref<16x128xf32, #tpu.memory_space<vmem>>, vector<1x16xf32>,
    %swap3A_444 = arith.constant 9 : i32
    %swap3A_445 = arith.index_cast %swap3A_444 : i32 to index
    %swap3A_446 = arith.constant 32 : index
    %swap3A_447 = tpu.vector_load %arg8[%swap3A_445, %swap3A_446] {strides = array<i32>} : memref<16x128xf32, #tpu.memory_space<vmem>>, vector<1x16xf32>,
    %swap3A_448 = vector.shape_cast %swap3A_447 : vector<1x16xf32> to vector<16xf32>
    %swap3A_449 = vector.shape_cast %broadcast_in_dim3A_0 : vector<16xf32> to vector<1x16xf32>
    tpu.vector_store %arg8[%swap3A_445, %swap3A_446], %swap3A_449 {strides = array<i32>} : memref<16x128xf32, #tpu.memory_space<vmem>>, vector<1x16xf32>,
    %swap3A_450 = arith.constant 9 : i32
    %swap3A_451 = arith.index_cast %swap3A_450 : i32 to index
    %swap3A_452 = arith.constant 48 : index
    %swap3A_453 = tpu.vector_load %arg8[%swap3A_451, %swap3A_452] {strides = array<i32>} : memref<16x128xf32, #tpu.memory_space<vmem>>, vector<1x16xf32>,
    %swap3A_454 = vector.shape_cast %swap3A_453 : vector<1x16xf32> to vector<16xf32>
    %swap3A_455 = vector.shape_cast %broadcast_in_dim3A_0 : vector<16xf32> to vector<1x16xf32>
    tpu.vector_store %arg8[%swap3A_451, %swap3A_452], %swap3A_455 {strides = array<i32>} : memref<16x128xf32, #tpu.memory_space<vmem>>, vector<1x16xf32>,
    %swap3A_456 = arith.constant 9 : i32
    %swap3A_457 = arith.index_cast %swap3A_456 : i32 to index
    %swap3A_458 = arith.constant 64 : index
    %swap3A_459 = tpu.vector_load %arg8[%swap3A_457, %swap3A_458] {strides = array<i32>} : memref<16x128xf32, #tpu.memory_space<vmem>>, vector<1x16xf32>,
    %swap3A_460 = vector.shape_cast %swap3A_459 : vector<1x16xf32> to vector<16xf32>
    %swap3A_461 = vector.shape_cast %broadcast_in_dim3A_0 : vector<16xf32> to vector<1x16xf32>
    tpu.vector_store %arg8[%swap3A_457, %swap3A_458], %swap3A_461 {strides = array<i32>} : memref<16x128xf32, #tpu.memory_space<vmem>>, vector<1x16xf32>,
    %swap3A_462 = arith.constant 9 : i32
    %swap3A_463 = arith.index_cast %swap3A_462 : i32 to index
    %swap3A_464 = arith.constant 80 : index
    %swap3A_465 = tpu.vector_load %arg8[%swap3A_463, %swap3A_464] {strides = array<i32>} : memref<16x128xf32, #tpu.memory_space<vmem>>, vector<1x16xf32>,
    %swap3A_466 = vector.shape_cast %swap3A_465 : vector<1x16xf32> to vector<16xf32>
    %swap3A_467 = vector.shape_cast %broadcast_in_dim3A_0 : vector<16xf32> to vector<1x16xf32>
    tpu.vector_store %arg8[%swap3A_463, %swap3A_464], %swap3A_467 {strides = array<i32>} : memref<16x128xf32, #tpu.memory_space<vmem>>, vector<1x16xf32>,
    %swap3A_468 = arith.constant 9 : i32
    %swap3A_469 = arith.index_cast %swap3A_468 : i32 to index
    %swap3A_470 = arith.constant 96 : index
    %swap3A_471 = tpu.vector_load %arg8[%swap3A_469, %swap3A_470] {strides = array<i32>} : memref<16x128xf32, #tpu.memory_space<vmem>>, vector<1x16xf32>,
    %swap3A_472 = vector.shape_cast %swap3A_471 : vector<1x16xf32> to vector<16xf32>
    %swap3A_473 = vector.shape_cast %broadcast_in_dim3A_0 : vector<16xf32> to vector<1x16xf32>
    tpu.vector_store %arg8[%swap3A_469, %swap3A_470], %swap3A_473 {strides = array<i32>} : memref<16x128xf32, #tpu.memory_space<vmem>>, vector<1x16xf32>,
    %swap3A_474 = arith.constant 9 : i32
    %swap3A_475 = arith.index_cast %swap3A_474 : i32 to index
    %swap3A_476 = arith.constant 112 : index
    %swap3A_477 = tpu.vector_load %arg8[%swap3A_475, %swap3A_476] {strides = array<i32>} : memref<16x128xf32, #tpu.memory_space<vmem>>, vector<1x16xf32>,
    %swap3A_478 = vector.shape_cast %swap3A_477 : vector<1x16xf32> to vector<16xf32>
    %swap3A_479 = vector.shape_cast %broadcast_in_dim3A_0 : vector<16xf32> to vector<1x16xf32>
    tpu.vector_store %arg8[%swap3A_475, %swap3A_476], %swap3A_479 {strides = array<i32>} : memref<16x128xf32, #tpu.memory_space<vmem>>, vector<1x16xf32>,
    %swap3A_480 = arith.constant 10 : i32
    %swap3A_481 = arith.index_cast %swap3A_480 : i32 to index
    %swap3A_482 = arith.constant 0 : index
    %swap3A_483 = tpu.vector_load %arg8[%swap3A_481, %swap3A_482] {strides = array<i32>} : memref<16x128xf32, #tpu.memory_space<vmem>>, vector<1x16xf32>,
    %swap3A_484 = vector.shape_cast %swap3A_483 : vector<1x16xf32> to vector<16xf32>
    %swap3A_485 = vector.shape_cast %broadcast_in_dim3A_0 : vector<16xf32> to vector<1x16xf32>
    tpu.vector_store %arg8[%swap3A_481, %swap3A_482], %swap3A_485 {strides = array<i32>} : memref<16x128xf32, #tpu.memory_space<vmem>>, vector<1x16xf32>,
    %swap3A_486 = arith.constant 10 : i32
    %swap3A_487 = arith.index_cast %swap3A_486 : i32 to index
    %swap3A_488 = arith.constant 16 : index
    %swap3A_489 = tpu.vector_load %arg8[%swap3A_487, %swap3A_488] {strides = array<i32>} : memref<16x128xf32, #tpu.memory_space<vmem>>, vector<1x16xf32>,
    %swap3A_490 = vector.shape_cast %swap3A_489 : vector<1x16xf32> to vector<16xf32>
    %swap3A_491 = vector.shape_cast %broadcast_in_dim3A_0 : vector<16xf32> to vector<1x16xf32>
    tpu.vector_store %arg8[%swap3A_487, %swap3A_488], %swap3A_491 {strides = array<i32>} : memref<16x128xf32, #tpu.memory_space<vmem>>, vector<1x16xf32>,
    %swap3A_492 = arith.constant 10 : i32
    %swap3A_493 = arith.index_cast %swap3A_492 : i32 to index
    %swap3A_494 = arith.constant 32 : index
    %swap3A_495 = tpu.vector_load %arg8[%swap3A_493, %swap3A_494] {strides = array<i32>} : memref<16x128xf32, #tpu.memory_space<vmem>>, vector<1x16xf32>,
    %swap3A_496 = vector.shape_cast %swap3A_495 : vector<1x16xf32> to vector<16xf32>
    %swap3A_497 = vector.shape_cast %broadcast_in_dim3A_0 : vector<16xf32> to vector<1x16xf32>
    tpu.vector_store %arg8[%swap3A_493, %swap3A_494], %swap3A_497 {strides = array<i32>} : memref<16x128xf32, #tpu.memory_space<vmem>>, vector<1x16xf32>,
    %swap3A_498 = arith.constant 10 : i32
    %swap3A_499 = arith.index_cast %swap3A_498 : i32 to index
    %swap3A_500 = arith.constant 48 : index
    %swap3A_501 = tpu.vector_load %arg8[%swap3A_499, %swap3A_500] {strides = array<i32>} : memref<16x128xf32, #tpu.memory_space<vmem>>, vector<1x16xf32>,
    %swap3A_502 = vector.shape_cast %swap3A_501 : vector<1x16xf32> to vector<16xf32>
    %swap3A_503 = vector.shape_cast %broadcast_in_dim3A_0 : vector<16xf32> to vector<1x16xf32>
    tpu.vector_store %arg8[%swap3A_499, %swap3A_500], %swap3A_503 {strides = array<i32>} : memref<16x128xf32, #tpu.memory_space<vmem>>, vector<1x16xf32>,
    %swap3A_504 = arith.constant 10 : i32
    %swap3A_505 = arith.index_cast %swap3A_504 : i32 to index
    %swap3A_506 = arith.constant 64 : index
    %swap3A_507 = tpu.vector_load %arg8[%swap3A_505, %swap3A_506] {strides = array<i32>} : memref<16x128xf32, #tpu.memory_space<vmem>>, vector<1x16xf32>,
    %swap3A_508 = vector.shape_cast %swap3A_507 : vector<1x16xf32> to vector<16xf32>
    %swap3A_509 = vector.shape_cast %broadcast_in_dim3A_0 : vector<16xf32> to vector<1x16xf32>
    tpu.vector_store %arg8[%swap3A_505, %swap3A_506], %swap3A_509 {strides = array<i32>} : memref<16x128xf32, #tpu.memory_space<vmem>>, vector<1x16xf32>,
    %swap3A_510 = arith.constant 10 : i32
    %swap3A_511 = arith.index_cast %swap3A_510 : i32 to index
    %swap3A_512 = arith.constant 80 : index
    %swap3A_513 = tpu.vector_load %arg8[%swap3A_511, %swap3A_512] {strides = array<i32>} : memref<16x128xf32, #tpu.memory_space<vmem>>, vector<1x16xf32>,
    %swap3A_514 = vector.shape_cast %swap3A_513 : vector<1x16xf32> to vector<16xf32>
    %swap3A_515 = vector.shape_cast %broadcast_in_dim3A_0 : vector<16xf32> to vector<1x16xf32>
    tpu.vector_store %arg8[%swap3A_511, %swap3A_512], %swap3A_515 {strides = array<i32>} : memref<16x128xf32, #tpu.memory_space<vmem>>, vector<1x16xf32>,
    %swap3A_516 = arith.constant 10 : i32
    %swap3A_517 = arith.index_cast %swap3A_516 : i32 to index
    %swap3A_518 = arith.constant 96 : index
    %swap3A_519 = tpu.vector_load %arg8[%swap3A_517, %swap3A_518] {strides = array<i32>} : memref<16x128xf32, #tpu.memory_space<vmem>>, vector<1x16xf32>,
    %swap3A_520 = vector.shape_cast %swap3A_519 : vector<1x16xf32> to vector<16xf32>
    %swap3A_521 = vector.shape_cast %broadcast_in_dim3A_0 : vector<16xf32> to vector<1x16xf32>
    tpu.vector_store %arg8[%swap3A_517, %swap3A_518], %swap3A_521 {strides = array<i32>} : memref<16x128xf32, #tpu.memory_space<vmem>>, vector<1x16xf32>,
    %swap3A_522 = arith.constant 10 : i32
    %swap3A_523 = arith.index_cast %swap3A_522 : i32 to index
    %swap3A_524 = arith.constant 112 : index
    %swap3A_525 = tpu.vector_load %arg8[%swap3A_523, %swap3A_524] {strides = array<i32>} : memref<16x128xf32, #tpu.memory_space<vmem>>, vector<1x16xf32>,
    %swap3A_526 = vector.shape_cast %swap3A_525 : vector<1x16xf32> to vector<16xf32>
    %swap3A_527 = vector.shape_cast %broadcast_in_dim3A_0 : vector<16xf32> to vector<1x16xf32>
    tpu.vector_store %arg8[%swap3A_523, %swap3A_524], %swap3A_527 {strides = array<i32>} : memref<16x128xf32, #tpu.memory_space<vmem>>, vector<1x16xf32>,
    %swap3A_528 = arith.constant 11 : i32
    %swap3A_529 = arith.index_cast %swap3A_528 : i32 to index
    %swap3A_530 = arith.constant 0 : index
    %swap3A_531 = tpu.vector_load %arg8[%swap3A_529, %swap3A_530] {strides = array<i32>} : memref<16x128xf32, #tpu.memory_space<vmem>>, vector<1x16xf32>,
    %swap3A_532 = vector.shape_cast %swap3A_531 : vector<1x16xf32> to vector<16xf32>
    %swap3A_533 = vector.shape_cast %broadcast_in_dim3A_0 : vector<16xf32> to vector<1x16xf32>
    tpu.vector_store %arg8[%swap3A_529, %swap3A_530], %swap3A_533 {strides = array<i32>} : memref<16x128xf32, #tpu.memory_space<vmem>>, vector<1x16xf32>,
    %swap3A_534 = arith.constant 11 : i32
    %swap3A_535 = arith.index_cast %swap3A_534 : i32 to index
    %swap3A_536 = arith.constant 16 : index
    %swap3A_537 = tpu.vector_load %arg8[%swap3A_535, %swap3A_536] {strides = array<i32>} : memref<16x128xf32, #tpu.memory_space<vmem>>, vector<1x16xf32>,
    %swap3A_538 = vector.shape_cast %swap3A_537 : vector<1x16xf32> to vector<16xf32>
    %swap3A_539 = vector.shape_cast %broadcast_in_dim3A_0 : vector<16xf32> to vector<1x16xf32>
    tpu.vector_store %arg8[%swap3A_535, %swap3A_536], %swap3A_539 {strides = array<i32>} : memref<16x128xf32, #tpu.memory_space<vmem>>, vector<1x16xf32>,
    %swap3A_540 = arith.constant 11 : i32
    %swap3A_541 = arith.index_cast %swap3A_540 : i32 to index
    %swap3A_542 = arith.constant 32 : index
    %swap3A_543 = tpu.vector_load %arg8[%swap3A_541, %swap3A_542] {strides = array<i32>} : memref<16x128xf32, #tpu.memory_space<vmem>>, vector<1x16xf32>,
    %swap3A_544 = vector.shape_cast %swap3A_543 : vector<1x16xf32> to vector<16xf32>
    %swap3A_545 = vector.shape_cast %broadcast_in_dim3A_0 : vector<16xf32> to vector<1x16xf32>
    tpu.vector_store %arg8[%swap3A_541, %swap3A_542], %swap3A_545 {strides = array<i32>} : memref<16x128xf32, #tpu.memory_space<vmem>>, vector<1x16xf32>,
    %swap3A_546 = arith.constant 11 : i32
    %swap3A_547 = arith.index_cast %swap3A_546 : i32 to index
    %swap3A_548 = arith.constant 48 : index
    %swap3A_549 = tpu.vector_load %arg8[%swap3A_547, %swap3A_548] {strides = array<i32>} : memref<16x128xf32, #tpu.memory_space<vmem>>, vector<1x16xf32>,
    %swap3A_550 = vector.shape_cast %swap3A_549 : vector<1x16xf32> to vector<16xf32>
    %swap3A_551 = vector.shape_cast %broadcast_in_dim3A_0 : vector<16xf32> to vector<1x16xf32>
    tpu.vector_store %arg8[%swap3A_547, %swap3A_548], %swap3A_551 {strides = array<i32>} : memref<16x128xf32, #tpu.memory_space<vmem>>, vector<1x16xf32>,
    %swap3A_552 = arith.constant 11 : i32
    %swap3A_553 = arith.index_cast %swap3A_552 : i32 to index
    %swap3A_554 = arith.constant 64 : index
    %swap3A_555 = tpu.vector_load %arg8[%swap3A_553, %swap3A_554] {strides = array<i32>} : memref<16x128xf32, #tpu.memory_space<vmem>>, vector<1x16xf32>,
    %swap3A_556 = vector.shape_cast %swap3A_555 : vector<1x16xf32> to vector<16xf32>
    %swap3A_557 = vector.shape_cast %broadcast_in_dim3A_0 : vector<16xf32> to vector<1x16xf32>
    tpu.vector_store %arg8[%swap3A_553, %swap3A_554], %swap3A_557 {strides = array<i32>} : memref<16x128xf32, #tpu.memory_space<vmem>>, vector<1x16xf32>,
    %swap3A_558 = arith.constant 11 : i32
    %swap3A_559 = arith.index_cast %swap3A_558 : i32 to index
    %swap3A_560 = arith.constant 80 : index
    %swap3A_561 = tpu.vector_load %arg8[%swap3A_559, %swap3A_560] {strides = array<i32>} : memref<16x128xf32, #tpu.memory_space<vmem>>, vector<1x16xf32>,
    %swap3A_562 = vector.shape_cast %swap3A_561 : vector<1x16xf32> to vector<16xf32>
    %swap3A_563 = vector.shape_cast %broadcast_in_dim3A_0 : vector<16xf32> to vector<1x16xf32>
    tpu.vector_store %arg8[%swap3A_559, %swap3A_560], %swap3A_563 {strides = array<i32>} : memref<16x128xf32, #tpu.memory_space<vmem>>, vector<1x16xf32>,
    %swap3A_564 = arith.constant 11 : i32
    %swap3A_565 = arith.index_cast %swap3A_564 : i32 to index
    %swap3A_566 = arith.constant 96 : index
    %swap3A_567 = tpu.vector_load %arg8[%swap3A_565, %swap3A_566] {strides = array<i32>} : memref<16x128xf32, #tpu.memory_space<vmem>>, vector<1x16xf32>,
    %swap3A_568 = vector.shape_cast %swap3A_567 : vector<1x16xf32> to vector<16xf32>
    %swap3A_569 = vector.shape_cast %broadcast_in_dim3A_0 : vector<16xf32> to vector<1x16xf32>
    tpu.vector_store %arg8[%swap3A_565, %swap3A_566], %swap3A_569 {strides = array<i32>} : memref<16x128xf32, #tpu.memory_space<vmem>>, vector<1x16xf32>,
    %swap3A_570 = arith.constant 11 : i32
    %swap3A_571 = arith.index_cast %swap3A_570 : i32 to index
    %swap3A_572 = arith.constant 112 : index
    %swap3A_573 = tpu.vector_load %arg8[%swap3A_571, %swap3A_572] {strides = array<i32>} : memref<16x128xf32, #tpu.memory_space<vmem>>, vector<1x16xf32>,
    %swap3A_574 = vector.shape_cast %swap3A_573 : vector<1x16xf32> to vector<16xf32>
    %swap3A_575 = vector.shape_cast %broadcast_in_dim3A_0 : vector<16xf32> to vector<1x16xf32>
    tpu.vector_store %arg8[%swap3A_571, %swap3A_572], %swap3A_575 {strides = array<i32>} : memref<16x128xf32, #tpu.memory_space<vmem>>, vector<1x16xf32>,
    %swap3A_576 = arith.constant 12 : i32
    %swap3A_577 = arith.index_cast %swap3A_576 : i32 to index
    %swap3A_578 = arith.constant 0 : index
    %swap3A_579 = tpu.vector_load %arg8[%swap3A_577, %swap3A_578] {strides = array<i32>} : memref<16x128xf32, #tpu.memory_space<vmem>>, vector<1x16xf32>,
    %swap3A_580 = vector.shape_cast %swap3A_579 : vector<1x16xf32> to vector<16xf32>
    %swap3A_581 = vector.shape_cast %broadcast_in_dim3A_0 : vector<16xf32> to vector<1x16xf32>
    tpu.vector_store %arg8[%swap3A_577, %swap3A_578], %swap3A_581 {strides = array<i32>} : memref<16x128xf32, #tpu.memory_space<vmem>>, vector<1x16xf32>,
    %swap3A_582 = arith.constant 12 : i32
    %swap3A_583 = arith.index_cast %swap3A_582 : i32 to index
    %swap3A_584 = arith.constant 16 : index
    %swap3A_585 = tpu.vector_load %arg8[%swap3A_583, %swap3A_584] {strides = array<i32>} : memref<16x128xf32, #tpu.memory_space<vmem>>, vector<1x16xf32>,
    %swap3A_586 = vector.shape_cast %swap3A_585 : vector<1x16xf32> to vector<16xf32>
    %swap3A_587 = vector.shape_cast %broadcast_in_dim3A_0 : vector<16xf32> to vector<1x16xf32>
    tpu.vector_store %arg8[%swap3A_583, %swap3A_584], %swap3A_587 {strides = array<i32>} : memref<16x128xf32, #tpu.memory_space<vmem>>, vector<1x16xf32>,
    %swap3A_588 = arith.constant 12 : i32
    %swap3A_589 = arith.index_cast %swap3A_588 : i32 to index
    %swap3A_590 = arith.constant 32 : index
    %swap3A_591 = tpu.vector_load %arg8[%swap3A_589, %swap3A_590] {strides = array<i32>} : memref<16x128xf32, #tpu.memory_space<vmem>>, vector<1x16xf32>,
    %swap3A_592 = vector.shape_cast %swap3A_591 : vector<1x16xf32> to vector<16xf32>
    %swap3A_593 = vector.shape_cast %broadcast_in_dim3A_0 : vector<16xf32> to vector<1x16xf32>
    tpu.vector_store %arg8[%swap3A_589, %swap3A_590], %swap3A_593 {strides = array<i32>} : memref<16x128xf32, #tpu.memory_space<vmem>>, vector<1x16xf32>,
    %swap3A_594 = arith.constant 12 : i32
    %swap3A_595 = arith.index_cast %swap3A_594 : i32 to index
    %swap3A_596 = arith.constant 48 : index
    %swap3A_597 = tpu.vector_load %arg8[%swap3A_595, %swap3A_596] {strides = array<i32>} : memref<16x128xf32, #tpu.memory_space<vmem>>, vector<1x16xf32>,
    %swap3A_598 = vector.shape_cast %swap3A_597 : vector<1x16xf32> to vector<16xf32>
    %swap3A_599 = vector.shape_cast %broadcast_in_dim3A_0 : vector<16xf32> to vector<1x16xf32>
    tpu.vector_store %arg8[%swap3A_595, %swap3A_596], %swap3A_599 {strides = array<i32>} : memref<16x128xf32, #tpu.memory_space<vmem>>, vector<1x16xf32>,
    %swap3A_600 = arith.constant 12 : i32
    %swap3A_601 = arith.index_cast %swap3A_600 : i32 to index
    %swap3A_602 = arith.constant 64 : index
    %swap3A_603 = tpu.vector_load %arg8[%swap3A_601, %swap3A_602] {strides = array<i32>} : memref<16x128xf32, #tpu.memory_space<vmem>>, vector<1x16xf32>,
    %swap3A_604 = vector.shape_cast %swap3A_603 : vector<1x16xf32> to vector<16xf32>
    %swap3A_605 = vector.shape_cast %broadcast_in_dim3A_0 : vector<16xf32> to vector<1x16xf32>
    tpu.vector_store %arg8[%swap3A_601, %swap3A_602], %swap3A_605 {strides = array<i32>} : memref<16x128xf32, #tpu.memory_space<vmem>>, vector<1x16xf32>,
    %swap3A_606 = arith.constant 12 : i32
    %swap3A_607 = arith.index_cast %swap3A_606 : i32 to index
    %swap3A_608 = arith.constant 80 : index
    %swap3A_609 = tpu.vector_load %arg8[%swap3A_607, %swap3A_608] {strides = array<i32>} : memref<16x128xf32, #tpu.memory_space<vmem>>, vector<1x16xf32>,
    %swap3A_610 = vector.shape_cast %swap3A_609 : vector<1x16xf32> to vector<16xf32>
    %swap3A_611 = vector.shape_cast %broadcast_in_dim3A_0 : vector<16xf32> to vector<1x16xf32>
    tpu.vector_store %arg8[%swap3A_607, %swap3A_608], %swap3A_611 {strides = array<i32>} : memref<16x128xf32, #tpu.memory_space<vmem>>, vector<1x16xf32>,
    %swap3A_612 = arith.constant 12 : i32
    %swap3A_613 = arith.index_cast %swap3A_612 : i32 to index
    %swap3A_614 = arith.constant 96 : index
    %swap3A_615 = tpu.vector_load %arg8[%swap3A_613, %swap3A_614] {strides = array<i32>} : memref<16x128xf32, #tpu.memory_space<vmem>>, vector<1x16xf32>,
    %swap3A_616 = vector.shape_cast %swap3A_615 : vector<1x16xf32> to vector<16xf32>
    %swap3A_617 = vector.shape_cast %broadcast_in_dim3A_0 : vector<16xf32> to vector<1x16xf32>
    tpu.vector_store %arg8[%swap3A_613, %swap3A_614], %swap3A_617 {strides = array<i32>} : memref<16x128xf32, #tpu.memory_space<vmem>>, vector<1x16xf32>,
    %swap3A_618 = arith.constant 12 : i32
    %swap3A_619 = arith.index_cast %swap3A_618 : i32 to index
    %swap3A_620 = arith.constant 112 : index
    %swap3A_621 = tpu.vector_load %arg8[%swap3A_619, %swap3A_620] {strides = array<i32>} : memref<16x128xf32, #tpu.memory_space<vmem>>, vector<1x16xf32>,
    %swap3A_622 = vector.shape_cast %swap3A_621 : vector<1x16xf32> to vector<16xf32>
    %swap3A_623 = vector.shape_cast %broadcast_in_dim3A_0 : vector<16xf32> to vector<1x16xf32>
    tpu.vector_store %arg8[%swap3A_619, %swap3A_620], %swap3A_623 {strides = array<i32>} : memref<16x128xf32, #tpu.memory_space<vmem>>, vector<1x16xf32>,
    %swap3A_624 = arith.constant 13 : i32
    %swap3A_625 = arith.index_cast %swap3A_624 : i32 to index
    %swap3A_626 = arith.constant 0 : index
    %swap3A_627 = tpu.vector_load %arg8[%swap3A_625, %swap3A_626] {strides = array<i32>} : memref<16x128xf32, #tpu.memory_space<vmem>>, vector<1x16xf32>,
    %swap3A_628 = vector.shape_cast %swap3A_627 : vector<1x16xf32> to vector<16xf32>
    %swap3A_629 = vector.shape_cast %broadcast_in_dim3A_0 : vector<16xf32> to vector<1x16xf32>
    tpu.vector_store %arg8[%swap3A_625, %swap3A_626], %swap3A_629 {strides = array<i32>} : memref<16x128xf32, #tpu.memory_space<vmem>>, vector<1x16xf32>,
    %swap3A_630 = arith.constant 13 : i32
    %swap3A_631 = arith.index_cast %swap3A_630 : i32 to index
    %swap3A_632 = arith.constant 16 : index
    %swap3A_633 = tpu.vector_load %arg8[%swap3A_631, %swap3A_632] {strides = array<i32>} : memref<16x128xf32, #tpu.memory_space<vmem>>, vector<1x16xf32>,
    %swap3A_634 = vector.shape_cast %swap3A_633 : vector<1x16xf32> to vector<16xf32>
    %swap3A_635 = vector.shape_cast %broadcast_in_dim3A_0 : vector<16xf32> to vector<1x16xf32>
    tpu.vector_store %arg8[%swap3A_631, %swap3A_632], %swap3A_635 {strides = array<i32>} : memref<16x128xf32, #tpu.memory_space<vmem>>, vector<1x16xf32>,
    %swap3A_636 = arith.constant 13 : i32
    %swap3A_637 = arith.index_cast %swap3A_636 : i32 to index
    %swap3A_638 = arith.constant 32 : index
    %swap3A_639 = tpu.vector_load %arg8[%swap3A_637, %swap3A_638] {strides = array<i32>} : memref<16x128xf32, #tpu.memory_space<vmem>>, vector<1x16xf32>,
    %swap3A_640 = vector.shape_cast %swap3A_639 : vector<1x16xf32> to vector<16xf32>
    %swap3A_641 = vector.shape_cast %broadcast_in_dim3A_0 : vector<16xf32> to vector<1x16xf32>
    tpu.vector_store %arg8[%swap3A_637, %swap3A_638], %swap3A_641 {strides = array<i32>} : memref<16x128xf32, #tpu.memory_space<vmem>>, vector<1x16xf32>,
    %swap3A_642 = arith.constant 13 : i32
    %swap3A_643 = arith.index_cast %swap3A_642 : i32 to index
    %swap3A_644 = arith.constant 48 : index
    %swap3A_645 = tpu.vector_load %arg8[%swap3A_643, %swap3A_644] {strides = array<i32>} : memref<16x128xf32, #tpu.memory_space<vmem>>, vector<1x16xf32>,
    %swap3A_646 = vector.shape_cast %swap3A_645 : vector<1x16xf32> to vector<16xf32>
    %swap3A_647 = vector.shape_cast %broadcast_in_dim3A_0 : vector<16xf32> to vector<1x16xf32>
    tpu.vector_store %arg8[%swap3A_643, %swap3A_644], %swap3A_647 {strides = array<i32>} : memref<16x128xf32, #tpu.memory_space<vmem>>, vector<1x16xf32>,
    %swap3A_648 = arith.constant 13 : i32
    %swap3A_649 = arith.index_cast %swap3A_648 : i32 to index
    %swap3A_650 = arith.constant 64 : index
    %swap3A_651 = tpu.vector_load %arg8[%swap3A_649, %swap3A_650] {strides = array<i32>} : memref<16x128xf32, #tpu.memory_space<vmem>>, vector<1x16xf32>,
    %swap3A_652 = vector.shape_cast %swap3A_651 : vector<1x16xf32> to vector<16xf32>
    %swap3A_653 = vector.shape_cast %broadcast_in_dim3A_0 : vector<16xf32> to vector<1x16xf32>
    tpu.vector_store %arg8[%swap3A_649, %swap3A_650], %swap3A_653 {strides = array<i32>} : memref<16x128xf32, #tpu.memory_space<vmem>>, vector<1x16xf32>,
    %swap3A_654 = arith.constant 13 : i32
    %swap3A_655 = arith.index_cast %swap3A_654 : i32 to index
    %swap3A_656 = arith.constant 80 : index
    %swap3A_657 = tpu.vector_load %arg8[%swap3A_655, %swap3A_656] {strides = array<i32>} : memref<16x128xf32, #tpu.memory_space<vmem>>, vector<1x16xf32>,
    %swap3A_658 = vector.shape_cast %swap3A_657 : vector<1x16xf32> to vector<16xf32>
    %swap3A_659 = vector.shape_cast %broadcast_in_dim3A_0 : vector<16xf32> to vector<1x16xf32>
    tpu.vector_store %arg8[%swap3A_655, %swap3A_656], %swap3A_659 {strides = array<i32>} : memref<16x128xf32, #tpu.memory_space<vmem>>, vector<1x16xf32>,
    %swap3A_660 = arith.constant 13 : i32
    %swap3A_661 = arith.index_cast %swap3A_660 : i32 to index
    %swap3A_662 = arith.constant 96 : index
    %swap3A_663 = tpu.vector_load %arg8[%swap3A_661, %swap3A_662] {strides = array<i32>} : memref<16x128xf32, #tpu.memory_space<vmem>>, vector<1x16xf32>,
    %swap3A_664 = vector.shape_cast %swap3A_663 : vector<1x16xf32> to vector<16xf32>
    %swap3A_665 = vector.shape_cast %broadcast_in_dim3A_0 : vector<16xf32> to vector<1x16xf32>
    tpu.vector_store %arg8[%swap3A_661, %swap3A_662], %swap3A_665 {strides = array<i32>} : memref<16x128xf32, #tpu.memory_space<vmem>>, vector<1x16xf32>,
    %swap3A_666 = arith.constant 13 : i32
    %swap3A_667 = arith.index_cast %swap3A_666 : i32 to index
    %swap3A_668 = arith.constant 112 : index
    %swap3A_669 = tpu.vector_load %arg8[%swap3A_667, %swap3A_668] {strides = array<i32>} : memref<16x128xf32, #tpu.memory_space<vmem>>, vector<1x16xf32>,
    %swap3A_670 = vector.shape_cast %swap3A_669 : vector<1x16xf32> to vector<16xf32>
    %swap3A_671 = vector.shape_cast %broadcast_in_dim3A_0 : vector<16xf32> to vector<1x16xf32>
    tpu.vector_store %arg8[%swap3A_667, %swap3A_668], %swap3A_671 {strides = array<i32>} : memref<16x128xf32, #tpu.memory_space<vmem>>, vector<1x16xf32>,
    %swap3A_672 = arith.constant 14 : i32
    %swap3A_673 = arith.index_cast %swap3A_672 : i32 to index
    %swap3A_674 = arith.constant 0 : index
    %swap3A_675 = tpu.vector_load %arg8[%swap3A_673, %swap3A_674] {strides = array<i32>} : memref<16x128xf32, #tpu.memory_space<vmem>>, vector<1x16xf32>,
    %swap3A_676 = vector.shape_cast %swap3A_675 : vector<1x16xf32> to vector<16xf32>
    %swap3A_677 = vector.shape_cast %broadcast_in_dim3A_0 : vector<16xf32> to vector<1x16xf32>
    tpu.vector_store %arg8[%swap3A_673, %swap3A_674], %swap3A_677 {strides = array<i32>} : memref<16x128xf32, #tpu.memory_space<vmem>>, vector<1x16xf32>,
    %swap3A_678 = arith.constant 14 : i32
    %swap3A_679 = arith.index_cast %swap3A_678 : i32 to index
    %swap3A_680 = arith.constant 16 : index
    %swap3A_681 = tpu.vector_load %arg8[%swap3A_679, %swap3A_680] {strides = array<i32>} : memref<16x128xf32, #tpu.memory_space<vmem>>, vector<1x16xf32>,
    %swap3A_682 = vector.shape_cast %swap3A_681 : vector<1x16xf32> to vector<16xf32>
    %swap3A_683 = vector.shape_cast %broadcast_in_dim3A_0 : vector<16xf32> to vector<1x16xf32>
    tpu.vector_store %arg8[%swap3A_679, %swap3A_680], %swap3A_683 {strides = array<i32>} : memref<16x128xf32, #tpu.memory_space<vmem>>, vector<1x16xf32>,
    %swap3A_684 = arith.constant 14 : i32
    %swap3A_685 = arith.index_cast %swap3A_684 : i32 to index
    %swap3A_686 = arith.constant 32 : index
    %swap3A_687 = tpu.vector_load %arg8[%swap3A_685, %swap3A_686] {strides = array<i32>} : memref<16x128xf32, #tpu.memory_space<vmem>>, vector<1x16xf32>,
    %swap3A_688 = vector.shape_cast %swap3A_687 : vector<1x16xf32> to vector<16xf32>
    %swap3A_689 = vector.shape_cast %broadcast_in_dim3A_0 : vector<16xf32> to vector<1x16xf32>
    tpu.vector_store %arg8[%swap3A_685, %swap3A_686], %swap3A_689 {strides = array<i32>} : memref<16x128xf32, #tpu.memory_space<vmem>>, vector<1x16xf32>,
    %swap3A_690 = arith.constant 14 : i32
    %swap3A_691 = arith.index_cast %swap3A_690 : i32 to index
    %swap3A_692 = arith.constant 48 : index
    %swap3A_693 = tpu.vector_load %arg8[%swap3A_691, %swap3A_692] {strides = array<i32>} : memref<16x128xf32, #tpu.memory_space<vmem>>, vector<1x16xf32>,
    %swap3A_694 = vector.shape_cast %swap3A_693 : vector<1x16xf32> to vector<16xf32>
    %swap3A_695 = vector.shape_cast %broadcast_in_dim3A_0 : vector<16xf32> to vector<1x16xf32>
    tpu.vector_store %arg8[%swap3A_691, %swap3A_692], %swap3A_695 {strides = array<i32>} : memref<16x128xf32, #tpu.memory_space<vmem>>, vector<1x16xf32>,
    %swap3A_696 = arith.constant 14 : i32
    %swap3A_697 = arith.index_cast %swap3A_696 : i32 to index
    %swap3A_698 = arith.constant 64 : index
    %swap3A_699 = tpu.vector_load %arg8[%swap3A_697, %swap3A_698] {strides = array<i32>} : memref<16x128xf32, #tpu.memory_space<vmem>>, vector<1x16xf32>,
    %swap3A_700 = vector.shape_cast %swap3A_699 : vector<1x16xf32> to vector<16xf32>
    %swap3A_701 = vector.shape_cast %broadcast_in_dim3A_0 : vector<16xf32> to vector<1x16xf32>
    tpu.vector_store %arg8[%swap3A_697, %swap3A_698], %swap3A_701 {strides = array<i32>} : memref<16x128xf32, #tpu.memory_space<vmem>>, vector<1x16xf32>,
    %swap3A_702 = arith.constant 14 : i32
    %swap3A_703 = arith.index_cast %swap3A_702 : i32 to index
    %swap3A_704 = arith.constant 80 : index
    %swap3A_705 = tpu.vector_load %arg8[%swap3A_703, %swap3A_704] {strides = array<i32>} : memref<16x128xf32, #tpu.memory_space<vmem>>, vector<1x16xf32>,
    %swap3A_706 = vector.shape_cast %swap3A_705 : vector<1x16xf32> to vector<16xf32>
    %swap3A_707 = vector.shape_cast %broadcast_in_dim3A_0 : vector<16xf32> to vector<1x16xf32>
    tpu.vector_store %arg8[%swap3A_703, %swap3A_704], %swap3A_707 {strides = array<i32>} : memref<16x128xf32, #tpu.memory_space<vmem>>, vector<1x16xf32>,
    %swap3A_708 = arith.constant 14 : i32
    %swap3A_709 = arith.index_cast %swap3A_708 : i32 to index
    %swap3A_710 = arith.constant 96 : index
    %swap3A_711 = tpu.vector_load %arg8[%swap3A_709, %swap3A_710] {strides = array<i32>} : memref<16x128xf32, #tpu.memory_space<vmem>>, vector<1x16xf32>,
    %swap3A_712 = vector.shape_cast %swap3A_711 : vector<1x16xf32> to vector<16xf32>
    %swap3A_713 = vector.shape_cast %broadcast_in_dim3A_0 : vector<16xf32> to vector<1x16xf32>
    tpu.vector_store %arg8[%swap3A_709, %swap3A_710], %swap3A_713 {strides = array<i32>} : memref<16x128xf32, #tpu.memory_space<vmem>>, vector<1x16xf32>,
    %swap3A_714 = arith.constant 14 : i32
    %swap3A_715 = arith.index_cast %swap3A_714 : i32 to index
    %swap3A_716 = arith.constant 112 : index
    %swap3A_717 = tpu.vector_load %arg8[%swap3A_715, %swap3A_716] {strides = array<i32>} : memref<16x128xf32, #tpu.memory_space<vmem>>, vector<1x16xf32>,
    %swap3A_718 = vector.shape_cast %swap3A_717 : vector<1x16xf32> to vector<16xf32>
    %swap3A_719 = vector.shape_cast %broadcast_in_dim3A_0 : vector<16xf32> to vector<1x16xf32>
    tpu.vector_store %arg8[%swap3A_715, %swap3A_716], %swap3A_719 {strides = array<i32>} : memref<16x128xf32, #tpu.memory_space<vmem>>, vector<1x16xf32>,
    %swap3A_720 = arith.constant 15 : i32
    %swap3A_721 = arith.index_cast %swap3A_720 : i32 to index
    %swap3A_722 = arith.constant 0 : index
    %swap3A_723 = tpu.vector_load %arg8[%swap3A_721, %swap3A_722] {strides = array<i32>} : memref<16x128xf32, #tpu.memory_space<vmem>>, vector<1x16xf32>,
    %swap3A_724 = vector.shape_cast %swap3A_723 : vector<1x16xf32> to vector<16xf32>
    %swap3A_725 = vector.shape_cast %broadcast_in_dim3A_0 : vector<16xf32> to vector<1x16xf32>
    tpu.vector_store %arg8[%swap3A_721, %swap3A_722], %swap3A_725 {strides = array<i32>} : memref<16x128xf32, #tpu.memory_space<vmem>>, vector<1x16xf32>,
    %swap3A_726 = arith.constant 15 : i32
    %swap3A_727 = arith.index_cast %swap3A_726 : i32 to index
    %swap3A_728 = arith.constant 16 : index
    %swap3A_729 = tpu.vector_load %arg8[%swap3A_727, %swap3A_728] {strides = array<i32>} : memref<16x128xf32, #tpu.memory_space<vmem>>, vector<1x16xf32>,
    %swap3A_730 = vector.shape_cast %swap3A_729 : vector<1x16xf32> to vector<16xf32>
    %swap3A_731 = vector.shape_cast %broadcast_in_dim3A_0 : vector<16xf32> to vector<1x16xf32>
    tpu.vector_store %arg8[%swap3A_727, %swap3A_728], %swap3A_731 {strides = array<i32>} : memref<16x128xf32, #tpu.memory_space<vmem>>, vector<1x16xf32>,
    %swap3A_732 = arith.constant 15 : i32
    %swap3A_733 = arith.index_cast %swap3A_732 : i32 to index
    %swap3A_734 = arith.constant 32 : index
    %swap3A_735 = tpu.vector_load %arg8[%swap3A_733, %swap3A_734] {strides = array<i32>} : memref<16x128xf32, #tpu.memory_space<vmem>>, vector<1x16xf32>,
    %swap3A_736 = vector.shape_cast %swap3A_735 : vector<1x16xf32> to vector<16xf32>
    %swap3A_737 = vector.shape_cast %broadcast_in_dim3A_0 : vector<16xf32> to vector<1x16xf32>
    tpu.vector_store %arg8[%swap3A_733, %swap3A_734], %swap3A_737 {strides = array<i32>} : memref<16x128xf32, #tpu.memory_space<vmem>>, vector<1x16xf32>,
    %swap3A_738 = arith.constant 15 : i32
    %swap3A_739 = arith.index_cast %swap3A_738 : i32 to index
    %swap3A_740 = arith.constant 48 : index
    %swap3A_741 = tpu.vector_load %arg8[%swap3A_739, %swap3A_740] {strides = array<i32>} : memref<16x128xf32, #tpu.memory_space<vmem>>, vector<1x16xf32>,
    %swap3A_742 = vector.shape_cast %swap3A_741 : vector<1x16xf32> to vector<16xf32>
    %swap3A_743 = vector.shape_cast %broadcast_in_dim3A_0 : vector<16xf32> to vector<1x16xf32>
    tpu.vector_store %arg8[%swap3A_739, %swap3A_740], %swap3A_743 {strides = array<i32>} : memref<16x128xf32, #tpu.memory_space<vmem>>, vector<1x16xf32>,
    %swap3A_744 = arith.constant 15 : i32
    %swap3A_745 = arith.index_cast %swap3A_744 : i32 to index
    %swap3A_746 = arith.constant 64 : index
    %swap3A_747 = tpu.vector_load %arg8[%swap3A_745, %swap3A_746] {strides = array<i32>} : memref<16x128xf32, #tpu.memory_space<vmem>>, vector<1x16xf32>,
    %swap3A_748 = vector.shape_cast %swap3A_747 : vector<1x16xf32> to vector<16xf32>
    %swap3A_749 = vector.shape_cast %broadcast_in_dim3A_0 : vector<16xf32> to vector<1x16xf32>
    tpu.vector_store %arg8[%swap3A_745, %swap3A_746], %swap3A_749 {strides = array<i32>} : memref<16x128xf32, #tpu.memory_space<vmem>>, vector<1x16xf32>,
    %swap3A_750 = arith.constant 15 : i32
    %swap3A_751 = arith.index_cast %swap3A_750 : i32 to index
    %swap3A_752 = arith.constant 80 : index
    %swap3A_753 = tpu.vector_load %arg8[%swap3A_751, %swap3A_752] {strides = array<i32>} : memref<16x128xf32, #tpu.memory_space<vmem>>, vector<1x16xf32>,
    %swap3A_754 = vector.shape_cast %swap3A_753 : vector<1x16xf32> to vector<16xf32>
    %swap3A_755 = vector.shape_cast %broadcast_in_dim3A_0 : vector<16xf32> to vector<1x16xf32>
    tpu.vector_store %arg8[%swap3A_751, %swap3A_752], %swap3A_755 {strides = array<i32>} : memref<16x128xf32, #tpu.memory_space<vmem>>, vector<1x16xf32>,
    %swap3A_756 = arith.constant 15 : i32
    %swap3A_757 = arith.index_cast %swap3A_756 : i32 to index
    %swap3A_758 = arith.constant 96 : index
    %swap3A_759 = tpu.vector_load %arg8[%swap3A_757, %swap3A_758] {strides = array<i32>} : memref<16x128xf32, #tpu.memory_space<vmem>>, vector<1x16xf32>,
    %swap3A_760 = vector.shape_cast %swap3A_759 : vector<1x16xf32> to vector<16xf32>
    %swap3A_761 = vector.shape_cast %broadcast_in_dim3A_0 : vector<16xf32> to vector<1x16xf32>
    tpu.vector_store %arg8[%swap3A_757, %swap3A_758], %swap3A_761 {strides = array<i32>} : memref<16x128xf32, #tpu.memory_space<vmem>>, vector<1x16xf32>,
    %swap3A_762 = arith.constant 15 : i32
    %swap3A_763 = arith.index_cast %swap3A_762 : i32 to index
    %swap3A_764 = arith.constant 112 : index
    %swap3A_765 = tpu.vector_load %arg8[%swap3A_763, %swap3A_764] {strides = array<i32>} : memref<16x128xf32, #tpu.memory_space<vmem>>, vector<1x16xf32>,
    %swap3A_766 = vector.shape_cast %swap3A_765 : vector<1x16xf32> to vector<16xf32>
    %swap3A_767 = vector.shape_cast %broadcast_in_dim3A_0 : vector<16xf32> to vector<1x16xf32>
    tpu.vector_store %arg8[%swap3A_763, %swap3A_764], %swap3A_767 {strides = array<i32>} : memref<16x128xf32, #tpu.memory_space<vmem>>, vector<1x16xf32>,
    %scan3A = arith.constant 0 : i32
    %scan3A_768 = arith.constant 0 : i32
    %scan3A_769 = arith.constant 40 : i32
    %scan3A_770 = arith.addi %scan3A_768, %scan3A_769 : i32
    %scan3A_771 = arith.constant 1 : i32
    scf.for %scan3A_787 = %scan3A_768 to %scan3A_770 step %scan3A_771  : i32 {
      %mul3A_788 = arith.constant 16 : i32
      %mul3A_789 = arith.muli %scan3A_787, %mul3A_788 : i32
      %add3A_790 = arith.addi %mul3A_789, %arg1 : i32
      %mul3A_791 = arith.constant 16 : i32
      %mul3A_792 = arith.muli %add3A_790, %mul3A_791 : i32
      %eq3A = arith.constant 0 : i32
      %eq3A_793 = arith.cmpi eq, %arg0, %eq3A : i32
      %lt3A = arith.constant 625 : i32
      %lt3A_794 = arith.cmpi slt, %add3A_790, %lt3A : i32
      %and3A = arith.andi %eq3A_793, %lt3A_794 : i1
      %convert_element_type3A = arith.extui %and3A : i1 to i32
      %cond3A = arith.constant 0 : i32
      %cond3A_795 = arith.cmpi ne, %convert_element_type3A, %cond3A : i32
      scf.if %cond3A_795 {
        "tpu.region"() ({
          %run_scoped3A = tpu.sem_alloc : memref<!tpu.dma_semaphore, #tpu.memory_space<semaphore_mem>>
          %dma_start3A = arith.constant 0 : i32
          %dma_start3A_800 = tpu.memref_slice %arg2[%mul3A_792, %dma_start3A] : memref<10000x128xf32, #tpu.memory_space<hbm>> -> memref<16x128xf32, #tpu.memory_space<hbm>>
          %dma_start3A_801 = arith.constant 0 : i32
          %dma_start3A_802 = tpu.memref_slice %arg2[%mul3A_792, %dma_start3A_801] : memref<10000x128xf32, #tpu.memory_space<hbm>> -> memref<16x128xf32, #tpu.memory_space<hbm>>
          tpu.enqueue_dma source(%dma_start3A_802 : memref<16x128xf32, #tpu.memory_space<hbm>>) target(%arg7 : memref<16x128xf32, #tpu.memory_space<vmem>>) target_semaphore(%run_scoped3A : memref<!tpu.dma_semaphore, #tpu.memory_space<semaphore_mem>>)
          %dma_wait3A = arith.constant 0 : i32
          %dma_wait3A_803 = tpu.memref_slice %arg2[%mul3A_792, %dma_wait3A] : memref<10000x128xf32, #tpu.memory_space<hbm>> -> memref<16x128xf32, #tpu.memory_space<hbm>>
          %dma_wait3A_804 = arith.constant 0 : i32
          %dma_wait3A_805 = tpu.memref_slice %arg2[%mul3A_792, %dma_wait3A_804] : memref<10000x128xf32, #tpu.memory_space<hbm>> -> memref<16x128xf32, #tpu.memory_space<hbm>>
          tpu.wait_dma2 semaphore(%run_scoped3A : memref<!tpu.dma_semaphore, #tpu.memory_space<semaphore_mem>>) src(%dma_wait3A_805 : memref<16x128xf32, #tpu.memory_space<hbm>>) dst(%arg7 : memref<16x128xf32, #tpu.memory_space<vmem>>)
          tpu.yield
        }) : () -> ()
        "tpu.region"() ({
          %run_scoped3A = tpu.sem_alloc : memref<!tpu.dma_semaphore, #tpu.memory_space<semaphore_mem>>
          %dma_start3A = arith.constant 0 : i32
          %dma_start3A_800 = tpu.memref_slice %arg13[%mul3A_792, %dma_start3A] : memref<10240x128xf32, #tpu.memory_space<vmem_shared>> -> memref<16x128xf32, #tpu.memory_space<vmem_shared>>
          %dma_start3A_801 = arith.constant 0 : i32
          %dma_start3A_802 = tpu.memref_slice %arg13[%mul3A_792, %dma_start3A_801] : memref<10240x128xf32, #tpu.memory_space<vmem_shared>> -> memref<16x128xf32, #tpu.memory_space<vmem_shared>>
          tpu.enqueue_dma source(%arg7 : memref<16x128xf32, #tpu.memory_space<vmem>>) target(%dma_start3A_802 : memref<16x128xf32, #tpu.memory_space<vmem_shared>>) target_semaphore(%run_scoped3A : memref<!tpu.dma_semaphore, #tpu.memory_space<semaphore_mem>>)
          %dma_wait3A = arith.constant 0 : i32
          %dma_wait3A_803 = tpu.memref_slice %arg13[%mul3A_792, %dma_wait3A] : memref<10240x128xf32, #tpu.memory_space<vmem_shared>> -> memref<16x128xf32, #tpu.memory_space<vmem_shared>>
          %dma_wait3A_804 = arith.constant 0 : i32
          %dma_wait3A_805 = tpu.memref_slice %arg13[%mul3A_792, %dma_wait3A_804] : memref<10240x128xf32, #tpu.memory_space<vmem_shared>> -> memref<16x128xf32, #tpu.memory_space<vmem_shared>>
          tpu.wait_dma2 semaphore(%run_scoped3A : memref<!tpu.dma_semaphore, #tpu.memory_space<semaphore_mem>>) src(%arg7 : memref<16x128xf32, #tpu.memory_space<vmem>>) dst(%dma_wait3A_805 : memref<16x128xf32, #tpu.memory_space<vmem_shared>>)
          tpu.yield
        }) : () -> ()
      } else {
      }
      %not3A = arith.constant true
      %not3A_796 = arith.xori %and3A, %not3A : i1
      %convert_element_type3A_797 = arith.extui %not3A_796 : i1 to i32
      %cond3A_798 = arith.constant 0 : i32
      %cond3A_799 = arith.cmpi ne, %convert_element_type3A_797, %cond3A_798 : i32
      scf.if %cond3A_799 {
        "tpu.region"() ({
          %run_scoped3A = tpu.sem_alloc : memref<!tpu.dma_semaphore, #tpu.memory_space<semaphore_mem>>
          %dma_start3A = arith.constant 0 : i32
          %dma_start3A_800 = tpu.memref_slice %arg13[%mul3A_792, %dma_start3A] : memref<10240x128xf32, #tpu.memory_space<vmem_shared>> -> memref<16x128xf32, #tpu.memory_space<vmem_shared>>
          %dma_start3A_801 = arith.constant 0 : i32
          %dma_start3A_802 = tpu.memref_slice %arg13[%mul3A_792, %dma_start3A_801] : memref<10240x128xf32, #tpu.memory_space<vmem_shared>> -> memref<16x128xf32, #tpu.memory_space<vmem_shared>>
          tpu.enqueue_dma source(%arg8 : memref<16x128xf32, #tpu.memory_space<vmem>>) target(%dma_start3A_802 : memref<16x128xf32, #tpu.memory_space<vmem_shared>>) target_semaphore(%run_scoped3A : memref<!tpu.dma_semaphore, #tpu.memory_space<semaphore_mem>>)
          %dma_wait3A = arith.constant 0 : i32
          %dma_wait3A_803 = tpu.memref_slice %arg13[%mul3A_792, %dma_wait3A] : memref<10240x128xf32, #tpu.memory_space<vmem_shared>> -> memref<16x128xf32, #tpu.memory_space<vmem_shared>>
          %dma_wait3A_804 = arith.constant 0 : i32
          %dma_wait3A_805 = tpu.memref_slice %arg13[%mul3A_792, %dma_wait3A_804] : memref<10240x128xf32, #tpu.memory_space<vmem_shared>> -> memref<16x128xf32, #tpu.memory_space<vmem_shared>>
          tpu.wait_dma2 semaphore(%run_scoped3A : memref<!tpu.dma_semaphore, #tpu.memory_space<semaphore_mem>>) src(%arg8 : memref<16x128xf32, #tpu.memory_space<vmem>>) dst(%dma_wait3A_805 : memref<16x128xf32, #tpu.memory_space<vmem_shared>>)
          tpu.yield
        }) : () -> ()
      } else {
      }
    }
    %scan3A_772 = arith.constant 40 : i32
    %barrier3A = arith.constant 0 : index
    tpu.barrier barrier_id(%barrier3A)
    %mul3A = arith.constant 2 : i32
    %mul3A_773 = arith.muli %arg1, %mul3A : i32
    %add3A = arith.addi %mul3A_773, %arg0 : i32
    %scan3A_774 = arith.constant 0 : i32
    %scan3A_775 = arith.constant 0 : i32
    %scan3A_776 = arith.constant 79 : i32
    %scan3A_777 = arith.addi %scan3A_775, %scan3A_776 : i32
    %scan3A_778 = arith.constant 1 : i32
    scf.for %scan3A_787 = %scan3A_775 to %scan3A_777 step %scan3A_778  : i32 {
      %mul3A_788 = arith.constant 32 : i32
      %mul3A_789 = arith.muli %scan3A_787, %mul3A_788 : i32
      %add3A_790 = arith.addi %mul3A_789, %add3A : i32
      %lt3A = arith.constant 2500 : i32
      %lt3A_791 = arith.cmpi slt, %add3A_790, %lt3A : i32
      %convert_element_type3A = arith.extui %lt3A_791 : i1 to i32
      %cond3A = arith.constant 0 : i32
      %cond3A_792 = arith.cmpi ne, %convert_element_type3A, %cond3A : i32
      scf.if %cond3A_792 {
        %mul3A_793 = arith.constant 128 : i32
        %mul3A_794 = arith.muli %add3A_790, %mul3A_793 : i32
        "tpu.region"() ({
          %run_scoped3A = tpu.sem_alloc : memref<!tpu.dma_semaphore, #tpu.memory_space<semaphore_mem>>
          %dma_start3A_805 = tpu.memref_slice %arg3[%mul3A_794] : memref<320000xi32, #tpu.memory_space<hbm>> -> memref<128xi32, #tpu.memory_space<hbm>>
          %dma_start3A_806 = tpu.memref_slice %arg3[%mul3A_794] : memref<320000xi32, #tpu.memory_space<hbm>> -> memref<128xi32, #tpu.memory_space<hbm>>
          tpu.enqueue_dma source(%dma_start3A_806 : memref<128xi32, #tpu.memory_space<hbm>>) target(%arg9 : memref<128xi32, #tpu.memory_space<vmem>>) target_semaphore(%run_scoped3A : memref<!tpu.dma_semaphore, #tpu.memory_space<semaphore_mem>>)
          %dma_wait3A_807 = tpu.memref_slice %arg3[%mul3A_794] : memref<320000xi32, #tpu.memory_space<hbm>> -> memref<128xi32, #tpu.memory_space<hbm>>
          %dma_wait3A_808 = tpu.memref_slice %arg3[%mul3A_794] : memref<320000xi32, #tpu.memory_space<hbm>> -> memref<128xi32, #tpu.memory_space<hbm>>
          tpu.wait_dma2 semaphore(%run_scoped3A : memref<!tpu.dma_semaphore, #tpu.memory_space<semaphore_mem>>) src(%dma_wait3A_808 : memref<128xi32, #tpu.memory_space<hbm>>) dst(%arg9 : memref<128xi32, #tpu.memory_space<vmem>>)
          tpu.yield
        }) : () -> ()
        "tpu.region"() ({
          %run_scoped3A = tpu.sem_alloc : memref<!tpu.dma_semaphore, #tpu.memory_space<semaphore_mem>>
          %dma_start3A_805 = tpu.memref_slice %arg4[%mul3A_794] : memref<320000xi32, #tpu.memory_space<hbm>> -> memref<128xi32, #tpu.memory_space<hbm>>
          %dma_start3A_806 = tpu.memref_slice %arg4[%mul3A_794] : memref<320000xi32, #tpu.memory_space<hbm>> -> memref<128xi32, #tpu.memory_space<hbm>>
          tpu.enqueue_dma source(%dma_start3A_806 : memref<128xi32, #tpu.memory_space<hbm>>) target(%arg10 : memref<128xi32, #tpu.memory_space<vmem>>) target_semaphore(%run_scoped3A : memref<!tpu.dma_semaphore, #tpu.memory_space<semaphore_mem>>)
          %dma_wait3A_807 = tpu.memref_slice %arg4[%mul3A_794] : memref<320000xi32, #tpu.memory_space<hbm>> -> memref<128xi32, #tpu.memory_space<hbm>>
          %dma_wait3A_808 = tpu.memref_slice %arg4[%mul3A_794] : memref<320000xi32, #tpu.memory_space<hbm>> -> memref<128xi32, #tpu.memory_space<hbm>>
          tpu.wait_dma2 semaphore(%run_scoped3A : memref<!tpu.dma_semaphore, #tpu.memory_space<semaphore_mem>>) src(%dma_wait3A_808 : memref<128xi32, #tpu.memory_space<hbm>>) dst(%arg10 : memref<128xi32, #tpu.memory_space<vmem>>)
          tpu.yield
        }) : () -> ()
        "tpu.region"() ({
          %run_scoped3A = tpu.sem_alloc : memref<!tpu.dma_semaphore, #tpu.memory_space<semaphore_mem>>
          %dma_start3A_805 = tpu.memref_slice %arg5[%mul3A_794] : memref<320000xf32, #tpu.memory_space<hbm>> -> memref<128xf32, #tpu.memory_space<hbm>>
          %dma_start3A_806 = tpu.memref_slice %arg5[%mul3A_794] : memref<320000xf32, #tpu.memory_space<hbm>> -> memref<128xf32, #tpu.memory_space<hbm>>
          tpu.enqueue_dma source(%dma_start3A_806 : memref<128xf32, #tpu.memory_space<hbm>>) target(%arg11 : memref<128xf32, #tpu.memory_space<vmem>>) target_semaphore(%run_scoped3A : memref<!tpu.dma_semaphore, #tpu.memory_space<semaphore_mem>>)
          %dma_wait3A_807 = tpu.memref_slice %arg5[%mul3A_794] : memref<320000xf32, #tpu.memory_space<hbm>> -> memref<128xf32, #tpu.memory_space<hbm>>
          %dma_wait3A_808 = tpu.memref_slice %arg5[%mul3A_794] : memref<320000xf32, #tpu.memory_space<hbm>> -> memref<128xf32, #tpu.memory_space<hbm>>
          tpu.wait_dma2 semaphore(%run_scoped3A : memref<!tpu.dma_semaphore, #tpu.memory_space<semaphore_mem>>) src(%dma_wait3A_808 : memref<128xf32, #tpu.memory_space<hbm>>) dst(%arg11 : memref<128xf32, #tpu.memory_space<vmem>>)
          tpu.yield
        }) : () -> ()
        %dma_start3A = arith.constant 0 : i32
        %dma_start3A_795 = arith.constant 0 : i32
        %dma_start3A_796 = tpu.memref_slice %arg2[%dma_start3A, %dma_start3A_795] : memref<10000x128xf32, #tpu.memory_space<hbm>> -> memref<10000x128xf32, #tpu.memory_space<hbm>>
        tpu.enqueue_indirect_dma source(%dma_start3A_796 : memref<10000x128xf32, #tpu.memory_space<hbm>>) target(%arg12 : memref<128x128xf32, #tpu.memory_space<vmem>>) offsets(%arg9 : memref<128xi32, #tpu.memory_space<vmem>>) semaphore(%arg14 : memref<!tpu.dma_semaphore, #tpu.memory_space<semaphore_mem>>)
        %dma_wait3A = arith.constant 0 : i32
        %dma_wait3A_797 = arith.constant 0 : i32
        %dma_wait3A_798 = tpu.memref_slice %arg2[%dma_wait3A, %dma_wait3A_797] : memref<10000x128xf32, #tpu.memory_space<hbm>> -> memref<10000x128xf32, #tpu.memory_space<hbm>>
        tpu.wait_indirect_dma semaphore(%arg14 : memref<!tpu.dma_semaphore, #tpu.memory_space<semaphore_mem>>) src(%dma_wait3A_798 : memref<10000x128xf32, #tpu.memory_space<hbm>>) dst(%arg12 : memref<128x128xf32, #tpu.memory_space<vmem>>)
        %scan3A_799 = arith.constant 0 : i32
        %scan3A_800 = arith.constant 0 : i32
        %scan3A_801 = arith.constant 8 : i32
        %scan3A_802 = arith.addi %scan3A_800, %scan3A_801 : i32
        %scan3A_803 = arith.constant 1 : i32
        scf.for %scan3A_805 = %scan3A_800 to %scan3A_802 step %scan3A_803  : i32 {
          %mul3A_806 = arith.constant 16 : i32
          %mul3A_807 = arith.muli %scan3A_805, %mul3A_806 : i32
          %get3A = arith.index_cast %mul3A_807 : i32 to index
          %get3A_808 = tpu.vector_load %arg11[%get3A] {strides = array<i32>} : memref<128xf32, #tpu.memory_space<vmem>>, vector<16xf32>,
          %get3A_809 = vector.shape_cast %get3A_808 : vector<16xf32> to vector<16xf32>
          %broadcast_in_dim3A_810 = arith.constant 0 : i32
          %broadcast_in_dim3A_811 = vector.broadcast %broadcast_in_dim3A_810 : i32 to vector<16x1xi32>
          %gather3A = vector.shape_cast %broadcast_in_dim3A_811 : vector<16x1xi32> to vector<16xi32>
          %gather3A_812 = tpu.dynamic_gather %get3A_809[%gather3A] in [0] : vector<16xf32>, vector<16xi32> -> vector<16xf32>
          %add3A_813 = arith.constant 0 : i32
          %add3A_814 = arith.addi %mul3A_807, %add3A_813 : i32
          %get3A_815 = arith.index_cast %add3A_814 : i32 to index
          %get3A_816 = arith.constant 0 : index
          %get3A_817 = tpu.vector_load %arg12[%get3A_815, %get3A_816] {strides = array<i32>} : memref<128x128xf32, #tpu.memory_space<vmem>>, vector<1x16xf32>,
          %get3A_818 = vector.shape_cast %get3A_817 : vector<1x16xf32> to vector<16xf32>
          %mul3A_819 = arith.mulf %get3A_818, %gather3A_812 : vector<16xf32>
          %add3A_820 = arith.constant 0 : i32
          %add3A_821 = arith.addi %mul3A_807, %add3A_820 : i32
          %swap3A_822 = arith.index_cast %add3A_821 : i32 to index
          %swap3A_823 = arith.constant 0 : index
          %swap3A_824 = tpu.vector_load %arg12[%swap3A_822, %swap3A_823] {strides = array<i32>} : memref<128x128xf32, #tpu.memory_space<vmem>>, vector<1x16xf32>,
          %swap3A_825 = vector.shape_cast %swap3A_824 : vector<1x16xf32> to vector<16xf32>
          %swap3A_826 = vector.shape_cast %mul3A_819 : vector<16xf32> to vector<1x16xf32>
          tpu.vector_store %arg12[%swap3A_822, %swap3A_823], %swap3A_826 {strides = array<i32>} : memref<128x128xf32, #tpu.memory_space<vmem>>, vector<1x16xf32>,
          %add3A_827 = arith.constant 0 : i32
          %add3A_828 = arith.addi %mul3A_807, %add3A_827 : i32
          %get3A_829 = arith.index_cast %add3A_828 : i32 to index
          %get3A_830 = arith.constant 16 : index
          %get3A_831 = tpu.vector_load %arg12[%get3A_829, %get3A_830] {strides = array<i32>} : memref<128x128xf32, #tpu.memory_space<vmem>>, vector<1x16xf32>,
          %get3A_832 = vector.shape_cast %get3A_831 : vector<1x16xf32> to vector<16xf32>
          %mul3A_833 = arith.mulf %get3A_832, %gather3A_812 : vector<16xf32>
          %add3A_834 = arith.constant 0 : i32
          %add3A_835 = arith.addi %mul3A_807, %add3A_834 : i32
          %swap3A_836 = arith.index_cast %add3A_835 : i32 to index
          %swap3A_837 = arith.constant 16 : index
          %swap3A_838 = tpu.vector_load %arg12[%swap3A_836, %swap3A_837] {strides = array<i32>} : memref<128x128xf32, #tpu.memory_space<vmem>>, vector<1x16xf32>,
          %swap3A_839 = vector.shape_cast %swap3A_838 : vector<1x16xf32> to vector<16xf32>
          %swap3A_840 = vector.shape_cast %mul3A_833 : vector<16xf32> to vector<1x16xf32>
          tpu.vector_store %arg12[%swap3A_836, %swap3A_837], %swap3A_840 {strides = array<i32>} : memref<128x128xf32, #tpu.memory_space<vmem>>, vector<1x16xf32>,
          %add3A_841 = arith.constant 0 : i32
          %add3A_842 = arith.addi %mul3A_807, %add3A_841 : i32
          %get3A_843 = arith.index_cast %add3A_842 : i32 to index
          %get3A_844 = arith.constant 32 : index
          %get3A_845 = tpu.vector_load %arg12[%get3A_843, %get3A_844] {strides = array<i32>} : memref<128x128xf32, #tpu.memory_space<vmem>>, vector<1x16xf32>,
          %get3A_846 = vector.shape_cast %get3A_845 : vector<1x16xf32> to vector<16xf32>
          %mul3A_847 = arith.mulf %get3A_846, %gather3A_812 : vector<16xf32>
          %add3A_848 = arith.constant 0 : i32
          %add3A_849 = arith.addi %mul3A_807, %add3A_848 : i32
          %swap3A_850 = arith.index_cast %add3A_849 : i32 to index
          %swap3A_851 = arith.constant 32 : index
          %swap3A_852 = tpu.vector_load %arg12[%swap3A_850, %swap3A_851] {strides = array<i32>} : memref<128x128xf32, #tpu.memory_space<vmem>>, vector<1x16xf32>,
          %swap3A_853 = vector.shape_cast %swap3A_852 : vector<1x16xf32> to vector<16xf32>
          %swap3A_854 = vector.shape_cast %mul3A_847 : vector<16xf32> to vector<1x16xf32>
          tpu.vector_store %arg12[%swap3A_850, %swap3A_851], %swap3A_854 {strides = array<i32>} : memref<128x128xf32, #tpu.memory_space<vmem>>, vector<1x16xf32>,
          %add3A_855 = arith.constant 0 : i32
          %add3A_856 = arith.addi %mul3A_807, %add3A_855 : i32
          %get3A_857 = arith.index_cast %add3A_856 : i32 to index
          %get3A_858 = arith.constant 48 : index
          %get3A_859 = tpu.vector_load %arg12[%get3A_857, %get3A_858] {strides = array<i32>} : memref<128x128xf32, #tpu.memory_space<vmem>>, vector<1x16xf32>,
          %get3A_860 = vector.shape_cast %get3A_859 : vector<1x16xf32> to vector<16xf32>
          %mul3A_861 = arith.mulf %get3A_860, %gather3A_812 : vector<16xf32>
          %add3A_862 = arith.constant 0 : i32
          %add3A_863 = arith.addi %mul3A_807, %add3A_862 : i32
          %swap3A_864 = arith.index_cast %add3A_863 : i32 to index
          %swap3A_865 = arith.constant 48 : index
          %swap3A_866 = tpu.vector_load %arg12[%swap3A_864, %swap3A_865] {strides = array<i32>} : memref<128x128xf32, #tpu.memory_space<vmem>>, vector<1x16xf32>,
          %swap3A_867 = vector.shape_cast %swap3A_866 : vector<1x16xf32> to vector<16xf32>
          %swap3A_868 = vector.shape_cast %mul3A_861 : vector<16xf32> to vector<1x16xf32>
          tpu.vector_store %arg12[%swap3A_864, %swap3A_865], %swap3A_868 {strides = array<i32>} : memref<128x128xf32, #tpu.memory_space<vmem>>, vector<1x16xf32>,
          %add3A_869 = arith.constant 0 : i32
          %add3A_870 = arith.addi %mul3A_807, %add3A_869 : i32
          %get3A_871 = arith.index_cast %add3A_870 : i32 to index
          %get3A_872 = arith.constant 64 : index
          %get3A_873 = tpu.vector_load %arg12[%get3A_871, %get3A_872] {strides = array<i32>} : memref<128x128xf32, #tpu.memory_space<vmem>>, vector<1x16xf32>,
          %get3A_874 = vector.shape_cast %get3A_873 : vector<1x16xf32> to vector<16xf32>
          %mul3A_875 = arith.mulf %get3A_874, %gather3A_812 : vector<16xf32>
          %add3A_876 = arith.constant 0 : i32
          %add3A_877 = arith.addi %mul3A_807, %add3A_876 : i32
          %swap3A_878 = arith.index_cast %add3A_877 : i32 to index
          %swap3A_879 = arith.constant 64 : index
          %swap3A_880 = tpu.vector_load %arg12[%swap3A_878, %swap3A_879] {strides = array<i32>} : memref<128x128xf32, #tpu.memory_space<vmem>>, vector<1x16xf32>,
          %swap3A_881 = vector.shape_cast %swap3A_880 : vector<1x16xf32> to vector<16xf32>
          %swap3A_882 = vector.shape_cast %mul3A_875 : vector<16xf32> to vector<1x16xf32>
          tpu.vector_store %arg12[%swap3A_878, %swap3A_879], %swap3A_882 {strides = array<i32>} : memref<128x128xf32, #tpu.memory_space<vmem>>, vector<1x16xf32>,
          %add3A_883 = arith.constant 0 : i32
          %add3A_884 = arith.addi %mul3A_807, %add3A_883 : i32
          %get3A_885 = arith.index_cast %add3A_884 : i32 to index
          %get3A_886 = arith.constant 80 : index
          %get3A_887 = tpu.vector_load %arg12[%get3A_885, %get3A_886] {strides = array<i32>} : memref<128x128xf32, #tpu.memory_space<vmem>>, vector<1x16xf32>,
          %get3A_888 = vector.shape_cast %get3A_887 : vector<1x16xf32> to vector<16xf32>
          %mul3A_889 = arith.mulf %get3A_888, %gather3A_812 : vector<16xf32>
          %add3A_890 = arith.constant 0 : i32
          %add3A_891 = arith.addi %mul3A_807, %add3A_890 : i32
          %swap3A_892 = arith.index_cast %add3A_891 : i32 to index
          %swap3A_893 = arith.constant 80 : index
          %swap3A_894 = tpu.vector_load %arg12[%swap3A_892, %swap3A_893] {strides = array<i32>} : memref<128x128xf32, #tpu.memory_space<vmem>>, vector<1x16xf32>,
          %swap3A_895 = vector.shape_cast %swap3A_894 : vector<1x16xf32> to vector<16xf32>
          %swap3A_896 = vector.shape_cast %mul3A_889 : vector<16xf32> to vector<1x16xf32>
          tpu.vector_store %arg12[%swap3A_892, %swap3A_893], %swap3A_896 {strides = array<i32>} : memref<128x128xf32, #tpu.memory_space<vmem>>, vector<1x16xf32>,
          %add3A_897 = arith.constant 0 : i32
          %add3A_898 = arith.addi %mul3A_807, %add3A_897 : i32
          %get3A_899 = arith.index_cast %add3A_898 : i32 to index
          %get3A_900 = arith.constant 96 : index
          %get3A_901 = tpu.vector_load %arg12[%get3A_899, %get3A_900] {strides = array<i32>} : memref<128x128xf32, #tpu.memory_space<vmem>>, vector<1x16xf32>,
          %get3A_902 = vector.shape_cast %get3A_901 : vector<1x16xf32> to vector<16xf32>
          %mul3A_903 = arith.mulf %get3A_902, %gather3A_812 : vector<16xf32>
          %add3A_904 = arith.constant 0 : i32
          %add3A_905 = arith.addi %mul3A_807, %add3A_904 : i32
          %swap3A_906 = arith.index_cast %add3A_905 : i32 to index
          %swap3A_907 = arith.constant 96 : index
          %swap3A_908 = tpu.vector_load %arg12[%swap3A_906, %swap3A_907] {strides = array<i32>} : memref<128x128xf32, #tpu.memory_space<vmem>>, vector<1x16xf32>,
          %swap3A_909 = vector.shape_cast %swap3A_908 : vector<1x16xf32> to vector<16xf32>
          %swap3A_910 = vector.shape_cast %mul3A_903 : vector<16xf32> to vector<1x16xf32>
          tpu.vector_store %arg12[%swap3A_906, %swap3A_907], %swap3A_910 {strides = array<i32>} : memref<128x128xf32, #tpu.memory_space<vmem>>, vector<1x16xf32>,
          %add3A_911 = arith.constant 0 : i32
          %add3A_912 = arith.addi %mul3A_807, %add3A_911 : i32
          %get3A_913 = arith.index_cast %add3A_912 : i32 to index
          %get3A_914 = arith.constant 112 : index
          %get3A_915 = tpu.vector_load %arg12[%get3A_913, %get3A_914] {strides = array<i32>} : memref<128x128xf32, #tpu.memory_space<vmem>>, vector<1x16xf32>,
          %get3A_916 = vector.shape_cast %get3A_915 : vector<1x16xf32> to vector<16xf32>
          %mul3A_917 = arith.mulf %get3A_916, %gather3A_812 : vector<16xf32>
          %add3A_918 = arith.constant 0 : i32
          %add3A_919 = arith.addi %mul3A_807, %add3A_918 : i32
          %swap3A_920 = arith.index_cast %add3A_919 : i32 to index
          %swap3A_921 = arith.constant 112 : index
          %swap3A_922 = tpu.vector_load %arg12[%swap3A_920, %swap3A_921] {strides = array<i32>} : memref<128x128xf32, #tpu.memory_space<vmem>>, vector<1x16xf32>,
          %swap3A_923 = vector.shape_cast %swap3A_922 : vector<1x16xf32> to vector<16xf32>
          %swap3A_924 = vector.shape_cast %mul3A_917 : vector<16xf32> to vector<1x16xf32>
          tpu.vector_store %arg12[%swap3A_920, %swap3A_921], %swap3A_924 {strides = array<i32>} : memref<128x128xf32, #tpu.memory_space<vmem>>, vector<1x16xf32>,
          %broadcast_in_dim3A_925 = arith.constant 1 : i32
          %broadcast_in_dim3A_926 = vector.broadcast %broadcast_in_dim3A_925 : i32 to vector<16x1xi32>
          %gather3A_927 = vector.shape_cast %broadcast_in_dim3A_926 : vector<16x1xi32> to vector<16xi32>
          %gather3A_928 = tpu.dynamic_gather %get3A_809[%gather3A_927] in [0] : vector<16xf32>, vector<16xi32> -> vector<16xf32>
          %add3A_929 = arith.constant 1 : i32
          %add3A_930 = arith.addi %mul3A_807, %add3A_929 : i32
          %get3A_931 = arith.index_cast %add3A_930 : i32 to index
          %get3A_932 = arith.constant 0 : index
          %get3A_933 = tpu.vector_load %arg12[%get3A_931, %get3A_932] {strides = array<i32>} : memref<128x128xf32, #tpu.memory_space<vmem>>, vector<1x16xf32>,
          %get3A_934 = vector.shape_cast %get3A_933 : vector<1x16xf32> to vector<16xf32>
          %mul3A_935 = arith.mulf %get3A_934, %gather3A_928 : vector<16xf32>
          %add3A_936 = arith.constant 1 : i32
          %add3A_937 = arith.addi %mul3A_807, %add3A_936 : i32
          %swap3A_938 = arith.index_cast %add3A_937 : i32 to index
          %swap3A_939 = arith.constant 0 : index
          %swap3A_940 = tpu.vector_load %arg12[%swap3A_938, %swap3A_939] {strides = array<i32>} : memref<128x128xf32, #tpu.memory_space<vmem>>, vector<1x16xf32>,
          %swap3A_941 = vector.shape_cast %swap3A_940 : vector<1x16xf32> to vector<16xf32>
          %swap3A_942 = vector.shape_cast %mul3A_935 : vector<16xf32> to vector<1x16xf32>
          tpu.vector_store %arg12[%swap3A_938, %swap3A_939], %swap3A_942 {strides = array<i32>} : memref<128x128xf32, #tpu.memory_space<vmem>>, vector<1x16xf32>,
          %add3A_943 = arith.constant 1 : i32
          %add3A_944 = arith.addi %mul3A_807, %add3A_943 : i32
          %get3A_945 = arith.index_cast %add3A_944 : i32 to index
          %get3A_946 = arith.constant 16 : index
          %get3A_947 = tpu.vector_load %arg12[%get3A_945, %get3A_946] {strides = array<i32>} : memref<128x128xf32, #tpu.memory_space<vmem>>, vector<1x16xf32>,
          %get3A_948 = vector.shape_cast %get3A_947 : vector<1x16xf32> to vector<16xf32>
          %mul3A_949 = arith.mulf %get3A_948, %gather3A_928 : vector<16xf32>
          %add3A_950 = arith.constant 1 : i32
          %add3A_951 = arith.addi %mul3A_807, %add3A_950 : i32
          %swap3A_952 = arith.index_cast %add3A_951 : i32 to index
          %swap3A_953 = arith.constant 16 : index
          %swap3A_954 = tpu.vector_load %arg12[%swap3A_952, %swap3A_953] {strides = array<i32>} : memref<128x128xf32, #tpu.memory_space<vmem>>, vector<1x16xf32>,
          %swap3A_955 = vector.shape_cast %swap3A_954 : vector<1x16xf32> to vector<16xf32>
          %swap3A_956 = vector.shape_cast %mul3A_949 : vector<16xf32> to vector<1x16xf32>
          tpu.vector_store %arg12[%swap3A_952, %swap3A_953], %swap3A_956 {strides = array<i32>} : memref<128x128xf32, #tpu.memory_space<vmem>>, vector<1x16xf32>,
          %add3A_957 = arith.constant 1 : i32
          %add3A_958 = arith.addi %mul3A_807, %add3A_957 : i32
          %get3A_959 = arith.index_cast %add3A_958 : i32 to index
          %get3A_960 = arith.constant 32 : index
          %get3A_961 = tpu.vector_load %arg12[%get3A_959, %get3A_960] {strides = array<i32>} : memref<128x128xf32, #tpu.memory_space<vmem>>, vector<1x16xf32>,
          %get3A_962 = vector.shape_cast %get3A_961 : vector<1x16xf32> to vector<16xf32>
          %mul3A_963 = arith.mulf %get3A_962, %gather3A_928 : vector<16xf32>
          %add3A_964 = arith.constant 1 : i32
          %add3A_965 = arith.addi %mul3A_807, %add3A_964 : i32
          %swap3A_966 = arith.index_cast %add3A_965 : i32 to index
          %swap3A_967 = arith.constant 32 : index
          %swap3A_968 = tpu.vector_load %arg12[%swap3A_966, %swap3A_967] {strides = array<i32>} : memref<128x128xf32, #tpu.memory_space<vmem>>, vector<1x16xf32>,
          %swap3A_969 = vector.shape_cast %swap3A_968 : vector<1x16xf32> to vector<16xf32>
          %swap3A_970 = vector.shape_cast %mul3A_963 : vector<16xf32> to vector<1x16xf32>
          tpu.vector_store %arg12[%swap3A_966, %swap3A_967], %swap3A_970 {strides = array<i32>} : memref<128x128xf32, #tpu.memory_space<vmem>>, vector<1x16xf32>,
          %add3A_971 = arith.constant 1 : i32
          %add3A_972 = arith.addi %mul3A_807, %add3A_971 : i32
          %get3A_973 = arith.index_cast %add3A_972 : i32 to index
          %get3A_974 = arith.constant 48 : index
          %get3A_975 = tpu.vector_load %arg12[%get3A_973, %get3A_974] {strides = array<i32>} : memref<128x128xf32, #tpu.memory_space<vmem>>, vector<1x16xf32>,
          %get3A_976 = vector.shape_cast %get3A_975 : vector<1x16xf32> to vector<16xf32>
          %mul3A_977 = arith.mulf %get3A_976, %gather3A_928 : vector<16xf32>
          %add3A_978 = arith.constant 1 : i32
          %add3A_979 = arith.addi %mul3A_807, %add3A_978 : i32
          %swap3A_980 = arith.index_cast %add3A_979 : i32 to index
          %swap3A_981 = arith.constant 48 : index
          %swap3A_982 = tpu.vector_load %arg12[%swap3A_980, %swap3A_981] {strides = array<i32>} : memref<128x128xf32, #tpu.memory_space<vmem>>, vector<1x16xf32>,
          %swap3A_983 = vector.shape_cast %swap3A_982 : vector<1x16xf32> to vector<16xf32>
          %swap3A_984 = vector.shape_cast %mul3A_977 : vector<16xf32> to vector<1x16xf32>
          tpu.vector_store %arg12[%swap3A_980, %swap3A_981], %swap3A_984 {strides = array<i32>} : memref<128x128xf32, #tpu.memory_space<vmem>>, vector<1x16xf32>,
          %add3A_985 = arith.constant 1 : i32
          %add3A_986 = arith.addi %mul3A_807, %add3A_985 : i32
          %get3A_987 = arith.index_cast %add3A_986 : i32 to index
          %get3A_988 = arith.constant 64 : index
          %get3A_989 = tpu.vector_load %arg12[%get3A_987, %get3A_988] {strides = array<i32>} : memref<128x128xf32, #tpu.memory_space<vmem>>, vector<1x16xf32>,
          %get3A_990 = vector.shape_cast %get3A_989 : vector<1x16xf32> to vector<16xf32>
          %mul3A_991 = arith.mulf %get3A_990, %gather3A_928 : vector<16xf32>
          %add3A_992 = arith.constant 1 : i32
          %add3A_993 = arith.addi %mul3A_807, %add3A_992 : i32
          %swap3A_994 = arith.index_cast %add3A_993 : i32 to index
          %swap3A_995 = arith.constant 64 : index
          %swap3A_996 = tpu.vector_load %arg12[%swap3A_994, %swap3A_995] {strides = array<i32>} : memref<128x128xf32, #tpu.memory_space<vmem>>, vector<1x16xf32>,
          %swap3A_997 = vector.shape_cast %swap3A_996 : vector<1x16xf32> to vector<16xf32>
          %swap3A_998 = vector.shape_cast %mul3A_991 : vector<16xf32> to vector<1x16xf32>
          tpu.vector_store %arg12[%swap3A_994, %swap3A_995], %swap3A_998 {strides = array<i32>} : memref<128x128xf32, #tpu.memory_space<vmem>>, vector<1x16xf32>,
          %add3A_999 = arith.constant 1 : i32
          %add3A_1000 = arith.addi %mul3A_807, %add3A_999 : i32
          %get3A_1001 = arith.index_cast %add3A_1000 : i32 to index
          %get3A_1002 = arith.constant 80 : index
          %get3A_1003 = tpu.vector_load %arg12[%get3A_1001, %get3A_1002] {strides = array<i32>} : memref<128x128xf32, #tpu.memory_space<vmem>>, vector<1x16xf32>,
          %get3A_1004 = vector.shape_cast %get3A_1003 : vector<1x16xf32> to vector<16xf32>
          %mul3A_1005 = arith.mulf %get3A_1004, %gather3A_928 : vector<16xf32>
          %add3A_1006 = arith.constant 1 : i32
          %add3A_1007 = arith.addi %mul3A_807, %add3A_1006 : i32
          %swap3A_1008 = arith.index_cast %add3A_1007 : i32 to index
          %swap3A_1009 = arith.constant 80 : index
          %swap3A_1010 = tpu.vector_load %arg12[%swap3A_1008, %swap3A_1009] {strides = array<i32>} : memref<128x128xf32, #tpu.memory_space<vmem>>, vector<1x16xf32>,
          %swap3A_1011 = vector.shape_cast %swap3A_1010 : vector<1x16xf32> to vector<16xf32>
          %swap3A_1012 = vector.shape_cast %mul3A_1005 : vector<16xf32> to vector<1x16xf32>
          tpu.vector_store %arg12[%swap3A_1008, %swap3A_1009], %swap3A_1012 {strides = array<i32>} : memref<128x128xf32, #tpu.memory_space<vmem>>, vector<1x16xf32>,
          %add3A_1013 = arith.constant 1 : i32
          %add3A_1014 = arith.addi %mul3A_807, %add3A_1013 : i32
          %get3A_1015 = arith.index_cast %add3A_1014 : i32 to index
          %get3A_1016 = arith.constant 96 : index
          %get3A_1017 = tpu.vector_load %arg12[%get3A_1015, %get3A_1016] {strides = array<i32>} : memref<128x128xf32, #tpu.memory_space<vmem>>, vector<1x16xf32>,
          %get3A_1018 = vector.shape_cast %get3A_1017 : vector<1x16xf32> to vector<16xf32>
          %mul3A_1019 = arith.mulf %get3A_1018, %gather3A_928 : vector<16xf32>
          %add3A_1020 = arith.constant 1 : i32
          %add3A_1021 = arith.addi %mul3A_807, %add3A_1020 : i32
          %swap3A_1022 = arith.index_cast %add3A_1021 : i32 to index
          %swap3A_1023 = arith.constant 96 : index
          %swap3A_1024 = tpu.vector_load %arg12[%swap3A_1022, %swap3A_1023] {strides = array<i32>} : memref<128x128xf32, #tpu.memory_space<vmem>>, vector<1x16xf32>,
          %swap3A_1025 = vector.shape_cast %swap3A_1024 : vector<1x16xf32> to vector<16xf32>
          %swap3A_1026 = vector.shape_cast %mul3A_1019 : vector<16xf32> to vector<1x16xf32>
          tpu.vector_store %arg12[%swap3A_1022, %swap3A_1023], %swap3A_1026 {strides = array<i32>} : memref<128x128xf32, #tpu.memory_space<vmem>>, vector<1x16xf32>,
          %add3A_1027 = arith.constant 1 : i32
          %add3A_1028 = arith.addi %mul3A_807, %add3A_1027 : i32
          %get3A_1029 = arith.index_cast %add3A_1028 : i32 to index
          %get3A_1030 = arith.constant 112 : index
          %get3A_1031 = tpu.vector_load %arg12[%get3A_1029, %get3A_1030] {strides = array<i32>} : memref<128x128xf32, #tpu.memory_space<vmem>>, vector<1x16xf32>,
          %get3A_1032 = vector.shape_cast %get3A_1031 : vector<1x16xf32> to vector<16xf32>
          %mul3A_1033 = arith.mulf %get3A_1032, %gather3A_928 : vector<16xf32>
          %add3A_1034 = arith.constant 1 : i32
          %add3A_1035 = arith.addi %mul3A_807, %add3A_1034 : i32
          %swap3A_1036 = arith.index_cast %add3A_1035 : i32 to index
          %swap3A_1037 = arith.constant 112 : index
          %swap3A_1038 = tpu.vector_load %arg12[%swap3A_1036, %swap3A_1037] {strides = array<i32>} : memref<128x128xf32, #tpu.memory_space<vmem>>, vector<1x16xf32>,
          %swap3A_1039 = vector.shape_cast %swap3A_1038 : vector<1x16xf32> to vector<16xf32>
          %swap3A_1040 = vector.shape_cast %mul3A_1033 : vector<16xf32> to vector<1x16xf32>
          tpu.vector_store %arg12[%swap3A_1036, %swap3A_1037], %swap3A_1040 {strides = array<i32>} : memref<128x128xf32, #tpu.memory_space<vmem>>, vector<1x16xf32>,
          %broadcast_in_dim3A_1041 = arith.constant 2 : i32
          %broadcast_in_dim3A_1042 = vector.broadcast %broadcast_in_dim3A_1041 : i32 to vector<16x1xi32>
          %gather3A_1043 = vector.shape_cast %broadcast_in_dim3A_1042 : vector<16x1xi32> to vector<16xi32>
          %gather3A_1044 = tpu.dynamic_gather %get3A_809[%gather3A_1043] in [0] : vector<16xf32>, vector<16xi32> -> vector<16xf32>
          %add3A_1045 = arith.constant 2 : i32
          %add3A_1046 = arith.addi %mul3A_807, %add3A_1045 : i32
          %get3A_1047 = arith.index_cast %add3A_1046 : i32 to index
          %get3A_1048 = arith.constant 0 : index
          %get3A_1049 = tpu.vector_load %arg12[%get3A_1047, %get3A_1048] {strides = array<i32>} : memref<128x128xf32, #tpu.memory_space<vmem>>, vector<1x16xf32>,
          %get3A_1050 = vector.shape_cast %get3A_1049 : vector<1x16xf32> to vector<16xf32>
          %mul3A_1051 = arith.mulf %get3A_1050, %gather3A_1044 : vector<16xf32>
          %add3A_1052 = arith.constant 2 : i32
          %add3A_1053 = arith.addi %mul3A_807, %add3A_1052 : i32
          %swap3A_1054 = arith.index_cast %add3A_1053 : i32 to index
          %swap3A_1055 = arith.constant 0 : index
          %swap3A_1056 = tpu.vector_load %arg12[%swap3A_1054, %swap3A_1055] {strides = array<i32>} : memref<128x128xf32, #tpu.memory_space<vmem>>, vector<1x16xf32>,
          %swap3A_1057 = vector.shape_cast %swap3A_1056 : vector<1x16xf32> to vector<16xf32>
          %swap3A_1058 = vector.shape_cast %mul3A_1051 : vector<16xf32> to vector<1x16xf32>
          tpu.vector_store %arg12[%swap3A_1054, %swap3A_1055], %swap3A_1058 {strides = array<i32>} : memref<128x128xf32, #tpu.memory_space<vmem>>, vector<1x16xf32>,
          %add3A_1059 = arith.constant 2 : i32
          %add3A_1060 = arith.addi %mul3A_807, %add3A_1059 : i32
          %get3A_1061 = arith.index_cast %add3A_1060 : i32 to index
          %get3A_1062 = arith.constant 16 : index
          %get3A_1063 = tpu.vector_load %arg12[%get3A_1061, %get3A_1062] {strides = array<i32>} : memref<128x128xf32, #tpu.memory_space<vmem>>, vector<1x16xf32>,
          %get3A_1064 = vector.shape_cast %get3A_1063 : vector<1x16xf32> to vector<16xf32>
          %mul3A_1065 = arith.mulf %get3A_1064, %gather3A_1044 : vector<16xf32>
          %add3A_1066 = arith.constant 2 : i32
          %add3A_1067 = arith.addi %mul3A_807, %add3A_1066 : i32
          %swap3A_1068 = arith.index_cast %add3A_1067 : i32 to index
          %swap3A_1069 = arith.constant 16 : index
          %swap3A_1070 = tpu.vector_load %arg12[%swap3A_1068, %swap3A_1069] {strides = array<i32>} : memref<128x128xf32, #tpu.memory_space<vmem>>, vector<1x16xf32>,
          %swap3A_1071 = vector.shape_cast %swap3A_1070 : vector<1x16xf32> to vector<16xf32>
          %swap3A_1072 = vector.shape_cast %mul3A_1065 : vector<16xf32> to vector<1x16xf32>
          tpu.vector_store %arg12[%swap3A_1068, %swap3A_1069], %swap3A_1072 {strides = array<i32>} : memref<128x128xf32, #tpu.memory_space<vmem>>, vector<1x16xf32>,
          %add3A_1073 = arith.constant 2 : i32
          %add3A_1074 = arith.addi %mul3A_807, %add3A_1073 : i32
          %get3A_1075 = arith.index_cast %add3A_1074 : i32 to index
          %get3A_1076 = arith.constant 32 : index
          %get3A_1077 = tpu.vector_load %arg12[%get3A_1075, %get3A_1076] {strides = array<i32>} : memref<128x128xf32, #tpu.memory_space<vmem>>, vector<1x16xf32>,
          %get3A_1078 = vector.shape_cast %get3A_1077 : vector<1x16xf32> to vector<16xf32>
          %mul3A_1079 = arith.mulf %get3A_1078, %gather3A_1044 : vector<16xf32>
          %add3A_1080 = arith.constant 2 : i32
          %add3A_1081 = arith.addi %mul3A_807, %add3A_1080 : i32
          %swap3A_1082 = arith.index_cast %add3A_1081 : i32 to index
          %swap3A_1083 = arith.constant 32 : index
          %swap3A_1084 = tpu.vector_load %arg12[%swap3A_1082, %swap3A_1083] {strides = array<i32>} : memref<128x128xf32, #tpu.memory_space<vmem>>, vector<1x16xf32>,
          %swap3A_1085 = vector.shape_cast %swap3A_1084 : vector<1x16xf32> to vector<16xf32>
          %swap3A_1086 = vector.shape_cast %mul3A_1079 : vector<16xf32> to vector<1x16xf32>
          tpu.vector_store %arg12[%swap3A_1082, %swap3A_1083], %swap3A_1086 {strides = array<i32>} : memref<128x128xf32, #tpu.memory_space<vmem>>, vector<1x16xf32>,
          %add3A_1087 = arith.constant 2 : i32
          %add3A_1088 = arith.addi %mul3A_807, %add3A_1087 : i32
          %get3A_1089 = arith.index_cast %add3A_1088 : i32 to index
          %get3A_1090 = arith.constant 48 : index
          %get3A_1091 = tpu.vector_load %arg12[%get3A_1089, %get3A_1090] {strides = array<i32>} : memref<128x128xf32, #tpu.memory_space<vmem>>, vector<1x16xf32>,
          %get3A_1092 = vector.shape_cast %get3A_1091 : vector<1x16xf32> to vector<16xf32>
          %mul3A_1093 = arith.mulf %get3A_1092, %gather3A_1044 : vector<16xf32>
          %add3A_1094 = arith.constant 2 : i32
          %add3A_1095 = arith.addi %mul3A_807, %add3A_1094 : i32
          %swap3A_1096 = arith.index_cast %add3A_1095 : i32 to index
          %swap3A_1097 = arith.constant 48 : index
          %swap3A_1098 = tpu.vector_load %arg12[%swap3A_1096, %swap3A_1097] {strides = array<i32>} : memref<128x128xf32, #tpu.memory_space<vmem>>, vector<1x16xf32>,
          %swap3A_1099 = vector.shape_cast %swap3A_1098 : vector<1x16xf32> to vector<16xf32>
          %swap3A_1100 = vector.shape_cast %mul3A_1093 : vector<16xf32> to vector<1x16xf32>
          tpu.vector_store %arg12[%swap3A_1096, %swap3A_1097], %swap3A_1100 {strides = array<i32>} : memref<128x128xf32, #tpu.memory_space<vmem>>, vector<1x16xf32>,
          %add3A_1101 = arith.constant 2 : i32
          %add3A_1102 = arith.addi %mul3A_807, %add3A_1101 : i32
          %get3A_1103 = arith.index_cast %add3A_1102 : i32 to index
          %get3A_1104 = arith.constant 64 : index
          %get3A_1105 = tpu.vector_load %arg12[%get3A_1103, %get3A_1104] {strides = array<i32>} : memref<128x128xf32, #tpu.memory_space<vmem>>, vector<1x16xf32>,
          %get3A_1106 = vector.shape_cast %get3A_1105 : vector<1x16xf32> to vector<16xf32>
          %mul3A_1107 = arith.mulf %get3A_1106, %gather3A_1044 : vector<16xf32>
          %add3A_1108 = arith.constant 2 : i32
          %add3A_1109 = arith.addi %mul3A_807, %add3A_1108 : i32
          %swap3A_1110 = arith.index_cast %add3A_1109 : i32 to index
          %swap3A_1111 = arith.constant 64 : index
          %swap3A_1112 = tpu.vector_load %arg12[%swap3A_1110, %swap3A_1111] {strides = array<i32>} : memref<128x128xf32, #tpu.memory_space<vmem>>, vector<1x16xf32>,
          %swap3A_1113 = vector.shape_cast %swap3A_1112 : vector<1x16xf32> to vector<16xf32>
          %swap3A_1114 = vector.shape_cast %mul3A_1107 : vector<16xf32> to vector<1x16xf32>
          tpu.vector_store %arg12[%swap3A_1110, %swap3A_1111], %swap3A_1114 {strides = array<i32>} : memref<128x128xf32, #tpu.memory_space<vmem>>, vector<1x16xf32>,
          %add3A_1115 = arith.constant 2 : i32
          %add3A_1116 = arith.addi %mul3A_807, %add3A_1115 : i32
          %get3A_1117 = arith.index_cast %add3A_1116 : i32 to index
          %get3A_1118 = arith.constant 80 : index
          %get3A_1119 = tpu.vector_load %arg12[%get3A_1117, %get3A_1118] {strides = array<i32>} : memref<128x128xf32, #tpu.memory_space<vmem>>, vector<1x16xf32>,
          %get3A_1120 = vector.shape_cast %get3A_1119 : vector<1x16xf32> to vector<16xf32>
          %mul3A_1121 = arith.mulf %get3A_1120, %gather3A_1044 : vector<16xf32>
          %add3A_1122 = arith.constant 2 : i32
          %add3A_1123 = arith.addi %mul3A_807, %add3A_1122 : i32
          %swap3A_1124 = arith.index_cast %add3A_1123 : i32 to index
          %swap3A_1125 = arith.constant 80 : index
          %swap3A_1126 = tpu.vector_load %arg12[%swap3A_1124, %swap3A_1125] {strides = array<i32>} : memref<128x128xf32, #tpu.memory_space<vmem>>, vector<1x16xf32>,
          %swap3A_1127 = vector.shape_cast %swap3A_1126 : vector<1x16xf32> to vector<16xf32>
          %swap3A_1128 = vector.shape_cast %mul3A_1121 : vector<16xf32> to vector<1x16xf32>
          tpu.vector_store %arg12[%swap3A_1124, %swap3A_1125], %swap3A_1128 {strides = array<i32>} : memref<128x128xf32, #tpu.memory_space<vmem>>, vector<1x16xf32>,
          %add3A_1129 = arith.constant 2 : i32
          %add3A_1130 = arith.addi %mul3A_807, %add3A_1129 : i32
          %get3A_1131 = arith.index_cast %add3A_1130 : i32 to index
          %get3A_1132 = arith.constant 96 : index
          %get3A_1133 = tpu.vector_load %arg12[%get3A_1131, %get3A_1132] {strides = array<i32>} : memref<128x128xf32, #tpu.memory_space<vmem>>, vector<1x16xf32>,
          %get3A_1134 = vector.shape_cast %get3A_1133 : vector<1x16xf32> to vector<16xf32>
          %mul3A_1135 = arith.mulf %get3A_1134, %gather3A_1044 : vector<16xf32>
          %add3A_1136 = arith.constant 2 : i32
          %add3A_1137 = arith.addi %mul3A_807, %add3A_1136 : i32
          %swap3A_1138 = arith.index_cast %add3A_1137 : i32 to index
          %swap3A_1139 = arith.constant 96 : index
          %swap3A_1140 = tpu.vector_load %arg12[%swap3A_1138, %swap3A_1139] {strides = array<i32>} : memref<128x128xf32, #tpu.memory_space<vmem>>, vector<1x16xf32>,
          %swap3A_1141 = vector.shape_cast %swap3A_1140 : vector<1x16xf32> to vector<16xf32>
          %swap3A_1142 = vector.shape_cast %mul3A_1135 : vector<16xf32> to vector<1x16xf32>
          tpu.vector_store %arg12[%swap3A_1138, %swap3A_1139], %swap3A_1142 {strides = array<i32>} : memref<128x128xf32, #tpu.memory_space<vmem>>, vector<1x16xf32>,
          %add3A_1143 = arith.constant 2 : i32
          %add3A_1144 = arith.addi %mul3A_807, %add3A_1143 : i32
          %get3A_1145 = arith.index_cast %add3A_1144 : i32 to index
          %get3A_1146 = arith.constant 112 : index
          %get3A_1147 = tpu.vector_load %arg12[%get3A_1145, %get3A_1146] {strides = array<i32>} : memref<128x128xf32, #tpu.memory_space<vmem>>, vector<1x16xf32>,
          %get3A_1148 = vector.shape_cast %get3A_1147 : vector<1x16xf32> to vector<16xf32>
          %mul3A_1149 = arith.mulf %get3A_1148, %gather3A_1044 : vector<16xf32>
          %add3A_1150 = arith.constant 2 : i32
          %add3A_1151 = arith.addi %mul3A_807, %add3A_1150 : i32
          %swap3A_1152 = arith.index_cast %add3A_1151 : i32 to index
          %swap3A_1153 = arith.constant 112 : index
          %swap3A_1154 = tpu.vector_load %arg12[%swap3A_1152, %swap3A_1153] {strides = array<i32>} : memref<128x128xf32, #tpu.memory_space<vmem>>, vector<1x16xf32>,
          %swap3A_1155 = vector.shape_cast %swap3A_1154 : vector<1x16xf32> to vector<16xf32>
          %swap3A_1156 = vector.shape_cast %mul3A_1149 : vector<16xf32> to vector<1x16xf32>
          tpu.vector_store %arg12[%swap3A_1152, %swap3A_1153], %swap3A_1156 {strides = array<i32>} : memref<128x128xf32, #tpu.memory_space<vmem>>, vector<1x16xf32>,
          %broadcast_in_dim3A_1157 = arith.constant 3 : i32
          %broadcast_in_dim3A_1158 = vector.broadcast %broadcast_in_dim3A_1157 : i32 to vector<16x1xi32>
          %gather3A_1159 = vector.shape_cast %broadcast_in_dim3A_1158 : vector<16x1xi32> to vector<16xi32>
          %gather3A_1160 = tpu.dynamic_gather %get3A_809[%gather3A_1159] in [0] : vector<16xf32>, vector<16xi32> -> vector<16xf32>
          %add3A_1161 = arith.constant 3 : i32
          %add3A_1162 = arith.addi %mul3A_807, %add3A_1161 : i32
          %get3A_1163 = arith.index_cast %add3A_1162 : i32 to index
          %get3A_1164 = arith.constant 0 : index
          %get3A_1165 = tpu.vector_load %arg12[%get3A_1163, %get3A_1164] {strides = array<i32>} : memref<128x128xf32, #tpu.memory_space<vmem>>, vector<1x16xf32>,
          %get3A_1166 = vector.shape_cast %get3A_1165 : vector<1x16xf32> to vector<16xf32>
          %mul3A_1167 = arith.mulf %get3A_1166, %gather3A_1160 : vector<16xf32>
          %add3A_1168 = arith.constant 3 : i32
          %add3A_1169 = arith.addi %mul3A_807, %add3A_1168 : i32
          %swap3A_1170 = arith.index_cast %add3A_1169 : i32 to index
          %swap3A_1171 = arith.constant 0 : index
          %swap3A_1172 = tpu.vector_load %arg12[%swap3A_1170, %swap3A_1171] {strides = array<i32>} : memref<128x128xf32, #tpu.memory_space<vmem>>, vector<1x16xf32>,
          %swap3A_1173 = vector.shape_cast %swap3A_1172 : vector<1x16xf32> to vector<16xf32>
          %swap3A_1174 = vector.shape_cast %mul3A_1167 : vector<16xf32> to vector<1x16xf32>
          tpu.vector_store %arg12[%swap3A_1170, %swap3A_1171], %swap3A_1174 {strides = array<i32>} : memref<128x128xf32, #tpu.memory_space<vmem>>, vector<1x16xf32>,
          %add3A_1175 = arith.constant 3 : i32
          %add3A_1176 = arith.addi %mul3A_807, %add3A_1175 : i32
          %get3A_1177 = arith.index_cast %add3A_1176 : i32 to index
          %get3A_1178 = arith.constant 16 : index
          %get3A_1179 = tpu.vector_load %arg12[%get3A_1177, %get3A_1178] {strides = array<i32>} : memref<128x128xf32, #tpu.memory_space<vmem>>, vector<1x16xf32>,
          %get3A_1180 = vector.shape_cast %get3A_1179 : vector<1x16xf32> to vector<16xf32>
          %mul3A_1181 = arith.mulf %get3A_1180, %gather3A_1160 : vector<16xf32>
          %add3A_1182 = arith.constant 3 : i32
          %add3A_1183 = arith.addi %mul3A_807, %add3A_1182 : i32
          %swap3A_1184 = arith.index_cast %add3A_1183 : i32 to index
          %swap3A_1185 = arith.constant 16 : index
          %swap3A_1186 = tpu.vector_load %arg12[%swap3A_1184, %swap3A_1185] {strides = array<i32>} : memref<128x128xf32, #tpu.memory_space<vmem>>, vector<1x16xf32>,
          %swap3A_1187 = vector.shape_cast %swap3A_1186 : vector<1x16xf32> to vector<16xf32>
          %swap3A_1188 = vector.shape_cast %mul3A_1181 : vector<16xf32> to vector<1x16xf32>
          tpu.vector_store %arg12[%swap3A_1184, %swap3A_1185], %swap3A_1188 {strides = array<i32>} : memref<128x128xf32, #tpu.memory_space<vmem>>, vector<1x16xf32>,
          %add3A_1189 = arith.constant 3 : i32
          %add3A_1190 = arith.addi %mul3A_807, %add3A_1189 : i32
          %get3A_1191 = arith.index_cast %add3A_1190 : i32 to index
          %get3A_1192 = arith.constant 32 : index
          %get3A_1193 = tpu.vector_load %arg12[%get3A_1191, %get3A_1192] {strides = array<i32>} : memref<128x128xf32, #tpu.memory_space<vmem>>, vector<1x16xf32>,
          %get3A_1194 = vector.shape_cast %get3A_1193 : vector<1x16xf32> to vector<16xf32>
          %mul3A_1195 = arith.mulf %get3A_1194, %gather3A_1160 : vector<16xf32>
          %add3A_1196 = arith.constant 3 : i32
          %add3A_1197 = arith.addi %mul3A_807, %add3A_1196 : i32
          %swap3A_1198 = arith.index_cast %add3A_1197 : i32 to index
          %swap3A_1199 = arith.constant 32 : index
          %swap3A_1200 = tpu.vector_load %arg12[%swap3A_1198, %swap3A_1199] {strides = array<i32>} : memref<128x128xf32, #tpu.memory_space<vmem>>, vector<1x16xf32>,
          %swap3A_1201 = vector.shape_cast %swap3A_1200 : vector<1x16xf32> to vector<16xf32>
          %swap3A_1202 = vector.shape_cast %mul3A_1195 : vector<16xf32> to vector<1x16xf32>
          tpu.vector_store %arg12[%swap3A_1198, %swap3A_1199], %swap3A_1202 {strides = array<i32>} : memref<128x128xf32, #tpu.memory_space<vmem>>, vector<1x16xf32>,
          %add3A_1203 = arith.constant 3 : i32
          %add3A_1204 = arith.addi %mul3A_807, %add3A_1203 : i32
          %get3A_1205 = arith.index_cast %add3A_1204 : i32 to index
          %get3A_1206 = arith.constant 48 : index
          %get3A_1207 = tpu.vector_load %arg12[%get3A_1205, %get3A_1206] {strides = array<i32>} : memref<128x128xf32, #tpu.memory_space<vmem>>, vector<1x16xf32>,
          %get3A_1208 = vector.shape_cast %get3A_1207 : vector<1x16xf32> to vector<16xf32>
          %mul3A_1209 = arith.mulf %get3A_1208, %gather3A_1160 : vector<16xf32>
          %add3A_1210 = arith.constant 3 : i32
          %add3A_1211 = arith.addi %mul3A_807, %add3A_1210 : i32
          %swap3A_1212 = arith.index_cast %add3A_1211 : i32 to index
          %swap3A_1213 = arith.constant 48 : index
          %swap3A_1214 = tpu.vector_load %arg12[%swap3A_1212, %swap3A_1213] {strides = array<i32>} : memref<128x128xf32, #tpu.memory_space<vmem>>, vector<1x16xf32>,
          %swap3A_1215 = vector.shape_cast %swap3A_1214 : vector<1x16xf32> to vector<16xf32>
          %swap3A_1216 = vector.shape_cast %mul3A_1209 : vector<16xf32> to vector<1x16xf32>
          tpu.vector_store %arg12[%swap3A_1212, %swap3A_1213], %swap3A_1216 {strides = array<i32>} : memref<128x128xf32, #tpu.memory_space<vmem>>, vector<1x16xf32>,
          %add3A_1217 = arith.constant 3 : i32
          %add3A_1218 = arith.addi %mul3A_807, %add3A_1217 : i32
          %get3A_1219 = arith.index_cast %add3A_1218 : i32 to index
          %get3A_1220 = arith.constant 64 : index
          %get3A_1221 = tpu.vector_load %arg12[%get3A_1219, %get3A_1220] {strides = array<i32>} : memref<128x128xf32, #tpu.memory_space<vmem>>, vector<1x16xf32>,
          %get3A_1222 = vector.shape_cast %get3A_1221 : vector<1x16xf32> to vector<16xf32>
          %mul3A_1223 = arith.mulf %get3A_1222, %gather3A_1160 : vector<16xf32>
          %add3A_1224 = arith.constant 3 : i32
          %add3A_1225 = arith.addi %mul3A_807, %add3A_1224 : i32
          %swap3A_1226 = arith.index_cast %add3A_1225 : i32 to index
          %swap3A_1227 = arith.constant 64 : index
          %swap3A_1228 = tpu.vector_load %arg12[%swap3A_1226, %swap3A_1227] {strides = array<i32>} : memref<128x128xf32, #tpu.memory_space<vmem>>, vector<1x16xf32>,
          %swap3A_1229 = vector.shape_cast %swap3A_1228 : vector<1x16xf32> to vector<16xf32>
          %swap3A_1230 = vector.shape_cast %mul3A_1223 : vector<16xf32> to vector<1x16xf32>
          tpu.vector_store %arg12[%swap3A_1226, %swap3A_1227], %swap3A_1230 {strides = array<i32>} : memref<128x128xf32, #tpu.memory_space<vmem>>, vector<1x16xf32>,
          %add3A_1231 = arith.constant 3 : i32
          %add3A_1232 = arith.addi %mul3A_807, %add3A_1231 : i32
          %get3A_1233 = arith.index_cast %add3A_1232 : i32 to index
          %get3A_1234 = arith.constant 80 : index
          %get3A_1235 = tpu.vector_load %arg12[%get3A_1233, %get3A_1234] {strides = array<i32>} : memref<128x128xf32, #tpu.memory_space<vmem>>, vector<1x16xf32>,
          %get3A_1236 = vector.shape_cast %get3A_1235 : vector<1x16xf32> to vector<16xf32>
          %mul3A_1237 = arith.mulf %get3A_1236, %gather3A_1160 : vector<16xf32>
          %add3A_1238 = arith.constant 3 : i32
          %add3A_1239 = arith.addi %mul3A_807, %add3A_1238 : i32
          %swap3A_1240 = arith.index_cast %add3A_1239 : i32 to index
          %swap3A_1241 = arith.constant 80 : index
          %swap3A_1242 = tpu.vector_load %arg12[%swap3A_1240, %swap3A_1241] {strides = array<i32>} : memref<128x128xf32, #tpu.memory_space<vmem>>, vector<1x16xf32>,
          %swap3A_1243 = vector.shape_cast %swap3A_1242 : vector<1x16xf32> to vector<16xf32>
          %swap3A_1244 = vector.shape_cast %mul3A_1237 : vector<16xf32> to vector<1x16xf32>
          tpu.vector_store %arg12[%swap3A_1240, %swap3A_1241], %swap3A_1244 {strides = array<i32>} : memref<128x128xf32, #tpu.memory_space<vmem>>, vector<1x16xf32>,
          %add3A_1245 = arith.constant 3 : i32
          %add3A_1246 = arith.addi %mul3A_807, %add3A_1245 : i32
          %get3A_1247 = arith.index_cast %add3A_1246 : i32 to index
          %get3A_1248 = arith.constant 96 : index
          %get3A_1249 = tpu.vector_load %arg12[%get3A_1247, %get3A_1248] {strides = array<i32>} : memref<128x128xf32, #tpu.memory_space<vmem>>, vector<1x16xf32>,
          %get3A_1250 = vector.shape_cast %get3A_1249 : vector<1x16xf32> to vector<16xf32>
          %mul3A_1251 = arith.mulf %get3A_1250, %gather3A_1160 : vector<16xf32>
          %add3A_1252 = arith.constant 3 : i32
          %add3A_1253 = arith.addi %mul3A_807, %add3A_1252 : i32
          %swap3A_1254 = arith.index_cast %add3A_1253 : i32 to index
          %swap3A_1255 = arith.constant 96 : index
          %swap3A_1256 = tpu.vector_load %arg12[%swap3A_1254, %swap3A_1255] {strides = array<i32>} : memref<128x128xf32, #tpu.memory_space<vmem>>, vector<1x16xf32>,
          %swap3A_1257 = vector.shape_cast %swap3A_1256 : vector<1x16xf32> to vector<16xf32>
          %swap3A_1258 = vector.shape_cast %mul3A_1251 : vector<16xf32> to vector<1x16xf32>
          tpu.vector_store %arg12[%swap3A_1254, %swap3A_1255], %swap3A_1258 {strides = array<i32>} : memref<128x128xf32, #tpu.memory_space<vmem>>, vector<1x16xf32>,
          %add3A_1259 = arith.constant 3 : i32
          %add3A_1260 = arith.addi %mul3A_807, %add3A_1259 : i32
          %get3A_1261 = arith.index_cast %add3A_1260 : i32 to index
          %get3A_1262 = arith.constant 112 : index
          %get3A_1263 = tpu.vector_load %arg12[%get3A_1261, %get3A_1262] {strides = array<i32>} : memref<128x128xf32, #tpu.memory_space<vmem>>, vector<1x16xf32>,
          %get3A_1264 = vector.shape_cast %get3A_1263 : vector<1x16xf32> to vector<16xf32>
          %mul3A_1265 = arith.mulf %get3A_1264, %gather3A_1160 : vector<16xf32>
          %add3A_1266 = arith.constant 3 : i32
          %add3A_1267 = arith.addi %mul3A_807, %add3A_1266 : i32
          %swap3A_1268 = arith.index_cast %add3A_1267 : i32 to index
          %swap3A_1269 = arith.constant 112 : index
          %swap3A_1270 = tpu.vector_load %arg12[%swap3A_1268, %swap3A_1269] {strides = array<i32>} : memref<128x128xf32, #tpu.memory_space<vmem>>, vector<1x16xf32>,
          %swap3A_1271 = vector.shape_cast %swap3A_1270 : vector<1x16xf32> to vector<16xf32>
          %swap3A_1272 = vector.shape_cast %mul3A_1265 : vector<16xf32> to vector<1x16xf32>
          tpu.vector_store %arg12[%swap3A_1268, %swap3A_1269], %swap3A_1272 {strides = array<i32>} : memref<128x128xf32, #tpu.memory_space<vmem>>, vector<1x16xf32>,
          %broadcast_in_dim3A_1273 = arith.constant 4 : i32
          %broadcast_in_dim3A_1274 = vector.broadcast %broadcast_in_dim3A_1273 : i32 to vector<16x1xi32>
          %gather3A_1275 = vector.shape_cast %broadcast_in_dim3A_1274 : vector<16x1xi32> to vector<16xi32>
          %gather3A_1276 = tpu.dynamic_gather %get3A_809[%gather3A_1275] in [0] : vector<16xf32>, vector<16xi32> -> vector<16xf32>
          %add3A_1277 = arith.constant 4 : i32
          %add3A_1278 = arith.addi %mul3A_807, %add3A_1277 : i32
          %get3A_1279 = arith.index_cast %add3A_1278 : i32 to index
          %get3A_1280 = arith.constant 0 : index
          %get3A_1281 = tpu.vector_load %arg12[%get3A_1279, %get3A_1280] {strides = array<i32>} : memref<128x128xf32, #tpu.memory_space<vmem>>, vector<1x16xf32>,
          %get3A_1282 = vector.shape_cast %get3A_1281 : vector<1x16xf32> to vector<16xf32>
          %mul3A_1283 = arith.mulf %get3A_1282, %gather3A_1276 : vector<16xf32>
          %add3A_1284 = arith.constant 4 : i32
          %add3A_1285 = arith.addi %mul3A_807, %add3A_1284 : i32
          %swap3A_1286 = arith.index_cast %add3A_1285 : i32 to index
          %swap3A_1287 = arith.constant 0 : index
          %swap3A_1288 = tpu.vector_load %arg12[%swap3A_1286, %swap3A_1287] {strides = array<i32>} : memref<128x128xf32, #tpu.memory_space<vmem>>, vector<1x16xf32>,
          %swap3A_1289 = vector.shape_cast %swap3A_1288 : vector<1x16xf32> to vector<16xf32>
          %swap3A_1290 = vector.shape_cast %mul3A_1283 : vector<16xf32> to vector<1x16xf32>
          tpu.vector_store %arg12[%swap3A_1286, %swap3A_1287], %swap3A_1290 {strides = array<i32>} : memref<128x128xf32, #tpu.memory_space<vmem>>, vector<1x16xf32>,
          %add3A_1291 = arith.constant 4 : i32
          %add3A_1292 = arith.addi %mul3A_807, %add3A_1291 : i32
          %get3A_1293 = arith.index_cast %add3A_1292 : i32 to index
          %get3A_1294 = arith.constant 16 : index
          %get3A_1295 = tpu.vector_load %arg12[%get3A_1293, %get3A_1294] {strides = array<i32>} : memref<128x128xf32, #tpu.memory_space<vmem>>, vector<1x16xf32>,
          %get3A_1296 = vector.shape_cast %get3A_1295 : vector<1x16xf32> to vector<16xf32>
          %mul3A_1297 = arith.mulf %get3A_1296, %gather3A_1276 : vector<16xf32>
          %add3A_1298 = arith.constant 4 : i32
          %add3A_1299 = arith.addi %mul3A_807, %add3A_1298 : i32
          %swap3A_1300 = arith.index_cast %add3A_1299 : i32 to index
          %swap3A_1301 = arith.constant 16 : index
          %swap3A_1302 = tpu.vector_load %arg12[%swap3A_1300, %swap3A_1301] {strides = array<i32>} : memref<128x128xf32, #tpu.memory_space<vmem>>, vector<1x16xf32>,
          %swap3A_1303 = vector.shape_cast %swap3A_1302 : vector<1x16xf32> to vector<16xf32>
          %swap3A_1304 = vector.shape_cast %mul3A_1297 : vector<16xf32> to vector<1x16xf32>
          tpu.vector_store %arg12[%swap3A_1300, %swap3A_1301], %swap3A_1304 {strides = array<i32>} : memref<128x128xf32, #tpu.memory_space<vmem>>, vector<1x16xf32>,
          %add3A_1305 = arith.constant 4 : i32
          %add3A_1306 = arith.addi %mul3A_807, %add3A_1305 : i32
          %get3A_1307 = arith.index_cast %add3A_1306 : i32 to index
          %get3A_1308 = arith.constant 32 : index
          %get3A_1309 = tpu.vector_load %arg12[%get3A_1307, %get3A_1308] {strides = array<i32>} : memref<128x128xf32, #tpu.memory_space<vmem>>, vector<1x16xf32>,
          %get3A_1310 = vector.shape_cast %get3A_1309 : vector<1x16xf32> to vector<16xf32>
          %mul3A_1311 = arith.mulf %get3A_1310, %gather3A_1276 : vector<16xf32>
          %add3A_1312 = arith.constant 4 : i32
          %add3A_1313 = arith.addi %mul3A_807, %add3A_1312 : i32
          %swap3A_1314 = arith.index_cast %add3A_1313 : i32 to index
          %swap3A_1315 = arith.constant 32 : index
          %swap3A_1316 = tpu.vector_load %arg12[%swap3A_1314, %swap3A_1315] {strides = array<i32>} : memref<128x128xf32, #tpu.memory_space<vmem>>, vector<1x16xf32>,
          %swap3A_1317 = vector.shape_cast %swap3A_1316 : vector<1x16xf32> to vector<16xf32>
          %swap3A_1318 = vector.shape_cast %mul3A_1311 : vector<16xf32> to vector<1x16xf32>
          tpu.vector_store %arg12[%swap3A_1314, %swap3A_1315], %swap3A_1318 {strides = array<i32>} : memref<128x128xf32, #tpu.memory_space<vmem>>, vector<1x16xf32>,
          %add3A_1319 = arith.constant 4 : i32
          %add3A_1320 = arith.addi %mul3A_807, %add3A_1319 : i32
          %get3A_1321 = arith.index_cast %add3A_1320 : i32 to index
          %get3A_1322 = arith.constant 48 : index
          %get3A_1323 = tpu.vector_load %arg12[%get3A_1321, %get3A_1322] {strides = array<i32>} : memref<128x128xf32, #tpu.memory_space<vmem>>, vector<1x16xf32>,
          %get3A_1324 = vector.shape_cast %get3A_1323 : vector<1x16xf32> to vector<16xf32>
          %mul3A_1325 = arith.mulf %get3A_1324, %gather3A_1276 : vector<16xf32>
          %add3A_1326 = arith.constant 4 : i32
          %add3A_1327 = arith.addi %mul3A_807, %add3A_1326 : i32
          %swap3A_1328 = arith.index_cast %add3A_1327 : i32 to index
          %swap3A_1329 = arith.constant 48 : index
          %swap3A_1330 = tpu.vector_load %arg12[%swap3A_1328, %swap3A_1329] {strides = array<i32>} : memref<128x128xf32, #tpu.memory_space<vmem>>, vector<1x16xf32>,
          %swap3A_1331 = vector.shape_cast %swap3A_1330 : vector<1x16xf32> to vector<16xf32>
          %swap3A_1332 = vector.shape_cast %mul3A_1325 : vector<16xf32> to vector<1x16xf32>
          tpu.vector_store %arg12[%swap3A_1328, %swap3A_1329], %swap3A_1332 {strides = array<i32>} : memref<128x128xf32, #tpu.memory_space<vmem>>, vector<1x16xf32>,
          %add3A_1333 = arith.constant 4 : i32
          %add3A_1334 = arith.addi %mul3A_807, %add3A_1333 : i32
          %get3A_1335 = arith.index_cast %add3A_1334 : i32 to index
          %get3A_1336 = arith.constant 64 : index
          %get3A_1337 = tpu.vector_load %arg12[%get3A_1335, %get3A_1336] {strides = array<i32>} : memref<128x128xf32, #tpu.memory_space<vmem>>, vector<1x16xf32>,
          %get3A_1338 = vector.shape_cast %get3A_1337 : vector<1x16xf32> to vector<16xf32>
          %mul3A_1339 = arith.mulf %get3A_1338, %gather3A_1276 : vector<16xf32>
          %add3A_1340 = arith.constant 4 : i32
          %add3A_1341 = arith.addi %mul3A_807, %add3A_1340 : i32
          %swap3A_1342 = arith.index_cast %add3A_1341 : i32 to index
          %swap3A_1343 = arith.constant 64 : index
          %swap3A_1344 = tpu.vector_load %arg12[%swap3A_1342, %swap3A_1343] {strides = array<i32>} : memref<128x128xf32, #tpu.memory_space<vmem>>, vector<1x16xf32>,
          %swap3A_1345 = vector.shape_cast %swap3A_1344 : vector<1x16xf32> to vector<16xf32>
          %swap3A_1346 = vector.shape_cast %mul3A_1339 : vector<16xf32> to vector<1x16xf32>
          tpu.vector_store %arg12[%swap3A_1342, %swap3A_1343], %swap3A_1346 {strides = array<i32>} : memref<128x128xf32, #tpu.memory_space<vmem>>, vector<1x16xf32>,
          %add3A_1347 = arith.constant 4 : i32
          %add3A_1348 = arith.addi %mul3A_807, %add3A_1347 : i32
          %get3A_1349 = arith.index_cast %add3A_1348 : i32 to index
          %get3A_1350 = arith.constant 80 : index
          %get3A_1351 = tpu.vector_load %arg12[%get3A_1349, %get3A_1350] {strides = array<i32>} : memref<128x128xf32, #tpu.memory_space<vmem>>, vector<1x16xf32>,
          %get3A_1352 = vector.shape_cast %get3A_1351 : vector<1x16xf32> to vector<16xf32>
          %mul3A_1353 = arith.mulf %get3A_1352, %gather3A_1276 : vector<16xf32>
          %add3A_1354 = arith.constant 4 : i32
          %add3A_1355 = arith.addi %mul3A_807, %add3A_1354 : i32
          %swap3A_1356 = arith.index_cast %add3A_1355 : i32 to index
          %swap3A_1357 = arith.constant 80 : index
          %swap3A_1358 = tpu.vector_load %arg12[%swap3A_1356, %swap3A_1357] {strides = array<i32>} : memref<128x128xf32, #tpu.memory_space<vmem>>, vector<1x16xf32>,
          %swap3A_1359 = vector.shape_cast %swap3A_1358 : vector<1x16xf32> to vector<16xf32>
          %swap3A_1360 = vector.shape_cast %mul3A_1353 : vector<16xf32> to vector<1x16xf32>
          tpu.vector_store %arg12[%swap3A_1356, %swap3A_1357], %swap3A_1360 {strides = array<i32>} : memref<128x128xf32, #tpu.memory_space<vmem>>, vector<1x16xf32>,
          %add3A_1361 = arith.constant 4 : i32
          %add3A_1362 = arith.addi %mul3A_807, %add3A_1361 : i32
          %get3A_1363 = arith.index_cast %add3A_1362 : i32 to index
          %get3A_1364 = arith.constant 96 : index
          %get3A_1365 = tpu.vector_load %arg12[%get3A_1363, %get3A_1364] {strides = array<i32>} : memref<128x128xf32, #tpu.memory_space<vmem>>, vector<1x16xf32>,
          %get3A_1366 = vector.shape_cast %get3A_1365 : vector<1x16xf32> to vector<16xf32>
          %mul3A_1367 = arith.mulf %get3A_1366, %gather3A_1276 : vector<16xf32>
          %add3A_1368 = arith.constant 4 : i32
          %add3A_1369 = arith.addi %mul3A_807, %add3A_1368 : i32
          %swap3A_1370 = arith.index_cast %add3A_1369 : i32 to index
          %swap3A_1371 = arith.constant 96 : index
          %swap3A_1372 = tpu.vector_load %arg12[%swap3A_1370, %swap3A_1371] {strides = array<i32>} : memref<128x128xf32, #tpu.memory_space<vmem>>, vector<1x16xf32>,
          %swap3A_1373 = vector.shape_cast %swap3A_1372 : vector<1x16xf32> to vector<16xf32>
          %swap3A_1374 = vector.shape_cast %mul3A_1367 : vector<16xf32> to vector<1x16xf32>
          tpu.vector_store %arg12[%swap3A_1370, %swap3A_1371], %swap3A_1374 {strides = array<i32>} : memref<128x128xf32, #tpu.memory_space<vmem>>, vector<1x16xf32>,
          %add3A_1375 = arith.constant 4 : i32
          %add3A_1376 = arith.addi %mul3A_807, %add3A_1375 : i32
          %get3A_1377 = arith.index_cast %add3A_1376 : i32 to index
          %get3A_1378 = arith.constant 112 : index
          %get3A_1379 = tpu.vector_load %arg12[%get3A_1377, %get3A_1378] {strides = array<i32>} : memref<128x128xf32, #tpu.memory_space<vmem>>, vector<1x16xf32>,
          %get3A_1380 = vector.shape_cast %get3A_1379 : vector<1x16xf32> to vector<16xf32>
          %mul3A_1381 = arith.mulf %get3A_1380, %gather3A_1276 : vector<16xf32>
          %add3A_1382 = arith.constant 4 : i32
          %add3A_1383 = arith.addi %mul3A_807, %add3A_1382 : i32
          %swap3A_1384 = arith.index_cast %add3A_1383 : i32 to index
          %swap3A_1385 = arith.constant 112 : index
          %swap3A_1386 = tpu.vector_load %arg12[%swap3A_1384, %swap3A_1385] {strides = array<i32>} : memref<128x128xf32, #tpu.memory_space<vmem>>, vector<1x16xf32>,
          %swap3A_1387 = vector.shape_cast %swap3A_1386 : vector<1x16xf32> to vector<16xf32>
          %swap3A_1388 = vector.shape_cast %mul3A_1381 : vector<16xf32> to vector<1x16xf32>
          tpu.vector_store %arg12[%swap3A_1384, %swap3A_1385], %swap3A_1388 {strides = array<i32>} : memref<128x128xf32, #tpu.memory_space<vmem>>, vector<1x16xf32>,
          %broadcast_in_dim3A_1389 = arith.constant 5 : i32
          %broadcast_in_dim3A_1390 = vector.broadcast %broadcast_in_dim3A_1389 : i32 to vector<16x1xi32>
          %gather3A_1391 = vector.shape_cast %broadcast_in_dim3A_1390 : vector<16x1xi32> to vector<16xi32>
          %gather3A_1392 = tpu.dynamic_gather %get3A_809[%gather3A_1391] in [0] : vector<16xf32>, vector<16xi32> -> vector<16xf32>
          %add3A_1393 = arith.constant 5 : i32
          %add3A_1394 = arith.addi %mul3A_807, %add3A_1393 : i32
          %get3A_1395 = arith.index_cast %add3A_1394 : i32 to index
          %get3A_1396 = arith.constant 0 : index
          %get3A_1397 = tpu.vector_load %arg12[%get3A_1395, %get3A_1396] {strides = array<i32>} : memref<128x128xf32, #tpu.memory_space<vmem>>, vector<1x16xf32>,
          %get3A_1398 = vector.shape_cast %get3A_1397 : vector<1x16xf32> to vector<16xf32>
          %mul3A_1399 = arith.mulf %get3A_1398, %gather3A_1392 : vector<16xf32>
          %add3A_1400 = arith.constant 5 : i32
          %add3A_1401 = arith.addi %mul3A_807, %add3A_1400 : i32
          %swap3A_1402 = arith.index_cast %add3A_1401 : i32 to index
          %swap3A_1403 = arith.constant 0 : index
          %swap3A_1404 = tpu.vector_load %arg12[%swap3A_1402, %swap3A_1403] {strides = array<i32>} : memref<128x128xf32, #tpu.memory_space<vmem>>, vector<1x16xf32>,
          %swap3A_1405 = vector.shape_cast %swap3A_1404 : vector<1x16xf32> to vector<16xf32>
          %swap3A_1406 = vector.shape_cast %mul3A_1399 : vector<16xf32> to vector<1x16xf32>
          tpu.vector_store %arg12[%swap3A_1402, %swap3A_1403], %swap3A_1406 {strides = array<i32>} : memref<128x128xf32, #tpu.memory_space<vmem>>, vector<1x16xf32>,
          %add3A_1407 = arith.constant 5 : i32
          %add3A_1408 = arith.addi %mul3A_807, %add3A_1407 : i32
          %get3A_1409 = arith.index_cast %add3A_1408 : i32 to index
          %get3A_1410 = arith.constant 16 : index
          %get3A_1411 = tpu.vector_load %arg12[%get3A_1409, %get3A_1410] {strides = array<i32>} : memref<128x128xf32, #tpu.memory_space<vmem>>, vector<1x16xf32>,
          %get3A_1412 = vector.shape_cast %get3A_1411 : vector<1x16xf32> to vector<16xf32>
          %mul3A_1413 = arith.mulf %get3A_1412, %gather3A_1392 : vector<16xf32>
          %add3A_1414 = arith.constant 5 : i32
          %add3A_1415 = arith.addi %mul3A_807, %add3A_1414 : i32
          %swap3A_1416 = arith.index_cast %add3A_1415 : i32 to index
          %swap3A_1417 = arith.constant 16 : index
          %swap3A_1418 = tpu.vector_load %arg12[%swap3A_1416, %swap3A_1417] {strides = array<i32>} : memref<128x128xf32, #tpu.memory_space<vmem>>, vector<1x16xf32>,
          %swap3A_1419 = vector.shape_cast %swap3A_1418 : vector<1x16xf32> to vector<16xf32>
          %swap3A_1420 = vector.shape_cast %mul3A_1413 : vector<16xf32> to vector<1x16xf32>
          tpu.vector_store %arg12[%swap3A_1416, %swap3A_1417], %swap3A_1420 {strides = array<i32>} : memref<128x128xf32, #tpu.memory_space<vmem>>, vector<1x16xf32>,
          %add3A_1421 = arith.constant 5 : i32
          %add3A_1422 = arith.addi %mul3A_807, %add3A_1421 : i32
          %get3A_1423 = arith.index_cast %add3A_1422 : i32 to index
          %get3A_1424 = arith.constant 32 : index
          %get3A_1425 = tpu.vector_load %arg12[%get3A_1423, %get3A_1424] {strides = array<i32>} : memref<128x128xf32, #tpu.memory_space<vmem>>, vector<1x16xf32>,
          %get3A_1426 = vector.shape_cast %get3A_1425 : vector<1x16xf32> to vector<16xf32>
          %mul3A_1427 = arith.mulf %get3A_1426, %gather3A_1392 : vector<16xf32>
          %add3A_1428 = arith.constant 5 : i32
          %add3A_1429 = arith.addi %mul3A_807, %add3A_1428 : i32
          %swap3A_1430 = arith.index_cast %add3A_1429 : i32 to index
          %swap3A_1431 = arith.constant 32 : index
          %swap3A_1432 = tpu.vector_load %arg12[%swap3A_1430, %swap3A_1431] {strides = array<i32>} : memref<128x128xf32, #tpu.memory_space<vmem>>, vector<1x16xf32>,
          %swap3A_1433 = vector.shape_cast %swap3A_1432 : vector<1x16xf32> to vector<16xf32>
          %swap3A_1434 = vector.shape_cast %mul3A_1427 : vector<16xf32> to vector<1x16xf32>
          tpu.vector_store %arg12[%swap3A_1430, %swap3A_1431], %swap3A_1434 {strides = array<i32>} : memref<128x128xf32, #tpu.memory_space<vmem>>, vector<1x16xf32>,
          %add3A_1435 = arith.constant 5 : i32
          %add3A_1436 = arith.addi %mul3A_807, %add3A_1435 : i32
          %get3A_1437 = arith.index_cast %add3A_1436 : i32 to index
          %get3A_1438 = arith.constant 48 : index
          %get3A_1439 = tpu.vector_load %arg12[%get3A_1437, %get3A_1438] {strides = array<i32>} : memref<128x128xf32, #tpu.memory_space<vmem>>, vector<1x16xf32>,
          %get3A_1440 = vector.shape_cast %get3A_1439 : vector<1x16xf32> to vector<16xf32>
          %mul3A_1441 = arith.mulf %get3A_1440, %gather3A_1392 : vector<16xf32>
          %add3A_1442 = arith.constant 5 : i32
          %add3A_1443 = arith.addi %mul3A_807, %add3A_1442 : i32
          %swap3A_1444 = arith.index_cast %add3A_1443 : i32 to index
          %swap3A_1445 = arith.constant 48 : index
          %swap3A_1446 = tpu.vector_load %arg12[%swap3A_1444, %swap3A_1445] {strides = array<i32>} : memref<128x128xf32, #tpu.memory_space<vmem>>, vector<1x16xf32>,
          %swap3A_1447 = vector.shape_cast %swap3A_1446 : vector<1x16xf32> to vector<16xf32>
          %swap3A_1448 = vector.shape_cast %mul3A_1441 : vector<16xf32> to vector<1x16xf32>
          tpu.vector_store %arg12[%swap3A_1444, %swap3A_1445], %swap3A_1448 {strides = array<i32>} : memref<128x128xf32, #tpu.memory_space<vmem>>, vector<1x16xf32>,
          %add3A_1449 = arith.constant 5 : i32
          %add3A_1450 = arith.addi %mul3A_807, %add3A_1449 : i32
          %get3A_1451 = arith.index_cast %add3A_1450 : i32 to index
          %get3A_1452 = arith.constant 64 : index
          %get3A_1453 = tpu.vector_load %arg12[%get3A_1451, %get3A_1452] {strides = array<i32>} : memref<128x128xf32, #tpu.memory_space<vmem>>, vector<1x16xf32>,
          %get3A_1454 = vector.shape_cast %get3A_1453 : vector<1x16xf32> to vector<16xf32>
          %mul3A_1455 = arith.mulf %get3A_1454, %gather3A_1392 : vector<16xf32>
          %add3A_1456 = arith.constant 5 : i32
          %add3A_1457 = arith.addi %mul3A_807, %add3A_1456 : i32
          %swap3A_1458 = arith.index_cast %add3A_1457 : i32 to index
          %swap3A_1459 = arith.constant 64 : index
          %swap3A_1460 = tpu.vector_load %arg12[%swap3A_1458, %swap3A_1459] {strides = array<i32>} : memref<128x128xf32, #tpu.memory_space<vmem>>, vector<1x16xf32>,
          %swap3A_1461 = vector.shape_cast %swap3A_1460 : vector<1x16xf32> to vector<16xf32>
          %swap3A_1462 = vector.shape_cast %mul3A_1455 : vector<16xf32> to vector<1x16xf32>
          tpu.vector_store %arg12[%swap3A_1458, %swap3A_1459], %swap3A_1462 {strides = array<i32>} : memref<128x128xf32, #tpu.memory_space<vmem>>, vector<1x16xf32>,
          %add3A_1463 = arith.constant 5 : i32
          %add3A_1464 = arith.addi %mul3A_807, %add3A_1463 : i32
          %get3A_1465 = arith.index_cast %add3A_1464 : i32 to index
          %get3A_1466 = arith.constant 80 : index
          %get3A_1467 = tpu.vector_load %arg12[%get3A_1465, %get3A_1466] {strides = array<i32>} : memref<128x128xf32, #tpu.memory_space<vmem>>, vector<1x16xf32>,
          %get3A_1468 = vector.shape_cast %get3A_1467 : vector<1x16xf32> to vector<16xf32>
          %mul3A_1469 = arith.mulf %get3A_1468, %gather3A_1392 : vector<16xf32>
          %add3A_1470 = arith.constant 5 : i32
          %add3A_1471 = arith.addi %mul3A_807, %add3A_1470 : i32
          %swap3A_1472 = arith.index_cast %add3A_1471 : i32 to index
          %swap3A_1473 = arith.constant 80 : index
          %swap3A_1474 = tpu.vector_load %arg12[%swap3A_1472, %swap3A_1473] {strides = array<i32>} : memref<128x128xf32, #tpu.memory_space<vmem>>, vector<1x16xf32>,
          %swap3A_1475 = vector.shape_cast %swap3A_1474 : vector<1x16xf32> to vector<16xf32>
          %swap3A_1476 = vector.shape_cast %mul3A_1469 : vector<16xf32> to vector<1x16xf32>
          tpu.vector_store %arg12[%swap3A_1472, %swap3A_1473], %swap3A_1476 {strides = array<i32>} : memref<128x128xf32, #tpu.memory_space<vmem>>, vector<1x16xf32>,
          %add3A_1477 = arith.constant 5 : i32
          %add3A_1478 = arith.addi %mul3A_807, %add3A_1477 : i32
          %get3A_1479 = arith.index_cast %add3A_1478 : i32 to index
          %get3A_1480 = arith.constant 96 : index
          %get3A_1481 = tpu.vector_load %arg12[%get3A_1479, %get3A_1480] {strides = array<i32>} : memref<128x128xf32, #tpu.memory_space<vmem>>, vector<1x16xf32>,
          %get3A_1482 = vector.shape_cast %get3A_1481 : vector<1x16xf32> to vector<16xf32>
          %mul3A_1483 = arith.mulf %get3A_1482, %gather3A_1392 : vector<16xf32>
          %add3A_1484 = arith.constant 5 : i32
          %add3A_1485 = arith.addi %mul3A_807, %add3A_1484 : i32
          %swap3A_1486 = arith.index_cast %add3A_1485 : i32 to index
          %swap3A_1487 = arith.constant 96 : index
          %swap3A_1488 = tpu.vector_load %arg12[%swap3A_1486, %swap3A_1487] {strides = array<i32>} : memref<128x128xf32, #tpu.memory_space<vmem>>, vector<1x16xf32>,
          %swap3A_1489 = vector.shape_cast %swap3A_1488 : vector<1x16xf32> to vector<16xf32>
          %swap3A_1490 = vector.shape_cast %mul3A_1483 : vector<16xf32> to vector<1x16xf32>
          tpu.vector_store %arg12[%swap3A_1486, %swap3A_1487], %swap3A_1490 {strides = array<i32>} : memref<128x128xf32, #tpu.memory_space<vmem>>, vector<1x16xf32>,
          %add3A_1491 = arith.constant 5 : i32
          %add3A_1492 = arith.addi %mul3A_807, %add3A_1491 : i32
          %get3A_1493 = arith.index_cast %add3A_1492 : i32 to index
          %get3A_1494 = arith.constant 112 : index
          %get3A_1495 = tpu.vector_load %arg12[%get3A_1493, %get3A_1494] {strides = array<i32>} : memref<128x128xf32, #tpu.memory_space<vmem>>, vector<1x16xf32>,
          %get3A_1496 = vector.shape_cast %get3A_1495 : vector<1x16xf32> to vector<16xf32>
          %mul3A_1497 = arith.mulf %get3A_1496, %gather3A_1392 : vector<16xf32>
          %add3A_1498 = arith.constant 5 : i32
          %add3A_1499 = arith.addi %mul3A_807, %add3A_1498 : i32
          %swap3A_1500 = arith.index_cast %add3A_1499 : i32 to index
          %swap3A_1501 = arith.constant 112 : index
          %swap3A_1502 = tpu.vector_load %arg12[%swap3A_1500, %swap3A_1501] {strides = array<i32>} : memref<128x128xf32, #tpu.memory_space<vmem>>, vector<1x16xf32>,
          %swap3A_1503 = vector.shape_cast %swap3A_1502 : vector<1x16xf32> to vector<16xf32>
          %swap3A_1504 = vector.shape_cast %mul3A_1497 : vector<16xf32> to vector<1x16xf32>
          tpu.vector_store %arg12[%swap3A_1500, %swap3A_1501], %swap3A_1504 {strides = array<i32>} : memref<128x128xf32, #tpu.memory_space<vmem>>, vector<1x16xf32>,
          %broadcast_in_dim3A_1505 = arith.constant 6 : i32
          %broadcast_in_dim3A_1506 = vector.broadcast %broadcast_in_dim3A_1505 : i32 to vector<16x1xi32>
          %gather3A_1507 = vector.shape_cast %broadcast_in_dim3A_1506 : vector<16x1xi32> to vector<16xi32>
          %gather3A_1508 = tpu.dynamic_gather %get3A_809[%gather3A_1507] in [0] : vector<16xf32>, vector<16xi32> -> vector<16xf32>
          %add3A_1509 = arith.constant 6 : i32
          %add3A_1510 = arith.addi %mul3A_807, %add3A_1509 : i32
          %get3A_1511 = arith.index_cast %add3A_1510 : i32 to index
          %get3A_1512 = arith.constant 0 : index
          %get3A_1513 = tpu.vector_load %arg12[%get3A_1511, %get3A_1512] {strides = array<i32>} : memref<128x128xf32, #tpu.memory_space<vmem>>, vector<1x16xf32>,
          %get3A_1514 = vector.shape_cast %get3A_1513 : vector<1x16xf32> to vector<16xf32>
          %mul3A_1515 = arith.mulf %get3A_1514, %gather3A_1508 : vector<16xf32>
          %add3A_1516 = arith.constant 6 : i32
          %add3A_1517 = arith.addi %mul3A_807, %add3A_1516 : i32
          %swap3A_1518 = arith.index_cast %add3A_1517 : i32 to index
          %swap3A_1519 = arith.constant 0 : index
          %swap3A_1520 = tpu.vector_load %arg12[%swap3A_1518, %swap3A_1519] {strides = array<i32>} : memref<128x128xf32, #tpu.memory_space<vmem>>, vector<1x16xf32>,
          %swap3A_1521 = vector.shape_cast %swap3A_1520 : vector<1x16xf32> to vector<16xf32>
          %swap3A_1522 = vector.shape_cast %mul3A_1515 : vector<16xf32> to vector<1x16xf32>
          tpu.vector_store %arg12[%swap3A_1518, %swap3A_1519], %swap3A_1522 {strides = array<i32>} : memref<128x128xf32, #tpu.memory_space<vmem>>, vector<1x16xf32>,
          %add3A_1523 = arith.constant 6 : i32
          %add3A_1524 = arith.addi %mul3A_807, %add3A_1523 : i32
          %get3A_1525 = arith.index_cast %add3A_1524 : i32 to index
          %get3A_1526 = arith.constant 16 : index
          %get3A_1527 = tpu.vector_load %arg12[%get3A_1525, %get3A_1526] {strides = array<i32>} : memref<128x128xf32, #tpu.memory_space<vmem>>, vector<1x16xf32>,
          %get3A_1528 = vector.shape_cast %get3A_1527 : vector<1x16xf32> to vector<16xf32>
          %mul3A_1529 = arith.mulf %get3A_1528, %gather3A_1508 : vector<16xf32>
          %add3A_1530 = arith.constant 6 : i32
          %add3A_1531 = arith.addi %mul3A_807, %add3A_1530 : i32
          %swap3A_1532 = arith.index_cast %add3A_1531 : i32 to index
          %swap3A_1533 = arith.constant 16 : index
          %swap3A_1534 = tpu.vector_load %arg12[%swap3A_1532, %swap3A_1533] {strides = array<i32>} : memref<128x128xf32, #tpu.memory_space<vmem>>, vector<1x16xf32>,
          %swap3A_1535 = vector.shape_cast %swap3A_1534 : vector<1x16xf32> to vector<16xf32>
          %swap3A_1536 = vector.shape_cast %mul3A_1529 : vector<16xf32> to vector<1x16xf32>
          tpu.vector_store %arg12[%swap3A_1532, %swap3A_1533], %swap3A_1536 {strides = array<i32>} : memref<128x128xf32, #tpu.memory_space<vmem>>, vector<1x16xf32>,
          %add3A_1537 = arith.constant 6 : i32
          %add3A_1538 = arith.addi %mul3A_807, %add3A_1537 : i32
          %get3A_1539 = arith.index_cast %add3A_1538 : i32 to index
          %get3A_1540 = arith.constant 32 : index
          %get3A_1541 = tpu.vector_load %arg12[%get3A_1539, %get3A_1540] {strides = array<i32>} : memref<128x128xf32, #tpu.memory_space<vmem>>, vector<1x16xf32>,
          %get3A_1542 = vector.shape_cast %get3A_1541 : vector<1x16xf32> to vector<16xf32>
          %mul3A_1543 = arith.mulf %get3A_1542, %gather3A_1508 : vector<16xf32>
          %add3A_1544 = arith.constant 6 : i32
          %add3A_1545 = arith.addi %mul3A_807, %add3A_1544 : i32
          %swap3A_1546 = arith.index_cast %add3A_1545 : i32 to index
          %swap3A_1547 = arith.constant 32 : index
          %swap3A_1548 = tpu.vector_load %arg12[%swap3A_1546, %swap3A_1547] {strides = array<i32>} : memref<128x128xf32, #tpu.memory_space<vmem>>, vector<1x16xf32>,
          %swap3A_1549 = vector.shape_cast %swap3A_1548 : vector<1x16xf32> to vector<16xf32>
          %swap3A_1550 = vector.shape_cast %mul3A_1543 : vector<16xf32> to vector<1x16xf32>
          tpu.vector_store %arg12[%swap3A_1546, %swap3A_1547], %swap3A_1550 {strides = array<i32>} : memref<128x128xf32, #tpu.memory_space<vmem>>, vector<1x16xf32>,
          %add3A_1551 = arith.constant 6 : i32
          %add3A_1552 = arith.addi %mul3A_807, %add3A_1551 : i32
          %get3A_1553 = arith.index_cast %add3A_1552 : i32 to index
          %get3A_1554 = arith.constant 48 : index
          %get3A_1555 = tpu.vector_load %arg12[%get3A_1553, %get3A_1554] {strides = array<i32>} : memref<128x128xf32, #tpu.memory_space<vmem>>, vector<1x16xf32>,
          %get3A_1556 = vector.shape_cast %get3A_1555 : vector<1x16xf32> to vector<16xf32>
          %mul3A_1557 = arith.mulf %get3A_1556, %gather3A_1508 : vector<16xf32>
          %add3A_1558 = arith.constant 6 : i32
          %add3A_1559 = arith.addi %mul3A_807, %add3A_1558 : i32
          %swap3A_1560 = arith.index_cast %add3A_1559 : i32 to index
          %swap3A_1561 = arith.constant 48 : index
          %swap3A_1562 = tpu.vector_load %arg12[%swap3A_1560, %swap3A_1561] {strides = array<i32>} : memref<128x128xf32, #tpu.memory_space<vmem>>, vector<1x16xf32>,
          %swap3A_1563 = vector.shape_cast %swap3A_1562 : vector<1x16xf32> to vector<16xf32>
          %swap3A_1564 = vector.shape_cast %mul3A_1557 : vector<16xf32> to vector<1x16xf32>
          tpu.vector_store %arg12[%swap3A_1560, %swap3A_1561], %swap3A_1564 {strides = array<i32>} : memref<128x128xf32, #tpu.memory_space<vmem>>, vector<1x16xf32>,
          %add3A_1565 = arith.constant 6 : i32
          %add3A_1566 = arith.addi %mul3A_807, %add3A_1565 : i32
          %get3A_1567 = arith.index_cast %add3A_1566 : i32 to index
          %get3A_1568 = arith.constant 64 : index
          %get3A_1569 = tpu.vector_load %arg12[%get3A_1567, %get3A_1568] {strides = array<i32>} : memref<128x128xf32, #tpu.memory_space<vmem>>, vector<1x16xf32>,
          %get3A_1570 = vector.shape_cast %get3A_1569 : vector<1x16xf32> to vector<16xf32>
          %mul3A_1571 = arith.mulf %get3A_1570, %gather3A_1508 : vector<16xf32>
          %add3A_1572 = arith.constant 6 : i32
          %add3A_1573 = arith.addi %mul3A_807, %add3A_1572 : i32
          %swap3A_1574 = arith.index_cast %add3A_1573 : i32 to index
          %swap3A_1575 = arith.constant 64 : index
          %swap3A_1576 = tpu.vector_load %arg12[%swap3A_1574, %swap3A_1575] {strides = array<i32>} : memref<128x128xf32, #tpu.memory_space<vmem>>, vector<1x16xf32>,
          %swap3A_1577 = vector.shape_cast %swap3A_1576 : vector<1x16xf32> to vector<16xf32>
          %swap3A_1578 = vector.shape_cast %mul3A_1571 : vector<16xf32> to vector<1x16xf32>
          tpu.vector_store %arg12[%swap3A_1574, %swap3A_1575], %swap3A_1578 {strides = array<i32>} : memref<128x128xf32, #tpu.memory_space<vmem>>, vector<1x16xf32>,
          %add3A_1579 = arith.constant 6 : i32
          %add3A_1580 = arith.addi %mul3A_807, %add3A_1579 : i32
          %get3A_1581 = arith.index_cast %add3A_1580 : i32 to index
          %get3A_1582 = arith.constant 80 : index
          %get3A_1583 = tpu.vector_load %arg12[%get3A_1581, %get3A_1582] {strides = array<i32>} : memref<128x128xf32, #tpu.memory_space<vmem>>, vector<1x16xf32>,
          %get3A_1584 = vector.shape_cast %get3A_1583 : vector<1x16xf32> to vector<16xf32>
          %mul3A_1585 = arith.mulf %get3A_1584, %gather3A_1508 : vector<16xf32>
          %add3A_1586 = arith.constant 6 : i32
          %add3A_1587 = arith.addi %mul3A_807, %add3A_1586 : i32
          %swap3A_1588 = arith.index_cast %add3A_1587 : i32 to index
          %swap3A_1589 = arith.constant 80 : index
          %swap3A_1590 = tpu.vector_load %arg12[%swap3A_1588, %swap3A_1589] {strides = array<i32>} : memref<128x128xf32, #tpu.memory_space<vmem>>, vector<1x16xf32>,
          %swap3A_1591 = vector.shape_cast %swap3A_1590 : vector<1x16xf32> to vector<16xf32>
          %swap3A_1592 = vector.shape_cast %mul3A_1585 : vector<16xf32> to vector<1x16xf32>
          tpu.vector_store %arg12[%swap3A_1588, %swap3A_1589], %swap3A_1592 {strides = array<i32>} : memref<128x128xf32, #tpu.memory_space<vmem>>, vector<1x16xf32>,
          %add3A_1593 = arith.constant 6 : i32
          %add3A_1594 = arith.addi %mul3A_807, %add3A_1593 : i32
          %get3A_1595 = arith.index_cast %add3A_1594 : i32 to index
          %get3A_1596 = arith.constant 96 : index
          %get3A_1597 = tpu.vector_load %arg12[%get3A_1595, %get3A_1596] {strides = array<i32>} : memref<128x128xf32, #tpu.memory_space<vmem>>, vector<1x16xf32>,
          %get3A_1598 = vector.shape_cast %get3A_1597 : vector<1x16xf32> to vector<16xf32>
          %mul3A_1599 = arith.mulf %get3A_1598, %gather3A_1508 : vector<16xf32>
          %add3A_1600 = arith.constant 6 : i32
          %add3A_1601 = arith.addi %mul3A_807, %add3A_1600 : i32
          %swap3A_1602 = arith.index_cast %add3A_1601 : i32 to index
          %swap3A_1603 = arith.constant 96 : index
          %swap3A_1604 = tpu.vector_load %arg12[%swap3A_1602, %swap3A_1603] {strides = array<i32>} : memref<128x128xf32, #tpu.memory_space<vmem>>, vector<1x16xf32>,
          %swap3A_1605 = vector.shape_cast %swap3A_1604 : vector<1x16xf32> to vector<16xf32>
          %swap3A_1606 = vector.shape_cast %mul3A_1599 : vector<16xf32> to vector<1x16xf32>
          tpu.vector_store %arg12[%swap3A_1602, %swap3A_1603], %swap3A_1606 {strides = array<i32>} : memref<128x128xf32, #tpu.memory_space<vmem>>, vector<1x16xf32>,
          %add3A_1607 = arith.constant 6 : i32
          %add3A_1608 = arith.addi %mul3A_807, %add3A_1607 : i32
          %get3A_1609 = arith.index_cast %add3A_1608 : i32 to index
          %get3A_1610 = arith.constant 112 : index
          %get3A_1611 = tpu.vector_load %arg12[%get3A_1609, %get3A_1610] {strides = array<i32>} : memref<128x128xf32, #tpu.memory_space<vmem>>, vector<1x16xf32>,
          %get3A_1612 = vector.shape_cast %get3A_1611 : vector<1x16xf32> to vector<16xf32>
          %mul3A_1613 = arith.mulf %get3A_1612, %gather3A_1508 : vector<16xf32>
          %add3A_1614 = arith.constant 6 : i32
          %add3A_1615 = arith.addi %mul3A_807, %add3A_1614 : i32
          %swap3A_1616 = arith.index_cast %add3A_1615 : i32 to index
          %swap3A_1617 = arith.constant 112 : index
          %swap3A_1618 = tpu.vector_load %arg12[%swap3A_1616, %swap3A_1617] {strides = array<i32>} : memref<128x128xf32, #tpu.memory_space<vmem>>, vector<1x16xf32>,
          %swap3A_1619 = vector.shape_cast %swap3A_1618 : vector<1x16xf32> to vector<16xf32>
          %swap3A_1620 = vector.shape_cast %mul3A_1613 : vector<16xf32> to vector<1x16xf32>
          tpu.vector_store %arg12[%swap3A_1616, %swap3A_1617], %swap3A_1620 {strides = array<i32>} : memref<128x128xf32, #tpu.memory_space<vmem>>, vector<1x16xf32>,
          %broadcast_in_dim3A_1621 = arith.constant 7 : i32
          %broadcast_in_dim3A_1622 = vector.broadcast %broadcast_in_dim3A_1621 : i32 to vector<16x1xi32>
          %gather3A_1623 = vector.shape_cast %broadcast_in_dim3A_1622 : vector<16x1xi32> to vector<16xi32>
          %gather3A_1624 = tpu.dynamic_gather %get3A_809[%gather3A_1623] in [0] : vector<16xf32>, vector<16xi32> -> vector<16xf32>
          %add3A_1625 = arith.constant 7 : i32
          %add3A_1626 = arith.addi %mul3A_807, %add3A_1625 : i32
          %get3A_1627 = arith.index_cast %add3A_1626 : i32 to index
          %get3A_1628 = arith.constant 0 : index
          %get3A_1629 = tpu.vector_load %arg12[%get3A_1627, %get3A_1628] {strides = array<i32>} : memref<128x128xf32, #tpu.memory_space<vmem>>, vector<1x16xf32>,
          %get3A_1630 = vector.shape_cast %get3A_1629 : vector<1x16xf32> to vector<16xf32>
          %mul3A_1631 = arith.mulf %get3A_1630, %gather3A_1624 : vector<16xf32>
          %add3A_1632 = arith.constant 7 : i32
          %add3A_1633 = arith.addi %mul3A_807, %add3A_1632 : i32
          %swap3A_1634 = arith.index_cast %add3A_1633 : i32 to index
          %swap3A_1635 = arith.constant 0 : index
          %swap3A_1636 = tpu.vector_load %arg12[%swap3A_1634, %swap3A_1635] {strides = array<i32>} : memref<128x128xf32, #tpu.memory_space<vmem>>, vector<1x16xf32>,
          %swap3A_1637 = vector.shape_cast %swap3A_1636 : vector<1x16xf32> to vector<16xf32>
          %swap3A_1638 = vector.shape_cast %mul3A_1631 : vector<16xf32> to vector<1x16xf32>
          tpu.vector_store %arg12[%swap3A_1634, %swap3A_1635], %swap3A_1638 {strides = array<i32>} : memref<128x128xf32, #tpu.memory_space<vmem>>, vector<1x16xf32>,
          %add3A_1639 = arith.constant 7 : i32
          %add3A_1640 = arith.addi %mul3A_807, %add3A_1639 : i32
          %get3A_1641 = arith.index_cast %add3A_1640 : i32 to index
          %get3A_1642 = arith.constant 16 : index
          %get3A_1643 = tpu.vector_load %arg12[%get3A_1641, %get3A_1642] {strides = array<i32>} : memref<128x128xf32, #tpu.memory_space<vmem>>, vector<1x16xf32>,
          %get3A_1644 = vector.shape_cast %get3A_1643 : vector<1x16xf32> to vector<16xf32>
          %mul3A_1645 = arith.mulf %get3A_1644, %gather3A_1624 : vector<16xf32>
          %add3A_1646 = arith.constant 7 : i32
          %add3A_1647 = arith.addi %mul3A_807, %add3A_1646 : i32
          %swap3A_1648 = arith.index_cast %add3A_1647 : i32 to index
          %swap3A_1649 = arith.constant 16 : index
          %swap3A_1650 = tpu.vector_load %arg12[%swap3A_1648, %swap3A_1649] {strides = array<i32>} : memref<128x128xf32, #tpu.memory_space<vmem>>, vector<1x16xf32>,
          %swap3A_1651 = vector.shape_cast %swap3A_1650 : vector<1x16xf32> to vector<16xf32>
          %swap3A_1652 = vector.shape_cast %mul3A_1645 : vector<16xf32> to vector<1x16xf32>
          tpu.vector_store %arg12[%swap3A_1648, %swap3A_1649], %swap3A_1652 {strides = array<i32>} : memref<128x128xf32, #tpu.memory_space<vmem>>, vector<1x16xf32>,
          %add3A_1653 = arith.constant 7 : i32
          %add3A_1654 = arith.addi %mul3A_807, %add3A_1653 : i32
          %get3A_1655 = arith.index_cast %add3A_1654 : i32 to index
          %get3A_1656 = arith.constant 32 : index
          %get3A_1657 = tpu.vector_load %arg12[%get3A_1655, %get3A_1656] {strides = array<i32>} : memref<128x128xf32, #tpu.memory_space<vmem>>, vector<1x16xf32>,
          %get3A_1658 = vector.shape_cast %get3A_1657 : vector<1x16xf32> to vector<16xf32>
          %mul3A_1659 = arith.mulf %get3A_1658, %gather3A_1624 : vector<16xf32>
          %add3A_1660 = arith.constant 7 : i32
          %add3A_1661 = arith.addi %mul3A_807, %add3A_1660 : i32
          %swap3A_1662 = arith.index_cast %add3A_1661 : i32 to index
          %swap3A_1663 = arith.constant 32 : index
          %swap3A_1664 = tpu.vector_load %arg12[%swap3A_1662, %swap3A_1663] {strides = array<i32>} : memref<128x128xf32, #tpu.memory_space<vmem>>, vector<1x16xf32>,
          %swap3A_1665 = vector.shape_cast %swap3A_1664 : vector<1x16xf32> to vector<16xf32>
          %swap3A_1666 = vector.shape_cast %mul3A_1659 : vector<16xf32> to vector<1x16xf32>
          tpu.vector_store %arg12[%swap3A_1662, %swap3A_1663], %swap3A_1666 {strides = array<i32>} : memref<128x128xf32, #tpu.memory_space<vmem>>, vector<1x16xf32>,
          %add3A_1667 = arith.constant 7 : i32
          %add3A_1668 = arith.addi %mul3A_807, %add3A_1667 : i32
          %get3A_1669 = arith.index_cast %add3A_1668 : i32 to index
          %get3A_1670 = arith.constant 48 : index
          %get3A_1671 = tpu.vector_load %arg12[%get3A_1669, %get3A_1670] {strides = array<i32>} : memref<128x128xf32, #tpu.memory_space<vmem>>, vector<1x16xf32>,
          %get3A_1672 = vector.shape_cast %get3A_1671 : vector<1x16xf32> to vector<16xf32>
          %mul3A_1673 = arith.mulf %get3A_1672, %gather3A_1624 : vector<16xf32>
          %add3A_1674 = arith.constant 7 : i32
          %add3A_1675 = arith.addi %mul3A_807, %add3A_1674 : i32
          %swap3A_1676 = arith.index_cast %add3A_1675 : i32 to index
          %swap3A_1677 = arith.constant 48 : index
          %swap3A_1678 = tpu.vector_load %arg12[%swap3A_1676, %swap3A_1677] {strides = array<i32>} : memref<128x128xf32, #tpu.memory_space<vmem>>, vector<1x16xf32>,
          %swap3A_1679 = vector.shape_cast %swap3A_1678 : vector<1x16xf32> to vector<16xf32>
          %swap3A_1680 = vector.shape_cast %mul3A_1673 : vector<16xf32> to vector<1x16xf32>
          tpu.vector_store %arg12[%swap3A_1676, %swap3A_1677], %swap3A_1680 {strides = array<i32>} : memref<128x128xf32, #tpu.memory_space<vmem>>, vector<1x16xf32>,
          %add3A_1681 = arith.constant 7 : i32
          %add3A_1682 = arith.addi %mul3A_807, %add3A_1681 : i32
          %get3A_1683 = arith.index_cast %add3A_1682 : i32 to index
          %get3A_1684 = arith.constant 64 : index
          %get3A_1685 = tpu.vector_load %arg12[%get3A_1683, %get3A_1684] {strides = array<i32>} : memref<128x128xf32, #tpu.memory_space<vmem>>, vector<1x16xf32>,
          %get3A_1686 = vector.shape_cast %get3A_1685 : vector<1x16xf32> to vector<16xf32>
          %mul3A_1687 = arith.mulf %get3A_1686, %gather3A_1624 : vector<16xf32>
          %add3A_1688 = arith.constant 7 : i32
          %add3A_1689 = arith.addi %mul3A_807, %add3A_1688 : i32
          %swap3A_1690 = arith.index_cast %add3A_1689 : i32 to index
          %swap3A_1691 = arith.constant 64 : index
          %swap3A_1692 = tpu.vector_load %arg12[%swap3A_1690, %swap3A_1691] {strides = array<i32>} : memref<128x128xf32, #tpu.memory_space<vmem>>, vector<1x16xf32>,
          %swap3A_1693 = vector.shape_cast %swap3A_1692 : vector<1x16xf32> to vector<16xf32>
          %swap3A_1694 = vector.shape_cast %mul3A_1687 : vector<16xf32> to vector<1x16xf32>
          tpu.vector_store %arg12[%swap3A_1690, %swap3A_1691], %swap3A_1694 {strides = array<i32>} : memref<128x128xf32, #tpu.memory_space<vmem>>, vector<1x16xf32>,
          %add3A_1695 = arith.constant 7 : i32
          %add3A_1696 = arith.addi %mul3A_807, %add3A_1695 : i32
          %get3A_1697 = arith.index_cast %add3A_1696 : i32 to index
          %get3A_1698 = arith.constant 80 : index
          %get3A_1699 = tpu.vector_load %arg12[%get3A_1697, %get3A_1698] {strides = array<i32>} : memref<128x128xf32, #tpu.memory_space<vmem>>, vector<1x16xf32>,
          %get3A_1700 = vector.shape_cast %get3A_1699 : vector<1x16xf32> to vector<16xf32>
          %mul3A_1701 = arith.mulf %get3A_1700, %gather3A_1624 : vector<16xf32>
          %add3A_1702 = arith.constant 7 : i32
          %add3A_1703 = arith.addi %mul3A_807, %add3A_1702 : i32
          %swap3A_1704 = arith.index_cast %add3A_1703 : i32 to index
          %swap3A_1705 = arith.constant 80 : index
          %swap3A_1706 = tpu.vector_load %arg12[%swap3A_1704, %swap3A_1705] {strides = array<i32>} : memref<128x128xf32, #tpu.memory_space<vmem>>, vector<1x16xf32>,
          %swap3A_1707 = vector.shape_cast %swap3A_1706 : vector<1x16xf32> to vector<16xf32>
          %swap3A_1708 = vector.shape_cast %mul3A_1701 : vector<16xf32> to vector<1x16xf32>
          tpu.vector_store %arg12[%swap3A_1704, %swap3A_1705], %swap3A_1708 {strides = array<i32>} : memref<128x128xf32, #tpu.memory_space<vmem>>, vector<1x16xf32>,
          %add3A_1709 = arith.constant 7 : i32
          %add3A_1710 = arith.addi %mul3A_807, %add3A_1709 : i32
          %get3A_1711 = arith.index_cast %add3A_1710 : i32 to index
          %get3A_1712 = arith.constant 96 : index
          %get3A_1713 = tpu.vector_load %arg12[%get3A_1711, %get3A_1712] {strides = array<i32>} : memref<128x128xf32, #tpu.memory_space<vmem>>, vector<1x16xf32>,
          %get3A_1714 = vector.shape_cast %get3A_1713 : vector<1x16xf32> to vector<16xf32>
          %mul3A_1715 = arith.mulf %get3A_1714, %gather3A_1624 : vector<16xf32>
          %add3A_1716 = arith.constant 7 : i32
          %add3A_1717 = arith.addi %mul3A_807, %add3A_1716 : i32
          %swap3A_1718 = arith.index_cast %add3A_1717 : i32 to index
          %swap3A_1719 = arith.constant 96 : index
          %swap3A_1720 = tpu.vector_load %arg12[%swap3A_1718, %swap3A_1719] {strides = array<i32>} : memref<128x128xf32, #tpu.memory_space<vmem>>, vector<1x16xf32>,
          %swap3A_1721 = vector.shape_cast %swap3A_1720 : vector<1x16xf32> to vector<16xf32>
          %swap3A_1722 = vector.shape_cast %mul3A_1715 : vector<16xf32> to vector<1x16xf32>
          tpu.vector_store %arg12[%swap3A_1718, %swap3A_1719], %swap3A_1722 {strides = array<i32>} : memref<128x128xf32, #tpu.memory_space<vmem>>, vector<1x16xf32>,
          %add3A_1723 = arith.constant 7 : i32
          %add3A_1724 = arith.addi %mul3A_807, %add3A_1723 : i32
          %get3A_1725 = arith.index_cast %add3A_1724 : i32 to index
          %get3A_1726 = arith.constant 112 : index
          %get3A_1727 = tpu.vector_load %arg12[%get3A_1725, %get3A_1726] {strides = array<i32>} : memref<128x128xf32, #tpu.memory_space<vmem>>, vector<1x16xf32>,
          %get3A_1728 = vector.shape_cast %get3A_1727 : vector<1x16xf32> to vector<16xf32>
          %mul3A_1729 = arith.mulf %get3A_1728, %gather3A_1624 : vector<16xf32>
          %add3A_1730 = arith.constant 7 : i32
          %add3A_1731 = arith.addi %mul3A_807, %add3A_1730 : i32
          %swap3A_1732 = arith.index_cast %add3A_1731 : i32 to index
          %swap3A_1733 = arith.constant 112 : index
          %swap3A_1734 = tpu.vector_load %arg12[%swap3A_1732, %swap3A_1733] {strides = array<i32>} : memref<128x128xf32, #tpu.memory_space<vmem>>, vector<1x16xf32>,
          %swap3A_1735 = vector.shape_cast %swap3A_1734 : vector<1x16xf32> to vector<16xf32>
          %swap3A_1736 = vector.shape_cast %mul3A_1729 : vector<16xf32> to vector<1x16xf32>
          tpu.vector_store %arg12[%swap3A_1732, %swap3A_1733], %swap3A_1736 {strides = array<i32>} : memref<128x128xf32, #tpu.memory_space<vmem>>, vector<1x16xf32>,
          %broadcast_in_dim3A_1737 = arith.constant 8 : i32
          %broadcast_in_dim3A_1738 = vector.broadcast %broadcast_in_dim3A_1737 : i32 to vector<16x1xi32>
          %gather3A_1739 = vector.shape_cast %broadcast_in_dim3A_1738 : vector<16x1xi32> to vector<16xi32>
          %gather3A_1740 = tpu.dynamic_gather %get3A_809[%gather3A_1739] in [0] : vector<16xf32>, vector<16xi32> -> vector<16xf32>
          %add3A_1741 = arith.constant 8 : i32
          %add3A_1742 = arith.addi %mul3A_807, %add3A_1741 : i32
          %get3A_1743 = arith.index_cast %add3A_1742 : i32 to index
          %get3A_1744 = arith.constant 0 : index
          %get3A_1745 = tpu.vector_load %arg12[%get3A_1743, %get3A_1744] {strides = array<i32>} : memref<128x128xf32, #tpu.memory_space<vmem>>, vector<1x16xf32>,
          %get3A_1746 = vector.shape_cast %get3A_1745 : vector<1x16xf32> to vector<16xf32>
          %mul3A_1747 = arith.mulf %get3A_1746, %gather3A_1740 : vector<16xf32>
          %add3A_1748 = arith.constant 8 : i32
          %add3A_1749 = arith.addi %mul3A_807, %add3A_1748 : i32
          %swap3A_1750 = arith.index_cast %add3A_1749 : i32 to index
          %swap3A_1751 = arith.constant 0 : index
          %swap3A_1752 = tpu.vector_load %arg12[%swap3A_1750, %swap3A_1751] {strides = array<i32>} : memref<128x128xf32, #tpu.memory_space<vmem>>, vector<1x16xf32>,
          %swap3A_1753 = vector.shape_cast %swap3A_1752 : vector<1x16xf32> to vector<16xf32>
          %swap3A_1754 = vector.shape_cast %mul3A_1747 : vector<16xf32> to vector<1x16xf32>
          tpu.vector_store %arg12[%swap3A_1750, %swap3A_1751], %swap3A_1754 {strides = array<i32>} : memref<128x128xf32, #tpu.memory_space<vmem>>, vector<1x16xf32>,
          %add3A_1755 = arith.constant 8 : i32
          %add3A_1756 = arith.addi %mul3A_807, %add3A_1755 : i32
          %get3A_1757 = arith.index_cast %add3A_1756 : i32 to index
          %get3A_1758 = arith.constant 16 : index
          %get3A_1759 = tpu.vector_load %arg12[%get3A_1757, %get3A_1758] {strides = array<i32>} : memref<128x128xf32, #tpu.memory_space<vmem>>, vector<1x16xf32>,
          %get3A_1760 = vector.shape_cast %get3A_1759 : vector<1x16xf32> to vector<16xf32>
          %mul3A_1761 = arith.mulf %get3A_1760, %gather3A_1740 : vector<16xf32>
          %add3A_1762 = arith.constant 8 : i32
          %add3A_1763 = arith.addi %mul3A_807, %add3A_1762 : i32
          %swap3A_1764 = arith.index_cast %add3A_1763 : i32 to index
          %swap3A_1765 = arith.constant 16 : index
          %swap3A_1766 = tpu.vector_load %arg12[%swap3A_1764, %swap3A_1765] {strides = array<i32>} : memref<128x128xf32, #tpu.memory_space<vmem>>, vector<1x16xf32>,
          %swap3A_1767 = vector.shape_cast %swap3A_1766 : vector<1x16xf32> to vector<16xf32>
          %swap3A_1768 = vector.shape_cast %mul3A_1761 : vector<16xf32> to vector<1x16xf32>
          tpu.vector_store %arg12[%swap3A_1764, %swap3A_1765], %swap3A_1768 {strides = array<i32>} : memref<128x128xf32, #tpu.memory_space<vmem>>, vector<1x16xf32>,
          %add3A_1769 = arith.constant 8 : i32
          %add3A_1770 = arith.addi %mul3A_807, %add3A_1769 : i32
          %get3A_1771 = arith.index_cast %add3A_1770 : i32 to index
          %get3A_1772 = arith.constant 32 : index
          %get3A_1773 = tpu.vector_load %arg12[%get3A_1771, %get3A_1772] {strides = array<i32>} : memref<128x128xf32, #tpu.memory_space<vmem>>, vector<1x16xf32>,
          %get3A_1774 = vector.shape_cast %get3A_1773 : vector<1x16xf32> to vector<16xf32>
          %mul3A_1775 = arith.mulf %get3A_1774, %gather3A_1740 : vector<16xf32>
          %add3A_1776 = arith.constant 8 : i32
          %add3A_1777 = arith.addi %mul3A_807, %add3A_1776 : i32
          %swap3A_1778 = arith.index_cast %add3A_1777 : i32 to index
          %swap3A_1779 = arith.constant 32 : index
          %swap3A_1780 = tpu.vector_load %arg12[%swap3A_1778, %swap3A_1779] {strides = array<i32>} : memref<128x128xf32, #tpu.memory_space<vmem>>, vector<1x16xf32>,
          %swap3A_1781 = vector.shape_cast %swap3A_1780 : vector<1x16xf32> to vector<16xf32>
          %swap3A_1782 = vector.shape_cast %mul3A_1775 : vector<16xf32> to vector<1x16xf32>
          tpu.vector_store %arg12[%swap3A_1778, %swap3A_1779], %swap3A_1782 {strides = array<i32>} : memref<128x128xf32, #tpu.memory_space<vmem>>, vector<1x16xf32>,
          %add3A_1783 = arith.constant 8 : i32
          %add3A_1784 = arith.addi %mul3A_807, %add3A_1783 : i32
          %get3A_1785 = arith.index_cast %add3A_1784 : i32 to index
          %get3A_1786 = arith.constant 48 : index
          %get3A_1787 = tpu.vector_load %arg12[%get3A_1785, %get3A_1786] {strides = array<i32>} : memref<128x128xf32, #tpu.memory_space<vmem>>, vector<1x16xf32>,
          %get3A_1788 = vector.shape_cast %get3A_1787 : vector<1x16xf32> to vector<16xf32>
          %mul3A_1789 = arith.mulf %get3A_1788, %gather3A_1740 : vector<16xf32>
          %add3A_1790 = arith.constant 8 : i32
          %add3A_1791 = arith.addi %mul3A_807, %add3A_1790 : i32
          %swap3A_1792 = arith.index_cast %add3A_1791 : i32 to index
          %swap3A_1793 = arith.constant 48 : index
          %swap3A_1794 = tpu.vector_load %arg12[%swap3A_1792, %swap3A_1793] {strides = array<i32>} : memref<128x128xf32, #tpu.memory_space<vmem>>, vector<1x16xf32>,
          %swap3A_1795 = vector.shape_cast %swap3A_1794 : vector<1x16xf32> to vector<16xf32>
          %swap3A_1796 = vector.shape_cast %mul3A_1789 : vector<16xf32> to vector<1x16xf32>
          tpu.vector_store %arg12[%swap3A_1792, %swap3A_1793], %swap3A_1796 {strides = array<i32>} : memref<128x128xf32, #tpu.memory_space<vmem>>, vector<1x16xf32>,
          %add3A_1797 = arith.constant 8 : i32
          %add3A_1798 = arith.addi %mul3A_807, %add3A_1797 : i32
          %get3A_1799 = arith.index_cast %add3A_1798 : i32 to index
          %get3A_1800 = arith.constant 64 : index
          %get3A_1801 = tpu.vector_load %arg12[%get3A_1799, %get3A_1800] {strides = array<i32>} : memref<128x128xf32, #tpu.memory_space<vmem>>, vector<1x16xf32>,
          %get3A_1802 = vector.shape_cast %get3A_1801 : vector<1x16xf32> to vector<16xf32>
          %mul3A_1803 = arith.mulf %get3A_1802, %gather3A_1740 : vector<16xf32>
          %add3A_1804 = arith.constant 8 : i32
          %add3A_1805 = arith.addi %mul3A_807, %add3A_1804 : i32
          %swap3A_1806 = arith.index_cast %add3A_1805 : i32 to index
          %swap3A_1807 = arith.constant 64 : index
          %swap3A_1808 = tpu.vector_load %arg12[%swap3A_1806, %swap3A_1807] {strides = array<i32>} : memref<128x128xf32, #tpu.memory_space<vmem>>, vector<1x16xf32>,
          %swap3A_1809 = vector.shape_cast %swap3A_1808 : vector<1x16xf32> to vector<16xf32>
          %swap3A_1810 = vector.shape_cast %mul3A_1803 : vector<16xf32> to vector<1x16xf32>
          tpu.vector_store %arg12[%swap3A_1806, %swap3A_1807], %swap3A_1810 {strides = array<i32>} : memref<128x128xf32, #tpu.memory_space<vmem>>, vector<1x16xf32>,
          %add3A_1811 = arith.constant 8 : i32
          %add3A_1812 = arith.addi %mul3A_807, %add3A_1811 : i32
          %get3A_1813 = arith.index_cast %add3A_1812 : i32 to index
          %get3A_1814 = arith.constant 80 : index
          %get3A_1815 = tpu.vector_load %arg12[%get3A_1813, %get3A_1814] {strides = array<i32>} : memref<128x128xf32, #tpu.memory_space<vmem>>, vector<1x16xf32>,
          %get3A_1816 = vector.shape_cast %get3A_1815 : vector<1x16xf32> to vector<16xf32>
          %mul3A_1817 = arith.mulf %get3A_1816, %gather3A_1740 : vector<16xf32>
          %add3A_1818 = arith.constant 8 : i32
          %add3A_1819 = arith.addi %mul3A_807, %add3A_1818 : i32
          %swap3A_1820 = arith.index_cast %add3A_1819 : i32 to index
          %swap3A_1821 = arith.constant 80 : index
          %swap3A_1822 = tpu.vector_load %arg12[%swap3A_1820, %swap3A_1821] {strides = array<i32>} : memref<128x128xf32, #tpu.memory_space<vmem>>, vector<1x16xf32>,
          %swap3A_1823 = vector.shape_cast %swap3A_1822 : vector<1x16xf32> to vector<16xf32>
          %swap3A_1824 = vector.shape_cast %mul3A_1817 : vector<16xf32> to vector<1x16xf32>
          tpu.vector_store %arg12[%swap3A_1820, %swap3A_1821], %swap3A_1824 {strides = array<i32>} : memref<128x128xf32, #tpu.memory_space<vmem>>, vector<1x16xf32>,
          %add3A_1825 = arith.constant 8 : i32
          %add3A_1826 = arith.addi %mul3A_807, %add3A_1825 : i32
          %get3A_1827 = arith.index_cast %add3A_1826 : i32 to index
          %get3A_1828 = arith.constant 96 : index
          %get3A_1829 = tpu.vector_load %arg12[%get3A_1827, %get3A_1828] {strides = array<i32>} : memref<128x128xf32, #tpu.memory_space<vmem>>, vector<1x16xf32>,
          %get3A_1830 = vector.shape_cast %get3A_1829 : vector<1x16xf32> to vector<16xf32>
          %mul3A_1831 = arith.mulf %get3A_1830, %gather3A_1740 : vector<16xf32>
          %add3A_1832 = arith.constant 8 : i32
          %add3A_1833 = arith.addi %mul3A_807, %add3A_1832 : i32
          %swap3A_1834 = arith.index_cast %add3A_1833 : i32 to index
          %swap3A_1835 = arith.constant 96 : index
          %swap3A_1836 = tpu.vector_load %arg12[%swap3A_1834, %swap3A_1835] {strides = array<i32>} : memref<128x128xf32, #tpu.memory_space<vmem>>, vector<1x16xf32>,
          %swap3A_1837 = vector.shape_cast %swap3A_1836 : vector<1x16xf32> to vector<16xf32>
          %swap3A_1838 = vector.shape_cast %mul3A_1831 : vector<16xf32> to vector<1x16xf32>
          tpu.vector_store %arg12[%swap3A_1834, %swap3A_1835], %swap3A_1838 {strides = array<i32>} : memref<128x128xf32, #tpu.memory_space<vmem>>, vector<1x16xf32>,
          %add3A_1839 = arith.constant 8 : i32
          %add3A_1840 = arith.addi %mul3A_807, %add3A_1839 : i32
          %get3A_1841 = arith.index_cast %add3A_1840 : i32 to index
          %get3A_1842 = arith.constant 112 : index
          %get3A_1843 = tpu.vector_load %arg12[%get3A_1841, %get3A_1842] {strides = array<i32>} : memref<128x128xf32, #tpu.memory_space<vmem>>, vector<1x16xf32>,
          %get3A_1844 = vector.shape_cast %get3A_1843 : vector<1x16xf32> to vector<16xf32>
          %mul3A_1845 = arith.mulf %get3A_1844, %gather3A_1740 : vector<16xf32>
          %add3A_1846 = arith.constant 8 : i32
          %add3A_1847 = arith.addi %mul3A_807, %add3A_1846 : i32
          %swap3A_1848 = arith.index_cast %add3A_1847 : i32 to index
          %swap3A_1849 = arith.constant 112 : index
          %swap3A_1850 = tpu.vector_load %arg12[%swap3A_1848, %swap3A_1849] {strides = array<i32>} : memref<128x128xf32, #tpu.memory_space<vmem>>, vector<1x16xf32>,
          %swap3A_1851 = vector.shape_cast %swap3A_1850 : vector<1x16xf32> to vector<16xf32>
          %swap3A_1852 = vector.shape_cast %mul3A_1845 : vector<16xf32> to vector<1x16xf32>
          tpu.vector_store %arg12[%swap3A_1848, %swap3A_1849], %swap3A_1852 {strides = array<i32>} : memref<128x128xf32, #tpu.memory_space<vmem>>, vector<1x16xf32>,
          %broadcast_in_dim3A_1853 = arith.constant 9 : i32
          %broadcast_in_dim3A_1854 = vector.broadcast %broadcast_in_dim3A_1853 : i32 to vector<16x1xi32>
          %gather3A_1855 = vector.shape_cast %broadcast_in_dim3A_1854 : vector<16x1xi32> to vector<16xi32>
          %gather3A_1856 = tpu.dynamic_gather %get3A_809[%gather3A_1855] in [0] : vector<16xf32>, vector<16xi32> -> vector<16xf32>
          %add3A_1857 = arith.constant 9 : i32
          %add3A_1858 = arith.addi %mul3A_807, %add3A_1857 : i32
          %get3A_1859 = arith.index_cast %add3A_1858 : i32 to index
          %get3A_1860 = arith.constant 0 : index
          %get3A_1861 = tpu.vector_load %arg12[%get3A_1859, %get3A_1860] {strides = array<i32>} : memref<128x128xf32, #tpu.memory_space<vmem>>, vector<1x16xf32>,
          %get3A_1862 = vector.shape_cast %get3A_1861 : vector<1x16xf32> to vector<16xf32>
          %mul3A_1863 = arith.mulf %get3A_1862, %gather3A_1856 : vector<16xf32>
          %add3A_1864 = arith.constant 9 : i32
          %add3A_1865 = arith.addi %mul3A_807, %add3A_1864 : i32
          %swap3A_1866 = arith.index_cast %add3A_1865 : i32 to index
          %swap3A_1867 = arith.constant 0 : index
          %swap3A_1868 = tpu.vector_load %arg12[%swap3A_1866, %swap3A_1867] {strides = array<i32>} : memref<128x128xf32, #tpu.memory_space<vmem>>, vector<1x16xf32>,
          %swap3A_1869 = vector.shape_cast %swap3A_1868 : vector<1x16xf32> to vector<16xf32>
          %swap3A_1870 = vector.shape_cast %mul3A_1863 : vector<16xf32> to vector<1x16xf32>
          tpu.vector_store %arg12[%swap3A_1866, %swap3A_1867], %swap3A_1870 {strides = array<i32>} : memref<128x128xf32, #tpu.memory_space<vmem>>, vector<1x16xf32>,
          %add3A_1871 = arith.constant 9 : i32
          %add3A_1872 = arith.addi %mul3A_807, %add3A_1871 : i32
          %get3A_1873 = arith.index_cast %add3A_1872 : i32 to index
          %get3A_1874 = arith.constant 16 : index
          %get3A_1875 = tpu.vector_load %arg12[%get3A_1873, %get3A_1874] {strides = array<i32>} : memref<128x128xf32, #tpu.memory_space<vmem>>, vector<1x16xf32>,
          %get3A_1876 = vector.shape_cast %get3A_1875 : vector<1x16xf32> to vector<16xf32>
          %mul3A_1877 = arith.mulf %get3A_1876, %gather3A_1856 : vector<16xf32>
          %add3A_1878 = arith.constant 9 : i32
          %add3A_1879 = arith.addi %mul3A_807, %add3A_1878 : i32
          %swap3A_1880 = arith.index_cast %add3A_1879 : i32 to index
          %swap3A_1881 = arith.constant 16 : index
          %swap3A_1882 = tpu.vector_load %arg12[%swap3A_1880, %swap3A_1881] {strides = array<i32>} : memref<128x128xf32, #tpu.memory_space<vmem>>, vector<1x16xf32>,
          %swap3A_1883 = vector.shape_cast %swap3A_1882 : vector<1x16xf32> to vector<16xf32>
          %swap3A_1884 = vector.shape_cast %mul3A_1877 : vector<16xf32> to vector<1x16xf32>
          tpu.vector_store %arg12[%swap3A_1880, %swap3A_1881], %swap3A_1884 {strides = array<i32>} : memref<128x128xf32, #tpu.memory_space<vmem>>, vector<1x16xf32>,
          %add3A_1885 = arith.constant 9 : i32
          %add3A_1886 = arith.addi %mul3A_807, %add3A_1885 : i32
          %get3A_1887 = arith.index_cast %add3A_1886 : i32 to index
          %get3A_1888 = arith.constant 32 : index
          %get3A_1889 = tpu.vector_load %arg12[%get3A_1887, %get3A_1888] {strides = array<i32>} : memref<128x128xf32, #tpu.memory_space<vmem>>, vector<1x16xf32>,
          %get3A_1890 = vector.shape_cast %get3A_1889 : vector<1x16xf32> to vector<16xf32>
          %mul3A_1891 = arith.mulf %get3A_1890, %gather3A_1856 : vector<16xf32>
          %add3A_1892 = arith.constant 9 : i32
          %add3A_1893 = arith.addi %mul3A_807, %add3A_1892 : i32
          %swap3A_1894 = arith.index_cast %add3A_1893 : i32 to index
          %swap3A_1895 = arith.constant 32 : index
          %swap3A_1896 = tpu.vector_load %arg12[%swap3A_1894, %swap3A_1895] {strides = array<i32>} : memref<128x128xf32, #tpu.memory_space<vmem>>, vector<1x16xf32>,
          %swap3A_1897 = vector.shape_cast %swap3A_1896 : vector<1x16xf32> to vector<16xf32>
          %swap3A_1898 = vector.shape_cast %mul3A_1891 : vector<16xf32> to vector<1x16xf32>
          tpu.vector_store %arg12[%swap3A_1894, %swap3A_1895], %swap3A_1898 {strides = array<i32>} : memref<128x128xf32, #tpu.memory_space<vmem>>, vector<1x16xf32>,
          %add3A_1899 = arith.constant 9 : i32
          %add3A_1900 = arith.addi %mul3A_807, %add3A_1899 : i32
          %get3A_1901 = arith.index_cast %add3A_1900 : i32 to index
          %get3A_1902 = arith.constant 48 : index
          %get3A_1903 = tpu.vector_load %arg12[%get3A_1901, %get3A_1902] {strides = array<i32>} : memref<128x128xf32, #tpu.memory_space<vmem>>, vector<1x16xf32>,
          %get3A_1904 = vector.shape_cast %get3A_1903 : vector<1x16xf32> to vector<16xf32>
          %mul3A_1905 = arith.mulf %get3A_1904, %gather3A_1856 : vector<16xf32>
          %add3A_1906 = arith.constant 9 : i32
          %add3A_1907 = arith.addi %mul3A_807, %add3A_1906 : i32
          %swap3A_1908 = arith.index_cast %add3A_1907 : i32 to index
          %swap3A_1909 = arith.constant 48 : index
          %swap3A_1910 = tpu.vector_load %arg12[%swap3A_1908, %swap3A_1909] {strides = array<i32>} : memref<128x128xf32, #tpu.memory_space<vmem>>, vector<1x16xf32>,
          %swap3A_1911 = vector.shape_cast %swap3A_1910 : vector<1x16xf32> to vector<16xf32>
          %swap3A_1912 = vector.shape_cast %mul3A_1905 : vector<16xf32> to vector<1x16xf32>
          tpu.vector_store %arg12[%swap3A_1908, %swap3A_1909], %swap3A_1912 {strides = array<i32>} : memref<128x128xf32, #tpu.memory_space<vmem>>, vector<1x16xf32>,
          %add3A_1913 = arith.constant 9 : i32
          %add3A_1914 = arith.addi %mul3A_807, %add3A_1913 : i32
          %get3A_1915 = arith.index_cast %add3A_1914 : i32 to index
          %get3A_1916 = arith.constant 64 : index
          %get3A_1917 = tpu.vector_load %arg12[%get3A_1915, %get3A_1916] {strides = array<i32>} : memref<128x128xf32, #tpu.memory_space<vmem>>, vector<1x16xf32>,
          %get3A_1918 = vector.shape_cast %get3A_1917 : vector<1x16xf32> to vector<16xf32>
          %mul3A_1919 = arith.mulf %get3A_1918, %gather3A_1856 : vector<16xf32>
          %add3A_1920 = arith.constant 9 : i32
          %add3A_1921 = arith.addi %mul3A_807, %add3A_1920 : i32
          %swap3A_1922 = arith.index_cast %add3A_1921 : i32 to index
          %swap3A_1923 = arith.constant 64 : index
          %swap3A_1924 = tpu.vector_load %arg12[%swap3A_1922, %swap3A_1923] {strides = array<i32>} : memref<128x128xf32, #tpu.memory_space<vmem>>, vector<1x16xf32>,
          %swap3A_1925 = vector.shape_cast %swap3A_1924 : vector<1x16xf32> to vector<16xf32>
          %swap3A_1926 = vector.shape_cast %mul3A_1919 : vector<16xf32> to vector<1x16xf32>
          tpu.vector_store %arg12[%swap3A_1922, %swap3A_1923], %swap3A_1926 {strides = array<i32>} : memref<128x128xf32, #tpu.memory_space<vmem>>, vector<1x16xf32>,
          %add3A_1927 = arith.constant 9 : i32
          %add3A_1928 = arith.addi %mul3A_807, %add3A_1927 : i32
          %get3A_1929 = arith.index_cast %add3A_1928 : i32 to index
          %get3A_1930 = arith.constant 80 : index
          %get3A_1931 = tpu.vector_load %arg12[%get3A_1929, %get3A_1930] {strides = array<i32>} : memref<128x128xf32, #tpu.memory_space<vmem>>, vector<1x16xf32>,
          %get3A_1932 = vector.shape_cast %get3A_1931 : vector<1x16xf32> to vector<16xf32>
          %mul3A_1933 = arith.mulf %get3A_1932, %gather3A_1856 : vector<16xf32>
          %add3A_1934 = arith.constant 9 : i32
          %add3A_1935 = arith.addi %mul3A_807, %add3A_1934 : i32
          %swap3A_1936 = arith.index_cast %add3A_1935 : i32 to index
          %swap3A_1937 = arith.constant 80 : index
          %swap3A_1938 = tpu.vector_load %arg12[%swap3A_1936, %swap3A_1937] {strides = array<i32>} : memref<128x128xf32, #tpu.memory_space<vmem>>, vector<1x16xf32>,
          %swap3A_1939 = vector.shape_cast %swap3A_1938 : vector<1x16xf32> to vector<16xf32>
          %swap3A_1940 = vector.shape_cast %mul3A_1933 : vector<16xf32> to vector<1x16xf32>
          tpu.vector_store %arg12[%swap3A_1936, %swap3A_1937], %swap3A_1940 {strides = array<i32>} : memref<128x128xf32, #tpu.memory_space<vmem>>, vector<1x16xf32>,
          %add3A_1941 = arith.constant 9 : i32
          %add3A_1942 = arith.addi %mul3A_807, %add3A_1941 : i32
          %get3A_1943 = arith.index_cast %add3A_1942 : i32 to index
          %get3A_1944 = arith.constant 96 : index
          %get3A_1945 = tpu.vector_load %arg12[%get3A_1943, %get3A_1944] {strides = array<i32>} : memref<128x128xf32, #tpu.memory_space<vmem>>, vector<1x16xf32>,
          %get3A_1946 = vector.shape_cast %get3A_1945 : vector<1x16xf32> to vector<16xf32>
          %mul3A_1947 = arith.mulf %get3A_1946, %gather3A_1856 : vector<16xf32>
          %add3A_1948 = arith.constant 9 : i32
          %add3A_1949 = arith.addi %mul3A_807, %add3A_1948 : i32
          %swap3A_1950 = arith.index_cast %add3A_1949 : i32 to index
          %swap3A_1951 = arith.constant 96 : index
          %swap3A_1952 = tpu.vector_load %arg12[%swap3A_1950, %swap3A_1951] {strides = array<i32>} : memref<128x128xf32, #tpu.memory_space<vmem>>, vector<1x16xf32>,
          %swap3A_1953 = vector.shape_cast %swap3A_1952 : vector<1x16xf32> to vector<16xf32>
          %swap3A_1954 = vector.shape_cast %mul3A_1947 : vector<16xf32> to vector<1x16xf32>
          tpu.vector_store %arg12[%swap3A_1950, %swap3A_1951], %swap3A_1954 {strides = array<i32>} : memref<128x128xf32, #tpu.memory_space<vmem>>, vector<1x16xf32>,
          %add3A_1955 = arith.constant 9 : i32
          %add3A_1956 = arith.addi %mul3A_807, %add3A_1955 : i32
          %get3A_1957 = arith.index_cast %add3A_1956 : i32 to index
          %get3A_1958 = arith.constant 112 : index
          %get3A_1959 = tpu.vector_load %arg12[%get3A_1957, %get3A_1958] {strides = array<i32>} : memref<128x128xf32, #tpu.memory_space<vmem>>, vector<1x16xf32>,
          %get3A_1960 = vector.shape_cast %get3A_1959 : vector<1x16xf32> to vector<16xf32>
          %mul3A_1961 = arith.mulf %get3A_1960, %gather3A_1856 : vector<16xf32>
          %add3A_1962 = arith.constant 9 : i32
          %add3A_1963 = arith.addi %mul3A_807, %add3A_1962 : i32
          %swap3A_1964 = arith.index_cast %add3A_1963 : i32 to index
          %swap3A_1965 = arith.constant 112 : index
          %swap3A_1966 = tpu.vector_load %arg12[%swap3A_1964, %swap3A_1965] {strides = array<i32>} : memref<128x128xf32, #tpu.memory_space<vmem>>, vector<1x16xf32>,
          %swap3A_1967 = vector.shape_cast %swap3A_1966 : vector<1x16xf32> to vector<16xf32>
          %swap3A_1968 = vector.shape_cast %mul3A_1961 : vector<16xf32> to vector<1x16xf32>
          tpu.vector_store %arg12[%swap3A_1964, %swap3A_1965], %swap3A_1968 {strides = array<i32>} : memref<128x128xf32, #tpu.memory_space<vmem>>, vector<1x16xf32>,
          %broadcast_in_dim3A_1969 = arith.constant 10 : i32
          %broadcast_in_dim3A_1970 = vector.broadcast %broadcast_in_dim3A_1969 : i32 to vector<16x1xi32>
          %gather3A_1971 = vector.shape_cast %broadcast_in_dim3A_1970 : vector<16x1xi32> to vector<16xi32>
          %gather3A_1972 = tpu.dynamic_gather %get3A_809[%gather3A_1971] in [0] : vector<16xf32>, vector<16xi32> -> vector<16xf32>
          %add3A_1973 = arith.constant 10 : i32
          %add3A_1974 = arith.addi %mul3A_807, %add3A_1973 : i32
          %get3A_1975 = arith.index_cast %add3A_1974 : i32 to index
          %get3A_1976 = arith.constant 0 : index
          %get3A_1977 = tpu.vector_load %arg12[%get3A_1975, %get3A_1976] {strides = array<i32>} : memref<128x128xf32, #tpu.memory_space<vmem>>, vector<1x16xf32>,
          %get3A_1978 = vector.shape_cast %get3A_1977 : vector<1x16xf32> to vector<16xf32>
          %mul3A_1979 = arith.mulf %get3A_1978, %gather3A_1972 : vector<16xf32>
          %add3A_1980 = arith.constant 10 : i32
          %add3A_1981 = arith.addi %mul3A_807, %add3A_1980 : i32
          %swap3A_1982 = arith.index_cast %add3A_1981 : i32 to index
          %swap3A_1983 = arith.constant 0 : index
          %swap3A_1984 = tpu.vector_load %arg12[%swap3A_1982, %swap3A_1983] {strides = array<i32>} : memref<128x128xf32, #tpu.memory_space<vmem>>, vector<1x16xf32>,
          %swap3A_1985 = vector.shape_cast %swap3A_1984 : vector<1x16xf32> to vector<16xf32>
          %swap3A_1986 = vector.shape_cast %mul3A_1979 : vector<16xf32> to vector<1x16xf32>
          tpu.vector_store %arg12[%swap3A_1982, %swap3A_1983], %swap3A_1986 {strides = array<i32>} : memref<128x128xf32, #tpu.memory_space<vmem>>, vector<1x16xf32>,
          %add3A_1987 = arith.constant 10 : i32
          %add3A_1988 = arith.addi %mul3A_807, %add3A_1987 : i32
          %get3A_1989 = arith.index_cast %add3A_1988 : i32 to index
          %get3A_1990 = arith.constant 16 : index
          %get3A_1991 = tpu.vector_load %arg12[%get3A_1989, %get3A_1990] {strides = array<i32>} : memref<128x128xf32, #tpu.memory_space<vmem>>, vector<1x16xf32>,
          %get3A_1992 = vector.shape_cast %get3A_1991 : vector<1x16xf32> to vector<16xf32>
          %mul3A_1993 = arith.mulf %get3A_1992, %gather3A_1972 : vector<16xf32>
          %add3A_1994 = arith.constant 10 : i32
          %add3A_1995 = arith.addi %mul3A_807, %add3A_1994 : i32
          %swap3A_1996 = arith.index_cast %add3A_1995 : i32 to index
          %swap3A_1997 = arith.constant 16 : index
          %swap3A_1998 = tpu.vector_load %arg12[%swap3A_1996, %swap3A_1997] {strides = array<i32>} : memref<128x128xf32, #tpu.memory_space<vmem>>, vector<1x16xf32>,
          %swap3A_1999 = vector.shape_cast %swap3A_1998 : vector<1x16xf32> to vector<16xf32>
          %swap3A_2000 = vector.shape_cast %mul3A_1993 : vector<16xf32> to vector<1x16xf32>
          tpu.vector_store %arg12[%swap3A_1996, %swap3A_1997], %swap3A_2000 {strides = array<i32>} : memref<128x128xf32, #tpu.memory_space<vmem>>, vector<1x16xf32>,
          %add3A_2001 = arith.constant 10 : i32
          %add3A_2002 = arith.addi %mul3A_807, %add3A_2001 : i32
          %get3A_2003 = arith.index_cast %add3A_2002 : i32 to index
          %get3A_2004 = arith.constant 32 : index
          %get3A_2005 = tpu.vector_load %arg12[%get3A_2003, %get3A_2004] {strides = array<i32>} : memref<128x128xf32, #tpu.memory_space<vmem>>, vector<1x16xf32>,
          %get3A_2006 = vector.shape_cast %get3A_2005 : vector<1x16xf32> to vector<16xf32>
          %mul3A_2007 = arith.mulf %get3A_2006, %gather3A_1972 : vector<16xf32>
          %add3A_2008 = arith.constant 10 : i32
          %add3A_2009 = arith.addi %mul3A_807, %add3A_2008 : i32
          %swap3A_2010 = arith.index_cast %add3A_2009 : i32 to index
          %swap3A_2011 = arith.constant 32 : index
          %swap3A_2012 = tpu.vector_load %arg12[%swap3A_2010, %swap3A_2011] {strides = array<i32>} : memref<128x128xf32, #tpu.memory_space<vmem>>, vector<1x16xf32>,
          %swap3A_2013 = vector.shape_cast %swap3A_2012 : vector<1x16xf32> to vector<16xf32>
          %swap3A_2014 = vector.shape_cast %mul3A_2007 : vector<16xf32> to vector<1x16xf32>
          tpu.vector_store %arg12[%swap3A_2010, %swap3A_2011], %swap3A_2014 {strides = array<i32>} : memref<128x128xf32, #tpu.memory_space<vmem>>, vector<1x16xf32>,
          %add3A_2015 = arith.constant 10 : i32
          %add3A_2016 = arith.addi %mul3A_807, %add3A_2015 : i32
          %get3A_2017 = arith.index_cast %add3A_2016 : i32 to index
          %get3A_2018 = arith.constant 48 : index
          %get3A_2019 = tpu.vector_load %arg12[%get3A_2017, %get3A_2018] {strides = array<i32>} : memref<128x128xf32, #tpu.memory_space<vmem>>, vector<1x16xf32>,
          %get3A_2020 = vector.shape_cast %get3A_2019 : vector<1x16xf32> to vector<16xf32>
          %mul3A_2021 = arith.mulf %get3A_2020, %gather3A_1972 : vector<16xf32>
          %add3A_2022 = arith.constant 10 : i32
          %add3A_2023 = arith.addi %mul3A_807, %add3A_2022 : i32
          %swap3A_2024 = arith.index_cast %add3A_2023 : i32 to index
          %swap3A_2025 = arith.constant 48 : index
          %swap3A_2026 = tpu.vector_load %arg12[%swap3A_2024, %swap3A_2025] {strides = array<i32>} : memref<128x128xf32, #tpu.memory_space<vmem>>, vector<1x16xf32>,
          %swap3A_2027 = vector.shape_cast %swap3A_2026 : vector<1x16xf32> to vector<16xf32>
          %swap3A_2028 = vector.shape_cast %mul3A_2021 : vector<16xf32> to vector<1x16xf32>
          tpu.vector_store %arg12[%swap3A_2024, %swap3A_2025], %swap3A_2028 {strides = array<i32>} : memref<128x128xf32, #tpu.memory_space<vmem>>, vector<1x16xf32>,
          %add3A_2029 = arith.constant 10 : i32
          %add3A_2030 = arith.addi %mul3A_807, %add3A_2029 : i32
          %get3A_2031 = arith.index_cast %add3A_2030 : i32 to index
          %get3A_2032 = arith.constant 64 : index
          %get3A_2033 = tpu.vector_load %arg12[%get3A_2031, %get3A_2032] {strides = array<i32>} : memref<128x128xf32, #tpu.memory_space<vmem>>, vector<1x16xf32>,
          %get3A_2034 = vector.shape_cast %get3A_2033 : vector<1x16xf32> to vector<16xf32>
          %mul3A_2035 = arith.mulf %get3A_2034, %gather3A_1972 : vector<16xf32>
          %add3A_2036 = arith.constant 10 : i32
          %add3A_2037 = arith.addi %mul3A_807, %add3A_2036 : i32
          %swap3A_2038 = arith.index_cast %add3A_2037 : i32 to index
          %swap3A_2039 = arith.constant 64 : index
          %swap3A_2040 = tpu.vector_load %arg12[%swap3A_2038, %swap3A_2039] {strides = array<i32>} : memref<128x128xf32, #tpu.memory_space<vmem>>, vector<1x16xf32>,
          %swap3A_2041 = vector.shape_cast %swap3A_2040 : vector<1x16xf32> to vector<16xf32>
          %swap3A_2042 = vector.shape_cast %mul3A_2035 : vector<16xf32> to vector<1x16xf32>
          tpu.vector_store %arg12[%swap3A_2038, %swap3A_2039], %swap3A_2042 {strides = array<i32>} : memref<128x128xf32, #tpu.memory_space<vmem>>, vector<1x16xf32>,
          %add3A_2043 = arith.constant 10 : i32
          %add3A_2044 = arith.addi %mul3A_807, %add3A_2043 : i32
          %get3A_2045 = arith.index_cast %add3A_2044 : i32 to index
          %get3A_2046 = arith.constant 80 : index
          %get3A_2047 = tpu.vector_load %arg12[%get3A_2045, %get3A_2046] {strides = array<i32>} : memref<128x128xf32, #tpu.memory_space<vmem>>, vector<1x16xf32>,
          %get3A_2048 = vector.shape_cast %get3A_2047 : vector<1x16xf32> to vector<16xf32>
          %mul3A_2049 = arith.mulf %get3A_2048, %gather3A_1972 : vector<16xf32>
          %add3A_2050 = arith.constant 10 : i32
          %add3A_2051 = arith.addi %mul3A_807, %add3A_2050 : i32
          %swap3A_2052 = arith.index_cast %add3A_2051 : i32 to index
          %swap3A_2053 = arith.constant 80 : index
          %swap3A_2054 = tpu.vector_load %arg12[%swap3A_2052, %swap3A_2053] {strides = array<i32>} : memref<128x128xf32, #tpu.memory_space<vmem>>, vector<1x16xf32>,
          %swap3A_2055 = vector.shape_cast %swap3A_2054 : vector<1x16xf32> to vector<16xf32>
          %swap3A_2056 = vector.shape_cast %mul3A_2049 : vector<16xf32> to vector<1x16xf32>
          tpu.vector_store %arg12[%swap3A_2052, %swap3A_2053], %swap3A_2056 {strides = array<i32>} : memref<128x128xf32, #tpu.memory_space<vmem>>, vector<1x16xf32>,
          %add3A_2057 = arith.constant 10 : i32
          %add3A_2058 = arith.addi %mul3A_807, %add3A_2057 : i32
          %get3A_2059 = arith.index_cast %add3A_2058 : i32 to index
          %get3A_2060 = arith.constant 96 : index
          %get3A_2061 = tpu.vector_load %arg12[%get3A_2059, %get3A_2060] {strides = array<i32>} : memref<128x128xf32, #tpu.memory_space<vmem>>, vector<1x16xf32>,
          %get3A_2062 = vector.shape_cast %get3A_2061 : vector<1x16xf32> to vector<16xf32>
          %mul3A_2063 = arith.mulf %get3A_2062, %gather3A_1972 : vector<16xf32>
          %add3A_2064 = arith.constant 10 : i32
          %add3A_2065 = arith.addi %mul3A_807, %add3A_2064 : i32
          %swap3A_2066 = arith.index_cast %add3A_2065 : i32 to index
          %swap3A_2067 = arith.constant 96 : index
          %swap3A_2068 = tpu.vector_load %arg12[%swap3A_2066, %swap3A_2067] {strides = array<i32>} : memref<128x128xf32, #tpu.memory_space<vmem>>, vector<1x16xf32>,
          %swap3A_2069 = vector.shape_cast %swap3A_2068 : vector<1x16xf32> to vector<16xf32>
          %swap3A_2070 = vector.shape_cast %mul3A_2063 : vector<16xf32> to vector<1x16xf32>
          tpu.vector_store %arg12[%swap3A_2066, %swap3A_2067], %swap3A_2070 {strides = array<i32>} : memref<128x128xf32, #tpu.memory_space<vmem>>, vector<1x16xf32>,
          %add3A_2071 = arith.constant 10 : i32
          %add3A_2072 = arith.addi %mul3A_807, %add3A_2071 : i32
          %get3A_2073 = arith.index_cast %add3A_2072 : i32 to index
          %get3A_2074 = arith.constant 112 : index
          %get3A_2075 = tpu.vector_load %arg12[%get3A_2073, %get3A_2074] {strides = array<i32>} : memref<128x128xf32, #tpu.memory_space<vmem>>, vector<1x16xf32>,
          %get3A_2076 = vector.shape_cast %get3A_2075 : vector<1x16xf32> to vector<16xf32>
          %mul3A_2077 = arith.mulf %get3A_2076, %gather3A_1972 : vector<16xf32>
          %add3A_2078 = arith.constant 10 : i32
          %add3A_2079 = arith.addi %mul3A_807, %add3A_2078 : i32
          %swap3A_2080 = arith.index_cast %add3A_2079 : i32 to index
          %swap3A_2081 = arith.constant 112 : index
          %swap3A_2082 = tpu.vector_load %arg12[%swap3A_2080, %swap3A_2081] {strides = array<i32>} : memref<128x128xf32, #tpu.memory_space<vmem>>, vector<1x16xf32>,
          %swap3A_2083 = vector.shape_cast %swap3A_2082 : vector<1x16xf32> to vector<16xf32>
          %swap3A_2084 = vector.shape_cast %mul3A_2077 : vector<16xf32> to vector<1x16xf32>
          tpu.vector_store %arg12[%swap3A_2080, %swap3A_2081], %swap3A_2084 {strides = array<i32>} : memref<128x128xf32, #tpu.memory_space<vmem>>, vector<1x16xf32>,
          %broadcast_in_dim3A_2085 = arith.constant 11 : i32
          %broadcast_in_dim3A_2086 = vector.broadcast %broadcast_in_dim3A_2085 : i32 to vector<16x1xi32>
          %gather3A_2087 = vector.shape_cast %broadcast_in_dim3A_2086 : vector<16x1xi32> to vector<16xi32>
          %gather3A_2088 = tpu.dynamic_gather %get3A_809[%gather3A_2087] in [0] : vector<16xf32>, vector<16xi32> -> vector<16xf32>
          %add3A_2089 = arith.constant 11 : i32
          %add3A_2090 = arith.addi %mul3A_807, %add3A_2089 : i32
          %get3A_2091 = arith.index_cast %add3A_2090 : i32 to index
          %get3A_2092 = arith.constant 0 : index
          %get3A_2093 = tpu.vector_load %arg12[%get3A_2091, %get3A_2092] {strides = array<i32>} : memref<128x128xf32, #tpu.memory_space<vmem>>, vector<1x16xf32>,
          %get3A_2094 = vector.shape_cast %get3A_2093 : vector<1x16xf32> to vector<16xf32>
          %mul3A_2095 = arith.mulf %get3A_2094, %gather3A_2088 : vector<16xf32>
          %add3A_2096 = arith.constant 11 : i32
          %add3A_2097 = arith.addi %mul3A_807, %add3A_2096 : i32
          %swap3A_2098 = arith.index_cast %add3A_2097 : i32 to index
          %swap3A_2099 = arith.constant 0 : index
          %swap3A_2100 = tpu.vector_load %arg12[%swap3A_2098, %swap3A_2099] {strides = array<i32>} : memref<128x128xf32, #tpu.memory_space<vmem>>, vector<1x16xf32>,
          %swap3A_2101 = vector.shape_cast %swap3A_2100 : vector<1x16xf32> to vector<16xf32>
          %swap3A_2102 = vector.shape_cast %mul3A_2095 : vector<16xf32> to vector<1x16xf32>
          tpu.vector_store %arg12[%swap3A_2098, %swap3A_2099], %swap3A_2102 {strides = array<i32>} : memref<128x128xf32, #tpu.memory_space<vmem>>, vector<1x16xf32>,
          %add3A_2103 = arith.constant 11 : i32
          %add3A_2104 = arith.addi %mul3A_807, %add3A_2103 : i32
          %get3A_2105 = arith.index_cast %add3A_2104 : i32 to index
          %get3A_2106 = arith.constant 16 : index
          %get3A_2107 = tpu.vector_load %arg12[%get3A_2105, %get3A_2106] {strides = array<i32>} : memref<128x128xf32, #tpu.memory_space<vmem>>, vector<1x16xf32>,
          %get3A_2108 = vector.shape_cast %get3A_2107 : vector<1x16xf32> to vector<16xf32>
          %mul3A_2109 = arith.mulf %get3A_2108, %gather3A_2088 : vector<16xf32>
          %add3A_2110 = arith.constant 11 : i32
          %add3A_2111 = arith.addi %mul3A_807, %add3A_2110 : i32
          %swap3A_2112 = arith.index_cast %add3A_2111 : i32 to index
          %swap3A_2113 = arith.constant 16 : index
          %swap3A_2114 = tpu.vector_load %arg12[%swap3A_2112, %swap3A_2113] {strides = array<i32>} : memref<128x128xf32, #tpu.memory_space<vmem>>, vector<1x16xf32>,
          %swap3A_2115 = vector.shape_cast %swap3A_2114 : vector<1x16xf32> to vector<16xf32>
          %swap3A_2116 = vector.shape_cast %mul3A_2109 : vector<16xf32> to vector<1x16xf32>
          tpu.vector_store %arg12[%swap3A_2112, %swap3A_2113], %swap3A_2116 {strides = array<i32>} : memref<128x128xf32, #tpu.memory_space<vmem>>, vector<1x16xf32>,
          %add3A_2117 = arith.constant 11 : i32
          %add3A_2118 = arith.addi %mul3A_807, %add3A_2117 : i32
          %get3A_2119 = arith.index_cast %add3A_2118 : i32 to index
          %get3A_2120 = arith.constant 32 : index
          %get3A_2121 = tpu.vector_load %arg12[%get3A_2119, %get3A_2120] {strides = array<i32>} : memref<128x128xf32, #tpu.memory_space<vmem>>, vector<1x16xf32>,
          %get3A_2122 = vector.shape_cast %get3A_2121 : vector<1x16xf32> to vector<16xf32>
          %mul3A_2123 = arith.mulf %get3A_2122, %gather3A_2088 : vector<16xf32>
          %add3A_2124 = arith.constant 11 : i32
          %add3A_2125 = arith.addi %mul3A_807, %add3A_2124 : i32
          %swap3A_2126 = arith.index_cast %add3A_2125 : i32 to index
          %swap3A_2127 = arith.constant 32 : index
          %swap3A_2128 = tpu.vector_load %arg12[%swap3A_2126, %swap3A_2127] {strides = array<i32>} : memref<128x128xf32, #tpu.memory_space<vmem>>, vector<1x16xf32>,
          %swap3A_2129 = vector.shape_cast %swap3A_2128 : vector<1x16xf32> to vector<16xf32>
          %swap3A_2130 = vector.shape_cast %mul3A_2123 : vector<16xf32> to vector<1x16xf32>
          tpu.vector_store %arg12[%swap3A_2126, %swap3A_2127], %swap3A_2130 {strides = array<i32>} : memref<128x128xf32, #tpu.memory_space<vmem>>, vector<1x16xf32>,
          %add3A_2131 = arith.constant 11 : i32
          %add3A_2132 = arith.addi %mul3A_807, %add3A_2131 : i32
          %get3A_2133 = arith.index_cast %add3A_2132 : i32 to index
          %get3A_2134 = arith.constant 48 : index
          %get3A_2135 = tpu.vector_load %arg12[%get3A_2133, %get3A_2134] {strides = array<i32>} : memref<128x128xf32, #tpu.memory_space<vmem>>, vector<1x16xf32>,
          %get3A_2136 = vector.shape_cast %get3A_2135 : vector<1x16xf32> to vector<16xf32>
          %mul3A_2137 = arith.mulf %get3A_2136, %gather3A_2088 : vector<16xf32>
          %add3A_2138 = arith.constant 11 : i32
          %add3A_2139 = arith.addi %mul3A_807, %add3A_2138 : i32
          %swap3A_2140 = arith.index_cast %add3A_2139 : i32 to index
          %swap3A_2141 = arith.constant 48 : index
          %swap3A_2142 = tpu.vector_load %arg12[%swap3A_2140, %swap3A_2141] {strides = array<i32>} : memref<128x128xf32, #tpu.memory_space<vmem>>, vector<1x16xf32>,
          %swap3A_2143 = vector.shape_cast %swap3A_2142 : vector<1x16xf32> to vector<16xf32>
          %swap3A_2144 = vector.shape_cast %mul3A_2137 : vector<16xf32> to vector<1x16xf32>
          tpu.vector_store %arg12[%swap3A_2140, %swap3A_2141], %swap3A_2144 {strides = array<i32>} : memref<128x128xf32, #tpu.memory_space<vmem>>, vector<1x16xf32>,
          %add3A_2145 = arith.constant 11 : i32
          %add3A_2146 = arith.addi %mul3A_807, %add3A_2145 : i32
          %get3A_2147 = arith.index_cast %add3A_2146 : i32 to index
          %get3A_2148 = arith.constant 64 : index
          %get3A_2149 = tpu.vector_load %arg12[%get3A_2147, %get3A_2148] {strides = array<i32>} : memref<128x128xf32, #tpu.memory_space<vmem>>, vector<1x16xf32>,
          %get3A_2150 = vector.shape_cast %get3A_2149 : vector<1x16xf32> to vector<16xf32>
          %mul3A_2151 = arith.mulf %get3A_2150, %gather3A_2088 : vector<16xf32>
          %add3A_2152 = arith.constant 11 : i32
          %add3A_2153 = arith.addi %mul3A_807, %add3A_2152 : i32
          %swap3A_2154 = arith.index_cast %add3A_2153 : i32 to index
          %swap3A_2155 = arith.constant 64 : index
          %swap3A_2156 = tpu.vector_load %arg12[%swap3A_2154, %swap3A_2155] {strides = array<i32>} : memref<128x128xf32, #tpu.memory_space<vmem>>, vector<1x16xf32>,
          %swap3A_2157 = vector.shape_cast %swap3A_2156 : vector<1x16xf32> to vector<16xf32>
          %swap3A_2158 = vector.shape_cast %mul3A_2151 : vector<16xf32> to vector<1x16xf32>
          tpu.vector_store %arg12[%swap3A_2154, %swap3A_2155], %swap3A_2158 {strides = array<i32>} : memref<128x128xf32, #tpu.memory_space<vmem>>, vector<1x16xf32>,
          %add3A_2159 = arith.constant 11 : i32
          %add3A_2160 = arith.addi %mul3A_807, %add3A_2159 : i32
          %get3A_2161 = arith.index_cast %add3A_2160 : i32 to index
          %get3A_2162 = arith.constant 80 : index
          %get3A_2163 = tpu.vector_load %arg12[%get3A_2161, %get3A_2162] {strides = array<i32>} : memref<128x128xf32, #tpu.memory_space<vmem>>, vector<1x16xf32>,
          %get3A_2164 = vector.shape_cast %get3A_2163 : vector<1x16xf32> to vector<16xf32>
          %mul3A_2165 = arith.mulf %get3A_2164, %gather3A_2088 : vector<16xf32>
          %add3A_2166 = arith.constant 11 : i32
          %add3A_2167 = arith.addi %mul3A_807, %add3A_2166 : i32
          %swap3A_2168 = arith.index_cast %add3A_2167 : i32 to index
          %swap3A_2169 = arith.constant 80 : index
          %swap3A_2170 = tpu.vector_load %arg12[%swap3A_2168, %swap3A_2169] {strides = array<i32>} : memref<128x128xf32, #tpu.memory_space<vmem>>, vector<1x16xf32>,
          %swap3A_2171 = vector.shape_cast %swap3A_2170 : vector<1x16xf32> to vector<16xf32>
          %swap3A_2172 = vector.shape_cast %mul3A_2165 : vector<16xf32> to vector<1x16xf32>
          tpu.vector_store %arg12[%swap3A_2168, %swap3A_2169], %swap3A_2172 {strides = array<i32>} : memref<128x128xf32, #tpu.memory_space<vmem>>, vector<1x16xf32>,
          %add3A_2173 = arith.constant 11 : i32
          %add3A_2174 = arith.addi %mul3A_807, %add3A_2173 : i32
          %get3A_2175 = arith.index_cast %add3A_2174 : i32 to index
          %get3A_2176 = arith.constant 96 : index
          %get3A_2177 = tpu.vector_load %arg12[%get3A_2175, %get3A_2176] {strides = array<i32>} : memref<128x128xf32, #tpu.memory_space<vmem>>, vector<1x16xf32>,
          %get3A_2178 = vector.shape_cast %get3A_2177 : vector<1x16xf32> to vector<16xf32>
          %mul3A_2179 = arith.mulf %get3A_2178, %gather3A_2088 : vector<16xf32>
          %add3A_2180 = arith.constant 11 : i32
          %add3A_2181 = arith.addi %mul3A_807, %add3A_2180 : i32
          %swap3A_2182 = arith.index_cast %add3A_2181 : i32 to index
          %swap3A_2183 = arith.constant 96 : index
          %swap3A_2184 = tpu.vector_load %arg12[%swap3A_2182, %swap3A_2183] {strides = array<i32>} : memref<128x128xf32, #tpu.memory_space<vmem>>, vector<1x16xf32>,
          %swap3A_2185 = vector.shape_cast %swap3A_2184 : vector<1x16xf32> to vector<16xf32>
          %swap3A_2186 = vector.shape_cast %mul3A_2179 : vector<16xf32> to vector<1x16xf32>
          tpu.vector_store %arg12[%swap3A_2182, %swap3A_2183], %swap3A_2186 {strides = array<i32>} : memref<128x128xf32, #tpu.memory_space<vmem>>, vector<1x16xf32>,
          %add3A_2187 = arith.constant 11 : i32
          %add3A_2188 = arith.addi %mul3A_807, %add3A_2187 : i32
          %get3A_2189 = arith.index_cast %add3A_2188 : i32 to index
          %get3A_2190 = arith.constant 112 : index
          %get3A_2191 = tpu.vector_load %arg12[%get3A_2189, %get3A_2190] {strides = array<i32>} : memref<128x128xf32, #tpu.memory_space<vmem>>, vector<1x16xf32>,
          %get3A_2192 = vector.shape_cast %get3A_2191 : vector<1x16xf32> to vector<16xf32>
          %mul3A_2193 = arith.mulf %get3A_2192, %gather3A_2088 : vector<16xf32>
          %add3A_2194 = arith.constant 11 : i32
          %add3A_2195 = arith.addi %mul3A_807, %add3A_2194 : i32
          %swap3A_2196 = arith.index_cast %add3A_2195 : i32 to index
          %swap3A_2197 = arith.constant 112 : index
          %swap3A_2198 = tpu.vector_load %arg12[%swap3A_2196, %swap3A_2197] {strides = array<i32>} : memref<128x128xf32, #tpu.memory_space<vmem>>, vector<1x16xf32>,
          %swap3A_2199 = vector.shape_cast %swap3A_2198 : vector<1x16xf32> to vector<16xf32>
          %swap3A_2200 = vector.shape_cast %mul3A_2193 : vector<16xf32> to vector<1x16xf32>
          tpu.vector_store %arg12[%swap3A_2196, %swap3A_2197], %swap3A_2200 {strides = array<i32>} : memref<128x128xf32, #tpu.memory_space<vmem>>, vector<1x16xf32>,
          %broadcast_in_dim3A_2201 = arith.constant 12 : i32
          %broadcast_in_dim3A_2202 = vector.broadcast %broadcast_in_dim3A_2201 : i32 to vector<16x1xi32>
          %gather3A_2203 = vector.shape_cast %broadcast_in_dim3A_2202 : vector<16x1xi32> to vector<16xi32>
          %gather3A_2204 = tpu.dynamic_gather %get3A_809[%gather3A_2203] in [0] : vector<16xf32>, vector<16xi32> -> vector<16xf32>
          %add3A_2205 = arith.constant 12 : i32
          %add3A_2206 = arith.addi %mul3A_807, %add3A_2205 : i32
          %get3A_2207 = arith.index_cast %add3A_2206 : i32 to index
          %get3A_2208 = arith.constant 0 : index
          %get3A_2209 = tpu.vector_load %arg12[%get3A_2207, %get3A_2208] {strides = array<i32>} : memref<128x128xf32, #tpu.memory_space<vmem>>, vector<1x16xf32>,
          %get3A_2210 = vector.shape_cast %get3A_2209 : vector<1x16xf32> to vector<16xf32>
          %mul3A_2211 = arith.mulf %get3A_2210, %gather3A_2204 : vector<16xf32>
          %add3A_2212 = arith.constant 12 : i32
          %add3A_2213 = arith.addi %mul3A_807, %add3A_2212 : i32
          %swap3A_2214 = arith.index_cast %add3A_2213 : i32 to index
          %swap3A_2215 = arith.constant 0 : index
          %swap3A_2216 = tpu.vector_load %arg12[%swap3A_2214, %swap3A_2215] {strides = array<i32>} : memref<128x128xf32, #tpu.memory_space<vmem>>, vector<1x16xf32>,
          %swap3A_2217 = vector.shape_cast %swap3A_2216 : vector<1x16xf32> to vector<16xf32>
          %swap3A_2218 = vector.shape_cast %mul3A_2211 : vector<16xf32> to vector<1x16xf32>
          tpu.vector_store %arg12[%swap3A_2214, %swap3A_2215], %swap3A_2218 {strides = array<i32>} : memref<128x128xf32, #tpu.memory_space<vmem>>, vector<1x16xf32>,
          %add3A_2219 = arith.constant 12 : i32
          %add3A_2220 = arith.addi %mul3A_807, %add3A_2219 : i32
          %get3A_2221 = arith.index_cast %add3A_2220 : i32 to index
          %get3A_2222 = arith.constant 16 : index
          %get3A_2223 = tpu.vector_load %arg12[%get3A_2221, %get3A_2222] {strides = array<i32>} : memref<128x128xf32, #tpu.memory_space<vmem>>, vector<1x16xf32>,
          %get3A_2224 = vector.shape_cast %get3A_2223 : vector<1x16xf32> to vector<16xf32>
          %mul3A_2225 = arith.mulf %get3A_2224, %gather3A_2204 : vector<16xf32>
          %add3A_2226 = arith.constant 12 : i32
          %add3A_2227 = arith.addi %mul3A_807, %add3A_2226 : i32
          %swap3A_2228 = arith.index_cast %add3A_2227 : i32 to index
          %swap3A_2229 = arith.constant 16 : index
          %swap3A_2230 = tpu.vector_load %arg12[%swap3A_2228, %swap3A_2229] {strides = array<i32>} : memref<128x128xf32, #tpu.memory_space<vmem>>, vector<1x16xf32>,
          %swap3A_2231 = vector.shape_cast %swap3A_2230 : vector<1x16xf32> to vector<16xf32>
          %swap3A_2232 = vector.shape_cast %mul3A_2225 : vector<16xf32> to vector<1x16xf32>
          tpu.vector_store %arg12[%swap3A_2228, %swap3A_2229], %swap3A_2232 {strides = array<i32>} : memref<128x128xf32, #tpu.memory_space<vmem>>, vector<1x16xf32>,
          %add3A_2233 = arith.constant 12 : i32
          %add3A_2234 = arith.addi %mul3A_807, %add3A_2233 : i32
          %get3A_2235 = arith.index_cast %add3A_2234 : i32 to index
          %get3A_2236 = arith.constant 32 : index
          %get3A_2237 = tpu.vector_load %arg12[%get3A_2235, %get3A_2236] {strides = array<i32>} : memref<128x128xf32, #tpu.memory_space<vmem>>, vector<1x16xf32>,
          %get3A_2238 = vector.shape_cast %get3A_2237 : vector<1x16xf32> to vector<16xf32>
          %mul3A_2239 = arith.mulf %get3A_2238, %gather3A_2204 : vector<16xf32>
          %add3A_2240 = arith.constant 12 : i32
          %add3A_2241 = arith.addi %mul3A_807, %add3A_2240 : i32
          %swap3A_2242 = arith.index_cast %add3A_2241 : i32 to index
          %swap3A_2243 = arith.constant 32 : index
          %swap3A_2244 = tpu.vector_load %arg12[%swap3A_2242, %swap3A_2243] {strides = array<i32>} : memref<128x128xf32, #tpu.memory_space<vmem>>, vector<1x16xf32>,
          %swap3A_2245 = vector.shape_cast %swap3A_2244 : vector<1x16xf32> to vector<16xf32>
          %swap3A_2246 = vector.shape_cast %mul3A_2239 : vector<16xf32> to vector<1x16xf32>
          tpu.vector_store %arg12[%swap3A_2242, %swap3A_2243], %swap3A_2246 {strides = array<i32>} : memref<128x128xf32, #tpu.memory_space<vmem>>, vector<1x16xf32>,
          %add3A_2247 = arith.constant 12 : i32
          %add3A_2248 = arith.addi %mul3A_807, %add3A_2247 : i32
          %get3A_2249 = arith.index_cast %add3A_2248 : i32 to index
          %get3A_2250 = arith.constant 48 : index
          %get3A_2251 = tpu.vector_load %arg12[%get3A_2249, %get3A_2250] {strides = array<i32>} : memref<128x128xf32, #tpu.memory_space<vmem>>, vector<1x16xf32>,
          %get3A_2252 = vector.shape_cast %get3A_2251 : vector<1x16xf32> to vector<16xf32>
          %mul3A_2253 = arith.mulf %get3A_2252, %gather3A_2204 : vector<16xf32>
          %add3A_2254 = arith.constant 12 : i32
          %add3A_2255 = arith.addi %mul3A_807, %add3A_2254 : i32
          %swap3A_2256 = arith.index_cast %add3A_2255 : i32 to index
          %swap3A_2257 = arith.constant 48 : index
          %swap3A_2258 = tpu.vector_load %arg12[%swap3A_2256, %swap3A_2257] {strides = array<i32>} : memref<128x128xf32, #tpu.memory_space<vmem>>, vector<1x16xf32>,
          %swap3A_2259 = vector.shape_cast %swap3A_2258 : vector<1x16xf32> to vector<16xf32>
          %swap3A_2260 = vector.shape_cast %mul3A_2253 : vector<16xf32> to vector<1x16xf32>
          tpu.vector_store %arg12[%swap3A_2256, %swap3A_2257], %swap3A_2260 {strides = array<i32>} : memref<128x128xf32, #tpu.memory_space<vmem>>, vector<1x16xf32>,
          %add3A_2261 = arith.constant 12 : i32
          %add3A_2262 = arith.addi %mul3A_807, %add3A_2261 : i32
          %get3A_2263 = arith.index_cast %add3A_2262 : i32 to index
          %get3A_2264 = arith.constant 64 : index
          %get3A_2265 = tpu.vector_load %arg12[%get3A_2263, %get3A_2264] {strides = array<i32>} : memref<128x128xf32, #tpu.memory_space<vmem>>, vector<1x16xf32>,
          %get3A_2266 = vector.shape_cast %get3A_2265 : vector<1x16xf32> to vector<16xf32>
          %mul3A_2267 = arith.mulf %get3A_2266, %gather3A_2204 : vector<16xf32>
          %add3A_2268 = arith.constant 12 : i32
          %add3A_2269 = arith.addi %mul3A_807, %add3A_2268 : i32
          %swap3A_2270 = arith.index_cast %add3A_2269 : i32 to index
          %swap3A_2271 = arith.constant 64 : index
          %swap3A_2272 = tpu.vector_load %arg12[%swap3A_2270, %swap3A_2271] {strides = array<i32>} : memref<128x128xf32, #tpu.memory_space<vmem>>, vector<1x16xf32>,
          %swap3A_2273 = vector.shape_cast %swap3A_2272 : vector<1x16xf32> to vector<16xf32>
          %swap3A_2274 = vector.shape_cast %mul3A_2267 : vector<16xf32> to vector<1x16xf32>
          tpu.vector_store %arg12[%swap3A_2270, %swap3A_2271], %swap3A_2274 {strides = array<i32>} : memref<128x128xf32, #tpu.memory_space<vmem>>, vector<1x16xf32>,
          %add3A_2275 = arith.constant 12 : i32
          %add3A_2276 = arith.addi %mul3A_807, %add3A_2275 : i32
          %get3A_2277 = arith.index_cast %add3A_2276 : i32 to index
          %get3A_2278 = arith.constant 80 : index
          %get3A_2279 = tpu.vector_load %arg12[%get3A_2277, %get3A_2278] {strides = array<i32>} : memref<128x128xf32, #tpu.memory_space<vmem>>, vector<1x16xf32>,
          %get3A_2280 = vector.shape_cast %get3A_2279 : vector<1x16xf32> to vector<16xf32>
          %mul3A_2281 = arith.mulf %get3A_2280, %gather3A_2204 : vector<16xf32>
          %add3A_2282 = arith.constant 12 : i32
          %add3A_2283 = arith.addi %mul3A_807, %add3A_2282 : i32
          %swap3A_2284 = arith.index_cast %add3A_2283 : i32 to index
          %swap3A_2285 = arith.constant 80 : index
          %swap3A_2286 = tpu.vector_load %arg12[%swap3A_2284, %swap3A_2285] {strides = array<i32>} : memref<128x128xf32, #tpu.memory_space<vmem>>, vector<1x16xf32>,
          %swap3A_2287 = vector.shape_cast %swap3A_2286 : vector<1x16xf32> to vector<16xf32>
          %swap3A_2288 = vector.shape_cast %mul3A_2281 : vector<16xf32> to vector<1x16xf32>
          tpu.vector_store %arg12[%swap3A_2284, %swap3A_2285], %swap3A_2288 {strides = array<i32>} : memref<128x128xf32, #tpu.memory_space<vmem>>, vector<1x16xf32>,
          %add3A_2289 = arith.constant 12 : i32
          %add3A_2290 = arith.addi %mul3A_807, %add3A_2289 : i32
          %get3A_2291 = arith.index_cast %add3A_2290 : i32 to index
          %get3A_2292 = arith.constant 96 : index
          %get3A_2293 = tpu.vector_load %arg12[%get3A_2291, %get3A_2292] {strides = array<i32>} : memref<128x128xf32, #tpu.memory_space<vmem>>, vector<1x16xf32>,
          %get3A_2294 = vector.shape_cast %get3A_2293 : vector<1x16xf32> to vector<16xf32>
          %mul3A_2295 = arith.mulf %get3A_2294, %gather3A_2204 : vector<16xf32>
          %add3A_2296 = arith.constant 12 : i32
          %add3A_2297 = arith.addi %mul3A_807, %add3A_2296 : i32
          %swap3A_2298 = arith.index_cast %add3A_2297 : i32 to index
          %swap3A_2299 = arith.constant 96 : index
          %swap3A_2300 = tpu.vector_load %arg12[%swap3A_2298, %swap3A_2299] {strides = array<i32>} : memref<128x128xf32, #tpu.memory_space<vmem>>, vector<1x16xf32>,
          %swap3A_2301 = vector.shape_cast %swap3A_2300 : vector<1x16xf32> to vector<16xf32>
          %swap3A_2302 = vector.shape_cast %mul3A_2295 : vector<16xf32> to vector<1x16xf32>
          tpu.vector_store %arg12[%swap3A_2298, %swap3A_2299], %swap3A_2302 {strides = array<i32>} : memref<128x128xf32, #tpu.memory_space<vmem>>, vector<1x16xf32>,
          %add3A_2303 = arith.constant 12 : i32
          %add3A_2304 = arith.addi %mul3A_807, %add3A_2303 : i32
          %get3A_2305 = arith.index_cast %add3A_2304 : i32 to index
          %get3A_2306 = arith.constant 112 : index
          %get3A_2307 = tpu.vector_load %arg12[%get3A_2305, %get3A_2306] {strides = array<i32>} : memref<128x128xf32, #tpu.memory_space<vmem>>, vector<1x16xf32>,
          %get3A_2308 = vector.shape_cast %get3A_2307 : vector<1x16xf32> to vector<16xf32>
          %mul3A_2309 = arith.mulf %get3A_2308, %gather3A_2204 : vector<16xf32>
          %add3A_2310 = arith.constant 12 : i32
          %add3A_2311 = arith.addi %mul3A_807, %add3A_2310 : i32
          %swap3A_2312 = arith.index_cast %add3A_2311 : i32 to index
          %swap3A_2313 = arith.constant 112 : index
          %swap3A_2314 = tpu.vector_load %arg12[%swap3A_2312, %swap3A_2313] {strides = array<i32>} : memref<128x128xf32, #tpu.memory_space<vmem>>, vector<1x16xf32>,
          %swap3A_2315 = vector.shape_cast %swap3A_2314 : vector<1x16xf32> to vector<16xf32>
          %swap3A_2316 = vector.shape_cast %mul3A_2309 : vector<16xf32> to vector<1x16xf32>
          tpu.vector_store %arg12[%swap3A_2312, %swap3A_2313], %swap3A_2316 {strides = array<i32>} : memref<128x128xf32, #tpu.memory_space<vmem>>, vector<1x16xf32>,
          %broadcast_in_dim3A_2317 = arith.constant 13 : i32
          %broadcast_in_dim3A_2318 = vector.broadcast %broadcast_in_dim3A_2317 : i32 to vector<16x1xi32>
          %gather3A_2319 = vector.shape_cast %broadcast_in_dim3A_2318 : vector<16x1xi32> to vector<16xi32>
          %gather3A_2320 = tpu.dynamic_gather %get3A_809[%gather3A_2319] in [0] : vector<16xf32>, vector<16xi32> -> vector<16xf32>
          %add3A_2321 = arith.constant 13 : i32
          %add3A_2322 = arith.addi %mul3A_807, %add3A_2321 : i32
          %get3A_2323 = arith.index_cast %add3A_2322 : i32 to index
          %get3A_2324 = arith.constant 0 : index
          %get3A_2325 = tpu.vector_load %arg12[%get3A_2323, %get3A_2324] {strides = array<i32>} : memref<128x128xf32, #tpu.memory_space<vmem>>, vector<1x16xf32>,
          %get3A_2326 = vector.shape_cast %get3A_2325 : vector<1x16xf32> to vector<16xf32>
          %mul3A_2327 = arith.mulf %get3A_2326, %gather3A_2320 : vector<16xf32>
          %add3A_2328 = arith.constant 13 : i32
          %add3A_2329 = arith.addi %mul3A_807, %add3A_2328 : i32
          %swap3A_2330 = arith.index_cast %add3A_2329 : i32 to index
          %swap3A_2331 = arith.constant 0 : index
          %swap3A_2332 = tpu.vector_load %arg12[%swap3A_2330, %swap3A_2331] {strides = array<i32>} : memref<128x128xf32, #tpu.memory_space<vmem>>, vector<1x16xf32>,
          %swap3A_2333 = vector.shape_cast %swap3A_2332 : vector<1x16xf32> to vector<16xf32>
          %swap3A_2334 = vector.shape_cast %mul3A_2327 : vector<16xf32> to vector<1x16xf32>
          tpu.vector_store %arg12[%swap3A_2330, %swap3A_2331], %swap3A_2334 {strides = array<i32>} : memref<128x128xf32, #tpu.memory_space<vmem>>, vector<1x16xf32>,
          %add3A_2335 = arith.constant 13 : i32
          %add3A_2336 = arith.addi %mul3A_807, %add3A_2335 : i32
          %get3A_2337 = arith.index_cast %add3A_2336 : i32 to index
          %get3A_2338 = arith.constant 16 : index
          %get3A_2339 = tpu.vector_load %arg12[%get3A_2337, %get3A_2338] {strides = array<i32>} : memref<128x128xf32, #tpu.memory_space<vmem>>, vector<1x16xf32>,
          %get3A_2340 = vector.shape_cast %get3A_2339 : vector<1x16xf32> to vector<16xf32>
          %mul3A_2341 = arith.mulf %get3A_2340, %gather3A_2320 : vector<16xf32>
          %add3A_2342 = arith.constant 13 : i32
          %add3A_2343 = arith.addi %mul3A_807, %add3A_2342 : i32
          %swap3A_2344 = arith.index_cast %add3A_2343 : i32 to index
          %swap3A_2345 = arith.constant 16 : index
          %swap3A_2346 = tpu.vector_load %arg12[%swap3A_2344, %swap3A_2345] {strides = array<i32>} : memref<128x128xf32, #tpu.memory_space<vmem>>, vector<1x16xf32>,
          %swap3A_2347 = vector.shape_cast %swap3A_2346 : vector<1x16xf32> to vector<16xf32>
          %swap3A_2348 = vector.shape_cast %mul3A_2341 : vector<16xf32> to vector<1x16xf32>
          tpu.vector_store %arg12[%swap3A_2344, %swap3A_2345], %swap3A_2348 {strides = array<i32>} : memref<128x128xf32, #tpu.memory_space<vmem>>, vector<1x16xf32>,
          %add3A_2349 = arith.constant 13 : i32
          %add3A_2350 = arith.addi %mul3A_807, %add3A_2349 : i32
          %get3A_2351 = arith.index_cast %add3A_2350 : i32 to index
          %get3A_2352 = arith.constant 32 : index
          %get3A_2353 = tpu.vector_load %arg12[%get3A_2351, %get3A_2352] {strides = array<i32>} : memref<128x128xf32, #tpu.memory_space<vmem>>, vector<1x16xf32>,
          %get3A_2354 = vector.shape_cast %get3A_2353 : vector<1x16xf32> to vector<16xf32>
          %mul3A_2355 = arith.mulf %get3A_2354, %gather3A_2320 : vector<16xf32>
          %add3A_2356 = arith.constant 13 : i32
          %add3A_2357 = arith.addi %mul3A_807, %add3A_2356 : i32
          %swap3A_2358 = arith.index_cast %add3A_2357 : i32 to index
          %swap3A_2359 = arith.constant 32 : index
          %swap3A_2360 = tpu.vector_load %arg12[%swap3A_2358, %swap3A_2359] {strides = array<i32>} : memref<128x128xf32, #tpu.memory_space<vmem>>, vector<1x16xf32>,
          %swap3A_2361 = vector.shape_cast %swap3A_2360 : vector<1x16xf32> to vector<16xf32>
          %swap3A_2362 = vector.shape_cast %mul3A_2355 : vector<16xf32> to vector<1x16xf32>
          tpu.vector_store %arg12[%swap3A_2358, %swap3A_2359], %swap3A_2362 {strides = array<i32>} : memref<128x128xf32, #tpu.memory_space<vmem>>, vector<1x16xf32>,
          %add3A_2363 = arith.constant 13 : i32
          %add3A_2364 = arith.addi %mul3A_807, %add3A_2363 : i32
          %get3A_2365 = arith.index_cast %add3A_2364 : i32 to index
          %get3A_2366 = arith.constant 48 : index
          %get3A_2367 = tpu.vector_load %arg12[%get3A_2365, %get3A_2366] {strides = array<i32>} : memref<128x128xf32, #tpu.memory_space<vmem>>, vector<1x16xf32>,
          %get3A_2368 = vector.shape_cast %get3A_2367 : vector<1x16xf32> to vector<16xf32>
          %mul3A_2369 = arith.mulf %get3A_2368, %gather3A_2320 : vector<16xf32>
          %add3A_2370 = arith.constant 13 : i32
          %add3A_2371 = arith.addi %mul3A_807, %add3A_2370 : i32
          %swap3A_2372 = arith.index_cast %add3A_2371 : i32 to index
          %swap3A_2373 = arith.constant 48 : index
          %swap3A_2374 = tpu.vector_load %arg12[%swap3A_2372, %swap3A_2373] {strides = array<i32>} : memref<128x128xf32, #tpu.memory_space<vmem>>, vector<1x16xf32>,
          %swap3A_2375 = vector.shape_cast %swap3A_2374 : vector<1x16xf32> to vector<16xf32>
          %swap3A_2376 = vector.shape_cast %mul3A_2369 : vector<16xf32> to vector<1x16xf32>
          tpu.vector_store %arg12[%swap3A_2372, %swap3A_2373], %swap3A_2376 {strides = array<i32>} : memref<128x128xf32, #tpu.memory_space<vmem>>, vector<1x16xf32>,
          %add3A_2377 = arith.constant 13 : i32
          %add3A_2378 = arith.addi %mul3A_807, %add3A_2377 : i32
          %get3A_2379 = arith.index_cast %add3A_2378 : i32 to index
          %get3A_2380 = arith.constant 64 : index
          %get3A_2381 = tpu.vector_load %arg12[%get3A_2379, %get3A_2380] {strides = array<i32>} : memref<128x128xf32, #tpu.memory_space<vmem>>, vector<1x16xf32>,
          %get3A_2382 = vector.shape_cast %get3A_2381 : vector<1x16xf32> to vector<16xf32>
          %mul3A_2383 = arith.mulf %get3A_2382, %gather3A_2320 : vector<16xf32>
          %add3A_2384 = arith.constant 13 : i32
          %add3A_2385 = arith.addi %mul3A_807, %add3A_2384 : i32
          %swap3A_2386 = arith.index_cast %add3A_2385 : i32 to index
          %swap3A_2387 = arith.constant 64 : index
          %swap3A_2388 = tpu.vector_load %arg12[%swap3A_2386, %swap3A_2387] {strides = array<i32>} : memref<128x128xf32, #tpu.memory_space<vmem>>, vector<1x16xf32>,
          %swap3A_2389 = vector.shape_cast %swap3A_2388 : vector<1x16xf32> to vector<16xf32>
          %swap3A_2390 = vector.shape_cast %mul3A_2383 : vector<16xf32> to vector<1x16xf32>
          tpu.vector_store %arg12[%swap3A_2386, %swap3A_2387], %swap3A_2390 {strides = array<i32>} : memref<128x128xf32, #tpu.memory_space<vmem>>, vector<1x16xf32>,
          %add3A_2391 = arith.constant 13 : i32
          %add3A_2392 = arith.addi %mul3A_807, %add3A_2391 : i32
          %get3A_2393 = arith.index_cast %add3A_2392 : i32 to index
          %get3A_2394 = arith.constant 80 : index
          %get3A_2395 = tpu.vector_load %arg12[%get3A_2393, %get3A_2394] {strides = array<i32>} : memref<128x128xf32, #tpu.memory_space<vmem>>, vector<1x16xf32>,
          %get3A_2396 = vector.shape_cast %get3A_2395 : vector<1x16xf32> to vector<16xf32>
          %mul3A_2397 = arith.mulf %get3A_2396, %gather3A_2320 : vector<16xf32>
          %add3A_2398 = arith.constant 13 : i32
          %add3A_2399 = arith.addi %mul3A_807, %add3A_2398 : i32
          %swap3A_2400 = arith.index_cast %add3A_2399 : i32 to index
          %swap3A_2401 = arith.constant 80 : index
          %swap3A_2402 = tpu.vector_load %arg12[%swap3A_2400, %swap3A_2401] {strides = array<i32>} : memref<128x128xf32, #tpu.memory_space<vmem>>, vector<1x16xf32>,
          %swap3A_2403 = vector.shape_cast %swap3A_2402 : vector<1x16xf32> to vector<16xf32>
          %swap3A_2404 = vector.shape_cast %mul3A_2397 : vector<16xf32> to vector<1x16xf32>
          tpu.vector_store %arg12[%swap3A_2400, %swap3A_2401], %swap3A_2404 {strides = array<i32>} : memref<128x128xf32, #tpu.memory_space<vmem>>, vector<1x16xf32>,
          %add3A_2405 = arith.constant 13 : i32
          %add3A_2406 = arith.addi %mul3A_807, %add3A_2405 : i32
          %get3A_2407 = arith.index_cast %add3A_2406 : i32 to index
          %get3A_2408 = arith.constant 96 : index
          %get3A_2409 = tpu.vector_load %arg12[%get3A_2407, %get3A_2408] {strides = array<i32>} : memref<128x128xf32, #tpu.memory_space<vmem>>, vector<1x16xf32>,
          %get3A_2410 = vector.shape_cast %get3A_2409 : vector<1x16xf32> to vector<16xf32>
          %mul3A_2411 = arith.mulf %get3A_2410, %gather3A_2320 : vector<16xf32>
          %add3A_2412 = arith.constant 13 : i32
          %add3A_2413 = arith.addi %mul3A_807, %add3A_2412 : i32
          %swap3A_2414 = arith.index_cast %add3A_2413 : i32 to index
          %swap3A_2415 = arith.constant 96 : index
          %swap3A_2416 = tpu.vector_load %arg12[%swap3A_2414, %swap3A_2415] {strides = array<i32>} : memref<128x128xf32, #tpu.memory_space<vmem>>, vector<1x16xf32>,
          %swap3A_2417 = vector.shape_cast %swap3A_2416 : vector<1x16xf32> to vector<16xf32>
          %swap3A_2418 = vector.shape_cast %mul3A_2411 : vector<16xf32> to vector<1x16xf32>
          tpu.vector_store %arg12[%swap3A_2414, %swap3A_2415], %swap3A_2418 {strides = array<i32>} : memref<128x128xf32, #tpu.memory_space<vmem>>, vector<1x16xf32>,
          %add3A_2419 = arith.constant 13 : i32
          %add3A_2420 = arith.addi %mul3A_807, %add3A_2419 : i32
          %get3A_2421 = arith.index_cast %add3A_2420 : i32 to index
          %get3A_2422 = arith.constant 112 : index
          %get3A_2423 = tpu.vector_load %arg12[%get3A_2421, %get3A_2422] {strides = array<i32>} : memref<128x128xf32, #tpu.memory_space<vmem>>, vector<1x16xf32>,
          %get3A_2424 = vector.shape_cast %get3A_2423 : vector<1x16xf32> to vector<16xf32>
          %mul3A_2425 = arith.mulf %get3A_2424, %gather3A_2320 : vector<16xf32>
          %add3A_2426 = arith.constant 13 : i32
          %add3A_2427 = arith.addi %mul3A_807, %add3A_2426 : i32
          %swap3A_2428 = arith.index_cast %add3A_2427 : i32 to index
          %swap3A_2429 = arith.constant 112 : index
          %swap3A_2430 = tpu.vector_load %arg12[%swap3A_2428, %swap3A_2429] {strides = array<i32>} : memref<128x128xf32, #tpu.memory_space<vmem>>, vector<1x16xf32>,
          %swap3A_2431 = vector.shape_cast %swap3A_2430 : vector<1x16xf32> to vector<16xf32>
          %swap3A_2432 = vector.shape_cast %mul3A_2425 : vector<16xf32> to vector<1x16xf32>
          tpu.vector_store %arg12[%swap3A_2428, %swap3A_2429], %swap3A_2432 {strides = array<i32>} : memref<128x128xf32, #tpu.memory_space<vmem>>, vector<1x16xf32>,
          %broadcast_in_dim3A_2433 = arith.constant 14 : i32
          %broadcast_in_dim3A_2434 = vector.broadcast %broadcast_in_dim3A_2433 : i32 to vector<16x1xi32>
          %gather3A_2435 = vector.shape_cast %broadcast_in_dim3A_2434 : vector<16x1xi32> to vector<16xi32>
          %gather3A_2436 = tpu.dynamic_gather %get3A_809[%gather3A_2435] in [0] : vector<16xf32>, vector<16xi32> -> vector<16xf32>
          %add3A_2437 = arith.constant 14 : i32
          %add3A_2438 = arith.addi %mul3A_807, %add3A_2437 : i32
          %get3A_2439 = arith.index_cast %add3A_2438 : i32 to index
          %get3A_2440 = arith.constant 0 : index
          %get3A_2441 = tpu.vector_load %arg12[%get3A_2439, %get3A_2440] {strides = array<i32>} : memref<128x128xf32, #tpu.memory_space<vmem>>, vector<1x16xf32>,
          %get3A_2442 = vector.shape_cast %get3A_2441 : vector<1x16xf32> to vector<16xf32>
          %mul3A_2443 = arith.mulf %get3A_2442, %gather3A_2436 : vector<16xf32>
          %add3A_2444 = arith.constant 14 : i32
          %add3A_2445 = arith.addi %mul3A_807, %add3A_2444 : i32
          %swap3A_2446 = arith.index_cast %add3A_2445 : i32 to index
          %swap3A_2447 = arith.constant 0 : index
          %swap3A_2448 = tpu.vector_load %arg12[%swap3A_2446, %swap3A_2447] {strides = array<i32>} : memref<128x128xf32, #tpu.memory_space<vmem>>, vector<1x16xf32>,
          %swap3A_2449 = vector.shape_cast %swap3A_2448 : vector<1x16xf32> to vector<16xf32>
          %swap3A_2450 = vector.shape_cast %mul3A_2443 : vector<16xf32> to vector<1x16xf32>
          tpu.vector_store %arg12[%swap3A_2446, %swap3A_2447], %swap3A_2450 {strides = array<i32>} : memref<128x128xf32, #tpu.memory_space<vmem>>, vector<1x16xf32>,
          %add3A_2451 = arith.constant 14 : i32
          %add3A_2452 = arith.addi %mul3A_807, %add3A_2451 : i32
          %get3A_2453 = arith.index_cast %add3A_2452 : i32 to index
          %get3A_2454 = arith.constant 16 : index
          %get3A_2455 = tpu.vector_load %arg12[%get3A_2453, %get3A_2454] {strides = array<i32>} : memref<128x128xf32, #tpu.memory_space<vmem>>, vector<1x16xf32>,
          %get3A_2456 = vector.shape_cast %get3A_2455 : vector<1x16xf32> to vector<16xf32>
          %mul3A_2457 = arith.mulf %get3A_2456, %gather3A_2436 : vector<16xf32>
          %add3A_2458 = arith.constant 14 : i32
          %add3A_2459 = arith.addi %mul3A_807, %add3A_2458 : i32
          %swap3A_2460 = arith.index_cast %add3A_2459 : i32 to index
          %swap3A_2461 = arith.constant 16 : index
          %swap3A_2462 = tpu.vector_load %arg12[%swap3A_2460, %swap3A_2461] {strides = array<i32>} : memref<128x128xf32, #tpu.memory_space<vmem>>, vector<1x16xf32>,
          %swap3A_2463 = vector.shape_cast %swap3A_2462 : vector<1x16xf32> to vector<16xf32>
          %swap3A_2464 = vector.shape_cast %mul3A_2457 : vector<16xf32> to vector<1x16xf32>
          tpu.vector_store %arg12[%swap3A_2460, %swap3A_2461], %swap3A_2464 {strides = array<i32>} : memref<128x128xf32, #tpu.memory_space<vmem>>, vector<1x16xf32>,
          %add3A_2465 = arith.constant 14 : i32
          %add3A_2466 = arith.addi %mul3A_807, %add3A_2465 : i32
          %get3A_2467 = arith.index_cast %add3A_2466 : i32 to index
          %get3A_2468 = arith.constant 32 : index
          %get3A_2469 = tpu.vector_load %arg12[%get3A_2467, %get3A_2468] {strides = array<i32>} : memref<128x128xf32, #tpu.memory_space<vmem>>, vector<1x16xf32>,
          %get3A_2470 = vector.shape_cast %get3A_2469 : vector<1x16xf32> to vector<16xf32>
          %mul3A_2471 = arith.mulf %get3A_2470, %gather3A_2436 : vector<16xf32>
          %add3A_2472 = arith.constant 14 : i32
          %add3A_2473 = arith.addi %mul3A_807, %add3A_2472 : i32
          %swap3A_2474 = arith.index_cast %add3A_2473 : i32 to index
          %swap3A_2475 = arith.constant 32 : index
          %swap3A_2476 = tpu.vector_load %arg12[%swap3A_2474, %swap3A_2475] {strides = array<i32>} : memref<128x128xf32, #tpu.memory_space<vmem>>, vector<1x16xf32>,
          %swap3A_2477 = vector.shape_cast %swap3A_2476 : vector<1x16xf32> to vector<16xf32>
          %swap3A_2478 = vector.shape_cast %mul3A_2471 : vector<16xf32> to vector<1x16xf32>
          tpu.vector_store %arg12[%swap3A_2474, %swap3A_2475], %swap3A_2478 {strides = array<i32>} : memref<128x128xf32, #tpu.memory_space<vmem>>, vector<1x16xf32>,
          %add3A_2479 = arith.constant 14 : i32
          %add3A_2480 = arith.addi %mul3A_807, %add3A_2479 : i32
          %get3A_2481 = arith.index_cast %add3A_2480 : i32 to index
          %get3A_2482 = arith.constant 48 : index
          %get3A_2483 = tpu.vector_load %arg12[%get3A_2481, %get3A_2482] {strides = array<i32>} : memref<128x128xf32, #tpu.memory_space<vmem>>, vector<1x16xf32>,
          %get3A_2484 = vector.shape_cast %get3A_2483 : vector<1x16xf32> to vector<16xf32>
          %mul3A_2485 = arith.mulf %get3A_2484, %gather3A_2436 : vector<16xf32>
          %add3A_2486 = arith.constant 14 : i32
          %add3A_2487 = arith.addi %mul3A_807, %add3A_2486 : i32
          %swap3A_2488 = arith.index_cast %add3A_2487 : i32 to index
          %swap3A_2489 = arith.constant 48 : index
          %swap3A_2490 = tpu.vector_load %arg12[%swap3A_2488, %swap3A_2489] {strides = array<i32>} : memref<128x128xf32, #tpu.memory_space<vmem>>, vector<1x16xf32>,
          %swap3A_2491 = vector.shape_cast %swap3A_2490 : vector<1x16xf32> to vector<16xf32>
          %swap3A_2492 = vector.shape_cast %mul3A_2485 : vector<16xf32> to vector<1x16xf32>
          tpu.vector_store %arg12[%swap3A_2488, %swap3A_2489], %swap3A_2492 {strides = array<i32>} : memref<128x128xf32, #tpu.memory_space<vmem>>, vector<1x16xf32>,
          %add3A_2493 = arith.constant 14 : i32
          %add3A_2494 = arith.addi %mul3A_807, %add3A_2493 : i32
          %get3A_2495 = arith.index_cast %add3A_2494 : i32 to index
          %get3A_2496 = arith.constant 64 : index
          %get3A_2497 = tpu.vector_load %arg12[%get3A_2495, %get3A_2496] {strides = array<i32>} : memref<128x128xf32, #tpu.memory_space<vmem>>, vector<1x16xf32>,
          %get3A_2498 = vector.shape_cast %get3A_2497 : vector<1x16xf32> to vector<16xf32>
          %mul3A_2499 = arith.mulf %get3A_2498, %gather3A_2436 : vector<16xf32>
          %add3A_2500 = arith.constant 14 : i32
          %add3A_2501 = arith.addi %mul3A_807, %add3A_2500 : i32
          %swap3A_2502 = arith.index_cast %add3A_2501 : i32 to index
          %swap3A_2503 = arith.constant 64 : index
          %swap3A_2504 = tpu.vector_load %arg12[%swap3A_2502, %swap3A_2503] {strides = array<i32>} : memref<128x128xf32, #tpu.memory_space<vmem>>, vector<1x16xf32>,
          %swap3A_2505 = vector.shape_cast %swap3A_2504 : vector<1x16xf32> to vector<16xf32>
          %swap3A_2506 = vector.shape_cast %mul3A_2499 : vector<16xf32> to vector<1x16xf32>
          tpu.vector_store %arg12[%swap3A_2502, %swap3A_2503], %swap3A_2506 {strides = array<i32>} : memref<128x128xf32, #tpu.memory_space<vmem>>, vector<1x16xf32>,
          %add3A_2507 = arith.constant 14 : i32
          %add3A_2508 = arith.addi %mul3A_807, %add3A_2507 : i32
          %get3A_2509 = arith.index_cast %add3A_2508 : i32 to index
          %get3A_2510 = arith.constant 80 : index
          %get3A_2511 = tpu.vector_load %arg12[%get3A_2509, %get3A_2510] {strides = array<i32>} : memref<128x128xf32, #tpu.memory_space<vmem>>, vector<1x16xf32>,
          %get3A_2512 = vector.shape_cast %get3A_2511 : vector<1x16xf32> to vector<16xf32>
          %mul3A_2513 = arith.mulf %get3A_2512, %gather3A_2436 : vector<16xf32>
          %add3A_2514 = arith.constant 14 : i32
          %add3A_2515 = arith.addi %mul3A_807, %add3A_2514 : i32
          %swap3A_2516 = arith.index_cast %add3A_2515 : i32 to index
          %swap3A_2517 = arith.constant 80 : index
          %swap3A_2518 = tpu.vector_load %arg12[%swap3A_2516, %swap3A_2517] {strides = array<i32>} : memref<128x128xf32, #tpu.memory_space<vmem>>, vector<1x16xf32>,
          %swap3A_2519 = vector.shape_cast %swap3A_2518 : vector<1x16xf32> to vector<16xf32>
          %swap3A_2520 = vector.shape_cast %mul3A_2513 : vector<16xf32> to vector<1x16xf32>
          tpu.vector_store %arg12[%swap3A_2516, %swap3A_2517], %swap3A_2520 {strides = array<i32>} : memref<128x128xf32, #tpu.memory_space<vmem>>, vector<1x16xf32>,
          %add3A_2521 = arith.constant 14 : i32
          %add3A_2522 = arith.addi %mul3A_807, %add3A_2521 : i32
          %get3A_2523 = arith.index_cast %add3A_2522 : i32 to index
          %get3A_2524 = arith.constant 96 : index
          %get3A_2525 = tpu.vector_load %arg12[%get3A_2523, %get3A_2524] {strides = array<i32>} : memref<128x128xf32, #tpu.memory_space<vmem>>, vector<1x16xf32>,
          %get3A_2526 = vector.shape_cast %get3A_2525 : vector<1x16xf32> to vector<16xf32>
          %mul3A_2527 = arith.mulf %get3A_2526, %gather3A_2436 : vector<16xf32>
          %add3A_2528 = arith.constant 14 : i32
          %add3A_2529 = arith.addi %mul3A_807, %add3A_2528 : i32
          %swap3A_2530 = arith.index_cast %add3A_2529 : i32 to index
          %swap3A_2531 = arith.constant 96 : index
          %swap3A_2532 = tpu.vector_load %arg12[%swap3A_2530, %swap3A_2531] {strides = array<i32>} : memref<128x128xf32, #tpu.memory_space<vmem>>, vector<1x16xf32>,
          %swap3A_2533 = vector.shape_cast %swap3A_2532 : vector<1x16xf32> to vector<16xf32>
          %swap3A_2534 = vector.shape_cast %mul3A_2527 : vector<16xf32> to vector<1x16xf32>
          tpu.vector_store %arg12[%swap3A_2530, %swap3A_2531], %swap3A_2534 {strides = array<i32>} : memref<128x128xf32, #tpu.memory_space<vmem>>, vector<1x16xf32>,
          %add3A_2535 = arith.constant 14 : i32
          %add3A_2536 = arith.addi %mul3A_807, %add3A_2535 : i32
          %get3A_2537 = arith.index_cast %add3A_2536 : i32 to index
          %get3A_2538 = arith.constant 112 : index
          %get3A_2539 = tpu.vector_load %arg12[%get3A_2537, %get3A_2538] {strides = array<i32>} : memref<128x128xf32, #tpu.memory_space<vmem>>, vector<1x16xf32>,
          %get3A_2540 = vector.shape_cast %get3A_2539 : vector<1x16xf32> to vector<16xf32>
          %mul3A_2541 = arith.mulf %get3A_2540, %gather3A_2436 : vector<16xf32>
          %add3A_2542 = arith.constant 14 : i32
          %add3A_2543 = arith.addi %mul3A_807, %add3A_2542 : i32
          %swap3A_2544 = arith.index_cast %add3A_2543 : i32 to index
          %swap3A_2545 = arith.constant 112 : index
          %swap3A_2546 = tpu.vector_load %arg12[%swap3A_2544, %swap3A_2545] {strides = array<i32>} : memref<128x128xf32, #tpu.memory_space<vmem>>, vector<1x16xf32>,
          %swap3A_2547 = vector.shape_cast %swap3A_2546 : vector<1x16xf32> to vector<16xf32>
          %swap3A_2548 = vector.shape_cast %mul3A_2541 : vector<16xf32> to vector<1x16xf32>
          tpu.vector_store %arg12[%swap3A_2544, %swap3A_2545], %swap3A_2548 {strides = array<i32>} : memref<128x128xf32, #tpu.memory_space<vmem>>, vector<1x16xf32>,
          %broadcast_in_dim3A_2549 = arith.constant 15 : i32
          %broadcast_in_dim3A_2550 = vector.broadcast %broadcast_in_dim3A_2549 : i32 to vector<16x1xi32>
          %gather3A_2551 = vector.shape_cast %broadcast_in_dim3A_2550 : vector<16x1xi32> to vector<16xi32>
          %gather3A_2552 = tpu.dynamic_gather %get3A_809[%gather3A_2551] in [0] : vector<16xf32>, vector<16xi32> -> vector<16xf32>
          %add3A_2553 = arith.constant 15 : i32
          %add3A_2554 = arith.addi %mul3A_807, %add3A_2553 : i32
          %get3A_2555 = arith.index_cast %add3A_2554 : i32 to index
          %get3A_2556 = arith.constant 0 : index
          %get3A_2557 = tpu.vector_load %arg12[%get3A_2555, %get3A_2556] {strides = array<i32>} : memref<128x128xf32, #tpu.memory_space<vmem>>, vector<1x16xf32>,
          %get3A_2558 = vector.shape_cast %get3A_2557 : vector<1x16xf32> to vector<16xf32>
          %mul3A_2559 = arith.mulf %get3A_2558, %gather3A_2552 : vector<16xf32>
          %add3A_2560 = arith.constant 15 : i32
          %add3A_2561 = arith.addi %mul3A_807, %add3A_2560 : i32
          %swap3A_2562 = arith.index_cast %add3A_2561 : i32 to index
          %swap3A_2563 = arith.constant 0 : index
          %swap3A_2564 = tpu.vector_load %arg12[%swap3A_2562, %swap3A_2563] {strides = array<i32>} : memref<128x128xf32, #tpu.memory_space<vmem>>, vector<1x16xf32>,
          %swap3A_2565 = vector.shape_cast %swap3A_2564 : vector<1x16xf32> to vector<16xf32>
          %swap3A_2566 = vector.shape_cast %mul3A_2559 : vector<16xf32> to vector<1x16xf32>
          tpu.vector_store %arg12[%swap3A_2562, %swap3A_2563], %swap3A_2566 {strides = array<i32>} : memref<128x128xf32, #tpu.memory_space<vmem>>, vector<1x16xf32>,
          %add3A_2567 = arith.constant 15 : i32
          %add3A_2568 = arith.addi %mul3A_807, %add3A_2567 : i32
          %get3A_2569 = arith.index_cast %add3A_2568 : i32 to index
          %get3A_2570 = arith.constant 16 : index
          %get3A_2571 = tpu.vector_load %arg12[%get3A_2569, %get3A_2570] {strides = array<i32>} : memref<128x128xf32, #tpu.memory_space<vmem>>, vector<1x16xf32>,
          %get3A_2572 = vector.shape_cast %get3A_2571 : vector<1x16xf32> to vector<16xf32>
          %mul3A_2573 = arith.mulf %get3A_2572, %gather3A_2552 : vector<16xf32>
          %add3A_2574 = arith.constant 15 : i32
          %add3A_2575 = arith.addi %mul3A_807, %add3A_2574 : i32
          %swap3A_2576 = arith.index_cast %add3A_2575 : i32 to index
          %swap3A_2577 = arith.constant 16 : index
          %swap3A_2578 = tpu.vector_load %arg12[%swap3A_2576, %swap3A_2577] {strides = array<i32>} : memref<128x128xf32, #tpu.memory_space<vmem>>, vector<1x16xf32>,
          %swap3A_2579 = vector.shape_cast %swap3A_2578 : vector<1x16xf32> to vector<16xf32>
          %swap3A_2580 = vector.shape_cast %mul3A_2573 : vector<16xf32> to vector<1x16xf32>
          tpu.vector_store %arg12[%swap3A_2576, %swap3A_2577], %swap3A_2580 {strides = array<i32>} : memref<128x128xf32, #tpu.memory_space<vmem>>, vector<1x16xf32>,
          %add3A_2581 = arith.constant 15 : i32
          %add3A_2582 = arith.addi %mul3A_807, %add3A_2581 : i32
          %get3A_2583 = arith.index_cast %add3A_2582 : i32 to index
          %get3A_2584 = arith.constant 32 : index
          %get3A_2585 = tpu.vector_load %arg12[%get3A_2583, %get3A_2584] {strides = array<i32>} : memref<128x128xf32, #tpu.memory_space<vmem>>, vector<1x16xf32>,
          %get3A_2586 = vector.shape_cast %get3A_2585 : vector<1x16xf32> to vector<16xf32>
          %mul3A_2587 = arith.mulf %get3A_2586, %gather3A_2552 : vector<16xf32>
          %add3A_2588 = arith.constant 15 : i32
          %add3A_2589 = arith.addi %mul3A_807, %add3A_2588 : i32
          %swap3A_2590 = arith.index_cast %add3A_2589 : i32 to index
          %swap3A_2591 = arith.constant 32 : index
          %swap3A_2592 = tpu.vector_load %arg12[%swap3A_2590, %swap3A_2591] {strides = array<i32>} : memref<128x128xf32, #tpu.memory_space<vmem>>, vector<1x16xf32>,
          %swap3A_2593 = vector.shape_cast %swap3A_2592 : vector<1x16xf32> to vector<16xf32>
          %swap3A_2594 = vector.shape_cast %mul3A_2587 : vector<16xf32> to vector<1x16xf32>
          tpu.vector_store %arg12[%swap3A_2590, %swap3A_2591], %swap3A_2594 {strides = array<i32>} : memref<128x128xf32, #tpu.memory_space<vmem>>, vector<1x16xf32>,
          %add3A_2595 = arith.constant 15 : i32
          %add3A_2596 = arith.addi %mul3A_807, %add3A_2595 : i32
          %get3A_2597 = arith.index_cast %add3A_2596 : i32 to index
          %get3A_2598 = arith.constant 48 : index
          %get3A_2599 = tpu.vector_load %arg12[%get3A_2597, %get3A_2598] {strides = array<i32>} : memref<128x128xf32, #tpu.memory_space<vmem>>, vector<1x16xf32>,
          %get3A_2600 = vector.shape_cast %get3A_2599 : vector<1x16xf32> to vector<16xf32>
          %mul3A_2601 = arith.mulf %get3A_2600, %gather3A_2552 : vector<16xf32>
          %add3A_2602 = arith.constant 15 : i32
          %add3A_2603 = arith.addi %mul3A_807, %add3A_2602 : i32
          %swap3A_2604 = arith.index_cast %add3A_2603 : i32 to index
          %swap3A_2605 = arith.constant 48 : index
          %swap3A_2606 = tpu.vector_load %arg12[%swap3A_2604, %swap3A_2605] {strides = array<i32>} : memref<128x128xf32, #tpu.memory_space<vmem>>, vector<1x16xf32>,
          %swap3A_2607 = vector.shape_cast %swap3A_2606 : vector<1x16xf32> to vector<16xf32>
          %swap3A_2608 = vector.shape_cast %mul3A_2601 : vector<16xf32> to vector<1x16xf32>
          tpu.vector_store %arg12[%swap3A_2604, %swap3A_2605], %swap3A_2608 {strides = array<i32>} : memref<128x128xf32, #tpu.memory_space<vmem>>, vector<1x16xf32>,
          %add3A_2609 = arith.constant 15 : i32
          %add3A_2610 = arith.addi %mul3A_807, %add3A_2609 : i32
          %get3A_2611 = arith.index_cast %add3A_2610 : i32 to index
          %get3A_2612 = arith.constant 64 : index
          %get3A_2613 = tpu.vector_load %arg12[%get3A_2611, %get3A_2612] {strides = array<i32>} : memref<128x128xf32, #tpu.memory_space<vmem>>, vector<1x16xf32>,
          %get3A_2614 = vector.shape_cast %get3A_2613 : vector<1x16xf32> to vector<16xf32>
          %mul3A_2615 = arith.mulf %get3A_2614, %gather3A_2552 : vector<16xf32>
          %add3A_2616 = arith.constant 15 : i32
          %add3A_2617 = arith.addi %mul3A_807, %add3A_2616 : i32
          %swap3A_2618 = arith.index_cast %add3A_2617 : i32 to index
          %swap3A_2619 = arith.constant 64 : index
          %swap3A_2620 = tpu.vector_load %arg12[%swap3A_2618, %swap3A_2619] {strides = array<i32>} : memref<128x128xf32, #tpu.memory_space<vmem>>, vector<1x16xf32>,
          %swap3A_2621 = vector.shape_cast %swap3A_2620 : vector<1x16xf32> to vector<16xf32>
          %swap3A_2622 = vector.shape_cast %mul3A_2615 : vector<16xf32> to vector<1x16xf32>
          tpu.vector_store %arg12[%swap3A_2618, %swap3A_2619], %swap3A_2622 {strides = array<i32>} : memref<128x128xf32, #tpu.memory_space<vmem>>, vector<1x16xf32>,
          %add3A_2623 = arith.constant 15 : i32
          %add3A_2624 = arith.addi %mul3A_807, %add3A_2623 : i32
          %get3A_2625 = arith.index_cast %add3A_2624 : i32 to index
          %get3A_2626 = arith.constant 80 : index
          %get3A_2627 = tpu.vector_load %arg12[%get3A_2625, %get3A_2626] {strides = array<i32>} : memref<128x128xf32, #tpu.memory_space<vmem>>, vector<1x16xf32>,
          %get3A_2628 = vector.shape_cast %get3A_2627 : vector<1x16xf32> to vector<16xf32>
          %mul3A_2629 = arith.mulf %get3A_2628, %gather3A_2552 : vector<16xf32>
          %add3A_2630 = arith.constant 15 : i32
          %add3A_2631 = arith.addi %mul3A_807, %add3A_2630 : i32
          %swap3A_2632 = arith.index_cast %add3A_2631 : i32 to index
          %swap3A_2633 = arith.constant 80 : index
          %swap3A_2634 = tpu.vector_load %arg12[%swap3A_2632, %swap3A_2633] {strides = array<i32>} : memref<128x128xf32, #tpu.memory_space<vmem>>, vector<1x16xf32>,
          %swap3A_2635 = vector.shape_cast %swap3A_2634 : vector<1x16xf32> to vector<16xf32>
          %swap3A_2636 = vector.shape_cast %mul3A_2629 : vector<16xf32> to vector<1x16xf32>
          tpu.vector_store %arg12[%swap3A_2632, %swap3A_2633], %swap3A_2636 {strides = array<i32>} : memref<128x128xf32, #tpu.memory_space<vmem>>, vector<1x16xf32>,
          %add3A_2637 = arith.constant 15 : i32
          %add3A_2638 = arith.addi %mul3A_807, %add3A_2637 : i32
          %get3A_2639 = arith.index_cast %add3A_2638 : i32 to index
          %get3A_2640 = arith.constant 96 : index
          %get3A_2641 = tpu.vector_load %arg12[%get3A_2639, %get3A_2640] {strides = array<i32>} : memref<128x128xf32, #tpu.memory_space<vmem>>, vector<1x16xf32>,
          %get3A_2642 = vector.shape_cast %get3A_2641 : vector<1x16xf32> to vector<16xf32>
          %mul3A_2643 = arith.mulf %get3A_2642, %gather3A_2552 : vector<16xf32>
          %add3A_2644 = arith.constant 15 : i32
          %add3A_2645 = arith.addi %mul3A_807, %add3A_2644 : i32
          %swap3A_2646 = arith.index_cast %add3A_2645 : i32 to index
          %swap3A_2647 = arith.constant 96 : index
          %swap3A_2648 = tpu.vector_load %arg12[%swap3A_2646, %swap3A_2647] {strides = array<i32>} : memref<128x128xf32, #tpu.memory_space<vmem>>, vector<1x16xf32>,
          %swap3A_2649 = vector.shape_cast %swap3A_2648 : vector<1x16xf32> to vector<16xf32>
          %swap3A_2650 = vector.shape_cast %mul3A_2643 : vector<16xf32> to vector<1x16xf32>
          tpu.vector_store %arg12[%swap3A_2646, %swap3A_2647], %swap3A_2650 {strides = array<i32>} : memref<128x128xf32, #tpu.memory_space<vmem>>, vector<1x16xf32>,
          %add3A_2651 = arith.constant 15 : i32
          %add3A_2652 = arith.addi %mul3A_807, %add3A_2651 : i32
          %get3A_2653 = arith.index_cast %add3A_2652 : i32 to index
          %get3A_2654 = arith.constant 112 : index
          %get3A_2655 = tpu.vector_load %arg12[%get3A_2653, %get3A_2654] {strides = array<i32>} : memref<128x128xf32, #tpu.memory_space<vmem>>, vector<1x16xf32>,
          %get3A_2656 = vector.shape_cast %get3A_2655 : vector<1x16xf32> to vector<16xf32>
          %mul3A_2657 = arith.mulf %get3A_2656, %gather3A_2552 : vector<16xf32>
          %add3A_2658 = arith.constant 15 : i32
          %add3A_2659 = arith.addi %mul3A_807, %add3A_2658 : i32
          %swap3A_2660 = arith.index_cast %add3A_2659 : i32 to index
          %swap3A_2661 = arith.constant 112 : index
          %swap3A_2662 = tpu.vector_load %arg12[%swap3A_2660, %swap3A_2661] {strides = array<i32>} : memref<128x128xf32, #tpu.memory_space<vmem>>, vector<1x16xf32>,
          %swap3A_2663 = vector.shape_cast %swap3A_2662 : vector<1x16xf32> to vector<16xf32>
          %swap3A_2664 = vector.shape_cast %mul3A_2657 : vector<16xf32> to vector<1x16xf32>
          tpu.vector_store %arg12[%swap3A_2660, %swap3A_2661], %swap3A_2664 {strides = array<i32>} : memref<128x128xf32, #tpu.memory_space<vmem>>, vector<1x16xf32>,
        }
        %scan3A_804 = arith.constant 8 : i32
        "tpu.region"() ({
          %run_scoped3A = tpu.sem_alloc : memref<!tpu.dma_semaphore, #tpu.memory_space<semaphore_mem>>
          %dma_start3A_805 = arith.constant 0 : i32
          %dma_start3A_806 = arith.constant 0 : i32
          %dma_start3A_807 = tpu.memref_slice %arg13[%dma_start3A_805, %dma_start3A_806] : memref<10240x128xf32, #tpu.memory_space<vmem_shared>> -> memref<10240x128xf32, #tpu.memory_space<vmem_shared>>
          tpu.enqueue_indirect_dma source(%arg12 : memref<128x128xf32, #tpu.memory_space<vmem>>) target(%dma_start3A_807 : memref<10240x128xf32, #tpu.memory_space<vmem_shared>>) offsets(%arg10 : memref<128xi32, #tpu.memory_space<vmem>>) semaphore(%run_scoped3A : memref<!tpu.dma_semaphore, #tpu.memory_space<semaphore_mem>>) {add = true}
          %dma_wait3A_808 = arith.constant 0 : i32
          %dma_wait3A_809 = arith.constant 0 : i32
          %dma_wait3A_810 = tpu.memref_slice %arg13[%dma_wait3A_808, %dma_wait3A_809] : memref<10240x128xf32, #tpu.memory_space<vmem_shared>> -> memref<10240x128xf32, #tpu.memory_space<vmem_shared>>
          tpu.wait_indirect_dma semaphore(%run_scoped3A : memref<!tpu.dma_semaphore, #tpu.memory_space<semaphore_mem>>) src(%arg12 : memref<128x128xf32, #tpu.memory_space<vmem>>) dst(%dma_wait3A_810 : memref<10240x128xf32, #tpu.memory_space<vmem_shared>>)
          tpu.yield
        }) : () -> ()
      } else {
      }
    }
    %scan3A_779 = arith.constant 79 : i32
    %barrier3A_780 = arith.constant 0 : index
    tpu.barrier barrier_id(%barrier3A_780)
    %scan3A_781 = arith.constant 0 : i32
    %scan3A_782 = arith.constant 0 : i32
    %scan3A_783 = arith.constant 40 : i32
    %scan3A_784 = arith.addi %scan3A_782, %scan3A_783 : i32
    %scan3A_785 = arith.constant 1 : i32
    scf.for %scan3A_787 = %scan3A_782 to %scan3A_784 step %scan3A_785  : i32 {
      %mul3A_788 = arith.constant 16 : i32
      %mul3A_789 = arith.muli %scan3A_787, %mul3A_788 : i32
      %add3A_790 = arith.addi %mul3A_789, %arg1 : i32
      %mul3A_791 = arith.constant 16 : i32
      %mul3A_792 = arith.muli %add3A_790, %mul3A_791 : i32
      "tpu.region"() ({
        %run_scoped3A = tpu.sem_alloc : memref<!tpu.dma_semaphore, #tpu.memory_space<semaphore_mem>>
        %dma_start3A = arith.constant 0 : i32
        %dma_start3A_793 = tpu.memref_slice %arg13[%mul3A_792, %dma_start3A] : memref<10240x128xf32, #tpu.memory_space<vmem_shared>> -> memref<16x128xf32, #tpu.memory_space<vmem_shared>>
        %dma_start3A_794 = arith.constant 0 : i32
        %dma_start3A_795 = tpu.memref_slice %arg13[%mul3A_792, %dma_start3A_794] : memref<10240x128xf32, #tpu.memory_space<vmem_shared>> -> memref<16x128xf32, #tpu.memory_space<vmem_shared>>
        tpu.enqueue_dma source(%dma_start3A_795 : memref<16x128xf32, #tpu.memory_space<vmem_shared>>) target(%arg7 : memref<16x128xf32, #tpu.memory_space<vmem>>) target_semaphore(%run_scoped3A : memref<!tpu.dma_semaphore, #tpu.memory_space<semaphore_mem>>)
        %dma_wait3A = arith.constant 0 : i32
        %dma_wait3A_796 = tpu.memref_slice %arg13[%mul3A_792, %dma_wait3A] : memref<10240x128xf32, #tpu.memory_space<vmem_shared>> -> memref<16x128xf32, #tpu.memory_space<vmem_shared>>
        %dma_wait3A_797 = arith.constant 0 : i32
        %dma_wait3A_798 = tpu.memref_slice %arg13[%mul3A_792, %dma_wait3A_797] : memref<10240x128xf32, #tpu.memory_space<vmem_shared>> -> memref<16x128xf32, #tpu.memory_space<vmem_shared>>
        tpu.wait_dma2 semaphore(%run_scoped3A : memref<!tpu.dma_semaphore, #tpu.memory_space<semaphore_mem>>) src(%dma_wait3A_798 : memref<16x128xf32, #tpu.memory_space<vmem_shared>>) dst(%arg7 : memref<16x128xf32, #tpu.memory_space<vmem>>)
        tpu.yield
      }) : () -> ()
      "tpu.region"() ({
        %run_scoped3A = tpu.sem_alloc : memref<!tpu.dma_semaphore, #tpu.memory_space<semaphore_mem>>
        %dma_start3A = arith.constant 0 : i32
        %dma_start3A_793 = tpu.memref_slice %arg6[%arg0, %mul3A_792, %dma_start3A] : memref<2x10240x128xf32, #tpu.memory_space<hbm>> -> memref<1x16x128xf32, #tpu.memory_space<hbm>>
        %dma_start3A_794 = tpu.memref_squeeze %dma_start3A_793 : memref<1x16x128xf32, #tpu.memory_space<hbm>> -> memref<16x128xf32, #tpu.memory_space<hbm>>
        %dma_start3A_795 = arith.constant 0 : i32
        %dma_start3A_796 = tpu.memref_slice %arg6[%arg0, %mul3A_792, %dma_start3A_795] : memref<2x10240x128xf32, #tpu.memory_space<hbm>> -> memref<1x16x128xf32, #tpu.memory_space<hbm>>
        %dma_start3A_797 = tpu.memref_squeeze %dma_start3A_796 : memref<1x16x128xf32, #tpu.memory_space<hbm>> -> memref<16x128xf32, #tpu.memory_space<hbm>>
        tpu.enqueue_dma source(%arg7 : memref<16x128xf32, #tpu.memory_space<vmem>>) target(%dma_start3A_797 : memref<16x128xf32, #tpu.memory_space<hbm>>) target_semaphore(%run_scoped3A : memref<!tpu.dma_semaphore, #tpu.memory_space<semaphore_mem>>)
        %dma_wait3A = arith.constant 0 : i32
        %dma_wait3A_798 = tpu.memref_slice %arg6[%arg0, %mul3A_792, %dma_wait3A] : memref<2x10240x128xf32, #tpu.memory_space<hbm>> -> memref<1x16x128xf32, #tpu.memory_space<hbm>>
        %dma_wait3A_799 = tpu.memref_squeeze %dma_wait3A_798 : memref<1x16x128xf32, #tpu.memory_space<hbm>> -> memref<16x128xf32, #tpu.memory_space<hbm>>
        %dma_wait3A_800 = arith.constant 0 : i32
        %dma_wait3A_801 = tpu.memref_slice %arg6[%arg0, %mul3A_792, %dma_wait3A_800] : memref<2x10240x128xf32, #tpu.memory_space<hbm>> -> memref<1x16x128xf32, #tpu.memory_space<hbm>>
        %dma_wait3A_802 = tpu.memref_squeeze %dma_wait3A_801 : memref<1x16x128xf32, #tpu.memory_space<hbm>> -> memref<16x128xf32, #tpu.memory_space<hbm>>
        tpu.wait_dma2 semaphore(%run_scoped3A : memref<!tpu.dma_semaphore, #tpu.memory_space<semaphore_mem>>) src(%arg7 : memref<16x128xf32, #tpu.memory_space<vmem>>) dst(%dma_wait3A_802 : memref<16x128xf32, #tpu.memory_space<hbm>>)
        tpu.yield
      }) : () -> ()
    }
    %scan3A_786 = arith.constant 40 : i32
    return
  }
}

module attributes {stable_mosaic.version = 14 : i64} {
  func.func @body(%arg0: i32, %arg1: memref<2x1024x128xf32, #tpu.memory_space<vmem>>, %arg2: memref<1x1x1024xi32, #tpu.memory_space<vmem>>, %arg3: memref<128x128xf32, #tpu.memory_space<vmem>>, %arg4: memref<128x128xf32, #tpu.memory_space<vmem>>, %arg5: memref<128x128xf32, #tpu.memory_space<vmem>>, %arg6: memref<1x128xf32, #tpu.memory_space<vmem>>, %arg7: memref<1x128xf32, #tpu.memory_space<vmem>>, %arg8: memref<1x128xf32, #tpu.memory_space<vmem>>, %arg9: memref<1x1xf32, #tpu.memory_space<vmem>>, %arg10: memref<512x128xf32, #tpu.memory_space<vmem>>, %arg11: memref<512x128xf32, #tpu.memory_space<vmem>>, %arg12: memref<1024x128xf32, #tpu.memory_space<vmem>>, %arg13: memref<512x128xf32, #tpu.memory_space<vmem>>) attributes {dimension_semantics = [#tpu.dimension_semantics<arbitrary>], iteration_bounds = array<i64: 10>, scalar_prefetch = 0 : i64, scratch_operands = 1 : i64, tpu.core_type = #tpu.core_type<tc>, window_params = [{transform_indices = @transform_0, window_bounds = array<i64: 2, 1024, 128>}, {transform_indices = @transform_1, window_bounds = array<i64: 1, 1, 1024>}, {pipeline_mode = #tpu.pipeline_mode<synchronous>, transform_indices = @transform_2, window_bounds = array<i64: 128, 128>}, {pipeline_mode = #tpu.pipeline_mode<synchronous>, transform_indices = @transform_3, window_bounds = array<i64: 128, 128>}, {pipeline_mode = #tpu.pipeline_mode<synchronous>, transform_indices = @transform_4, window_bounds = array<i64: 128, 128>}, {pipeline_mode = #tpu.pipeline_mode<synchronous>, transform_indices = @transform_5, window_bounds = array<i64: 1, 128>}, {pipeline_mode = #tpu.pipeline_mode<synchronous>, transform_indices = @transform_6, window_bounds = array<i64: 1, 128>}, {pipeline_mode = #tpu.pipeline_mode<synchronous>, transform_indices = @transform_7, window_bounds = array<i64: 1, 128>}, {pipeline_mode = #tpu.pipeline_mode<synchronous>, transform_indices = @transform_8, window_bounds = array<i64: 1, 1>}, {pipeline_mode = #tpu.pipeline_mode<synchronous>, transform_indices = @transform_9, window_bounds = array<i64: 512, 128>}, {pipeline_mode = #tpu.pipeline_mode<synchronous>, transform_indices = @transform_10, window_bounds = array<i64: 512, 128>}, {transform_indices = @transform_11, window_bounds = array<i64: 1024, 128>}]} {
    %get3A = arith.constant 0 : index
    %get3A_0 = arith.constant 0 : index
    %get3A_1 = arith.constant 0 : index
    %get3A_2 = vector.load %arg1[%get3A, %get3A_0, %get3A_1] : memref<2x1024x128xf32, #tpu.memory_space<vmem>>, vector<1x1024x128xf32>
    %get3A_3 = vector.shape_cast %get3A_2 : vector<1x1024x128xf32> to vector<1024x128xf32>
    %get3A_4 = arith.constant 1 : index
    %get3A_5 = arith.constant 0 : index
    %get3A_6 = arith.constant 0 : index
    %get3A_7 = vector.load %arg1[%get3A_4, %get3A_5, %get3A_6] : memref<2x1024x128xf32, #tpu.memory_space<vmem>>, vector<1x1024x128xf32>
    %get3A_8 = vector.shape_cast %get3A_7 : vector<1x1024x128xf32> to vector<1024x128xf32>
    %add3A = arith.addf %get3A_3, %get3A_8 : vector<1024x128xf32>
    %get3A_9 = arith.constant 0 : index
    %get3A_10 = arith.constant 0 : index
    %get3A_11 = vector.load %arg4[%get3A_9, %get3A_10] : memref<128x128xf32, #tpu.memory_space<vmem>>, vector<128x128xf32>
    %dot_general3A = arith.constant dense<0.000000e+00> : vector<1024x128xf32>
    %dot_general3A_12 = tpu.matmul %add3A, %get3A_11, %dot_general3A {dimension_numbers = #tpu.dot_dimension_numbers<[1], [0], [0], [1], [0, 0, 1, 1], [], []>, transpose_lhs_hint = false} : vector<1024x128xf32>, vector<128x128xf32>, vector<1024x128xf32> -> vector<1024x128xf32>
    %get3A_13 = arith.constant 0 : index
    %get3A_14 = arith.constant 0 : index
    %get3A_15 = vector.load %arg5[%get3A_13, %get3A_14] : memref<128x128xf32, #tpu.memory_space<vmem>>, vector<128x128xf32>
    %dot_general3A_16 = arith.constant dense<0.000000e+00> : vector<1024x128xf32>
    %dot_general3A_17 = tpu.matmul %dot_general3A_12, %get3A_15, %dot_general3A_16 {dimension_numbers = #tpu.dot_dimension_numbers<[1], [0], [0], [1], [0, 0, 1, 1], [], []>, transpose_lhs_hint = false} : vector<1024x128xf32>, vector<128x128xf32>, vector<1024x128xf32> -> vector<1024x128xf32>
    %get3A_18 = arith.constant 0 : index
    %get3A_19 = arith.constant 0 : index
    %get3A_20 = vector.load %arg6[%get3A_18, %get3A_19] : memref<1x128xf32, #tpu.memory_space<vmem>>, vector<1x128xf32>
    %add3A_21 = vector.broadcast %get3A_20 : vector<1x128xf32> to vector<1024x128xf32>
    %add3A_22 = arith.addf %dot_general3A_17, %add3A_21 : vector<1024x128xf32>
    %reduce_sum3A = arith.constant dense<0.000000e+00> : vector<1024xf32>
    %reduce_sum3A_23 = vector.multi_reduction <add>, %add3A_22, %reduce_sum3A [1] : vector<1024x128xf32> to vector<1024xf32>
    %broadcast_in_dim3A = vector.shape_cast %reduce_sum3A_23 : vector<1024xf32> to vector<1024x1xf32>
    %div3A = arith.constant 1.280000e+02 : f32
    %div3A_24 = vector.broadcast %div3A : f32 to vector<1024x1xf32>
    %div3A_25 = arith.divf %broadcast_in_dim3A, %div3A_24 : vector<1024x1xf32>
    %sub3A = vector.broadcast %div3A_25 : vector<1024x1xf32> to vector<1024x128xf32>
    %sub3A_26 = arith.subf %add3A_22, %sub3A : vector<1024x128xf32>
    %integer_pow3A = arith.mulf %sub3A_26, %sub3A_26 : vector<1024x128xf32>
    %reduce_sum3A_27 = arith.constant dense<0.000000e+00> : vector<1024xf32>
    %reduce_sum3A_28 = vector.multi_reduction <add>, %integer_pow3A, %reduce_sum3A_27 [1] : vector<1024x128xf32> to vector<1024xf32>
    %broadcast_in_dim3A_29 = vector.shape_cast %reduce_sum3A_28 : vector<1024xf32> to vector<1024x1xf32>
    %div3A_30 = arith.constant 1.280000e+02 : f32
    %div3A_31 = vector.broadcast %div3A_30 : f32 to vector<1024x1xf32>
    %div3A_32 = arith.divf %broadcast_in_dim3A_29, %div3A_31 : vector<1024x1xf32>
    %sub3A_33 = vector.broadcast %div3A_25 : vector<1024x1xf32> to vector<1024x128xf32>
    %sub3A_34 = arith.subf %add3A_22, %sub3A_33 : vector<1024x128xf32>
    %add3A_35 = arith.constant 9.99999974E-6 : f32
    %add3A_36 = vector.broadcast %add3A_35 : f32 to vector<1024x1xf32>
    %add3A_37 = arith.addf %div3A_32, %add3A_36 : vector<1024x1xf32>
    %sqrt3A = math.sqrt %add3A_37 : vector<1024x1xf32>
    %div3A_38 = vector.broadcast %sqrt3A : vector<1024x1xf32> to vector<1024x128xf32>
    %div3A_39 = arith.divf %sub3A_34, %div3A_38 : vector<1024x128xf32>
    %get3A_40 = arith.constant 0 : index
    %get3A_41 = arith.constant 0 : index
    %get3A_42 = vector.load %arg7[%get3A_40, %get3A_41] : memref<1x128xf32, #tpu.memory_space<vmem>>, vector<1x128xf32>
    %mul3A = vector.broadcast %get3A_42 : vector<1x128xf32> to vector<1024x128xf32>
    %mul3A_43 = arith.mulf %div3A_39, %mul3A : vector<1024x128xf32>
    %get3A_44 = arith.constant 0 : index
    %get3A_45 = arith.constant 0 : index
    %get3A_46 = vector.load %arg8[%get3A_44, %get3A_45] : memref<1x128xf32, #tpu.memory_space<vmem>>, vector<1x128xf32>
    %add3A_47 = vector.broadcast %get3A_46 : vector<1x128xf32> to vector<1024x128xf32>
    %add3A_48 = arith.addf %mul3A_43, %add3A_47 : vector<1024x128xf32>
    %get3A_49 = arith.constant 0 : index
    %get3A_50 = arith.constant 0 : index
    %get3A_51 = vector.load %arg9[%get3A_49, %get3A_50] : memref<1x1xf32, #tpu.memory_space<vmem>>, vector<1x1xf32>
    %get3A_52 = vector.extract %get3A_51[0, 0] : f32 from vector<1x1xf32>
    %ge3A = arith.constant 0.000000e+00 : f32
    %ge3A_53 = vector.broadcast %ge3A : f32 to vector<1024x128xf32>
    %ge3A_54 = arith.cmpf oge, %add3A_48, %ge3A_53 : vector<1024x128xf32>
    %mul3A_55 = vector.broadcast %get3A_52 : f32 to vector<1024x128xf32>
    %mul3A_56 = arith.mulf %mul3A_55, %add3A_48 : vector<1024x128xf32>
    %select_n3A = arith.select %ge3A_54, %add3A_48, %mul3A_56 : vector<1024x128xi1>, vector<1024x128xf32>
    %swap3A = arith.constant 0 : index
    %swap3A_57 = arith.constant 0 : index
    %swap3A_58 = vector.load %arg12[%swap3A, %swap3A_57] : memref<1024x128xf32, #tpu.memory_space<vmem>>, vector<1024x128xf32>
    tpu.vector_store %arg12[%swap3A, %swap3A_57], %select_n3A {strides = array<i32>} : memref<1024x128xf32, #tpu.memory_space<vmem>>, vector<1024x128xf32>,
    %get3A_59 = arith.constant 0 : index
    %get3A_60 = arith.constant 0 : index
    %get3A_61 = arith.constant 0 : index
    %get3A_62 = vector.load %arg2[%get3A_59, %get3A_60, %get3A_61] : memref<1x1x1024xi32, #tpu.memory_space<vmem>>, vector<1x1x1024xi32>
    %get3A_63 = vector.shape_cast %get3A_62 : vector<1x1x1024xi32> to vector<1024xi32>
    %iota3A = tpu.iota {dimensions = array<i32: 0>} : vector<512x1024xi32>
    %broadcast_in_dim3A_64 = vector.shape_cast %get3A_63 : vector<1024xi32> to vector<1x1024xi32>
    %eq3A = vector.broadcast %broadcast_in_dim3A_64 : vector<1x1024xi32> to vector<512x1024xi32>
    %eq3A_65 = arith.cmpi eq, %eq3A, %iota3A : vector<512x1024xi32>
    %convert_element_type3A = arith.extui %eq3A_65 : vector<512x1024xi1> to vector<512x1024xi32>
    %convert_element_type3A_66 = arith.sitofp %convert_element_type3A : vector<512x1024xi32> to vector<512x1024xf32>
    %dot_general3A_67 = arith.constant dense<0.000000e+00> : vector<512x128xf32>
    %dot_general3A_68 = tpu.matmul %convert_element_type3A_66, %add3A, %dot_general3A_67 {dimension_numbers = #tpu.dot_dimension_numbers<[1], [0], [0], [1], [0, 0, 1, 1], [], []>, transpose_lhs_hint = false} : vector<512x1024xf32>, vector<1024x128xf32>, vector<512x128xf32> -> vector<512x128xf32>
    %eq3A_69 = arith.constant 0 : i32
    %eq3A_70 = arith.cmpi eq, %arg0, %eq3A_69 : i32
    %convert_element_type3A_71 = arith.extui %eq3A_70 : i1 to i32
    %cond3A = arith.constant 0 : i32
    %cond3A_72 = arith.cmpi ne, %convert_element_type3A_71, %cond3A : i32
    scf.if %cond3A_72 {
      %swap3A_82 = arith.constant 0 : index
      %swap3A_83 = arith.constant 0 : index
      %swap3A_84 = vector.load %arg13[%swap3A_82, %swap3A_83] : memref<512x128xf32, #tpu.memory_space<vmem>>, vector<512x128xf32>
      tpu.vector_store %arg13[%swap3A_82, %swap3A_83], %dot_general3A_68 {strides = array<i32>} : memref<512x128xf32, #tpu.memory_space<vmem>>, vector<512x128xf32>,
    } else {
    }
    %gt3A = arith.constant 0 : i32
    %gt3A_73 = arith.cmpi sgt, %arg0, %gt3A : i32
    %convert_element_type3A_74 = arith.extui %gt3A_73 : i1 to i32
    %cond3A_75 = arith.constant 0 : i32
    %cond3A_76 = arith.cmpi ne, %convert_element_type3A_74, %cond3A_75 : i32
    scf.if %cond3A_76 {
      %get3A_82 = arith.constant 0 : index
      %get3A_83 = arith.constant 0 : index
      %get3A_84 = vector.load %arg13[%get3A_82, %get3A_83] : memref<512x128xf32, #tpu.memory_space<vmem>>, vector<512x128xf32>
      %add3A_85 = arith.addf %get3A_84, %dot_general3A_68 : vector<512x128xf32>
      %swap3A_86 = arith.constant 0 : index
      %swap3A_87 = arith.constant 0 : index
      %swap3A_88 = vector.load %arg13[%swap3A_86, %swap3A_87] : memref<512x128xf32, #tpu.memory_space<vmem>>, vector<512x128xf32>
      tpu.vector_store %arg13[%swap3A_86, %swap3A_87], %add3A_85 {strides = array<i32>} : memref<512x128xf32, #tpu.memory_space<vmem>>, vector<512x128xf32>,
    } else {
    }
    %eq3A_77 = arith.constant 9 : i32
    %eq3A_78 = arith.cmpi eq, %arg0, %eq3A_77 : i32
    %convert_element_type3A_79 = arith.extui %eq3A_78 : i1 to i32
    %cond3A_80 = arith.constant 0 : i32
    %cond3A_81 = arith.cmpi ne, %convert_element_type3A_79, %cond3A_80 : i32
    scf.if %cond3A_81 {
      %get3A_82 = arith.constant 0 : index
      %get3A_83 = arith.constant 0 : index
      %get3A_84 = vector.load %arg13[%get3A_82, %get3A_83] : memref<512x128xf32, #tpu.memory_space<vmem>>, vector<512x128xf32>
      %get3A_85 = arith.constant 0 : index
      %get3A_86 = arith.constant 0 : index
      %get3A_87 = vector.load %arg3[%get3A_85, %get3A_86] : memref<128x128xf32, #tpu.memory_space<vmem>>, vector<128x128xf32>
      %dot_general3A_88 = arith.constant dense<0.000000e+00> : vector<512x128xf32>
      %dot_general3A_89 = tpu.matmul %get3A_84, %get3A_87, %dot_general3A_88 {dimension_numbers = #tpu.dot_dimension_numbers<[1], [0], [0], [1], [0, 0, 1, 1], [], []>, transpose_lhs_hint = false} : vector<512x128xf32>, vector<128x128xf32>, vector<512x128xf32> -> vector<512x128xf32>
      %swap3A_90 = arith.constant 0 : index
      %swap3A_91 = arith.constant 0 : index
      %swap3A_92 = vector.load %arg10[%swap3A_90, %swap3A_91] : memref<512x128xf32, #tpu.memory_space<vmem>>, vector<512x128xf32>
      tpu.vector_store %arg10[%swap3A_90, %swap3A_91], %dot_general3A_89 {strides = array<i32>} : memref<512x128xf32, #tpu.memory_space<vmem>>, vector<512x128xf32>,
      %get3A_93 = arith.constant 0 : index
      %get3A_94 = arith.constant 0 : index
      %get3A_95 = vector.load %arg4[%get3A_93, %get3A_94] : memref<128x128xf32, #tpu.memory_space<vmem>>, vector<128x128xf32>
      %dot_general3A_96 = arith.constant dense<0.000000e+00> : vector<512x128xf32>
      %dot_general3A_97 = tpu.matmul %get3A_84, %get3A_95, %dot_general3A_96 {dimension_numbers = #tpu.dot_dimension_numbers<[1], [0], [0], [1], [0, 0, 1, 1], [], []>, transpose_lhs_hint = false} : vector<512x128xf32>, vector<128x128xf32>, vector<512x128xf32> -> vector<512x128xf32>
      %swap3A_98 = arith.constant 0 : index
      %swap3A_99 = arith.constant 0 : index
      %swap3A_100 = vector.load %arg11[%swap3A_98, %swap3A_99] : memref<512x128xf32, #tpu.memory_space<vmem>>, vector<512x128xf32>
      tpu.vector_store %arg11[%swap3A_98, %swap3A_99], %dot_general3A_97 {strides = array<i32>} : memref<512x128xf32, #tpu.memory_space<vmem>>, vector<512x128xf32>,
    } else {
    }
    return
  }
  func.func @transform_0(%arg0: i32) -> (i32, i32, i32) {
    %c0_i32 = arith.constant 0 : i32
    %c0_i32_0 = arith.constant 0 : i32
    %c0_i32_1 = arith.constant 0 : i32
    return %c0_i32, %arg0, %c0_i32_0 : i32, i32, i32
  }
  func.func @transform_1(%arg0: i32) -> (i32, i32, i32) {
    %c0_i32 = arith.constant 0 : i32
    %c0_i32_0 = arith.constant 0 : i32
    %c0_i32_1 = arith.constant 0 : i32
    return %arg0, %c0_i32, %c0_i32_0 : i32, i32, i32
  }
  func.func @transform_2(%arg0: i32) -> (i32, i32) {
    %c0_i32 = arith.constant 0 : i32
    %c0_i32_0 = arith.constant 0 : i32
    %c0_i32_1 = arith.constant 0 : i32
    return %c0_i32, %c0_i32_0 : i32, i32
  }
  func.func @transform_3(%arg0: i32) -> (i32, i32) {
    %c0_i32 = arith.constant 0 : i32
    %c0_i32_0 = arith.constant 0 : i32
    %c0_i32_1 = arith.constant 0 : i32
    return %c0_i32, %c0_i32_0 : i32, i32
  }
  func.func @transform_4(%arg0: i32) -> (i32, i32) {
    %c0_i32 = arith.constant 0 : i32
    %c0_i32_0 = arith.constant 0 : i32
    %c0_i32_1 = arith.constant 0 : i32
    return %c0_i32, %c0_i32_0 : i32, i32
  }
  func.func @transform_5(%arg0: i32) -> (i32, i32) {
    %c0_i32 = arith.constant 0 : i32
    %c0_i32_0 = arith.constant 0 : i32
    %c0_i32_1 = arith.constant 0 : i32
    return %c0_i32, %c0_i32_0 : i32, i32
  }
  func.func @transform_6(%arg0: i32) -> (i32, i32) {
    %c0_i32 = arith.constant 0 : i32
    %c0_i32_0 = arith.constant 0 : i32
    %c0_i32_1 = arith.constant 0 : i32
    return %c0_i32, %c0_i32_0 : i32, i32
  }
  func.func @transform_7(%arg0: i32) -> (i32, i32) {
    %c0_i32 = arith.constant 0 : i32
    %c0_i32_0 = arith.constant 0 : i32
    %c0_i32_1 = arith.constant 0 : i32
    return %c0_i32, %c0_i32_0 : i32, i32
  }
  func.func @transform_8(%arg0: i32) -> (i32, i32) {
    %c0_i32 = arith.constant 0 : i32
    %c0_i32_0 = arith.constant 0 : i32
    %c0_i32_1 = arith.constant 0 : i32
    return %c0_i32, %c0_i32_0 : i32, i32
  }
  func.func @transform_9(%arg0: i32) -> (i32, i32) {
    %c0_i32 = arith.constant 0 : i32
    %c0_i32_0 = arith.constant 0 : i32
    %c0_i32_1 = arith.constant 0 : i32
    return %c0_i32, %c0_i32_0 : i32, i32
  }
  func.func @transform_10(%arg0: i32) -> (i32, i32) {
    %c0_i32 = arith.constant 0 : i32
    %c0_i32_0 = arith.constant 0 : i32
    %c0_i32_1 = arith.constant 0 : i32
    return %c0_i32, %c0_i32_0 : i32, i32
  }
  func.func @transform_11(%arg0: i32) -> (i32, i32) {
    %c0_i32 = arith.constant 0 : i32
    %c0_i32_0 = arith.constant 0 : i32
    return %arg0, %c0_i32 : i32, i32
  }
}

</mosaic_0001>

<sc_bundles>
// kernel: kernel.4.cloned.1.call-start
scs
__scs_entry_jumppad:
0x0: {  	(pc) =	sbr.rel $0x88, $3  }
0x1: {  	(tag) =	ssettag $0x0;
	lr =	simm.s32 $0x1  }
0x2: {  	[smem:$0x3F96] =	sst lr;
	_ =	strace $0xD0000000  }
0x3: {  	_ = 	snop  }
0x4: {  	_ = 	snop  }
0x5: {  	_ = 	snop  }
0x6: {  	_ = 	snop  }
0x7: {  	_ = 	snop  }
__scs_overlays_trampoline_lowered:
0x8: {  	[smem:$0x3FA5] =	sst s0  }
0x9: {  	[smem:$0x3FA6] =	sst s1  }
0xa: {  	[smem:$0x3FA7] =	sst s2  }
0xb: {  	[smem:$0x3FA8] =	sst s3  }
0xc: {  	[smem:$0x3FA9] =	sst s4  }
0xd: {  	[smem:$0x3FAA] =	sst s5  }
0xe: {  	[smem:$0x3FAB] =	sst s6  }
0xf: {  	[smem:$0x3FAC] =	sst s7  }
0x10: {  	[smem:$0x3FAD] =	sst s8  }
0x11: {  	[smem:$0x3FAE] =	sst s9;
	s0 =	simm.s32 @!p0 $0x0  }
0x12: {  	s1 =	sld [smem:$0x3F94];
	s0 =	simm.s32 @p0 $0x1  }
0x13: {  	[smem:$0x3FAF] =	sst s0;
	s0 =	simm.s32 @!p1 $0x0  }
0x14: {  	s2 =	sld [smem:$0x3F93];
	s0 =	simm.s32 @p1 $0x1  }
0x15: {  	[smem:$0x3FB0] =	sst s0;
	s0 =	simm.s32 @!p2 $0x0  }
0x16: {  	s3 =	sld [smem:$0x3FDB];
	s0 =	simm.s32 @p2 $0x1  }
0x17: {  	s4 =	simm.s32 $0x1BF5;
	[smem:$0x3FB2] =	sst s0  }
0x18: {  	s0 =	sld [smem:$0x3F95];
	_ =	swait.ge [sflag:s4], $0x0  }
0x19: {  	s7 =	sld [smem:$0x3F96]  }
0x1a: {  	s8 =	sadd.s32 $0xFFFFE003, lr  }
0x1b: {  	s9 =	sadd.s32 $0xFFFFFEF7, lr;
	s5 =	simm.s32 $0xFFFFFFFF;
	p2 =	slt.u32 s8, $0xFFFFF086  }
0x1c: {  	p1 =	slt.u32 s9, $0xF7A;
	s5 =	simm.s32 @!p2 $0x0  }
0x1d: {  	s5 =	simm.s32 @p1 $0x1;
	p0 =	seq.s32 s7, s2  }
0x1e: {  	s7 =	smul.u32 @!p0 $0xF7A, s2;
	p2 =	seq.s32 @!p0 s5, $0x0  }
0x1f: {  	s9 =	smul.u32 $0xF7A, s1;
	s8 =	simm.s32 @!p0 $0x1BF5;
	p2 =	por !p2, p0  }
0x20: {  	[sflag:s8] =	ssyncset.s32 @!p0 $0xFFFFF086;
	s6 =	sadd.s32 @!p0 s3, s7;
	s7 =	simm.s32 @!p0 $0x108  }
0x21: {  	s3 =	sadd.s32 s3, s9;
	s6 =	sadd.s32 @!p0 $0x88, s6;
	s7 =	simm.s32 @p2 $0x1082  }
0x22: {  	[simem:s7], [sflag:s8] =	dma.local @!p0 [hbm:s6], $0xF7A  }
0x23: {  	s9 =	sor.u32 $0xD0000000, s2;
	s6 =	simm.s32 $0x108;
	_ =	swait.ge @!p0 [sflag:s8], $0x0  }
0x24: {  	s3 =	sadd.s32 $0x88, s3;
	s6 =	simm.s32 @!p1 $0x1082;
	[sflag:s4] =	ssyncset.s32 $0xFFFFF086  }
0x25: {  	[simem:s6], [sflag:s4] =	dma.local [hbm:s3], $0xF7A  }
0x26: {  	[smem:$0x3F96] =	sst s1;
	(tag) =	ssettag s2;
	_ =	strace s9  }
0x27: {  	s1 =	sld [smem:$0x3FA6]  }
0x28: {  	s2 =	sld [smem:$0x3FA7]  }
0x29: {  	s4 =	sld [smem:$0x3FA9]  }
0x2a: {  	p0 =	seq.s32 s5, $0x0;
	s5 =	sld [smem:$0x3FAA]  }
0x2b: {  	s6 =	sld [smem:$0x3FAB]  }
0x2c: {  	s7 =	sld [smem:$0x3FAC]  }
0x2d: {  	s3 =	simm.s32 $0x108;
	s8 =	sld [smem:$0x3FAD]  }
0x2e: {  	s3 =	simm.s32 @!p0 $0x1082;
	s9 =	sld [smem:$0x3FAE]  }
0x2f: {  	lr =	sadd.s32 s0, s3;
	s0 =	sld [smem:$0x3FA5]  }
0x30: {  	s3 =	sld [smem:$0x3FA8]  }
0x31: {  	[smem:$0x3FB1] =	sst s10  }
0x32: {  	s10 =	sld [smem:$0x3FAF];
	_ =	sdelay $0x3  }
0x33: {  	p0 =	seq.s32 s10, $0x1;
	s10 =	sld [smem:$0x3FB1];
	_ =	sdelay $0x3  }
0x34: {  	[smem:$0x3FB1] =	sst s10  }
0x35: {  	s10 =	sld [smem:$0x3FB0];
	_ =	sdelay $0x3  }
0x36: {  	p1 =	seq.s32 s10, $0x1;
	s10 =	sld [smem:$0x3FB1];
	_ =	sdelay $0x3  }
0x37: {  	[smem:$0x3FB1] =	sst s10  }
0x38: {  	s10 =	sld [smem:$0x3FB2]  }
0x39: {  	_ = 	snop;
	(pc) =	sbr.ind lr, $3  }
0x3a: {  	_ = 	snop  }
0x3b: {  	_ = 	snop  }
0x3c: {  	p2 =	seq.s32 s10, $0x1;
	s10 =	sld [smem:$0x3FB1]  }
0x3d: {  	_ =	shalt  }
0x3e: {  	_ =	shalt  }
0x3f: {  	_ =	shalt  }
0x40: {  	_ =	shalt  }
0x41: {  	_ =	shalt  }
0x42: {  	_ =	shalt  }
0x43: {  	_ =	shalt  }
0x44: {  	_ =	shalt  }
0x45: {  	_ =	shalt  }
0x46: {  	_ =	shalt  }
0x47: {  	_ =	shalt  }
0x48: {  	_ =	shalt  }
0x49: {  	_ =	shalt  }
0x4a: {  	_ =	shalt  }
0x4b: {  	_ =	shalt  }
0x4c: {  	_ =	shalt  }
0x4d: {  	_ =	shalt  }
0x4e: {  	_ =	shalt  }
0x4f: {  	_ =	shalt  }
0x50: {  	_ =	shalt  }
0x51: {  	_ =	shalt  }
0x52: {  	_ =	shalt  }
0x53: {  	_ =	shalt  }
0x54: {  	_ =	shalt  }
0x55: {  	_ =	shalt  }
0x56: {  	_ =	shalt  }
0x57: {  	_ =	shalt  }
0x58: {  	_ =	shalt  }
0x59: {  	_ =	shalt  }
0x5a: {  	_ =	shalt  }
0x5b: {  	_ =	shalt  }
0x5c: {  	_ =	shalt  }
0x5d: {  	_ =	shalt  }
0x5e: {  	_ =	shalt  }
0x5f: {  	_ =	shalt  }
0x60: {  	_ =	shalt  }
0x61: {  	_ =	shalt  }
0x62: {  	_ =	shalt  }
0x63: {  	_ =	shalt  }
0x64: {  	_ =	shalt  }
0x65: {  	_ =	shalt  }
0x66: {  	_ =	shalt  }
0x67: {  	_ =	shalt  }
0x68: {  	_ =	shalt  }
0x69: {  	_ =	shalt  }
0x6a: {  	_ =	shalt  }
0x6b: {  	_ =	shalt  }
0x6c: {  	_ =	shalt  }
0x6d: {  	_ =	shalt  }
0x6e: {  	_ =	shalt  }
0x6f: {  	_ =	shalt  }
0x70: {  	_ =	shalt  }
0x71: {  	_ =	shalt  }
0x72: {  	_ =	shalt  }
0x73: {  	_ =	shalt  }
0x74: {  	_ =	shalt  }
0x75: {  	_ =	shalt  }
0x76: {  	_ =	shalt  }
0x77: {  	_ =	shalt  }
0x78: {  	_ =	shalt  }
0x79: {  	_ =	shalt  }
0x7a: {  	_ =	shalt  }
0x7b: {  	_ =	shalt  }
0x7c: {  	_ =	shalt  }
0x7d: {  	_ =	shalt  }
0x7e: {  	_ =	shalt  }
0x7f: {  	_ =	shalt  }
0x80: {  	_ =	shalt  }
0x81: {  	_ =	shalt  }
0x82: {  	_ =	shalt  }
0x83: {  	_ =	shalt  }
0x84: {  	_ =	shalt  }
0x85: {  	_ =	shalt  }
0x86: {  	_ =	shalt  }
0x87: {  	_ =	shalt  }
.Lfunc_end0:
.L_simem_size_0:
called_computation_lowered:
.L_overlay_start_0:
0x88: {  	s2 =	sld [smem:$0x3FD9]  }
0x89: {  	s3 =	sld [smem:$0x3FFE];
	_ =	sdelay $0x1  }
0x8a: {  	s1 =	srdreg.scid  }
0x8b: {  	s0 =	sand.u32 $0x1, s1  }
0x8c: {  	s14 =	sshll.u32 s0, $0xA;
	s2 =	sadd.s32 s3, s2  }
0x8d: {  	s2 =	sadd.s32 s2, s14  }
0x8e: {  	[smem:$0x3FBD] =	sst s2  }
0x8f: {  	_ = 	snop  }
0x90: {  	s2 =	sld [smem:$0x3FD0];
	_ =	sdelay $0x1  }
0x91: {  	s15 =	sld [smem:$0x3FC9]  }
0x92: {  	s5 =	simm.s32 $0xA;
	s6 =	simm.s32 $0x10;
	s4 =	sld [smem:$0x3FC7]  }
0x93: {  	[smem:s6], [sflag:s5] =	dma.local [hbm:s2], $0x1  }
0x94: {  	_ =	swait.eq [sflag:s5], $0x1  }
0x95: {  	[sflag:s5] =	ssyncset.done $0x0  }
0x96: {  	s16 =	sld [smem:$0x12];
	[sflag:s5] =	ssyncadd.s32 $0xFFFFFFFF  }
0x97: {  	s17 =	sld [smem:$0x13];
	(tm) =	ssettm $0x1  }
0x98: {  	s18 =	sld [smem:$0x3FFB];
	_ =	sdelay $0x3  }
0x99: {  	_ =	strace s18  }
0x9a: {  	s6 =	sld [smem:$0x3FFC];
	_ =	sdelay $0x3  }
0x9b: {  	_ =	strace s6  }
0x9c: {  	s6 =	sld [smem:$0x3FFD];
	_ =	sdelay $0x3  }
0x9d: {  	_ =	strace s6  }
0x9e: {  	_ =	strace $0x8FFFFFFF  }
0x9f: {  	s19 =	sld [smem:$0x3FDB];
	_ =	sdelay $0x1  }
0xa0: {  	s7 =	simm.s32 $_scs_section_size  }
0xa1: {  	s8 =	simm.s32 $_size__tile_overlayer_lowered;
	s9 =	simm.s32 $_tile_overlayer_lowered  }
0xa2: {  	s22 =	simm.s32 $0x1BFF;
	s21 =	sshll.u32 s9, $0x1;
	s6 =	sadd.s32 s7, s19  }
0xa3: {  	s10 =	simm.s32 $0x0;
	s20 =	sshll.u32 s8, $0x1;
	s8 =	sadd.s32 s21, s6  }
0xa4: {  	[timem:s10], [sflag:s22] =	dma.local [hbm:s8], s20  }
0xa5: {  	_ =	swait.ge [sflag:s22], s20  }
0xa6: {  	s7 =	ssub.s32 $0x0, s20;
	[sflag:s22] =	ssyncset.done $0x0  }
0xa7: {  	[sflag:s22] =	ssyncadd.s32 s7;
	_ =	sdelay $0x1  }
0xa8: {  	s23 =	simm.s32 $0x1B8B  }
0xa9: {  	_ =	swait.ge [sflag:s23], $0x1  }
0xaa: {  	[sflag:s23] =	ssyncset.done $0x0  }
0xab: {  	s25 =	simm.s32 $0x1B8E;
	s24 =	sld [smem:$0x3FFE];
	[sflag:s23] =	ssyncadd.s32 $0xFFFFFFFF  }
0xac: {  	s26 =	simm.s32 $execute0_lowered;
	[smem:$0x3FD2] =	sst s25  }
0xad: {  	s8 =	sshll.u32 s26, $0x1;
	_ =	strace $0x80000046;
	[dreg:$0x1] =	wrdreg $0xFFFFFFFF  }
0xae: {  	s28 =	simm.s32 $_size_execute0_lowered;
	s6 =	sadd.s32 s6, s8;
	[dreg:$0x0] =	wrdreg $0x0  }
0xaf: {  	s8 =	sshll.u32 s28, $0x1;
	[dreg:$0x2] =	wrdreg s6  }
0xb0: {  	[dreg:$0x3] =	wrdreg s8  }
0xb1: {  	[dreg:$0x4] =	wrdreg $0xC0  }
0xb2: {  	_ =	task [dreg:s10], $0x5FFFF  }
0xb3: {  	[dreg:$0x1] =	wrdreg $0xFFFFFFFF  }
0xb4: {  	[dreg:$0x0] =	wrdreg $0x60  }
0xb5: {  	[dreg:$0x2] =	wrdreg s15  }
0xb6: {  	[dreg:$0x3] =	wrdreg s16  }
0xb7: {  	[dreg:$0x4] =	wrdreg s17  }
0xb8: {  	[dreg:$0x5] =	wrdreg s4  }
0xb9: {  	[dreg:$0x6] =	wrdreg s24  }
0xba: {  	[dreg:$0x7] =	wrdreg $0x51800  }
0xbb: {  	[dreg:$0x8] =	wrdreg $0x9  }
0xbc: {  	_ =	task.clear_ibuf [dreg:s10], $0x9FFFF;
	_ =	strace $0x90000046  }
0xbd: {  	s29 =	simm.s32 $0x9;
	_ =	strace $0x80000048  }
0xbe: {  	_ =	swait.ge [sflag:s29], $0x1  }
0xbf: {  	[sflag:s29] =	ssyncadd.s32 $0xFFFFFFFF  }
0xc0: {  	_ =	strace $0x90000048  }
0xc1: {  	_ =	sfence  }
0xc2: {  	s30 =	sld [smem:$0x0];
	_ =	sdelay $0x2  }
0xc3: {  	s31 =	sshll.u32 s1, $0xD;
	s1 =	sshrl.u32 s1, $0x2  }
0xc4: {  	s3 =	sand.u32 $0x4000, s31;
	s1 =	sadd.s32 s1, s30  }
0xc5: {  	s0 =	sor.u32 s3, s0;
	s1 =	sshll.u32 s1, $0x11  }
0xc6: {  	s0 =	sor.u32 s1, s0  }
0xc7: {  	s0 =	sadd.s32 $0x8F2B, s0  }
0xc8: {  	[sflag:s0] =	ssyncadd.remote.s32 $0x1  }
0xc9: {  	_ =	sfence.sel $0xFFFF  }
0xca: {  	[dreg:$0x0] =	wrdreg $0xFFFFFFFF;
	(pc) =	sbr.abs _section_cstart, $3  }
0xcb: {  	[dreg:$0x1] =	wrdreg $0xFFFFFFFF  }
0xcc: {  	_ =	task.clear_ibuf [dreg:s10], $0x2FFFF;
	_ =	strace $0x9FFFFFFF  }
0xcd: {  	(tm) =	ssettm $0x7FFFFFFF  }
tec
execute0_lowered:
.L_overlay_start_1:
0x0: {  	(tag) =	ssettag $0x1  }
0x1: {  	s0 =	rddreg [dreg:$0x0]  }
0x2: {  	s1 =	rddreg [dreg:$0x1]  }
0x3: {  	s2 =	rddreg [dreg:$0x2]  }
0x4: {  	s3 =	rddreg [dreg:$0x3]  }
0x5: {  	s9 =	rddreg [dreg:$0x4]  }
0x6: {  	s4 =	srdreg.scid;
	s6 =	rddreg [dreg:$0x5]  }
0x7: {  	s5 =	stileid.u32;
	s8 =	simm.s32 $0x0;
	s15 =	simm.s32 $0x3  }
0x8: {  	s16 =	simm.s32 $0x1080;
	s17 =	simm.s32 $0x1100;
	s18 =	simm.s32 $0x80  }
0x9: {  	s19 =	simm.s32 $0x1180;
	s20 =	simm.s32 $0x1;
	s21 =	simm.s32 $0x2  }
0xa: {  	s22 =	simm.s32 $0x0;
	s7 =	sand.u32 $0x1, s4;
	s4 =	rddreg [dreg:$0x6]  }
0xb: {  	v0 =	vimm.f32 $0.0e+00;
	v1 =	vimm.s32 $0x0;
	s12 =	sshll.u32 s5, $0xB;
	[smem:$0x7FF] =	sst s8;
	s10 =	smul.u32 $0x140000, s7  }
0xc: {  	v2 =	vimm.s32 $0x1;
	v3 =	vimm.s32 $0x2;
	v4 =	vimm.s32 $0x3;
	s31 =	sshll.u32 s5, $0x8;
	s11 =	ssub.s32 $0x2, s7;
	_ =	strace $0x80000047  }
0xd: {  	v5 =	vimm.s32 $0x4;
	v6 =	vimm.s32 $0x5;
	v7 =	vimm.s32 $0x6;
	p0 =	seq.s32 s7, $0x1;
	s13 =	sshrl.u32 s11, $0x1;
	s10 =	sor.u32 s12, s10  }
0xe: {  	v8 =	vimm.s32 $0x7;
	v9 =	vimm.s32 $0x8;
	v10 =	vimm.s32 $0x9;
	s30 =	ssub.s32 s11, s13;
	s11 =	sadd.s32 s31, s0;
	s10 =	sshrl.u32 s10, $0x3  }
0xf: {  	v11 =	vimm.s32 $0xA;
	v12 =	vimm.s32 $0xB;
	v13 =	vimm.s32 $0xC;
	s12 =	sadd.s32 s12, s6;
	s14 =	sadd.s32 s10, s9;
	s9 =	sshll.u32 s5, $0x1  }
0x10: {  	v14 =	vimm.s32 $0xD;
	v15 =	vimm.s32 $0xE;
	v16 =	vimm.s32 $0xF;
	s10 =	smax.u32 s30, $0x1;
	s13 =	sadd.s32 $0x1400, s14;
	s14 =	simm.s32 $0x1000  }
.LBB2_1:
0x11: {  	[tilespmem:$0x800] =	vst v0  }
0x12: {  	[tilespmem:$0x810] =	vst v0  }
0x13: {  	[tilespmem:$0x820] =	vst v0  }
0x14: {  	[tilespmem:$0x830] =	vst v0  }
0x15: {  	[tilespmem:$0x840] =	vst v0  }
0x16: {  	[tilespmem:$0x850] =	vst v0  }
0x17: {  	[tilespmem:$0x860] =	vst v0  }
0x18: {  	[tilespmem:$0x870] =	vst v0  }
0x19: {  	[tilespmem:$0x880] =	vst v0  }
0x1a: {  	[tilespmem:$0x890] =	vst v0  }
0x1b: {  	[tilespmem:$0x8A0] =	vst v0  }
0x1c: {  	[tilespmem:$0x8B0] =	vst v0  }
0x1d: {  	[tilespmem:$0x8C0] =	vst v0  }
0x1e: {  	[tilespmem:$0x8D0] =	vst v0  }
0x1f: {  	[tilespmem:$0x8E0] =	vst v0  }
0x20: {  	[tilespmem:$0x8F0] =	vst v0  }
0x21: {  	[tilespmem:$0x900] =	vst v0  }
0x22: {  	[tilespmem:$0x910] =	vst v0  }
0x23: {  	[tilespmem:$0x920] =	vst v0  }
0x24: {  	[tilespmem:$0x930] =	vst v0  }
0x25: {  	[tilespmem:$0x940] =	vst v0  }
0x26: {  	[tilespmem:$0x950] =	vst v0  }
0x27: {  	[tilespmem:$0x960] =	vst v0  }
0x28: {  	[tilespmem:$0x970] =	vst v0  }
0x29: {  	[tilespmem:$0x980] =	vst v0  }
0x2a: {  	[tilespmem:$0x990] =	vst v0  }
0x2b: {  	[tilespmem:$0x9A0] =	vst v0  }
0x2c: {  	[tilespmem:$0x9B0] =	vst v0  }
0x2d: {  	[tilespmem:$0x9C0] =	vst v0  }
0x2e: {  	[tilespmem:$0x9D0] =	vst v0  }
0x2f: {  	[tilespmem:$0x9E0] =	vst v0  }
0x30: {  	[tilespmem:$0x9F0] =	vst v0  }
0x31: {  	[tilespmem:$0xA00] =	vst v0  }
0x32: {  	[tilespmem:$0xA10] =	vst v0  }
0x33: {  	[tilespmem:$0xA20] =	vst v0  }
0x34: {  	[tilespmem:$0xA30] =	vst v0  }
0x35: {  	[tilespmem:$0xA40] =	vst v0  }
0x36: {  	[tilespmem:$0xA50] =	vst v0  }
0x37: {  	[tilespmem:$0xA60] =	vst v0  }
0x38: {  	[tilespmem:$0xA70] =	vst v0  }
0x39: {  	[tilespmem:$0xA80] =	vst v0  }
0x3a: {  	[tilespmem:$0xA90] =	vst v0  }
0x3b: {  	[tilespmem:$0xAA0] =	vst v0  }
0x3c: {  	[tilespmem:$0xAB0] =	vst v0  }
0x3d: {  	[tilespmem:$0xAC0] =	vst v0  }
0x3e: {  	[tilespmem:$0xAD0] =	vst v0  }
0x3f: {  	[tilespmem:$0xAE0] =	vst v0  }
0x40: {  	[tilespmem:$0xAF0] =	vst v0  }
0x41: {  	[tilespmem:$0xB00] =	vst v0  }
0x42: {  	[tilespmem:$0xB10] =	vst v0  }
0x43: {  	[tilespmem:$0xB20] =	vst v0  }
0x44: {  	[tilespmem:$0xB30] =	vst v0  }
0x45: {  	[tilespmem:$0xB40] =	vst v0  }
0x46: {  	[tilespmem:$0xB50] =	vst v0  }
0x47: {  	[tilespmem:$0xB60] =	vst v0  }
0x48: {  	[tilespmem:$0xB70] =	vst v0  }
0x49: {  	[tilespmem:$0xB80] =	vst v0  }
0x4a: {  	[tilespmem:$0xB90] =	vst v0  }
0x4b: {  	[tilespmem:$0xBA0] =	vst v0  }
0x4c: {  	[tilespmem:$0xBB0] =	vst v0  }
0x4d: {  	[tilespmem:$0xBC0] =	vst v0  }
0x4e: {  	[tilespmem:$0xBD0] =	vst v0  }
0x4f: {  	[tilespmem:$0xBE0] =	vst v0  }
0x50: {  	[tilespmem:$0xBF0] =	vst v0  }
0x51: {  	[tilespmem:$0xC00] =	vst v0  }
0x52: {  	[tilespmem:$0xC10] =	vst v0  }
0x53: {  	[tilespmem:$0xC20] =	vst v0  }
0x54: {  	[tilespmem:$0xC30] =	vst v0  }
0x55: {  	[tilespmem:$0xC40] =	vst v0  }
0x56: {  	[tilespmem:$0xC50] =	vst v0  }
0x57: {  	[tilespmem:$0xC60] =	vst v0  }
0x58: {  	[tilespmem:$0xC70] =	vst v0  }
0x59: {  	[tilespmem:$0xC80] =	vst v0  }
0x5a: {  	[tilespmem:$0xC90] =	vst v0  }
0x5b: {  	[tilespmem:$0xCA0] =	vst v0  }
0x5c: {  	[tilespmem:$0xCB0] =	vst v0  }
0x5d: {  	[tilespmem:$0xCC0] =	vst v0  }
0x5e: {  	[tilespmem:$0xCD0] =	vst v0  }
0x5f: {  	[tilespmem:$0xCE0] =	vst v0  }
0x60: {  	[tilespmem:$0xCF0] =	vst v0  }
0x61: {  	[tilespmem:$0xD00] =	vst v0  }
0x62: {  	[tilespmem:$0xD10] =	vst v0  }
0x63: {  	[tilespmem:$0xD20] =	vst v0  }
0x64: {  	[tilespmem:$0xD30] =	vst v0  }
0x65: {  	[tilespmem:$0xD40] =	vst v0  }
0x66: {  	[tilespmem:$0xD50] =	vst v0  }
0x67: {  	[tilespmem:$0xD60] =	vst v0  }
0x68: {  	[tilespmem:$0xD70] =	vst v0  }
0x69: {  	[tilespmem:$0xD80] =	vst v0  }
0x6a: {  	[tilespmem:$0xD90] =	vst v0  }
0x6b: {  	[tilespmem:$0xDA0] =	vst v0  }
0x6c: {  	[tilespmem:$0xDB0] =	vst v0  }
0x6d: {  	[tilespmem:$0xDC0] =	vst v0  }
0x6e: {  	[tilespmem:$0xDD0] =	vst v0  }
0x6f: {  	[tilespmem:$0xDE0] =	vst v0  }
0x70: {  	[tilespmem:$0xDF0] =	vst v0  }
0x71: {  	[tilespmem:$0xE00] =	vst v0  }
0x72: {  	[tilespmem:$0xE10] =	vst v0  }
0x73: {  	[tilespmem:$0xE20] =	vst v0  }
0x74: {  	[tilespmem:$0xE30] =	vst v0  }
0x75: {  	[tilespmem:$0xE40] =	vst v0  }
0x76: {  	[tilespmem:$0xE50] =	vst v0  }
0x77: {  	[tilespmem:$0xE60] =	vst v0  }
0x78: {  	[tilespmem:$0xE70] =	vst v0  }
0x79: {  	[tilespmem:$0xE80] =	vst v0  }
0x7a: {  	[tilespmem:$0xE90] =	vst v0  }
0x7b: {  	[tilespmem:$0xEA0] =	vst v0  }
0x7c: {  	[tilespmem:$0xEB0] =	vst v0  }
0x7d: {  	[tilespmem:$0xEC0] =	vst v0  }
0x7e: {  	[tilespmem:$0xED0] =	vst v0  }
0x7f: {  	[tilespmem:$0xEE0] =	vst v0  }
0x80: {  	[tilespmem:$0xEF0] =	vst v0  }
0x81: {  	[tilespmem:$0xF00] =	vst v0  }
0x82: {  	[tilespmem:$0xF10] =	vst v0  }
0x83: {  	[tilespmem:$0xF20] =	vst v0  }
0x84: {  	[tilespmem:$0xF30] =	vst v0  }
0x85: {  	[tilespmem:$0xF40] =	vst v0  }
0x86: {  	[tilespmem:$0xF50] =	vst v0  }
0x87: {  	[tilespmem:$0xF60] =	vst v0  }
0x88: {  	[tilespmem:$0xF70] =	vst v0  }
0x89: {  	[tilespmem:$0xF80] =	vst v0  }
0x8a: {  	[tilespmem:$0xF90] =	vst v0  }
0x8b: {  	[tilespmem:$0xFA0] =	vst v0  }
0x8c: {  	[tilespmem:$0xFB0] =	vst v0  }
0x8d: {  	[tilespmem:$0xFC0] =	vst v0;
	s23 =	sadd.s32 $0x0, s5  }
0x8e: {  	[tilespmem:$0xFD0] =	vst v0;
	p1 =	sgt.u32 s23, $0x270  }
0x8f: {  	[tilespmem:$0xFE0] =	vst v0;
	p1 =	por p1, p0  }
0x90: {  	[tilespmem:$0xFF0] =	vst v0;
	s23 =	simm.s32 @p1 $0x800;
	s24 =	simm.s32 @p1 $0x2  }
0x91: {  	[spmem:s12] =	stream.linear.scatter @p1 [tilespmem:s23], [sflag:$0x2], $0x800, $0x38;
	[tilespmem:$0x19180] =	vst v63  }
0x92: {  	_ =	swait.ge @p1 [sflag:s24], $0x800  }
0x93: {  	[sflag:s24] =	ssyncset.done @p1 $0x0;
	p1 =	por p1, p1  }
0x94: {  	[sflag:s24] =	ssyncadd.s32 @p1 $0xFFFFF800;
	s23 =	simm.s32 @!p1 $0x0;
	s26 =	simm.s32 @!p1 $0x3  }
0x95: {  	[tilespmem:s23], [sflag:$0x3] =	stream.linear.gather @!p1 [hbm4b:s11+s23], $0x800, $0x38;
	[tilespmem:$0x19180] =	vst v63  }
0x96: {  	_ =	swait.ge @!p1 [sflag:s26], $0x800  }
0x97: {  	s31 =	sadd.s32 $0x10, s5;
	[sflag:s26] =	ssyncset.done @!p1 $0x0  }
0x98: {  	p2 =	sgt.u32 s31, $0x270;
	[sflag:s26] =	ssyncadd.s32 @!p1 $0xFFFFF800  }
0x99: {  	[spmem:s12] =	stream.linear.scatter @!p1 [tilespmem:s23], [sflag:$0x3], $0x800, $0x38;
	[tilespmem:$0x19180] =	vst v63  }
0x9a: {  	s25 =	simm.s32 $0x20;
	p2 =	por p2, p0;
	_ =	swait.ge @!p1 [sflag:s26], $0x800  }
0x9b: {  	s24 =	sadd.s32 $0x1000, s11;
	s23 =	sadd.s32 $0x8000, s12;
	[sflag:s26] =	ssyncset.done @!p1 $0x0  }
.LBB2_2:
0x9c: {  	s28 =	simm.s32 @p2 $0x800;
	s29 =	simm.s32 @p2 $0x2;
	[sflag:s26] =	ssyncadd.s32 @!p1 $0xFFFFF800  }
0x9d: {  	[spmem:s23] =	stream.linear.scatter @p2 [tilespmem:s28], [sflag:$0x2], $0x800, $0x38;
	[tilespmem:$0x19180] =	vst v63  }
0x9e: {  	s28 =	smov.u32 s25;
	s25 =	sadd.s32 $0x10, s25;
	_ =	swait.ge @p2 [sflag:s29], $0x800  }
0x9f: {  	p1 =	por p2, p2;
	p3 =	sne.s32 s25, $0x280;
	[sflag:s29] =	ssyncset.done @p2 $0x0  }
0xa0: {  	s26 =	simm.s32 @!p1 $0x3;
	[sflag:s29] =	ssyncadd.s32 @p1 $0xFFFFF800;
	s29 =	simm.s32 @!p1 $0x0  }
0xa1: {  	[tilespmem:s29], [sflag:$0x3] =	stream.linear.gather @!p1 [hbm4b:s24+s29], $0x800, $0x38;
	[tilespmem:$0x19180] =	vst v63  }
0xa2: {  	_ =	swait.ge @!p1 [sflag:s26], $0x800  }
.Ltmp0:
0xa3: {  	[sflag:s26] =	ssyncset.done @!p1 $0x0;
	(pc) =	sbr.rel @p3 .LBB2_2-.Ltmp0, $4  }
0xa4: {  	s28 =	sadd.s32 s28, s5;
	[sflag:s26] =	ssyncadd.s32 @!p1 $0xFFFFF800  }
0xa5: {  	[spmem:s23] =	stream.linear.scatter @!p1 [tilespmem:s29], [sflag:$0x3], $0x800, $0x38;
	[tilespmem:$0x19180] =	vst v63  }
0xa6: {  	p2 =	sgt.u32 s28, $0x270;
	s23 =	sadd.s32 $0x8000, s23;
	_ =	swait.ge @!p1 [sflag:s26], $0x800  }
0xa7: {  	p2 =	por p2, p0;
	s24 =	sadd.s32 $0x1000, s24;
	[sflag:s26] =	ssyncset.done @!p1 $0x0  }
0xa8: {  	s25 =	simm.s32 @p2 $0x800;
	s28 =	simm.s32 @p2 $0x2;
	[sflag:s26] =	ssyncadd.s32 @!p1 $0xFFFFF800  }
0xa9: {  	[spmem:s23] =	stream.linear.scatter @p2 [tilespmem:s25], [sflag:$0x2], $0x800, $0x38;
	[tilespmem:$0x19180] =	vst v63  }
0xaa: {  	_ =	swait.ge @p2 [sflag:s28], $0x800  }
0xab: {  	p1 =	por p2, p2;
	[sflag:s28] =	ssyncset.done @p2 $0x0  }
0xac: {  	s25 =	simm.s32 @!p1 $0x0;
	s26 =	simm.s32 @!p1 $0x3;
	[sflag:s28] =	ssyncadd.s32 @p1 $0xFFFFF800  }
0xad: {  	[tilespmem:s25], [sflag:$0x3] =	stream.linear.gather @!p1 [hbm4b:s24+s25], $0x800, $0x38;
	[tilespmem:$0x19180] =	vst v63  }
0xae: {  	_ =	swait.ge @!p1 [sflag:s26], $0x800  }
0xaf: {  	[sflag:s26] =	ssyncset.done @!p1 $0x0  }
0xb0: {  	[sflag:s26] =	ssyncadd.s32 @!p1 $0xFFFFF800  }
0xb1: {  	[spmem:s23] =	stream.linear.scatter @!p1 [tilespmem:s25], [sflag:$0x3], $0x800, $0x38;
	[tilespmem:$0x19180] =	vst v63  }
.Ltmp1:
0xb2: {  	_ =	swait.ge @!p1 [sflag:s26], $0x800;
	(pc) =	sbr.rel .LBB2_4-.Ltmp1, $4  }
0xb3: {  	[sflag:s26] =	ssyncset.done @!p1 $0x0  }
0xb4: {  	[sflag:s26] =	ssyncadd.s32 @!p1 $0xFFFFF800  }
0xb5: {  	[bflag:$0x0] =	sbarrier.arrive $0xFFFF  }
0xb6: {  	s23 =	simm.s32 $0x0  }
.LBB2_8:
0xb7: {  	s23 =	sadd.s32 $0x1, s23  }
0xb8: {  	p1 =	sne.s32 s23, $0x4F  }
.Ltmp2:
0xb9: {  	_ = 	snop;
	(pc) =	sbr.rel @!p1 .LBB2_9-.Ltmp2, $1  }
0xba: {  	_ =	sdelay $0x3  }
.LBB2_4:
0xbb: {  	s24 =	sshll.u32 s23, $0x5  }
0xbc: {  	s24 =	sor.u32 s9, s24  }
0xbd: {  	p1 =	sgt.u32 s24, $0x9C3  }
.Ltmp3:
0xbe: {  	_ = 	snop;
	(pc) =	sbr.rel @p1 .LBB2_8-.Ltmp3, $1  }
0xbf: {  	_ =	sdelay $0x3  }
0xc0: {  	s24 =	sor.u32 s7, s24  }
0xc1: {  	s25 =	sshll.u32 s24, $0x4  }
0xc2: {  	s24 =	simm.s32 $0x0;
	s26 =	sadd.s32 s1, s25  }
0xc3: {  	[tilespmem:s14], [sflag:$0x3] =	stream.linear.gather [hbm4b:s26+s24], $0x80, $0x38;
	[tilespmem:$0x19180] =	vst v63  }
0xc4: {  	_ =	swait.ge [sflag:s15], $0x80  }
0xc5: {  	[sflag:s15] =	ssyncset.done $0x0  }
0xc6: {  	s31 =	sadd.s32 s2, s25;
	[sflag:s15] =	ssyncadd.s32 $0xFFFFFF80  }
0xc7: {  	[tilespmem:s16], [sflag:$0x3] =	stream.linear.gather [hbm4b:s31+s24], $0x80, $0x38;
	[tilespmem:$0x19180] =	vst v63  }
0xc8: {  	_ =	swait.ge [sflag:s15], $0x80  }
0xc9: {  	[sflag:s15] =	ssyncset.done $0x0  }
0xca: {  	s25 =	sadd.s32 s3, s25;
	[sflag:s15] =	ssyncadd.s32 $0xFFFFFF80  }
0xcb: {  	[tilespmem:s17], [sflag:$0x3] =	stream.linear.gather [hbm4b:s25+s24], $0x80, $0x38;
	[tilespmem:$0x19180] =	vst v63  }
0xcc: {  	_ =	swait.ge [sflag:s15], $0x80  }
0xcd: {  	[sflag:s15] =	ssyncset.done $0x0  }
0xce: {  	[sflag:s15] =	ssyncadd.s32 $0xFFFFFF80  }
0xcf: {  	[tilespmem:s19], [sflag:$0x1] =	stream.indirect.gather [hbm4b:s0+s18], $0x80, s14, s18, $0xb8;
	[tilespmem:$0x19180] =	vst v63  }
0xd0: {  	_ =	swait.ge [sflag:s20], $0x4000  }
0xd1: {  	[sflag:s20] =	ssyncset.done $0x0  }
0xd2: {  	[sflag:s20] =	ssyncadd.s32 $0xFFFFC000  }
.LBB2_6:
0xd3: {  	s25 =	sshll.u32 s24, $0x4  }
0xd4: {  	s25 =	sand.u32 $0x3FFFFFF0, s25  }
0xd5: {  	s31 =	sshll.u32 s24, $0xB;
	v17 =	vld [tilespmem:s25+$0x1100]  }
0xd6: {  	s25 =	sand.u32 $0x3FFFF800, s31  }
0xd7: {  	v18 =	vld [tilespmem:s25+$0x1180]  }
0xd8: {  	v19 =	vld [tilespmem:s25+$0x1190]  }
0xd9: {  	v20 =	vld [tilespmem:s25+$0x11A0]  }
0xda: {  	v22 =	vld [tilespmem:s25+$0x11B0];
	v21 =	vperm.xlane v17, v1  }
0xdb: {  	v23 =	vld [tilespmem:s25+$0x11C0]  }
0xdc: {  	v24 =	vld [tilespmem:s25+$0x11D0];
	v18 =	vmul.f32 v18, v21  }
0xdd: {  	v25 =	vld [tilespmem:s25+$0x11E0];
	v19 =	vmul.f32 v19, v21  }
0xde: {  	v38 =	vld [tilespmem:s25+$0x11F0];
	[tilespmem:s25+$0x1180] =	vst v18;
	v18 =	vmul.f32 v20, v21  }
0xdf: {  	v39 =	vld [tilespmem:s25+$0x1200];
	[tilespmem:s25+$0x1190] =	vst v19;
	v19 =	vmul.f32 v22, v21  }
0xe0: {  	v40 =	vld [tilespmem:s25+$0x1210];
	[tilespmem:s25+$0x11A0] =	vst v18;
	v18 =	vmul.f32 v23, v21  }
0xe1: {  	v41 =	vld [tilespmem:s25+$0x1220];
	[tilespmem:s25+$0x11B0] =	vst v19;
	v19 =	vmul.f32 v24, v21  }
0xe2: {  	v26 =	vld [tilespmem:s25+$0x1230];
	v42 =	vperm.xlane v17, v2;
	[tilespmem:s25+$0x11C0] =	vst v18;
	v18 =	vmul.f32 v25, v21  }
0xe3: {  	v43 =	vld [tilespmem:s25+$0x1240];
	[tilespmem:s25+$0x11D0] =	vst v19;
	v19 =	vmul.f32 v38, v21  }
0xe4: {  	v44 =	vld [tilespmem:s25+$0x1250];
	[tilespmem:s25+$0x11E0] =	vst v18;
	v18 =	vmul.f32 v39, v42  }
0xe5: {  	v45 =	vld [tilespmem:s25+$0x1260];
	[tilespmem:s25+$0x11F0] =	vst v19;
	v19 =	vmul.f32 v40, v42  }
0xe6: {  	v46 =	vld [tilespmem:s25+$0x1270];
	[tilespmem:s25+$0x1200] =	vst v18;
	v18 =	vmul.f32 v41, v42  }
0xe7: {  	v47 =	vld [tilespmem:s25+$0x1280];
	[tilespmem:s25+$0x1210] =	vst v19;
	v19 =	vmul.f32 v26, v42  }
0xe8: {  	v48 =	vld [tilespmem:s25+$0x1290];
	[tilespmem:s25+$0x1220] =	vst v18;
	v18 =	vmul.f32 v43, v42  }
0xe9: {  	v49 =	vld [tilespmem:s25+$0x12A0];
	[tilespmem:s25+$0x1230] =	vst v19;
	v19 =	vmul.f32 v44, v42  }
0xea: {  	v51 =	vld [tilespmem:s25+$0x12B0];
	v50 =	vperm.xlane v17, v3;
	[tilespmem:s25+$0x1240] =	vst v18;
	v18 =	vmul.f32 v45, v42  }
0xeb: {  	v52 =	vld [tilespmem:s25+$0x12C0];
	[tilespmem:s25+$0x1250] =	vst v19;
	v19 =	vmul.f32 v46, v42  }
0xec: {  	v53 =	vld [tilespmem:s25+$0x12D0];
	[tilespmem:s25+$0x1260] =	vst v18;
	v18 =	vmul.f32 v47, v50  }
0xed: {  	v54 =	vld [tilespmem:s25+$0x12E0];
	[tilespmem:s25+$0x1270] =	vst v19;
	v19 =	vmul.f32 v48, v50  }
0xee: {  	v55 =	vld [tilespmem:s25+$0x12F0];
	[tilespmem:s25+$0x1280] =	vst v18;
	v18 =	vmul.f32 v49, v50  }
0xef: {  	v56 =	vld [tilespmem:s25+$0x1300];
	[tilespmem:s25+$0x1290] =	vst v19;
	v19 =	vmul.f32 v51, v50  }
0xf0: {  	v57 =	vld [tilespmem:s25+$0x1310];
	[tilespmem:s25+$0x12A0] =	vst v18;
	v18 =	vmul.f32 v52, v50  }
0xf1: {  	v58 =	vld [tilespmem:s25+$0x1320];
	[tilespmem:s25+$0x12B0] =	vst v19;
	v19 =	vmul.f32 v53, v50  }
0xf2: {  	v60 =	vld [tilespmem:s25+$0x1330];
	v59 =	vperm.xlane v17, v4;
	[tilespmem:s25+$0x12C0] =	vst v18;
	v18 =	vmul.f32 v54, v50  }
0xf3: {  	v61 =	vld [tilespmem:s25+$0x1340];
	[tilespmem:s25+$0x12D0] =	vst v19;
	v19 =	vmul.f32 v55, v50  }
0xf4: {  	v62 =	vld [tilespmem:s25+$0x1350];
	[tilespmem:s25+$0x12E0] =	vst v18;
	v18 =	vmul.f32 v56, v59  }
0xf5: {  	v63 =	vld [tilespmem:s25+$0x1360];
	[tilespmem:s25+$0x12F0] =	vst v19;
	v19 =	vmul.f32 v57, v59  }
0xf6: {  	v28 =	vld [tilespmem:s25+$0x1370];
	[tilespmem:s25+$0x1300] =	vst v18;
	v18 =	vmul.f32 v58, v59  }
0xf7: {  	v29 =	vld [tilespmem:s25+$0x1380];
	[tilespmem:s25+$0x1310] =	vst v19;
	v19 =	vmul.f32 v60, v59  }
0xf8: {  	v30 =	vld [tilespmem:s25+$0x1390];
	[tilespmem:s25+$0x1320] =	vst v18;
	v18 =	vmul.f32 v61, v59  }
0xf9: {  	v31 =	vld [tilespmem:s25+$0x13A0];
	[tilespmem:s25+$0x1330] =	vst v19;
	v19 =	vmul.f32 v62, v59  }
0xfa: {  	v33 =	vld [tilespmem:s25+$0x13B0];
	v32 =	vperm.xlane v17, v5;
	[tilespmem:s25+$0x1340] =	vst v18;
	v18 =	vmul.f32 v63, v59  }
0xfb: {  	v34 =	vld [tilespmem:s25+$0x13C0];
	[tilespmem:s25+$0x1350] =	vst v19;
	v19 =	vmul.f32 v28, v59  }
0xfc: {  	v35 =	vld [tilespmem:s25+$0x13D0];
	[tilespmem:s25+$0x1360] =	vst v18;
	v18 =	vmul.f32 v29, v32  }
0xfd: {  	v36 =	vld [tilespmem:s25+$0x13E0];
	[tilespmem:s25+$0x1370] =	vst v19;
	v19 =	vmul.f32 v30, v32  }
0xfe: {  	v37 =	vld [tilespmem:s25+$0x13F0];
	[tilespmem:s25+$0x1380] =	vst v18;
	v18 =	vmul.f32 v31, v32  }
0xff: {  	v38 =	vld [tilespmem:s25+$0x1400];
	[tilespmem:s25+$0x1390] =	vst v19;
	v19 =	vmul.f32 v33, v32  }
0x100: {  	v39 =	vld [tilespmem:s25+$0x1410];
	[tilespmem:s25+$0x13A0] =	vst v18;
	v18 =	vmul.f32 v34, v32  }
0x101: {  	v40 =	vld [tilespmem:s25+$0x1420];
	[tilespmem:s25+$0x13B0] =	vst v19;
	v19 =	vmul.f32 v35, v32  }
0x102: {  	v41 =	vperm.xlane v17, v6;
	v42 =	vld [tilespmem:s25+$0x1430];
	[tilespmem:s25+$0x13C0] =	vst v18;
	v18 =	vmul.f32 v36, v32  }
0x103: {  	v43 =	vld [tilespmem:s25+$0x1440];
	[tilespmem:s25+$0x13D0] =	vst v19;
	v19 =	vmul.f32 v37, v32  }
0x104: {  	v44 =	vld [tilespmem:s25+$0x1450];
	[tilespmem:s25+$0x13E0] =	vst v18;
	v18 =	vmul.f32 v38, v41  }
0x105: {  	v45 =	vld [tilespmem:s25+$0x1460];
	[tilespmem:s25+$0x13F0] =	vst v19;
	v19 =	vmul.f32 v39, v41  }
0x106: {  	v46 =	vld [tilespmem:s25+$0x1470];
	[tilespmem:s25+$0x1400] =	vst v18;
	v18 =	vmul.f32 v40, v41  }
0x107: {  	v47 =	vld [tilespmem:s25+$0x1480];
	[tilespmem:s25+$0x1410] =	vst v19;
	v19 =	vmul.f32 v42, v41  }
0x108: {  	v48 =	vld [tilespmem:s25+$0x1490];
	[tilespmem:s25+$0x1420] =	vst v18;
	v18 =	vmul.f32 v43, v41  }
0x109: {  	v49 =	vld [tilespmem:s25+$0x14A0];
	[tilespmem:s25+$0x1430] =	vst v19;
	v19 =	vmul.f32 v44, v41  }
0x10a: {  	v51 =	vld [tilespmem:s25+$0x14B0];
	v50 =	vperm.xlane v17, v7;
	[tilespmem:s25+$0x1440] =	vst v18;
	v18 =	vmul.f32 v45, v41  }
0x10b: {  	v52 =	vld [tilespmem:s25+$0x14C0];
	[tilespmem:s25+$0x1450] =	vst v19;
	v19 =	vmul.f32 v46, v41  }
0x10c: {  	v53 =	vld [tilespmem:s25+$0x14D0];
	[tilespmem:s25+$0x1460] =	vst v18;
	v18 =	vmul.f32 v47, v50  }
0x10d: {  	v54 =	vld [tilespmem:s25+$0x14E0];
	[tilespmem:s25+$0x1470] =	vst v19;
	v19 =	vmul.f32 v48, v50  }
0x10e: {  	v55 =	vld [tilespmem:s25+$0x14F0];
	[tilespmem:s25+$0x1480] =	vst v18;
	v18 =	vmul.f32 v49, v50  }
0x10f: {  	v56 =	vld [tilespmem:s25+$0x1500];
	[tilespmem:s25+$0x1490] =	vst v19;
	v19 =	vmul.f32 v51, v50  }
0x110: {  	v57 =	vld [tilespmem:s25+$0x1510];
	[tilespmem:s25+$0x14A0] =	vst v18;
	v18 =	vmul.f32 v52, v50  }
0x111: {  	v58 =	vld [tilespmem:s25+$0x1520];
	[tilespmem:s25+$0x14B0] =	vst v19;
	v19 =	vmul.f32 v53, v50  }
0x112: {  	v60 =	vld [tilespmem:s25+$0x1530];
	v59 =	vperm.xlane v17, v8;
	[tilespmem:s25+$0x14C0] =	vst v18;
	v18 =	vmul.f32 v54, v50  }
0x113: {  	v61 =	vld [tilespmem:s25+$0x1540];
	[tilespmem:s25+$0x14D0] =	vst v19;
	v19 =	vmul.f32 v55, v50  }
0x114: {  	v62 =	vld [tilespmem:s25+$0x1550];
	[tilespmem:s25+$0x14E0] =	vst v18;
	v18 =	vmul.f32 v56, v59  }
0x115: {  	v63 =	vld [tilespmem:s25+$0x1560];
	[tilespmem:s25+$0x14F0] =	vst v19;
	v19 =	vmul.f32 v57, v59  }
0x116: {  	v28 =	vld [tilespmem:s25+$0x1570];
	[tilespmem:s25+$0x1500] =	vst v18;
	v18 =	vmul.f32 v58, v59  }
0x117: {  	v29 =	vld [tilespmem:s25+$0x1580];
	[tilespmem:s25+$0x1510] =	vst v19;
	v19 =	vmul.f32 v60, v59  }
0x118: {  	v30 =	vld [tilespmem:s25+$0x1590];
	[tilespmem:s25+$0x1520] =	vst v18;
	v18 =	vmul.f32 v61, v59  }
0x119: {  	v31 =	vld [tilespmem:s25+$0x15A0];
	[tilespmem:s25+$0x1530] =	vst v19;
	v19 =	vmul.f32 v62, v59  }
0x11a: {  	v33 =	vld [tilespmem:s25+$0x15B0];
	v32 =	vperm.xlane v17, v9;
	[tilespmem:s25+$0x1540] =	vst v18;
	v18 =	vmul.f32 v63, v59  }
0x11b: {  	v34 =	vld [tilespmem:s25+$0x15C0];
	[tilespmem:s25+$0x1550] =	vst v19;
	v19 =	vmul.f32 v28, v59  }
0x11c: {  	v35 =	vld [tilespmem:s25+$0x15D0];
	[tilespmem:s25+$0x1560] =	vst v18;
	v18 =	vmul.f32 v29, v32  }
0x11d: {  	v36 =	vld [tilespmem:s25+$0x15E0];
	[tilespmem:s25+$0x1570] =	vst v19;
	v19 =	vmul.f32 v30, v32  }
0x11e: {  	v37 =	vld [tilespmem:s25+$0x15F0];
	[tilespmem:s25+$0x1580] =	vst v18;
	v18 =	vmul.f32 v31, v32  }
0x11f: {  	v38 =	vld [tilespmem:s25+$0x1600];
	[tilespmem:s25+$0x1590] =	vst v19;
	v19 =	vmul.f32 v33, v32  }
0x120: {  	v39 =	vld [tilespmem:s25+$0x1610];
	[tilespmem:s25+$0x15A0] =	vst v18;
	v18 =	vmul.f32 v34, v32  }
0x121: {  	v40 =	vld [tilespmem:s25+$0x1620];
	[tilespmem:s25+$0x15B0] =	vst v19;
	v19 =	vmul.f32 v35, v32  }
0x122: {  	v42 =	vld [tilespmem:s25+$0x1630];
	v41 =	vperm.xlane v17, v10;
	[tilespmem:s25+$0x15C0] =	vst v18;
	v18 =	vmul.f32 v36, v32  }
0x123: {  	v43 =	vld [tilespmem:s25+$0x1640];
	[tilespmem:s25+$0x15D0] =	vst v19;
	v19 =	vmul.f32 v37, v32  }
0x124: {  	v44 =	vld [tilespmem:s25+$0x1650];
	[tilespmem:s25+$0x15E0] =	vst v18;
	v18 =	vmul.f32 v38, v41  }
0x125: {  	v45 =	vld [tilespmem:s25+$0x1660];
	[tilespmem:s25+$0x15F0] =	vst v19;
	v19 =	vmul.f32 v39, v41  }
0x126: {  	v46 =	vld [tilespmem:s25+$0x1670];
	[tilespmem:s25+$0x1600] =	vst v18;
	v18 =	vmul.f32 v40, v41  }
0x127: {  	v47 =	vld [tilespmem:s25+$0x1680];
	[tilespmem:s25+$0x1610] =	vst v19;
	v19 =	vmul.f32 v42, v41  }
0x128: {  	v48 =	vld [tilespmem:s25+$0x1690];
	[tilespmem:s25+$0x1620] =	vst v18;
	v18 =	vmul.f32 v43, v41  }
0x129: {  	v49 =	vld [tilespmem:s25+$0x16A0];
	[tilespmem:s25+$0x1630] =	vst v19;
	v19 =	vmul.f32 v44, v41  }
0x12a: {  	v51 =	vld [tilespmem:s25+$0x16B0];
	v50 =	vperm.xlane v17, v11;
	[tilespmem:s25+$0x1640] =	vst v18;
	v18 =	vmul.f32 v45, v41  }
0x12b: {  	v52 =	vld [tilespmem:s25+$0x16C0];
	[tilespmem:s25+$0x1650] =	vst v19;
	v19 =	vmul.f32 v46, v41  }
0x12c: {  	v53 =	vld [tilespmem:s25+$0x16D0];
	[tilespmem:s25+$0x1660] =	vst v18;
	v18 =	vmul.f32 v47, v50  }
0x12d: {  	v54 =	vld [tilespmem:s25+$0x16E0];
	[tilespmem:s25+$0x1670] =	vst v19;
	v19 =	vmul.f32 v48, v50  }
0x12e: {  	v55 =	vld [tilespmem:s25+$0x16F0];
	[tilespmem:s25+$0x1680] =	vst v18;
	v18 =	vmul.f32 v49, v50  }
0x12f: {  	v56 =	vld [tilespmem:s25+$0x1700];
	[tilespmem:s25+$0x1690] =	vst v19;
	v19 =	vmul.f32 v51, v50  }
0x130: {  	v57 =	vld [tilespmem:s25+$0x1710];
	[tilespmem:s25+$0x16A0] =	vst v18;
	v18 =	vmul.f32 v52, v50  }
0x131: {  	v58 =	vld [tilespmem:s25+$0x1720];
	[tilespmem:s25+$0x16B0] =	vst v19;
	v19 =	vmul.f32 v53, v50  }
0x132: {  	v60 =	vld [tilespmem:s25+$0x1730];
	v59 =	vperm.xlane v17, v12;
	[tilespmem:s25+$0x16C0] =	vst v18;
	v18 =	vmul.f32 v54, v50  }
0x133: {  	v61 =	vld [tilespmem:s25+$0x1740];
	[tilespmem:s25+$0x16D0] =	vst v19;
	v19 =	vmul.f32 v55, v50  }
0x134: {  	v62 =	vld [tilespmem:s25+$0x1750];
	[tilespmem:s25+$0x16E0] =	vst v18;
	v18 =	vmul.f32 v56, v59  }
0x135: {  	v63 =	vld [tilespmem:s25+$0x1760];
	[tilespmem:s25+$0x16F0] =	vst v19;
	v19 =	vmul.f32 v57, v59  }
0x136: {  	v28 =	vld [tilespmem:s25+$0x1770];
	[tilespmem:s25+$0x1700] =	vst v18;
	v18 =	vmul.f32 v58, v59  }
0x137: {  	v29 =	vld [tilespmem:s25+$0x1780];
	[tilespmem:s25+$0x1710] =	vst v19;
	v19 =	vmul.f32 v60, v59  }
0x138: {  	v30 =	vld [tilespmem:s25+$0x1790];
	[tilespmem:s25+$0x1720] =	vst v18;
	v18 =	vmul.f32 v61, v59  }
0x139: {  	v31 =	vld [tilespmem:s25+$0x17A0];
	[tilespmem:s25+$0x1730] =	vst v19;
	v19 =	vmul.f32 v62, v59  }
0x13a: {  	v33 =	vld [tilespmem:s25+$0x17B0];
	v32 =	vperm.xlane v17, v13;
	[tilespmem:s25+$0x1740] =	vst v18;
	v18 =	vmul.f32 v63, v59  }
0x13b: {  	v34 =	vld [tilespmem:s25+$0x17C0];
	[tilespmem:s25+$0x1750] =	vst v19;
	v19 =	vmul.f32 v28, v59  }
0x13c: {  	v35 =	vld [tilespmem:s25+$0x17D0];
	[tilespmem:s25+$0x1760] =	vst v18;
	v18 =	vmul.f32 v29, v32  }
0x13d: {  	v36 =	vld [tilespmem:s25+$0x17E0];
	[tilespmem:s25+$0x1770] =	vst v19;
	v19 =	vmul.f32 v30, v32  }
0x13e: {  	v37 =	vld [tilespmem:s25+$0x17F0];
	[tilespmem:s25+$0x1780] =	vst v18;
	v18 =	vmul.f32 v31, v32  }
0x13f: {  	v38 =	vld [tilespmem:s25+$0x1800];
	[tilespmem:s25+$0x1790] =	vst v19;
	v19 =	vmul.f32 v33, v32  }
0x140: {  	v39 =	vld [tilespmem:s25+$0x1810];
	[tilespmem:s25+$0x17A0] =	vst v18;
	v18 =	vmul.f32 v34, v32  }
0x141: {  	v40 =	vld [tilespmem:s25+$0x1820];
	[tilespmem:s25+$0x17B0] =	vst v19;
	v19 =	vmul.f32 v35, v32  }
0x142: {  	v42 =	vld [tilespmem:s25+$0x1830];
	v41 =	vperm.xlane v17, v14;
	[tilespmem:s25+$0x17C0] =	vst v18;
	v18 =	vmul.f32 v36, v32  }
0x143: {  	v43 =	vld [tilespmem:s25+$0x1840];
	[tilespmem:s25+$0x17D0] =	vst v19;
	v19 =	vmul.f32 v37, v32  }
0x144: {  	v44 =	vld [tilespmem:s25+$0x1850];
	[tilespmem:s25+$0x17E0] =	vst v18;
	v18 =	vmul.f32 v38, v41  }
0x145: {  	v45 =	vld [tilespmem:s25+$0x1860];
	[tilespmem:s25+$0x17F0] =	vst v19;
	v19 =	vmul.f32 v39, v41  }
0x146: {  	v46 =	vld [tilespmem:s25+$0x1870];
	[tilespmem:s25+$0x1800] =	vst v18;
	v18 =	vmul.f32 v40, v41  }
0x147: {  	v47 =	vld [tilespmem:s25+$0x1880];
	[tilespmem:s25+$0x1810] =	vst v19;
	v19 =	vmul.f32 v42, v41  }
0x148: {  	v48 =	vld [tilespmem:s25+$0x1890];
	[tilespmem:s25+$0x1820] =	vst v18;
	v18 =	vmul.f32 v43, v41  }
0x149: {  	v49 =	vld [tilespmem:s25+$0x18A0];
	[tilespmem:s25+$0x1830] =	vst v19;
	v19 =	vmul.f32 v44, v41  }
0x14a: {  	v51 =	vld [tilespmem:s25+$0x18B0];
	v50 =	vperm.xlane v17, v15;
	[tilespmem:s25+$0x1840] =	vst v18;
	v18 =	vmul.f32 v45, v41  }
0x14b: {  	v52 =	vld [tilespmem:s25+$0x18C0];
	[tilespmem:s25+$0x1850] =	vst v19;
	v19 =	vmul.f32 v46, v41  }
0x14c: {  	v53 =	vld [tilespmem:s25+$0x18D0];
	[tilespmem:s25+$0x1860] =	vst v18;
	v18 =	vmul.f32 v47, v50  }
0x14d: {  	v54 =	vld [tilespmem:s25+$0x18E0];
	[tilespmem:s25+$0x1870] =	vst v19;
	v19 =	vmul.f32 v48, v50  }
0x14e: {  	v55 =	vld [tilespmem:s25+$0x18F0];
	[tilespmem:s25+$0x1880] =	vst v18;
	v18 =	vmul.f32 v49, v50  }
0x14f: {  	v56 =	vld [tilespmem:s25+$0x1900];
	[tilespmem:s25+$0x1890] =	vst v19;
	v19 =	vmul.f32 v51, v50  }
0x150: {  	v57 =	vld [tilespmem:s25+$0x1910];
	[tilespmem:s25+$0x18A0] =	vst v18;
	v18 =	vmul.f32 v52, v50  }
0x151: {  	v58 =	vld [tilespmem:s25+$0x1920];
	[tilespmem:s25+$0x18B0] =	vst v19;
	v19 =	vmul.f32 v53, v50  }
0x152: {  	v17 =	vperm.xlane v17, v16;
	v59 =	vld [tilespmem:s25+$0x1930];
	[tilespmem:s25+$0x18C0] =	vst v18;
	v18 =	vmul.f32 v54, v50  }
0x153: {  	v60 =	vld [tilespmem:s25+$0x1940];
	[tilespmem:s25+$0x18D0] =	vst v19;
	v19 =	vmul.f32 v55, v50  }
0x154: {  	v61 =	vld [tilespmem:s25+$0x1950];
	[tilespmem:s25+$0x18E0] =	vst v18;
	v18 =	vmul.f32 v56, v17  }
0x155: {  	v62 =	vld [tilespmem:s25+$0x1960];
	[tilespmem:s25+$0x18F0] =	vst v19;
	v19 =	vmul.f32 v57, v17  }
0x156: {  	v63 =	vld [tilespmem:s25+$0x1970];
	[tilespmem:s25+$0x1900] =	vst v18;
	v18 =	vmul.f32 v58, v17  }
0x157: {  	[tilespmem:s25+$0x1910] =	vst v19;
	v19 =	vmul.f32 v59, v17  }
0x158: {  	p1 =	sne.s32 s24, $0x7;
	[tilespmem:s25+$0x1920] =	vst v18;
	v18 =	vmul.f32 v60, v17  }
.Ltmp4:
0x159: {  	[tilespmem:s25+$0x1930] =	vst v19;
	v19 =	vmul.f32 v61, v17;
	(pc) =	sbr.rel @p1 .LBB2_6-.Ltmp4, $4  }
0x15a: {  	[tilespmem:s25+$0x1940] =	vst v18;
	v18 =	vmul.f32 v62, v17  }
0x15b: {  	[tilespmem:s25+$0x1950] =	vst v19;
	v17 =	vmul.f32 v63, v17  }
0x15c: {  	[tilespmem:s25+$0x1960] =	vst v18  }
0x15d: {  	s24 =	sadd.s32 $0x1, s24;
	[tilespmem:s25+$0x1970] =	vst v17  }
.Ltmp5:
0x15e: {  	(pc) =	sbr.rel .LBB2_8-.Ltmp5, $4  }
0x15f: {  	[spmem:s6] =	stream.indirect.scatter.add.f32 [tilespmem:s19], [sflag:$0x2], $0x80, s16, s18, $0xb8;
	[tilespmem:$0x19180] =	vst v63  }
0x160: {  	_ =	swait.ge [sflag:s21], $0x4000  }
0x161: {  	[sflag:s21] =	ssyncset.done $0x0  }
0x162: {  	[sflag:s21] =	ssyncadd.s32 $0xFFFFC000  }
.LBB2_9:
0x163: {  	[bflag:$0x0] =	sbarrier.arrive $0xFFFF  }
0x164: {  	[tilespmem:s8], [sflag:$0x2] =	stream.linear.gather [spmem:s12], $0x800, $0x38;
	[tilespmem:$0x19180] =	vst v63  }
0x165: {  	_ =	swait.ge [sflag:s21], $0x800  }
0x166: {  	[sflag:s21] =	ssyncset.done $0x0  }
0x167: {  	s23 =	sadd.s32 $0x0, s13;
	[sflag:s21] =	ssyncadd.s32 $0xFFFFF800  }
0x168: {  	[hbm4b:s23+s8] =	stream.linear.scatter [tilespmem:s8], [sflag:$0x2], $0x800, $0x38;
	[tilespmem:$0x19180] =	vst v63  }
0x169: {  	_ =	swait.ge [sflag:s21], $0x800  }
0x16a: {  	s24 =	smov.u32 s12;
	s23 =	simm.s32 $0x1000;
	[sflag:s21] =	ssyncset.done $0x0  }
.LBB2_10:
0x16b: {  	p1 =	sne.s32 s23, $0x27000;
	[sflag:s21] =	ssyncadd.s32 $0xFFFFF800;
	s24 =	sadd.s32 $0x8000, s24  }
0x16c: {  	[tilespmem:s8], [sflag:$0x2] =	stream.linear.gather [spmem:s24], $0x800, $0x38;
	[tilespmem:$0x19180] =	vst v63  }
0x16d: {  	s25 =	smov.u32 s23;
	s23 =	sadd.s32 $0x1000, s23;
	_ =	swait.ge [sflag:s21], $0x800  }
.Ltmp6:
0x16e: {  	[sflag:s21] =	ssyncset.done $0x0;
	(pc) =	sbr.rel @p1 .LBB2_10-.Ltmp6, $4  }
0x16f: {  	s25 =	sadd.s32 s25, s13;
	[sflag:s21] =	ssyncadd.s32 $0xFFFFF800  }
0x170: {  	[hbm4b:s25+s8] =	stream.linear.scatter [tilespmem:s8], [sflag:$0x2], $0x800, $0x38;
	[tilespmem:$0x19180] =	vst v63  }
0x171: {  	_ =	swait.ge [sflag:s21], $0x800  }
0x172: {  	[sflag:s21] =	ssyncset.done $0x0  }
0x173: {  	s22 =	sadd.s32 $0x1, s22  }
0x174: {  	p1 =	sne.s32 s22, s10  }
.Ltmp7:
0x175: {  	_ = 	snop;
	(pc) =	sbr.rel @p1 .LBB2_1-.Ltmp7, $2  }
0x176: {  	_ =	sdelay $0x2  }
0x177: {  	[sflag:s21] =	ssyncadd.s32 $0xFFFFF800  }
0x178: {  	_ =	sfence.sel $0x180000  }
0x179: {  	[bflag:$0x0] =	sbarrier.arrive $0xFFFF  }
0x17a: {  	p0 =	sne.s32 s5, $0x0;
	_ =	strace $0x90000047  }
0x17b: {  	s0 =	sadd.s32 @!p0 $0x100000, s4;
	[bflag:$0x2] =	sbarrier.arrive $0xFFFF  }
0x17c: {  	[sflag:s0] =	ssyncadd.tile.s32 @!p0 $0x1;
	_ =	shalt  }
.Lfunc_end2:
_tile_overlayer_lowered:
.L_overlay_start_2:
0x17d: {  	(tag) =	ssettag $0x2  }
0x17e: {  	s0 =	rddreg [dreg:$0x0];
	s2 =	stileid.u32  }
0x17f: {  	s1 =	rddreg [dreg:$0x1];
	p0 =	sne.s32 s2, $0x0  }
0x180: {  	s3 =	rddreg [dreg:$0x2];
	[bflag:$0x3] =	sbarrier.arrive $0xFFFF;
	s2 =	simm.s32 @!p0 $0x1C02  }
0x181: {  	[timem:s3], [sflag:s2] =	dma.local @!p0 [hbm:s0], s1  }
0x182: {  	s0 =	simm.s32 @!p0 $0x2  }
0x183: {  	_ =	swait.ge @!p0 [sflag:s0], s1  }
0x184: {  	s1 =	ssub.s32 @!p0 $0x0, s1;
	[sflag:s0] =	ssyncset.done @!p0 $0x0  }
0x185: {  	[sflag:s0] =	ssyncadd.s32 @!p0 s1  }
0x186: {  	[bflag:$0x3] =	sbarrier.arrive $0xFFFF  }
0x187: {  	_ =	shalt  }

</sc_bundles>
